<compile_context>
chip_gen: v7x
topology: tpu7x:2x2x1
jax: 0.10.2.dev20260603
libtpu: 0.0.44.dev20260713+nightly
codegen_flags: <defaults>
</compile_context>

<pallas_src>
import functools
import math

import jax
import jax.numpy as jnp
from jax import lax
from jax.experimental import pallas as pl
from jax.experimental.pallas import tpu as pltpu
from jax.experimental.pallas import tpu_sc as plsc

_R_RATIO = 0.95
_NW = 32
_SPW = 13


def _deinterleave(xn, bm):
    B, T, C = xn.shape
    T2 = T // 2

    def body(x_ref, a_ref, b_ref):
        blk = x_ref[0].reshape(-1, 2, x_ref.shape[-1])
        a_ref[0] = blk[:, 0, :]
        b_ref[0] = blk[:, 1, :]

    return pl.pallas_call(
        body,
        grid=(B, T2 // bm),
        in_specs=[pl.BlockSpec((1, 2 * bm, C), lambda b, i: (b, i, 0))],
        out_specs=[
            pl.BlockSpec((1, bm, C), lambda b, i: (b, i, 0)),
            pl.BlockSpec((1, bm, C), lambda b, i: (b, i, 0)),
        ],
        out_shape=[
            jax.ShapeDtypeStruct((B, T2, C), jnp.float32),
            jax.ShapeDtypeStruct((B, T2, C), jnp.float32),
        ],
    )(xn)


def _scores_maxarg(a_h, b_h, bm, bn):
    B, T2, C = a_h.shape

    def body(a_ref, b_ref, nm_ref, ni_ref):
        j = pl.program_id(2)
        an = a_ref[0].astype(jnp.bfloat16)
        bn_ = b_ref[0].astype(jnp.bfloat16)
        s = lax.dot_general(an, bn_, (((1,), (1,)), ((), ())),
                            preferred_element_type=jnp.float32)
        blk_max = jnp.max(s, axis=1)
        m = blk_max[:, None]
        iota = lax.broadcasted_iota(jnp.int32, s.shape, 1)
        blk_arg = jnp.min(jnp.where(s == m, iota, T2), axis=1) + j * bn

        @pl.when(j == 0)
        def _():
            nm_ref[0, 0, :] = blk_max
            ni_ref[0, 0, :] = blk_arg

        @pl.when(j != 0)
        def _():
            cur = nm_ref[0, 0, :]
            take = blk_max > cur
            nm_ref[0, 0, :] = jnp.where(take, blk_max, cur)
            ni_ref[0, 0, :] = jnp.where(take, blk_arg, ni_ref[0, 0, :])

    grid = (B, T2 // bm, T2 // bn)
    nm, ni = pl.pallas_call(
        body,
        grid=grid,
        in_specs=[
            pl.BlockSpec((1, bm, C), lambda b, i, j: (b, i, 0)),
            pl.BlockSpec((1, bn, C), lambda b, i, j: (b, j, 0)),
        ],
        out_specs=[
            pl.BlockSpec((1, 1, bm), lambda b, i, j: (b, 0, i)),
            pl.BlockSpec((1, 1, bm), lambda b, i, j: (b, 0, i)),
        ],
        out_shape=[
            jax.ShapeDtypeStruct((B, 1, T2), jnp.float32),
            jax.ShapeDtypeStruct((B, 1, T2), jnp.int32),
        ],
        compiler_params=pltpu.CompilerParams(
            dimension_semantics=("parallel", "parallel", "arbitrary"),
        ),
    )(a_h, b_h)
    return nm, ni


def _ranks(nm, bm):
    B, _, T2 = nm.shape

    def body(vi_ref, vj_ref, out_ref):
        i = pl.program_id(1)
        vi = vi_ref[0, 0, :][:, None]
        vj = vj_ref[0, 0, :][None, :]
        jg = lax.broadcasted_iota(jnp.int32, (bm, T2), 1)
        ig = lax.broadcasted_iota(jnp.int32, (bm, T2), 0) + i * bm
        gt = vj > vi
        eq_before = (vj == vi) & (jg < ig)
        out_ref[0, 0, :] = jnp.sum((gt | eq_before).astype(jnp.int32), axis=1)

    rank = pl.pallas_call(
        body,
        grid=(B, T2 // bm),
        in_specs=[
            pl.BlockSpec((1, 1, bm), lambda b, i: (b, 0, i)),
            pl.BlockSpec((1, 1, T2), lambda b, i: (b, 0, 0)),
        ],
        out_specs=pl.BlockSpec((1, 1, bm), lambda b, i: (b, 0, i)),
        out_shape=jax.ShapeDtypeStruct((B, 1, T2), jnp.int32),
        compiler_params=pltpu.CompilerParams(
            dimension_semantics=("parallel", "arbitrary"),
        ),
    )(nm, nm)
    return rank


def _perm_scatter(rank_ref, rank_v, perm_v, b, T2, i16):
    pltpu.sync_copy(rank_ref.at[pl.ds(b * T2, T2)], rank_v)

    def pbody(i, carry):
        kv = plsc.load_gather(rank_v, [i16 + i * 16])
        plsc.store_scatter(perm_v, [kv], i16 + i * 16)
        return carry
    lax.fori_loop(0, T2 // 16, pbody, 0, unroll=8)


def _sc_slots(x_flat, rank_flat, nidx_flat, B, T2, C, r):
    mesh = plsc.VectorSubcoreMesh(core_axis_name="c", subcore_axis_name="s")

    @functools.partial(
        pl.kernel,
        out_type=[
            jax.ShapeDtypeStruct((B, _NW, 16, C), jnp.float32),
            jax.ShapeDtypeStruct((B, _NW, 16, C), jnp.float32),
            jax.ShapeDtypeStruct((B, _NW, 16), jnp.int32),
        ],
        mesh=mesh,
        compiler_params=pltpu.CompilerParams(needs_layout_passes=False),
        scratch_types=[
            pltpu.VMEM((T2,), jnp.int32),
            pltpu.VMEM((T2,), jnp.int32),
            pltpu.VMEM((T2,), jnp.int32),
            pltpu.VMEM((16,), jnp.int32),
            pltpu.VMEM((16,), jnp.int32),
            pltpu.VMEM((16, C), jnp.float32),
            pltpu.SemaphoreType.DMA,
        ],
    )
    def sc_kernel(x_ref, rank_ref, nidx_ref, srcg_ref, dstg_ref, dselp_ref,
                  rank_v, nidx_v, perm_v, idx16_v, dsel_v, rows16_v, sem):
        wid = lax.axis_index("s") * 2 + lax.axis_index("c")
        i16 = lax.broadcasted_iota(jnp.int32, (16,), 0)
        for b in range(B):
            base_x = b * 2 * T2
            pltpu.sync_copy(nidx_ref.at[pl.ds(b * T2, T2)], nidx_v)
            _perm_scatter(rank_ref, rank_v, perm_v, b, T2, i16)

            sbase = wid * _SPW
            permk = plsc.load_gather(perm_v, [i16 + sbase])
            dselv = plsc.load_gather(nidx_v, [permk])
            p408 = plsc.load_gather(perm_v, [jnp.full((16,), r - 1, jnp.int32)])
            d408 = plsc.load_gather(nidx_v, [p408])
            valid = (i16 < _SPW) & ((sbase + i16) < r)
            dselv = jnp.where(valid, dselv, d408)
            dsel_v[...] = dselv
            pltpu.sync_copy(dsel_v, dselp_ref.at[b, wid])
            idx16_v[...] = permk * 2 + base_x
            pltpu.async_copy(x_ref.at[idx16_v], rows16_v, sem).wait()
            pltpu.sync_copy(rows16_v, srcg_ref.at[b, wid])
            idx16_v[...] = dselv * 2 + (base_x + 1)
            pltpu.async_copy(x_ref.at[idx16_v], rows16_v, sem).wait()
            pltpu.sync_copy(rows16_v, dstg_ref.at[b, wid])

    return sc_kernel(x_flat, rank_flat, nidx_flat)


def _compact_merge(srcg, dstg, dselp, r):
    B = srcg.shape[0]
    S = _NW * 16
    C = srcg.shape[-1]
    src2 = srcg.reshape(B, S, C)
    dst2 = dstg.reshape(B, S, C)
    dsel2 = dselp.reshape(B, 1, S)

    def body(dsel_ref, src_ref, dst_ref, out_ref):
        dse = dsel_ref[0, 0, :]
        kp = lax.broadcasted_iota(jnp.int32, (S, S), 1)
        lane = kp & 15
        gslot = (kp >> 4) * _SPW + lane
        kvalid = (lane < _SPW) & (gslot < r)
        member = (dse[:, None] == dse[None, :]) & kvalid
        mf = member.astype(jnp.float32)
        upd = jnp.dot(mf, src_ref[0], preferred_element_type=jnp.float32,
                      precision=lax.Precision.HIGHEST)
        cnt = jnp.sum(mf, axis=1)
        out_ref[0] = (dst_ref[0] + upd) / (1.0 + cnt)[:, None]

    return pl.pallas_call(
        body,
        grid=(B,),
        in_specs=[
            pl.BlockSpec((1, 1, S), lambda b: (b, 0, 0)),
            pl.BlockSpec((1, S, C), lambda b: (b, 0, 0)),
            pl.BlockSpec((1, S, C), lambda b: (b, 0, 0)),
        ],
        out_specs=pl.BlockSpec((1, S, C), lambda b: (b, 0, 0)),
        out_shape=jax.ShapeDtypeStruct((B, S, C), jnp.float32),
    )(dsel2, src2, dst2)


def _sc_passthrough(out_ref_arg, x_flat, B, T2, C, tout, nunm):
    DPW = T2 // _NW
    mesh = plsc.VectorSubcoreMesh(core_axis_name="c", subcore_axis_name="s")

    @functools.partial(
        pl.kernel,
        out_type=[],
        mesh=mesh,
        compiler_params=pltpu.CompilerParams(needs_layout_passes=False),
        scratch_types=[
            pltpu.VMEM((128,), jnp.int32),
            pltpu.VMEM((128, C), jnp.float32),
            pltpu.SemaphoreType.DMA,
        ],
    )
    def sc_kernel(x_ref, out_ref, idx_v, rows_v, sem):
        wid = lax.axis_index("s") * 2 + lax.axis_index("c")
        i16 = lax.broadcasted_iota(jnp.int32, (16,), 0)
        for b in range(B):
            base_x = b * 2 * T2
            base_out = b * tout

            def dbody(i, carry):
                j = i * 16 + i16
                d = wid * DPW + j
                plsc.store_scatter(idx_v, [j], d * 2 + (base_x + 1))
                return carry
            lax.fori_loop(0, DPW // 16, dbody, 0, unroll=8)
            pltpu.async_copy(x_ref.at[idx_v], rows_v, sem).wait()
            def wbody(i, carry):
                j = i * 16 + i16
                plsc.store_scatter(idx_v, [j],
                                   base_out + nunm + wid * DPW + j)
                return carry
            lax.fori_loop(0, DPW // 16, wbody, 0, unroll=8)
            pltpu.async_copy(rows_v, out_ref.at[idx_v], sem).wait()

    sc_kernel(x_flat, out_ref_arg)


def _sc_finalize(out_ref_arg, x_flat, rank_flat, dsel512, dselp3, merged4,
                 B, T2, C, r, tout):
    nunm = T2 - r
    UPW = -(-nunm // _NW)
    mesh = plsc.VectorSubcoreMesh(core_axis_name="c", subcore_axis_name="s")

    @functools.partial(
        pl.kernel,
        out_type=[],
        mesh=mesh,
        compiler_params=pltpu.CompilerParams(needs_layout_passes=False),
        scratch_types=[
            pltpu.VMEM((T2,), jnp.int32),
            pltpu.VMEM((T2,), jnp.int32),
            pltpu.VMEM((512,), jnp.int32),
            pltpu.VMEM((128,), jnp.int32),
            pltpu.VMEM((128,), jnp.int32),
            pltpu.VMEM((128, C), jnp.float32),
            pltpu.SemaphoreType.DMA,
        ],
    )
    def sc_kernel(x_ref, rank_ref, dsel_ref, out_ref,
                  rank_v, perm_v, dsel_v, idx_v, widx_v,
                  rows_v, sem):
        wid = lax.axis_index("s") * 2 + lax.axis_index("c")
        i16 = lax.broadcasted_iota(jnp.int32, (16,), 0)
        for b in range(B):
            base_x = b * 2 * T2
            base_out = b * tout
            _perm_scatter(rank_ref, rank_v, perm_v, b, T2, i16)
            pltpu.sync_copy(dsel_ref.at[pl.ds(b * 512, 512)], dsel_v)

            s408 = (r - 1) // _SPW * 16 + (r - 1) % _SPW
            d408 = plsc.load_gather(dsel_v, [jnp.full((16,), s408, jnp.int32)])
            midx = base_out + nunm + d408

            def ubody(i, carry):
                j = i * 16 + i16
                uw = wid * UPW + j
                q = jnp.minimum(r + uw, T2 - 1)
                pv = plsc.load_gather(perm_v, [q])
                plsc.store_scatter(idx_v, [j], pv * 2 + base_x)
                ok = (j < UPW) & (uw < nunm)
                plsc.store_scatter(widx_v, [j],
                                   jnp.where(ok, base_out + uw, midx))
                return carry
            lax.fori_loop(0, 8, ubody, 0, unroll=8)
            pltpu.async_copy(x_ref.at[idx_v], rows_v, sem).wait()
            pltpu.async_copy(rows_v, out_ref.at[widx_v], sem).wait()


    sc_kernel(x_flat, rank_flat, dsel512, out_ref_arg)

    @functools.partial(
        pl.kernel,
        out_type=[],
        mesh=mesh,
        compiler_params=pltpu.CompilerParams(needs_layout_passes=False),
        scratch_types=[
            pltpu.VMEM((16,), jnp.int32),
            pltpu.VMEM((16,), jnp.int32),
            pltpu.VMEM((16, C), jnp.float32),
            pltpu.SemaphoreType.DMA,
        ],
    )
    def sc_scatter(dselp_ref, merged_ref, out_ref, dsel16_v, midx_v,
                   rows16_v, sem):
        wid = lax.axis_index("s") * 2 + lax.axis_index("c")
        for b in range(B):
            base_out = b * tout
            pltpu.sync_copy(dselp_ref.at[b, wid], dsel16_v)
            midx_v[...] = dsel16_v[...] + (base_out + nunm)
            pltpu.sync_copy(merged_ref.at[b, wid], rows16_v)
            pltpu.async_copy(rows16_v, out_ref.at[midx_v], sem).wait()

    sc_scatter(dselp3, merged4, out_ref_arg)


def kernel(x):
    B, T, C = x.shape
    T2 = T // 2
    r = math.floor(T - T * _R_RATIO)
    nunm = T2 - r
    tout = nunm + T2
    n = jnp.linalg.norm(x, axis=-1, keepdims=True)
    xn = x / jnp.clip(n, 1e-12)
    a_h, b_h = _deinterleave(xn, min(512, T2))

    nm, ni = _scores_maxarg(a_h, b_h, min(512, T2), min(1024, T2))
    rank = _ranks(nm, min(512, T2))

    x_flat = x.reshape(B * T, C)
    rank_flat = rank.reshape(B * T2)
    srcg, dstg, dselp = _sc_slots(x_flat, rank_flat, ni.reshape(B * T2),
                                  B, T2, C, r)
    merged = _compact_merge(srcg, dstg, dselp, r)

    out_ref = jax.empty_ref(jax.ShapeDtypeStruct((B * tout, C), jnp.float32))
    _sc_passthrough(out_ref, x_flat, B, T2, C, tout, nunm)
    _sc_finalize(out_ref, x_flat, rank_flat, dselp.reshape(B * 512), dselp,
                 merged.reshape(B, _NW, 16, C), B, T2, C, r, tout)
    return out_ref[...].reshape(B, tout, C)

# --- scband reference (transcript-rebuilt; emitter-appended) ---
"""Pipeline reference for scband-compressed-model-18262200942797 (READ-ONLY COPY).

The authoritative reference and input builder live on the scoring server;
editing this copy changes nothing except your own understanding.
"""

import math
import jax, jax.numpy as jnp
import numpy as np

R_RATIO = 0.95


def setup_inputs(seed: int = 0) -> dict:
    key = jax.random.key(seed)
    x = jax.random.normal(key, (2, 8192, 768), dtype=jnp.float32)
    return {"x": x}


def _l2_normalize(t):
    n = jnp.linalg.norm(t, axis=-1, keepdims=True)
    return t / jnp.clip(n, 1e-12)


def reference(x):
    # CompressedModel.compress_hidden_state with compress_method='ToMe':
    #   merge = bipartite_soft_matching(x); x_rec = merge_wavg(merge, x)
    # (The torch forward() itself raises NotImplementedError; this is the real
    #  runnable compute path of the module.)
    B, T, C = x.shape
    r = math.floor(T - T * R_RATIO)
    # --- index computation (torch.no_grad block) ---
    xs = jax.lax.stop_gradient(x)
    xn = _l2_normalize(xs)
    a = xn[:, ::2, :]
    b = xn[:, 1::2, :]
    scores = jnp.einsum('btc,bsc->bts', a, b)  # [B, T/2, T/2]
    node_max = jnp.max(scores, axis=-1)
    node_idx = jnp.argmax(scores, axis=-1)
    edge_idx = jnp.argsort(-node_max, axis=-1)  # descending
    unm_idx = edge_idx[:, r:]   # [B, t1-r]
    src_idx = edge_idx[:, :r]   # [B, r]
    dst_idx = jnp.take_along_axis(node_idx, src_idx, axis=-1)  # [B, r]

    def merge_sum(t):
        src = t[:, ::2, :]
        dst = t[:, 1::2, :]
        c = t.shape[-1]
        unm = jnp.take_along_axis(src, jnp.broadcast_to(unm_idx[:, :, None], (B, unm_idx.shape[1], c)), axis=1)
        src_g = jnp.take_along_axis(src, jnp.broadcast_to(src_idx[:, :, None], (B, r, c)), axis=1)
        # torch scatter_reduce(reduce='sum', include_self=True)
        dst2 = jax.vmap(lambda d, i, s: d.at[i].add(s))(dst, dst_idx, src_g)
        return jnp.concatenate([unm, dst2], axis=1)

    # merge_wavg: weighted average by token size
    size = jnp.ones((B, T, 1), dtype=x.dtype)
    x_m = merge_sum(x * size)
    size_m = merge_sum(size)
    return x_m / size_m

if __name__ == "__main__":
    import jax
    _d = setup_inputs()
    print(jax.jit(kernel)(*tuple(_d.values())))

</pallas_src>

<mosaic_0001>
#map = affine_map<(d0, d1) -> (0, 0)>
#map1 = affine_map<(d0, d1) -> (0)>
#map2 = affine_map<(d0, d1) -> (0, 0, 0, 0)>
#map3 = affine_map<(d0, d1) -> (0, 0, 0)>
module attributes {stable_mosaic.version = 14 : i64} {
  func.func @sc_kernel(%arg0: i32, %arg1: i32, %arg2: memref<16384x768xf32, #tpu.memory_space<hbm>>, %arg3: memref<8192xi32, #tpu.memory_space<hbm>>, %arg4: memref<8192xi32, #tpu.memory_space<hbm>>, %arg5: memref<2x32x16x768xf32, #tpu.memory_space<hbm>>, %arg6: memref<2x32x16x768xf32, #tpu.memory_space<hbm>>, %arg7: memref<2x32x16xi32, #tpu.memory_space<hbm>>, %arg8: memref<4096xi32, #tpu.memory_space<vmem>>, %arg9: memref<4096xi32, #tpu.memory_space<vmem>>, %arg10: memref<4096xi32, #tpu.memory_space<vmem>>, %arg11: memref<16xi32, #tpu.memory_space<vmem>>, %arg12: memref<16xi32, #tpu.memory_space<vmem>>, %arg13: memref<16x768xf32, #tpu.memory_space<vmem>>, %arg14: memref<!tpu.dma_semaphore, #tpu.memory_space<semaphore_mem>>) attributes {dimension_semantics = [#tpu.dimension_semantics<core_parallel>, #tpu.dimension_semantics<subcore_parallel>], iteration_bounds = array<i64: 2, 16>, scalar_prefetch = 0 : i64, scratch_operands = 7 : i64, tpu.core_type = #tpu.core_type<sc_vector_subcore>, window_params = [{transform_indices = #map}, {transform_indices = #map1}, {transform_indices = #map1}, {transform_indices = #map2}, {transform_indices = #map2}, {transform_indices = #map3}]} {
    %mul3A = arith.constant 2 : i32
    %mul3A_0 = arith.muli %arg1, %mul3A : i32
    %add3A = arith.addi %mul3A_0, %arg0 : i32
    %iota3A = tpu.iota {dimensions = array<i32: 0>} : vector<16xi32>
    "tpu.region"() ({
      %run_scoped3A_109 = tpu.sem_alloc : memref<!tpu.dma_semaphore, #tpu.memory_space<semaphore_mem>>
      %dma_start3A_110 = arith.constant 0 : i32
      %dma_start3A_111 = tpu.memref_slice %arg4[%dma_start3A_110] : memref<8192xi32, #tpu.memory_space<hbm>> -> memref<4096xi32, #tpu.memory_space<hbm>>
      %dma_start3A_112 = arith.constant 0 : i32
      %dma_start3A_113 = tpu.memref_slice %arg4[%dma_start3A_112] : memref<8192xi32, #tpu.memory_space<hbm>> -> memref<4096xi32, #tpu.memory_space<hbm>>
      tpu.enqueue_dma source(%dma_start3A_113 : memref<4096xi32, #tpu.memory_space<hbm>>) target(%arg9 : memref<4096xi32, #tpu.memory_space<vmem>>) target_semaphore(%run_scoped3A_109 : memref<!tpu.dma_semaphore, #tpu.memory_space<semaphore_mem>>)
      %dma_wait3A_114 = arith.constant 0 : i32
      %dma_wait3A_115 = tpu.memref_slice %arg4[%dma_wait3A_114] : memref<8192xi32, #tpu.memory_space<hbm>> -> memref<4096xi32, #tpu.memory_space<hbm>>
      %dma_wait3A_116 = arith.constant 0 : i32
      %dma_wait3A_117 = tpu.memref_slice %arg4[%dma_wait3A_116] : memref<8192xi32, #tpu.memory_space<hbm>> -> memref<4096xi32, #tpu.memory_space<hbm>>
      tpu.wait_dma2 semaphore(%run_scoped3A_109 : memref<!tpu.dma_semaphore, #tpu.memory_space<semaphore_mem>>) src(%dma_wait3A_117 : memref<4096xi32, #tpu.memory_space<hbm>>) dst(%arg9 : memref<4096xi32, #tpu.memory_space<vmem>>)
      tpu.yield
    }) : () -> ()
    "tpu.region"() ({
      %run_scoped3A_109 = tpu.sem_alloc : memref<!tpu.dma_semaphore, #tpu.memory_space<semaphore_mem>>
      %dma_start3A_110 = arith.constant 0 : i32
      %dma_start3A_111 = tpu.memref_slice %arg3[%dma_start3A_110] : memref<8192xi32, #tpu.memory_space<hbm>> -> memref<4096xi32, #tpu.memory_space<hbm>>
      %dma_start3A_112 = arith.constant 0 : i32
      %dma_start3A_113 = tpu.memref_slice %arg3[%dma_start3A_112] : memref<8192xi32, #tpu.memory_space<hbm>> -> memref<4096xi32, #tpu.memory_space<hbm>>
      tpu.enqueue_dma source(%dma_start3A_113 : memref<4096xi32, #tpu.memory_space<hbm>>) target(%arg8 : memref<4096xi32, #tpu.memory_space<vmem>>) target_semaphore(%run_scoped3A_109 : memref<!tpu.dma_semaphore, #tpu.memory_space<semaphore_mem>>)
      %dma_wait3A_114 = arith.constant 0 : i32
      %dma_wait3A_115 = tpu.memref_slice %arg3[%dma_wait3A_114] : memref<8192xi32, #tpu.memory_space<hbm>> -> memref<4096xi32, #tpu.memory_space<hbm>>
      %dma_wait3A_116 = arith.constant 0 : i32
      %dma_wait3A_117 = tpu.memref_slice %arg3[%dma_wait3A_116] : memref<8192xi32, #tpu.memory_space<hbm>> -> memref<4096xi32, #tpu.memory_space<hbm>>
      tpu.wait_dma2 semaphore(%run_scoped3A_109 : memref<!tpu.dma_semaphore, #tpu.memory_space<semaphore_mem>>) src(%dma_wait3A_117 : memref<4096xi32, #tpu.memory_space<hbm>>) dst(%arg8 : memref<4096xi32, #tpu.memory_space<vmem>>)
      tpu.yield
    }) : () -> ()
    %scan3A = arith.constant 0 : i32
    %scan3A_1 = arith.constant 0 : i32
    %scan3A_2 = arith.constant 256 : i32
    %scan3A_3 = arith.addi %scan3A_1, %scan3A_2 : i32
    %scan3A_4 = arith.constant 8 : i32
    scf.for %scan3A_109 = %scan3A_1 to %scan3A_3 step %scan3A_4  : i32 {
      %mul3A_110 = arith.constant 16 : i32
      %mul3A_111 = arith.muli %scan3A_109, %mul3A_110 : i32
      %add3A_112 = vector.broadcast %mul3A_111 : i32 to vector<16xi32>
      %add3A_113 = arith.addi %iota3A, %add3A_112 : vector<16xi32>
      %gather3A_114 = tpu.vector_load_idx %arg8[%add3A_113] : memref<4096xi32, #tpu.memory_space<vmem>>[vector<16xi32>], vector<16xi32>,
      %mul3A_115 = arith.constant 16 : i32
      %mul3A_116 = arith.muli %scan3A_109, %mul3A_115 : i32
      %add3A_117 = vector.broadcast %mul3A_116 : i32 to vector<16xi32>
      %add3A_118 = arith.addi %iota3A, %add3A_117 : vector<16xi32>
      tpu.vector_store_idx %arg10[%gather3A_114], %add3A_118 : memref<4096xi32, #tpu.memory_space<vmem>>[vector<16xi32>], vector<16xi32>,
      %scan3A_119 = arith.constant 1 : i32
      %scan3A_120 = arith.addi %scan3A_109, %scan3A_119 : i32
      %mul3A_121 = arith.constant 16 : i32
      %mul3A_122 = arith.muli %scan3A_120, %mul3A_121 : i32
      %add3A_123 = vector.broadcast %mul3A_122 : i32 to vector<16xi32>
      %add3A_124 = arith.addi %iota3A, %add3A_123 : vector<16xi32>
      %gather3A_125 = tpu.vector_load_idx %arg8[%add3A_124] : memref<4096xi32, #tpu.memory_space<vmem>>[vector<16xi32>], vector<16xi32>,
      %mul3A_126 = arith.constant 16 : i32
      %mul3A_127 = arith.muli %scan3A_120, %mul3A_126 : i32
      %add3A_128 = vector.broadcast %mul3A_127 : i32 to vector<16xi32>
      %add3A_129 = arith.addi %iota3A, %add3A_128 : vector<16xi32>
      tpu.vector_store_idx %arg10[%gather3A_125], %add3A_129 : memref<4096xi32, #tpu.memory_space<vmem>>[vector<16xi32>], vector<16xi32>,
      %scan3A_130 = arith.constant 2 : i32
      %scan3A_131 = arith.addi %scan3A_109, %scan3A_130 : i32
      %mul3A_132 = arith.constant 16 : i32
      %mul3A_133 = arith.muli %scan3A_131, %mul3A_132 : i32
      %add3A_134 = vector.broadcast %mul3A_133 : i32 to vector<16xi32>
      %add3A_135 = arith.addi %iota3A, %add3A_134 : vector<16xi32>
      %gather3A_136 = tpu.vector_load_idx %arg8[%add3A_135] : memref<4096xi32, #tpu.memory_space<vmem>>[vector<16xi32>], vector<16xi32>,
      %mul3A_137 = arith.constant 16 : i32
      %mul3A_138 = arith.muli %scan3A_131, %mul3A_137 : i32
      %add3A_139 = vector.broadcast %mul3A_138 : i32 to vector<16xi32>
      %add3A_140 = arith.addi %iota3A, %add3A_139 : vector<16xi32>
      tpu.vector_store_idx %arg10[%gather3A_136], %add3A_140 : memref<4096xi32, #tpu.memory_space<vmem>>[vector<16xi32>], vector<16xi32>,
      %scan3A_141 = arith.constant 3 : i32
      %scan3A_142 = arith.addi %scan3A_109, %scan3A_141 : i32
      %mul3A_143 = arith.constant 16 : i32
      %mul3A_144 = arith.muli %scan3A_142, %mul3A_143 : i32
      %add3A_145 = vector.broadcast %mul3A_144 : i32 to vector<16xi32>
      %add3A_146 = arith.addi %iota3A, %add3A_145 : vector<16xi32>
      %gather3A_147 = tpu.vector_load_idx %arg8[%add3A_146] : memref<4096xi32, #tpu.memory_space<vmem>>[vector<16xi32>], vector<16xi32>,
      %mul3A_148 = arith.constant 16 : i32
      %mul3A_149 = arith.muli %scan3A_142, %mul3A_148 : i32
      %add3A_150 = vector.broadcast %mul3A_149 : i32 to vector<16xi32>
      %add3A_151 = arith.addi %iota3A, %add3A_150 : vector<16xi32>
      tpu.vector_store_idx %arg10[%gather3A_147], %add3A_151 : memref<4096xi32, #tpu.memory_space<vmem>>[vector<16xi32>], vector<16xi32>,
      %scan3A_152 = arith.constant 4 : i32
      %scan3A_153 = arith.addi %scan3A_109, %scan3A_152 : i32
      %mul3A_154 = arith.constant 16 : i32
      %mul3A_155 = arith.muli %scan3A_153, %mul3A_154 : i32
      %add3A_156 = vector.broadcast %mul3A_155 : i32 to vector<16xi32>
      %add3A_157 = arith.addi %iota3A, %add3A_156 : vector<16xi32>
      %gather3A_158 = tpu.vector_load_idx %arg8[%add3A_157] : memref<4096xi32, #tpu.memory_space<vmem>>[vector<16xi32>], vector<16xi32>,
      %mul3A_159 = arith.constant 16 : i32
      %mul3A_160 = arith.muli %scan3A_153, %mul3A_159 : i32
      %add3A_161 = vector.broadcast %mul3A_160 : i32 to vector<16xi32>
      %add3A_162 = arith.addi %iota3A, %add3A_161 : vector<16xi32>
      tpu.vector_store_idx %arg10[%gather3A_158], %add3A_162 : memref<4096xi32, #tpu.memory_space<vmem>>[vector<16xi32>], vector<16xi32>,
      %scan3A_163 = arith.constant 5 : i32
      %scan3A_164 = arith.addi %scan3A_109, %scan3A_163 : i32
      %mul3A_165 = arith.constant 16 : i32
      %mul3A_166 = arith.muli %scan3A_164, %mul3A_165 : i32
      %add3A_167 = vector.broadcast %mul3A_166 : i32 to vector<16xi32>
      %add3A_168 = arith.addi %iota3A, %add3A_167 : vector<16xi32>
      %gather3A_169 = tpu.vector_load_idx %arg8[%add3A_168] : memref<4096xi32, #tpu.memory_space<vmem>>[vector<16xi32>], vector<16xi32>,
      %mul3A_170 = arith.constant 16 : i32
      %mul3A_171 = arith.muli %scan3A_164, %mul3A_170 : i32
      %add3A_172 = vector.broadcast %mul3A_171 : i32 to vector<16xi32>
      %add3A_173 = arith.addi %iota3A, %add3A_172 : vector<16xi32>
      tpu.vector_store_idx %arg10[%gather3A_169], %add3A_173 : memref<4096xi32, #tpu.memory_space<vmem>>[vector<16xi32>], vector<16xi32>,
      %scan3A_174 = arith.constant 6 : i32
      %scan3A_175 = arith.addi %scan3A_109, %scan3A_174 : i32
      %mul3A_176 = arith.constant 16 : i32
      %mul3A_177 = arith.muli %scan3A_175, %mul3A_176 : i32
      %add3A_178 = vector.broadcast %mul3A_177 : i32 to vector<16xi32>
      %add3A_179 = arith.addi %iota3A, %add3A_178 : vector<16xi32>
      %gather3A_180 = tpu.vector_load_idx %arg8[%add3A_179] : memref<4096xi32, #tpu.memory_space<vmem>>[vector<16xi32>], vector<16xi32>,
      %mul3A_181 = arith.constant 16 : i32
      %mul3A_182 = arith.muli %scan3A_175, %mul3A_181 : i32
      %add3A_183 = vector.broadcast %mul3A_182 : i32 to vector<16xi32>
      %add3A_184 = arith.addi %iota3A, %add3A_183 : vector<16xi32>
      tpu.vector_store_idx %arg10[%gather3A_180], %add3A_184 : memref<4096xi32, #tpu.memory_space<vmem>>[vector<16xi32>], vector<16xi32>,
      %scan3A_185 = arith.constant 7 : i32
      %scan3A_186 = arith.addi %scan3A_109, %scan3A_185 : i32
      %mul3A_187 = arith.constant 16 : i32
      %mul3A_188 = arith.muli %scan3A_186, %mul3A_187 : i32
      %add3A_189 = vector.broadcast %mul3A_188 : i32 to vector<16xi32>
      %add3A_190 = arith.addi %iota3A, %add3A_189 : vector<16xi32>
      %gather3A_191 = tpu.vector_load_idx %arg8[%add3A_190] : memref<4096xi32, #tpu.memory_space<vmem>>[vector<16xi32>], vector<16xi32>,
      %mul3A_192 = arith.constant 16 : i32
      %mul3A_193 = arith.muli %scan3A_186, %mul3A_192 : i32
      %add3A_194 = vector.broadcast %mul3A_193 : i32 to vector<16xi32>
      %add3A_195 = arith.addi %iota3A, %add3A_194 : vector<16xi32>
      tpu.vector_store_idx %arg10[%gather3A_191], %add3A_195 : memref<4096xi32, #tpu.memory_space<vmem>>[vector<16xi32>], vector<16xi32>,
    }
    %scan3A_5 = arith.constant 256 : i32
    %mul3A_6 = arith.constant 13 : i32
    %mul3A_7 = arith.muli %add3A, %mul3A_6 : i32
    %add3A_8 = vector.broadcast %mul3A_7 : i32 to vector<16xi32>
    %add3A_9 = arith.addi %iota3A, %add3A_8 : vector<16xi32>
    %gather3A = tpu.vector_load_idx %arg10[%add3A_9] : memref<4096xi32, #tpu.memory_space<vmem>>[vector<16xi32>], vector<16xi32>,
    %gather3A_10 = tpu.vector_load_idx %arg9[%gather3A] : memref<4096xi32, #tpu.memory_space<vmem>>[vector<16xi32>], vector<16xi32>,
    %broadcast_in_dim3A = arith.constant 408 : i32
    %broadcast_in_dim3A_11 = vector.broadcast %broadcast_in_dim3A : i32 to vector<16xi32>
    %gather3A_12 = tpu.vector_load_idx %arg10[%broadcast_in_dim3A_11] : memref<4096xi32, #tpu.memory_space<vmem>>[vector<16xi32>], vector<16xi32>,
    %gather3A_13 = tpu.vector_load_idx %arg9[%gather3A_12] : memref<4096xi32, #tpu.memory_space<vmem>>[vector<16xi32>], vector<16xi32>,
    %lt3A = arith.constant 13 : i32
    %lt3A_14 = vector.broadcast %lt3A : i32 to vector<16xi32>
    %lt3A_15 = arith.cmpi slt, %iota3A, %lt3A_14 : vector<16xi32>
    %add3A_16 = vector.broadcast %mul3A_7 : i32 to vector<16xi32>
    %add3A_17 = arith.addi %add3A_16, %iota3A : vector<16xi32>
    %lt3A_18 = arith.constant 409 : i32
    %lt3A_19 = vector.broadcast %lt3A_18 : i32 to vector<16xi32>
    %lt3A_20 = arith.cmpi slt, %add3A_17, %lt3A_19 : vector<16xi32>
    %and3A = arith.andi %lt3A_15, %lt3A_20 : vector<16xi1>
    %select_n3A = arith.select %and3A, %gather3A_10, %gather3A_13 : vector<16xi1>, vector<16xi32>
    %swap3A = arith.constant 0 : index
    %swap3A_21 = tpu.vector_load %arg12[%swap3A] {strides = array<i32>} : memref<16xi32, #tpu.memory_space<vmem>>, vector<16xi32>,
    tpu.vector_store %arg12[%swap3A], %select_n3A {strides = array<i32>} : memref<16xi32, #tpu.memory_space<vmem>>, vector<16xi32>,
    %run_scoped3A = arith.constant 0 : i32
    "tpu.region"() ({
      %run_scoped3A_109 = tpu.sem_alloc : memref<!tpu.dma_semaphore, #tpu.memory_space<semaphore_mem>>
      %dma_start3A_110 = arith.constant 0 : i32
      %dma_start3A_111 = tpu.memref_slice %arg7[%run_scoped3A, %add3A, %dma_start3A_110] : memref<2x32x16xi32, #tpu.memory_space<hbm>> -> memref<1x1x16xi32, #tpu.memory_space<hbm>>
      %dma_start3A_112 = tpu.memref_squeeze %dma_start3A_111 : memref<1x1x16xi32, #tpu.memory_space<hbm>> -> memref<16xi32, #tpu.memory_space<hbm>>
      %dma_start3A_113 = arith.constant 0 : i32
      %dma_start3A_114 = tpu.memref_slice %arg7[%run_scoped3A, %add3A, %dma_start3A_113] : memref<2x32x16xi32, #tpu.memory_space<hbm>> -> memref<1x1x16xi32, #tpu.memory_space<hbm>>
      %dma_start3A_115 = tpu.memref_squeeze %dma_start3A_114 : memref<1x1x16xi32, #tpu.memory_space<hbm>> -> memref<16xi32, #tpu.memory_space<hbm>>
      tpu.enqueue_dma source(%arg12 : memref<16xi32, #tpu.memory_space<vmem>>) target(%dma_start3A_115 : memref<16xi32, #tpu.memory_space<hbm>>) target_semaphore(%run_scoped3A_109 : memref<!tpu.dma_semaphore, #tpu.memory_space<semaphore_mem>>)
      %dma_wait3A_116 = arith.constant 0 : i32
      %dma_wait3A_117 = tpu.memref_slice %arg7[%run_scoped3A, %add3A, %dma_wait3A_116] : memref<2x32x16xi32, #tpu.memory_space<hbm>> -> memref<1x1x16xi32, #tpu.memory_space<hbm>>
      %dma_wait3A_118 = tpu.memref_squeeze %dma_wait3A_117 : memref<1x1x16xi32, #tpu.memory_space<hbm>> -> memref<16xi32, #tpu.memory_space<hbm>>
      %dma_wait3A_119 = arith.constant 0 : i32
      %dma_wait3A_120 = tpu.memref_slice %arg7[%run_scoped3A, %add3A, %dma_wait3A_119] : memref<2x32x16xi32, #tpu.memory_space<hbm>> -> memref<1x1x16xi32, #tpu.memory_space<hbm>>
      %dma_wait3A_121 = tpu.memref_squeeze %dma_wait3A_120 : memref<1x1x16xi32, #tpu.memory_space<hbm>> -> memref<16xi32, #tpu.memory_space<hbm>>
      tpu.wait_dma2 semaphore(%run_scoped3A_109 : memref<!tpu.dma_semaphore, #tpu.memory_space<semaphore_mem>>) src(%arg12 : memref<16xi32, #tpu.memory_space<vmem>>) dst(%dma_wait3A_121 : memref<16xi32, #tpu.memory_space<hbm>>)
      tpu.yield
    }) : () -> ()
    %mul3A_22 = arith.constant 2 : i32
    %mul3A_23 = vector.broadcast %mul3A_22 : i32 to vector<16xi32>
    %mul3A_24 = arith.muli %gather3A, %mul3A_23 : vector<16xi32>
    %add3A_25 = arith.constant 0 : i32
    %add3A_26 = vector.broadcast %add3A_25 : i32 to vector<16xi32>
    %add3A_27 = arith.addi %mul3A_24, %add3A_26 : vector<16xi32>
    %swap3A_28 = arith.constant 0 : index
    %swap3A_29 = tpu.vector_load %arg11[%swap3A_28] {strides = array<i32>} : memref<16xi32, #tpu.memory_space<vmem>>, vector<16xi32>,
    tpu.vector_store %arg11[%swap3A_28], %add3A_27 {strides = array<i32>} : memref<16xi32, #tpu.memory_space<vmem>>, vector<16xi32>,
    %dma_start3A = arith.constant 0 : i32
    %dma_start3A_30 = arith.constant 0 : i32
    %dma_start3A_31 = tpu.memref_slice %arg2[%dma_start3A, %dma_start3A_30] : memref<16384x768xf32, #tpu.memory_space<hbm>> -> memref<16384x768xf32, #tpu.memory_space<hbm>>
    tpu.enqueue_indirect_dma source(%dma_start3A_31 : memref<16384x768xf32, #tpu.memory_space<hbm>>) target(%arg13 : memref<16x768xf32, #tpu.memory_space<vmem>>) offsets(%arg11 : memref<16xi32, #tpu.memory_space<vmem>>) semaphore(%arg14 : memref<!tpu.dma_semaphore, #tpu.memory_space<semaphore_mem>>)
    %dma_wait3A = arith.constant 0 : i32
    %dma_wait3A_32 = arith.constant 0 : i32
    %dma_wait3A_33 = tpu.memref_slice %arg2[%dma_wait3A, %dma_wait3A_32] : memref<16384x768xf32, #tpu.memory_space<hbm>> -> memref<16384x768xf32, #tpu.memory_space<hbm>>
    tpu.wait_indirect_dma semaphore(%arg14 : memref<!tpu.dma_semaphore, #tpu.memory_space<semaphore_mem>>) src(%dma_wait3A_33 : memref<16384x768xf32, #tpu.memory_space<hbm>>) dst(%arg13 : memref<16x768xf32, #tpu.memory_space<vmem>>)
    %run_scoped3A_34 = arith.constant 0 : i32
    "tpu.region"() ({
      %run_scoped3A_109 = tpu.sem_alloc : memref<!tpu.dma_semaphore, #tpu.memory_space<semaphore_mem>>
      %dma_start3A_110 = arith.constant 0 : i32
      %dma_start3A_111 = arith.constant 0 : i32
      %dma_start3A_112 = tpu.memref_slice %arg5[%run_scoped3A_34, %add3A, %dma_start3A_110, %dma_start3A_111] : memref<2x32x16x768xf32, #tpu.memory_space<hbm>> -> memref<1x1x16x768xf32, #tpu.memory_space<hbm>>
      %dma_start3A_113 = tpu.memref_squeeze %dma_start3A_112 : memref<1x1x16x768xf32, #tpu.memory_space<hbm>> -> memref<16x768xf32, #tpu.memory_space<hbm>>
      %dma_start3A_114 = arith.constant 0 : i32
      %dma_start3A_115 = arith.constant 0 : i32
      %dma_start3A_116 = tpu.memref_slice %arg5[%run_scoped3A_34, %add3A, %dma_start3A_114, %dma_start3A_115] : memref<2x32x16x768xf32, #tpu.memory_space<hbm>> -> memref<1x1x16x768xf32, #tpu.memory_space<hbm>>
      %dma_start3A_117 = tpu.memref_squeeze %dma_start3A_116 : memref<1x1x16x768xf32, #tpu.memory_space<hbm>> -> memref<16x768xf32, #tpu.memory_space<hbm>>
      tpu.enqueue_dma source(%arg13 : memref<16x768xf32, #tpu.memory_space<vmem>>) target(%dma_start3A_117 : memref<16x768xf32, #tpu.memory_space<hbm>>) target_semaphore(%run_scoped3A_109 : memref<!tpu.dma_semaphore, #tpu.memory_space<semaphore_mem>>)
      %dma_wait3A_118 = arith.constant 0 : i32
      %dma_wait3A_119 = arith.constant 0 : i32
      %dma_wait3A_120 = tpu.memref_slice %arg5[%run_scoped3A_34, %add3A, %dma_wait3A_118, %dma_wait3A_119] : memref<2x32x16x768xf32, #tpu.memory_space<hbm>> -> memref<1x1x16x768xf32, #tpu.memory_space<hbm>>
      %dma_wait3A_121 = tpu.memref_squeeze %dma_wait3A_120 : memref<1x1x16x768xf32, #tpu.memory_space<hbm>> -> memref<16x768xf32, #tpu.memory_space<hbm>>
      %dma_wait3A_122 = arith.constant 0 : i32
      %dma_wait3A_123 = arith.constant 0 : i32
      %dma_wait3A_124 = tpu.memref_slice %arg5[%run_scoped3A_34, %add3A, %dma_wait3A_122, %dma_wait3A_123] : memref<2x32x16x768xf32, #tpu.memory_space<hbm>> -> memref<1x1x16x768xf32, #tpu.memory_space<hbm>>
      %dma_wait3A_125 = tpu.memref_squeeze %dma_wait3A_124 : memref<1x1x16x768xf32, #tpu.memory_space<hbm>> -> memref<16x768xf32, #tpu.memory_space<hbm>>
      tpu.wait_dma2 semaphore(%run_scoped3A_109 : memref<!tpu.dma_semaphore, #tpu.memory_space<semaphore_mem>>) src(%arg13 : memref<16x768xf32, #tpu.memory_space<vmem>>) dst(%dma_wait3A_125 : memref<16x768xf32, #tpu.memory_space<hbm>>)
      tpu.yield
    }) : () -> ()
    %mul3A_35 = arith.constant 2 : i32
    %mul3A_36 = vector.broadcast %mul3A_35 : i32 to vector<16xi32>
    %mul3A_37 = arith.muli %select_n3A, %mul3A_36 : vector<16xi32>
    %add3A_38 = arith.constant 1 : i32
    %add3A_39 = vector.broadcast %add3A_38 : i32 to vector<16xi32>
    %add3A_40 = arith.addi %mul3A_37, %add3A_39 : vector<16xi32>
    %swap3A_41 = arith.constant 0 : index
    %swap3A_42 = tpu.vector_load %arg11[%swap3A_41] {strides = array<i32>} : memref<16xi32, #tpu.memory_space<vmem>>, vector<16xi32>,
    tpu.vector_store %arg11[%swap3A_41], %add3A_40 {strides = array<i32>} : memref<16xi32, #tpu.memory_space<vmem>>, vector<16xi32>,
    %dma_start3A_43 = arith.constant 0 : i32
    %dma_start3A_44 = arith.constant 0 : i32
    %dma_start3A_45 = tpu.memref_slice %arg2[%dma_start3A_43, %dma_start3A_44] : memref<16384x768xf32, #tpu.memory_space<hbm>> -> memref<16384x768xf32, #tpu.memory_space<hbm>>
    tpu.enqueue_indirect_dma source(%dma_start3A_45 : memref<16384x768xf32, #tpu.memory_space<hbm>>) target(%arg13 : memref<16x768xf32, #tpu.memory_space<vmem>>) offsets(%arg11 : memref<16xi32, #tpu.memory_space<vmem>>) semaphore(%arg14 : memref<!tpu.dma_semaphore, #tpu.memory_space<semaphore_mem>>)
    %dma_wait3A_46 = arith.constant 0 : i32
    %dma_wait3A_47 = arith.constant 0 : i32
    %dma_wait3A_48 = tpu.memref_slice %arg2[%dma_wait3A_46, %dma_wait3A_47] : memref<16384x768xf32, #tpu.memory_space<hbm>> -> memref<16384x768xf32, #tpu.memory_space<hbm>>
    tpu.wait_indirect_dma semaphore(%arg14 : memref<!tpu.dma_semaphore, #tpu.memory_space<semaphore_mem>>) src(%dma_wait3A_48 : memref<16384x768xf32, #tpu.memory_space<hbm>>) dst(%arg13 : memref<16x768xf32, #tpu.memory_space<vmem>>)
    %run_scoped3A_49 = arith.constant 0 : i32
    "tpu.region"() ({
      %run_scoped3A_109 = tpu.sem_alloc : memref<!tpu.dma_semaphore, #tpu.memory_space<semaphore_mem>>
      %dma_start3A_110 = arith.constant 0 : i32
      %dma_start3A_111 = arith.constant 0 : i32
      %dma_start3A_112 = tpu.memref_slice %arg6[%run_scoped3A_49, %add3A, %dma_start3A_110, %dma_start3A_111] : memref<2x32x16x768xf32, #tpu.memory_space<hbm>> -> memref<1x1x16x768xf32, #tpu.memory_space<hbm>>
      %dma_start3A_113 = tpu.memref_squeeze %dma_start3A_112 : memref<1x1x16x768xf32, #tpu.memory_space<hbm>> -> memref<16x768xf32, #tpu.memory_space<hbm>>
      %dma_start3A_114 = arith.constant 0 : i32
      %dma_start3A_115 = arith.constant 0 : i32
      %dma_start3A_116 = tpu.memref_slice %arg6[%run_scoped3A_49, %add3A, %dma_start3A_114, %dma_start3A_115] : memref<2x32x16x768xf32, #tpu.memory_space<hbm>> -> memref<1x1x16x768xf32, #tpu.memory_space<hbm>>
      %dma_start3A_117 = tpu.memref_squeeze %dma_start3A_116 : memref<1x1x16x768xf32, #tpu.memory_space<hbm>> -> memref<16x768xf32, #tpu.memory_space<hbm>>
      tpu.enqueue_dma source(%arg13 : memref<16x768xf32, #tpu.memory_space<vmem>>) target(%dma_start3A_117 : memref<16x768xf32, #tpu.memory_space<hbm>>) target_semaphore(%run_scoped3A_109 : memref<!tpu.dma_semaphore, #tpu.memory_space<semaphore_mem>>)
      %dma_wait3A_118 = arith.constant 0 : i32
      %dma_wait3A_119 = arith.constant 0 : i32
      %dma_wait3A_120 = tpu.memref_slice %arg6[%run_scoped3A_49, %add3A, %dma_wait3A_118, %dma_wait3A_119] : memref<2x32x16x768xf32, #tpu.memory_space<hbm>> -> memref<1x1x16x768xf32, #tpu.memory_space<hbm>>
      %dma_wait3A_121 = tpu.memref_squeeze %dma_wait3A_120 : memref<1x1x16x768xf32, #tpu.memory_space<hbm>> -> memref<16x768xf32, #tpu.memory_space<hbm>>
      %dma_wait3A_122 = arith.constant 0 : i32
      %dma_wait3A_123 = arith.constant 0 : i32
      %dma_wait3A_124 = tpu.memref_slice %arg6[%run_scoped3A_49, %add3A, %dma_wait3A_122, %dma_wait3A_123] : memref<2x32x16x768xf32, #tpu.memory_space<hbm>> -> memref<1x1x16x768xf32, #tpu.memory_space<hbm>>
      %dma_wait3A_125 = tpu.memref_squeeze %dma_wait3A_124 : memref<1x1x16x768xf32, #tpu.memory_space<hbm>> -> memref<16x768xf32, #tpu.memory_space<hbm>>
      tpu.wait_dma2 semaphore(%run_scoped3A_109 : memref<!tpu.dma_semaphore, #tpu.memory_space<semaphore_mem>>) src(%arg13 : memref<16x768xf32, #tpu.memory_space<vmem>>) dst(%dma_wait3A_125 : memref<16x768xf32, #tpu.memory_space<hbm>>)
      tpu.yield
    }) : () -> ()
    "tpu.region"() ({
      %run_scoped3A_109 = tpu.sem_alloc : memref<!tpu.dma_semaphore, #tpu.memory_space<semaphore_mem>>
      %dma_start3A_110 = arith.constant 4096 : i32
      %dma_start3A_111 = tpu.memref_slice %arg4[%dma_start3A_110] : memref<8192xi32, #tpu.memory_space<hbm>> -> memref<4096xi32, #tpu.memory_space<hbm>>
      %dma_start3A_112 = arith.constant 4096 : i32
      %dma_start3A_113 = tpu.memref_slice %arg4[%dma_start3A_112] : memref<8192xi32, #tpu.memory_space<hbm>> -> memref<4096xi32, #tpu.memory_space<hbm>>
      tpu.enqueue_dma source(%dma_start3A_113 : memref<4096xi32, #tpu.memory_space<hbm>>) target(%arg9 : memref<4096xi32, #tpu.memory_space<vmem>>) target_semaphore(%run_scoped3A_109 : memref<!tpu.dma_semaphore, #tpu.memory_space<semaphore_mem>>)
      %dma_wait3A_114 = arith.constant 4096 : i32
      %dma_wait3A_115 = tpu.memref_slice %arg4[%dma_wait3A_114] : memref<8192xi32, #tpu.memory_space<hbm>> -> memref<4096xi32, #tpu.memory_space<hbm>>
      %dma_wait3A_116 = arith.constant 4096 : i32
      %dma_wait3A_117 = tpu.memref_slice %arg4[%dma_wait3A_116] : memref<8192xi32, #tpu.memory_space<hbm>> -> memref<4096xi32, #tpu.memory_space<hbm>>
      tpu.wait_dma2 semaphore(%run_scoped3A_109 : memref<!tpu.dma_semaphore, #tpu.memory_space<semaphore_mem>>) src(%dma_wait3A_117 : memref<4096xi32, #tpu.memory_space<hbm>>) dst(%arg9 : memref<4096xi32, #tpu.memory_space<vmem>>)
      tpu.yield
    }) : () -> ()
    "tpu.region"() ({
      %run_scoped3A_109 = tpu.sem_alloc : memref<!tpu.dma_semaphore, #tpu.memory_space<semaphore_mem>>
      %dma_start3A_110 = arith.constant 4096 : i32
      %dma_start3A_111 = tpu.memref_slice %arg3[%dma_start3A_110] : memref<8192xi32, #tpu.memory_space<hbm>> -> memref<4096xi32, #tpu.memory_space<hbm>>
      %dma_start3A_112 = arith.constant 4096 : i32
      %dma_start3A_113 = tpu.memref_slice %arg3[%dma_start3A_112] : memref<8192xi32, #tpu.memory_space<hbm>> -> memref<4096xi32, #tpu.memory_space<hbm>>
      tpu.enqueue_dma source(%dma_start3A_113 : memref<4096xi32, #tpu.memory_space<hbm>>) target(%arg8 : memref<4096xi32, #tpu.memory_space<vmem>>) target_semaphore(%run_scoped3A_109 : memref<!tpu.dma_semaphore, #tpu.memory_space<semaphore_mem>>)
      %dma_wait3A_114 = arith.constant 4096 : i32
      %dma_wait3A_115 = tpu.memref_slice %arg3[%dma_wait3A_114] : memref<8192xi32, #tpu.memory_space<hbm>> -> memref<4096xi32, #tpu.memory_space<hbm>>
      %dma_wait3A_116 = arith.constant 4096 : i32
      %dma_wait3A_117 = tpu.memref_slice %arg3[%dma_wait3A_116] : memref<8192xi32, #tpu.memory_space<hbm>> -> memref<4096xi32, #tpu.memory_space<hbm>>
      tpu.wait_dma2 semaphore(%run_scoped3A_109 : memref<!tpu.dma_semaphore, #tpu.memory_space<semaphore_mem>>) src(%dma_wait3A_117 : memref<4096xi32, #tpu.memory_space<hbm>>) dst(%arg8 : memref<4096xi32, #tpu.memory_space<vmem>>)
      tpu.yield
    }) : () -> ()
    %scan3A_50 = arith.constant 0 : i32
    %scan3A_51 = arith.constant 0 : i32
    %scan3A_52 = arith.constant 256 : i32
    %scan3A_53 = arith.addi %scan3A_51, %scan3A_52 : i32
    %scan3A_54 = arith.constant 8 : i32
    scf.for %scan3A_109 = %scan3A_51 to %scan3A_53 step %scan3A_54  : i32 {
      %mul3A_110 = arith.constant 16 : i32
      %mul3A_111 = arith.muli %scan3A_109, %mul3A_110 : i32
      %add3A_112 = vector.broadcast %mul3A_111 : i32 to vector<16xi32>
      %add3A_113 = arith.addi %iota3A, %add3A_112 : vector<16xi32>
      %gather3A_114 = tpu.vector_load_idx %arg8[%add3A_113] : memref<4096xi32, #tpu.memory_space<vmem>>[vector<16xi32>], vector<16xi32>,
      %mul3A_115 = arith.constant 16 : i32
      %mul3A_116 = arith.muli %scan3A_109, %mul3A_115 : i32
      %add3A_117 = vector.broadcast %mul3A_116 : i32 to vector<16xi32>
      %add3A_118 = arith.addi %iota3A, %add3A_117 : vector<16xi32>
      tpu.vector_store_idx %arg10[%gather3A_114], %add3A_118 : memref<4096xi32, #tpu.memory_space<vmem>>[vector<16xi32>], vector<16xi32>,
      %scan3A_119 = arith.constant 1 : i32
      %scan3A_120 = arith.addi %scan3A_109, %scan3A_119 : i32
      %mul3A_121 = arith.constant 16 : i32
      %mul3A_122 = arith.muli %scan3A_120, %mul3A_121 : i32
      %add3A_123 = vector.broadcast %mul3A_122 : i32 to vector<16xi32>
      %add3A_124 = arith.addi %iota3A, %add3A_123 : vector<16xi32>
      %gather3A_125 = tpu.vector_load_idx %arg8[%add3A_124] : memref<4096xi32, #tpu.memory_space<vmem>>[vector<16xi32>], vector<16xi32>,
      %mul3A_126 = arith.constant 16 : i32
      %mul3A_127 = arith.muli %scan3A_120, %mul3A_126 : i32
      %add3A_128 = vector.broadcast %mul3A_127 : i32 to vector<16xi32>
      %add3A_129 = arith.addi %iota3A, %add3A_128 : vector<16xi32>
      tpu.vector_store_idx %arg10[%gather3A_125], %add3A_129 : memref<4096xi32, #tpu.memory_space<vmem>>[vector<16xi32>], vector<16xi32>,
      %scan3A_130 = arith.constant 2 : i32
      %scan3A_131 = arith.addi %scan3A_109, %scan3A_130 : i32
      %mul3A_132 = arith.constant 16 : i32
      %mul3A_133 = arith.muli %scan3A_131, %mul3A_132 : i32
      %add3A_134 = vector.broadcast %mul3A_133 : i32 to vector<16xi32>
      %add3A_135 = arith.addi %iota3A, %add3A_134 : vector<16xi32>
      %gather3A_136 = tpu.vector_load_idx %arg8[%add3A_135] : memref<4096xi32, #tpu.memory_space<vmem>>[vector<16xi32>], vector<16xi32>,
      %mul3A_137 = arith.constant 16 : i32
      %mul3A_138 = arith.muli %scan3A_131, %mul3A_137 : i32
      %add3A_139 = vector.broadcast %mul3A_138 : i32 to vector<16xi32>
      %add3A_140 = arith.addi %iota3A, %add3A_139 : vector<16xi32>
      tpu.vector_store_idx %arg10[%gather3A_136], %add3A_140 : memref<4096xi32, #tpu.memory_space<vmem>>[vector<16xi32>], vector<16xi32>,
      %scan3A_141 = arith.constant 3 : i32
      %scan3A_142 = arith.addi %scan3A_109, %scan3A_141 : i32
      %mul3A_143 = arith.constant 16 : i32
      %mul3A_144 = arith.muli %scan3A_142, %mul3A_143 : i32
      %add3A_145 = vector.broadcast %mul3A_144 : i32 to vector<16xi32>
      %add3A_146 = arith.addi %iota3A, %add3A_145 : vector<16xi32>
      %gather3A_147 = tpu.vector_load_idx %arg8[%add3A_146] : memref<4096xi32, #tpu.memory_space<vmem>>[vector<16xi32>], vector<16xi32>,
      %mul3A_148 = arith.constant 16 : i32
      %mul3A_149 = arith.muli %scan3A_142, %mul3A_148 : i32
      %add3A_150 = vector.broadcast %mul3A_149 : i32 to vector<16xi32>
      %add3A_151 = arith.addi %iota3A, %add3A_150 : vector<16xi32>
      tpu.vector_store_idx %arg10[%gather3A_147], %add3A_151 : memref<4096xi32, #tpu.memory_space<vmem>>[vector<16xi32>], vector<16xi32>,
      %scan3A_152 = arith.constant 4 : i32
      %scan3A_153 = arith.addi %scan3A_109, %scan3A_152 : i32
      %mul3A_154 = arith.constant 16 : i32
      %mul3A_155 = arith.muli %scan3A_153, %mul3A_154 : i32
      %add3A_156 = vector.broadcast %mul3A_155 : i32 to vector<16xi32>
      %add3A_157 = arith.addi %iota3A, %add3A_156 : vector<16xi32>
      %gather3A_158 = tpu.vector_load_idx %arg8[%add3A_157] : memref<4096xi32, #tpu.memory_space<vmem>>[vector<16xi32>], vector<16xi32>,
      %mul3A_159 = arith.constant 16 : i32
      %mul3A_160 = arith.muli %scan3A_153, %mul3A_159 : i32
      %add3A_161 = vector.broadcast %mul3A_160 : i32 to vector<16xi32>
      %add3A_162 = arith.addi %iota3A, %add3A_161 : vector<16xi32>
      tpu.vector_store_idx %arg10[%gather3A_158], %add3A_162 : memref<4096xi32, #tpu.memory_space<vmem>>[vector<16xi32>], vector<16xi32>,
      %scan3A_163 = arith.constant 5 : i32
      %scan3A_164 = arith.addi %scan3A_109, %scan3A_163 : i32
      %mul3A_165 = arith.constant 16 : i32
      %mul3A_166 = arith.muli %scan3A_164, %mul3A_165 : i32
      %add3A_167 = vector.broadcast %mul3A_166 : i32 to vector<16xi32>
      %add3A_168 = arith.addi %iota3A, %add3A_167 : vector<16xi32>
      %gather3A_169 = tpu.vector_load_idx %arg8[%add3A_168] : memref<4096xi32, #tpu.memory_space<vmem>>[vector<16xi32>], vector<16xi32>,
      %mul3A_170 = arith.constant 16 : i32
      %mul3A_171 = arith.muli %scan3A_164, %mul3A_170 : i32
      %add3A_172 = vector.broadcast %mul3A_171 : i32 to vector<16xi32>
      %add3A_173 = arith.addi %iota3A, %add3A_172 : vector<16xi32>
      tpu.vector_store_idx %arg10[%gather3A_169], %add3A_173 : memref<4096xi32, #tpu.memory_space<vmem>>[vector<16xi32>], vector<16xi32>,
      %scan3A_174 = arith.constant 6 : i32
      %scan3A_175 = arith.addi %scan3A_109, %scan3A_174 : i32
      %mul3A_176 = arith.constant 16 : i32
      %mul3A_177 = arith.muli %scan3A_175, %mul3A_176 : i32
      %add3A_178 = vector.broadcast %mul3A_177 : i32 to vector<16xi32>
      %add3A_179 = arith.addi %iota3A, %add3A_178 : vector<16xi32>
      %gather3A_180 = tpu.vector_load_idx %arg8[%add3A_179] : memref<4096xi32, #tpu.memory_space<vmem>>[vector<16xi32>], vector<16xi32>,
      %mul3A_181 = arith.constant 16 : i32
      %mul3A_182 = arith.muli %scan3A_175, %mul3A_181 : i32
      %add3A_183 = vector.broadcast %mul3A_182 : i32 to vector<16xi32>
      %add3A_184 = arith.addi %iota3A, %add3A_183 : vector<16xi32>
      tpu.vector_store_idx %arg10[%gather3A_180], %add3A_184 : memref<4096xi32, #tpu.memory_space<vmem>>[vector<16xi32>], vector<16xi32>,
      %scan3A_185 = arith.constant 7 : i32
      %scan3A_186 = arith.addi %scan3A_109, %scan3A_185 : i32
      %mul3A_187 = arith.constant 16 : i32
      %mul3A_188 = arith.muli %scan3A_186, %mul3A_187 : i32
      %add3A_189 = vector.broadcast %mul3A_188 : i32 to vector<16xi32>
      %add3A_190 = arith.addi %iota3A, %add3A_189 : vector<16xi32>
      %gather3A_191 = tpu.vector_load_idx %arg8[%add3A_190] : memref<4096xi32, #tpu.memory_space<vmem>>[vector<16xi32>], vector<16xi32>,
      %mul3A_192 = arith.constant 16 : i32
      %mul3A_193 = arith.muli %scan3A_186, %mul3A_192 : i32
      %add3A_194 = vector.broadcast %mul3A_193 : i32 to vector<16xi32>
      %add3A_195 = arith.addi %iota3A, %add3A_194 : vector<16xi32>
      tpu.vector_store_idx %arg10[%gather3A_191], %add3A_195 : memref<4096xi32, #tpu.memory_space<vmem>>[vector<16xi32>], vector<16xi32>,
    }
    %scan3A_55 = arith.constant 256 : i32
    %mul3A_56 = arith.constant 13 : i32
    %mul3A_57 = arith.muli %add3A, %mul3A_56 : i32
    %add3A_58 = vector.broadcast %mul3A_57 : i32 to vector<16xi32>
    %add3A_59 = arith.addi %iota3A, %add3A_58 : vector<16xi32>
    %gather3A_60 = tpu.vector_load_idx %arg10[%add3A_59] : memref<4096xi32, #tpu.memory_space<vmem>>[vector<16xi32>], vector<16xi32>,
    %gather3A_61 = tpu.vector_load_idx %arg9[%gather3A_60] : memref<4096xi32, #tpu.memory_space<vmem>>[vector<16xi32>], vector<16xi32>,
    %broadcast_in_dim3A_62 = arith.constant 408 : i32
    %broadcast_in_dim3A_63 = vector.broadcast %broadcast_in_dim3A_62 : i32 to vector<16xi32>
    %gather3A_64 = tpu.vector_load_idx %arg10[%broadcast_in_dim3A_63] : memref<4096xi32, #tpu.memory_space<vmem>>[vector<16xi32>], vector<16xi32>,
    %gather3A_65 = tpu.vector_load_idx %arg9[%gather3A_64] : memref<4096xi32, #tpu.memory_space<vmem>>[vector<16xi32>], vector<16xi32>,
    %lt3A_66 = arith.constant 13 : i32
    %lt3A_67 = vector.broadcast %lt3A_66 : i32 to vector<16xi32>
    %lt3A_68 = arith.cmpi slt, %iota3A, %lt3A_67 : vector<16xi32>
    %add3A_69 = vector.broadcast %mul3A_57 : i32 to vector<16xi32>
    %add3A_70 = arith.addi %add3A_69, %iota3A : vector<16xi32>
    %lt3A_71 = arith.constant 409 : i32
    %lt3A_72 = vector.broadcast %lt3A_71 : i32 to vector<16xi32>
    %lt3A_73 = arith.cmpi slt, %add3A_70, %lt3A_72 : vector<16xi32>
    %and3A_74 = arith.andi %lt3A_68, %lt3A_73 : vector<16xi1>
    %select_n3A_75 = arith.select %and3A_74, %gather3A_61, %gather3A_65 : vector<16xi1>, vector<16xi32>
    %swap3A_76 = arith.constant 0 : index
    %swap3A_77 = tpu.vector_load %arg12[%swap3A_76] {strides = array<i32>} : memref<16xi32, #tpu.memory_space<vmem>>, vector<16xi32>,
    tpu.vector_store %arg12[%swap3A_76], %select_n3A_75 {strides = array<i32>} : memref<16xi32, #tpu.memory_space<vmem>>, vector<16xi32>,
    %run_scoped3A_78 = arith.constant 1 : i32
    "tpu.region"() ({
      %run_scoped3A_109 = tpu.sem_alloc : memref<!tpu.dma_semaphore, #tpu.memory_space<semaphore_mem>>
      %dma_start3A_110 = arith.constant 0 : i32
      %dma_start3A_111 = tpu.memref_slice %arg7[%run_scoped3A_78, %add3A, %dma_start3A_110] : memref<2x32x16xi32, #tpu.memory_space<hbm>> -> memref<1x1x16xi32, #tpu.memory_space<hbm>>
      %dma_start3A_112 = tpu.memref_squeeze %dma_start3A_111 : memref<1x1x16xi32, #tpu.memory_space<hbm>> -> memref<16xi32, #tpu.memory_space<hbm>>
      %dma_start3A_113 = arith.constant 0 : i32
      %dma_start3A_114 = tpu.memref_slice %arg7[%run_scoped3A_78, %add3A, %dma_start3A_113] : memref<2x32x16xi32, #tpu.memory_space<hbm>> -> memref<1x1x16xi32, #tpu.memory_space<hbm>>
      %dma_start3A_115 = tpu.memref_squeeze %dma_start3A_114 : memref<1x1x16xi32, #tpu.memory_space<hbm>> -> memref<16xi32, #tpu.memory_space<hbm>>
      tpu.enqueue_dma source(%arg12 : memref<16xi32, #tpu.memory_space<vmem>>) target(%dma_start3A_115 : memref<16xi32, #tpu.memory_space<hbm>>) target_semaphore(%run_scoped3A_109 : memref<!tpu.dma_semaphore, #tpu.memory_space<semaphore_mem>>)
      %dma_wait3A_116 = arith.constant 0 : i32
      %dma_wait3A_117 = tpu.memref_slice %arg7[%run_scoped3A_78, %add3A, %dma_wait3A_116] : memref<2x32x16xi32, #tpu.memory_space<hbm>> -> memref<1x1x16xi32, #tpu.memory_space<hbm>>
      %dma_wait3A_118 = tpu.memref_squeeze %dma_wait3A_117 : memref<1x1x16xi32, #tpu.memory_space<hbm>> -> memref<16xi32, #tpu.memory_space<hbm>>
      %dma_wait3A_119 = arith.constant 0 : i32
      %dma_wait3A_120 = tpu.memref_slice %arg7[%run_scoped3A_78, %add3A, %dma_wait3A_119] : memref<2x32x16xi32, #tpu.memory_space<hbm>> -> memref<1x1x16xi32, #tpu.memory_space<hbm>>
      %dma_wait3A_121 = tpu.memref_squeeze %dma_wait3A_120 : memref<1x1x16xi32, #tpu.memory_space<hbm>> -> memref<16xi32, #tpu.memory_space<hbm>>
      tpu.wait_dma2 semaphore(%run_scoped3A_109 : memref<!tpu.dma_semaphore, #tpu.memory_space<semaphore_mem>>) src(%arg12 : memref<16xi32, #tpu.memory_space<vmem>>) dst(%dma_wait3A_121 : memref<16xi32, #tpu.memory_space<hbm>>)
      tpu.yield
    }) : () -> ()
    %mul3A_79 = arith.constant 2 : i32
    %mul3A_80 = vector.broadcast %mul3A_79 : i32 to vector<16xi32>
    %mul3A_81 = arith.muli %gather3A_60, %mul3A_80 : vector<16xi32>
    %add3A_82 = arith.constant 8192 : i32
    %add3A_83 = vector.broadcast %add3A_82 : i32 to vector<16xi32>
    %add3A_84 = arith.addi %mul3A_81, %add3A_83 : vector<16xi32>
    %swap3A_85 = arith.constant 0 : index
    %swap3A_86 = tpu.vector_load %arg11[%swap3A_85] {strides = array<i32>} : memref<16xi32, #tpu.memory_space<vmem>>, vector<16xi32>,
    tpu.vector_store %arg11[%swap3A_85], %add3A_84 {strides = array<i32>} : memref<16xi32, #tpu.memory_space<vmem>>, vector<16xi32>,
    %dma_start3A_87 = arith.constant 0 : i32
    %dma_start3A_88 = arith.constant 0 : i32
    %dma_start3A_89 = tpu.memref_slice %arg2[%dma_start3A_87, %dma_start3A_88] : memref<16384x768xf32, #tpu.memory_space<hbm>> -> memref<16384x768xf32, #tpu.memory_space<hbm>>
    tpu.enqueue_indirect_dma source(%dma_start3A_89 : memref<16384x768xf32, #tpu.memory_space<hbm>>) target(%arg13 : memref<16x768xf32, #tpu.memory_space<vmem>>) offsets(%arg11 : memref<16xi32, #tpu.memory_space<vmem>>) semaphore(%arg14 : memref<!tpu.dma_semaphore, #tpu.memory_space<semaphore_mem>>)
    %dma_wait3A_90 = arith.constant 0 : i32
    %dma_wait3A_91 = arith.constant 0 : i32
    %dma_wait3A_92 = tpu.memref_slice %arg2[%dma_wait3A_90, %dma_wait3A_91] : memref<16384x768xf32, #tpu.memory_space<hbm>> -> memref<16384x768xf32, #tpu.memory_space<hbm>>
    tpu.wait_indirect_dma semaphore(%arg14 : memref<!tpu.dma_semaphore, #tpu.memory_space<semaphore_mem>>) src(%dma_wait3A_92 : memref<16384x768xf32, #tpu.memory_space<hbm>>) dst(%arg13 : memref<16x768xf32, #tpu.memory_space<vmem>>)
    %run_scoped3A_93 = arith.constant 1 : i32
    "tpu.region"() ({
      %run_scoped3A_109 = tpu.sem_alloc : memref<!tpu.dma_semaphore, #tpu.memory_space<semaphore_mem>>
      %dma_start3A_110 = arith.constant 0 : i32
      %dma_start3A_111 = arith.constant 0 : i32
      %dma_start3A_112 = tpu.memref_slice %arg5[%run_scoped3A_93, %add3A, %dma_start3A_110, %dma_start3A_111] : memref<2x32x16x768xf32, #tpu.memory_space<hbm>> -> memref<1x1x16x768xf32, #tpu.memory_space<hbm>>
      %dma_start3A_113 = tpu.memref_squeeze %dma_start3A_112 : memref<1x1x16x768xf32, #tpu.memory_space<hbm>> -> memref<16x768xf32, #tpu.memory_space<hbm>>
      %dma_start3A_114 = arith.constant 0 : i32
      %dma_start3A_115 = arith.constant 0 : i32
      %dma_start3A_116 = tpu.memref_slice %arg5[%run_scoped3A_93, %add3A, %dma_start3A_114, %dma_start3A_115] : memref<2x32x16x768xf32, #tpu.memory_space<hbm>> -> memref<1x1x16x768xf32, #tpu.memory_space<hbm>>
      %dma_start3A_117 = tpu.memref_squeeze %dma_start3A_116 : memref<1x1x16x768xf32, #tpu.memory_space<hbm>> -> memref<16x768xf32, #tpu.memory_space<hbm>>
      tpu.enqueue_dma source(%arg13 : memref<16x768xf32, #tpu.memory_space<vmem>>) target(%dma_start3A_117 : memref<16x768xf32, #tpu.memory_space<hbm>>) target_semaphore(%run_scoped3A_109 : memref<!tpu.dma_semaphore, #tpu.memory_space<semaphore_mem>>)
      %dma_wait3A_118 = arith.constant 0 : i32
      %dma_wait3A_119 = arith.constant 0 : i32
      %dma_wait3A_120 = tpu.memref_slice %arg5[%run_scoped3A_93, %add3A, %dma_wait3A_118, %dma_wait3A_119] : memref<2x32x16x768xf32, #tpu.memory_space<hbm>> -> memref<1x1x16x768xf32, #tpu.memory_space<hbm>>
      %dma_wait3A_121 = tpu.memref_squeeze %dma_wait3A_120 : memref<1x1x16x768xf32, #tpu.memory_space<hbm>> -> memref<16x768xf32, #tpu.memory_space<hbm>>
      %dma_wait3A_122 = arith.constant 0 : i32
      %dma_wait3A_123 = arith.constant 0 : i32
      %dma_wait3A_124 = tpu.memref_slice %arg5[%run_scoped3A_93, %add3A, %dma_wait3A_122, %dma_wait3A_123] : memref<2x32x16x768xf32, #tpu.memory_space<hbm>> -> memref<1x1x16x768xf32, #tpu.memory_space<hbm>>
      %dma_wait3A_125 = tpu.memref_squeeze %dma_wait3A_124 : memref<1x1x16x768xf32, #tpu.memory_space<hbm>> -> memref<16x768xf32, #tpu.memory_space<hbm>>
      tpu.wait_dma2 semaphore(%run_scoped3A_109 : memref<!tpu.dma_semaphore, #tpu.memory_space<semaphore_mem>>) src(%arg13 : memref<16x768xf32, #tpu.memory_space<vmem>>) dst(%dma_wait3A_125 : memref<16x768xf32, #tpu.memory_space<hbm>>)
      tpu.yield
    }) : () -> ()
    %mul3A_94 = arith.constant 2 : i32
    %mul3A_95 = vector.broadcast %mul3A_94 : i32 to vector<16xi32>
    %mul3A_96 = arith.muli %select_n3A_75, %mul3A_95 : vector<16xi32>
    %add3A_97 = arith.constant 8193 : i32
    %add3A_98 = vector.broadcast %add3A_97 : i32 to vector<16xi32>
    %add3A_99 = arith.addi %mul3A_96, %add3A_98 : vector<16xi32>
    %swap3A_100 = arith.constant 0 : index
    %swap3A_101 = tpu.vector_load %arg11[%swap3A_100] {strides = array<i32>} : memref<16xi32, #tpu.memory_space<vmem>>, vector<16xi32>,
    tpu.vector_store %arg11[%swap3A_100], %add3A_99 {strides = array<i32>} : memref<16xi32, #tpu.memory_space<vmem>>, vector<16xi32>,
    %dma_start3A_102 = arith.constant 0 : i32
    %dma_start3A_103 = arith.constant 0 : i32
    %dma_start3A_104 = tpu.memref_slice %arg2[%dma_start3A_102, %dma_start3A_103] : memref<16384x768xf32, #tpu.memory_space<hbm>> -> memref<16384x768xf32, #tpu.memory_space<hbm>>
    tpu.enqueue_indirect_dma source(%dma_start3A_104 : memref<16384x768xf32, #tpu.memory_space<hbm>>) target(%arg13 : memref<16x768xf32, #tpu.memory_space<vmem>>) offsets(%arg11 : memref<16xi32, #tpu.memory_space<vmem>>) semaphore(%arg14 : memref<!tpu.dma_semaphore, #tpu.memory_space<semaphore_mem>>)
    %dma_wait3A_105 = arith.constant 0 : i32
    %dma_wait3A_106 = arith.constant 0 : i32
    %dma_wait3A_107 = tpu.memref_slice %arg2[%dma_wait3A_105, %dma_wait3A_106] : memref<16384x768xf32, #tpu.memory_space<hbm>> -> memref<16384x768xf32, #tpu.memory_space<hbm>>
    tpu.wait_indirect_dma semaphore(%arg14 : memref<!tpu.dma_semaphore, #tpu.memory_space<semaphore_mem>>) src(%dma_wait3A_107 : memref<16384x768xf32, #tpu.memory_space<hbm>>) dst(%arg13 : memref<16x768xf32, #tpu.memory_space<vmem>>)
    %run_scoped3A_108 = arith.constant 1 : i32
    "tpu.region"() ({
      %run_scoped3A_109 = tpu.sem_alloc : memref<!tpu.dma_semaphore, #tpu.memory_space<semaphore_mem>>
      %dma_start3A_110 = arith.constant 0 : i32
      %dma_start3A_111 = arith.constant 0 : i32
      %dma_start3A_112 = tpu.memref_slice %arg6[%run_scoped3A_108, %add3A, %dma_start3A_110, %dma_start3A_111] : memref<2x32x16x768xf32, #tpu.memory_space<hbm>> -> memref<1x1x16x768xf32, #tpu.memory_space<hbm>>
      %dma_start3A_113 = tpu.memref_squeeze %dma_start3A_112 : memref<1x1x16x768xf32, #tpu.memory_space<hbm>> -> memref<16x768xf32, #tpu.memory_space<hbm>>
      %dma_start3A_114 = arith.constant 0 : i32
      %dma_start3A_115 = arith.constant 0 : i32
      %dma_start3A_116 = tpu.memref_slice %arg6[%run_scoped3A_108, %add3A, %dma_start3A_114, %dma_start3A_115] : memref<2x32x16x768xf32, #tpu.memory_space<hbm>> -> memref<1x1x16x768xf32, #tpu.memory_space<hbm>>
      %dma_start3A_117 = tpu.memref_squeeze %dma_start3A_116 : memref<1x1x16x768xf32, #tpu.memory_space<hbm>> -> memref<16x768xf32, #tpu.memory_space<hbm>>
      tpu.enqueue_dma source(%arg13 : memref<16x768xf32, #tpu.memory_space<vmem>>) target(%dma_start3A_117 : memref<16x768xf32, #tpu.memory_space<hbm>>) target_semaphore(%run_scoped3A_109 : memref<!tpu.dma_semaphore, #tpu.memory_space<semaphore_mem>>)
      %dma_wait3A_118 = arith.constant 0 : i32
      %dma_wait3A_119 = arith.constant 0 : i32
      %dma_wait3A_120 = tpu.memref_slice %arg6[%run_scoped3A_108, %add3A, %dma_wait3A_118, %dma_wait3A_119] : memref<2x32x16x768xf32, #tpu.memory_space<hbm>> -> memref<1x1x16x768xf32, #tpu.memory_space<hbm>>
      %dma_wait3A_121 = tpu.memref_squeeze %dma_wait3A_120 : memref<1x1x16x768xf32, #tpu.memory_space<hbm>> -> memref<16x768xf32, #tpu.memory_space<hbm>>
      %dma_wait3A_122 = arith.constant 0 : i32
      %dma_wait3A_123 = arith.constant 0 : i32
      %dma_wait3A_124 = tpu.memref_slice %arg6[%run_scoped3A_108, %add3A, %dma_wait3A_122, %dma_wait3A_123] : memref<2x32x16x768xf32, #tpu.memory_space<hbm>> -> memref<1x1x16x768xf32, #tpu.memory_space<hbm>>
      %dma_wait3A_125 = tpu.memref_squeeze %dma_wait3A_124 : memref<1x1x16x768xf32, #tpu.memory_space<hbm>> -> memref<16x768xf32, #tpu.memory_space<hbm>>
      tpu.wait_dma2 semaphore(%run_scoped3A_109 : memref<!tpu.dma_semaphore, #tpu.memory_space<semaphore_mem>>) src(%arg13 : memref<16x768xf32, #tpu.memory_space<vmem>>) dst(%dma_wait3A_125 : memref<16x768xf32, #tpu.memory_space<hbm>>)
      tpu.yield
    }) : () -> ()
    return
  }
}

#map = affine_map<(d0, d1) -> (0, 0, 0)>
#map1 = affine_map<(d0, d1) -> (0, 0, 0, 0)>
#map2 = affine_map<(d0, d1) -> (0, 0)>
module attributes {stable_mosaic.version = 14 : i64} {
  func.func @new_body(%arg0: i32, %arg1: i32, %arg2: memref<2x32x16xi32, #tpu.memory_space<hbm>>, %arg3: memref<2x32x16x768xf32, #tpu.memory_space<hbm>>, %arg4: memref<15566x768xf32, #tpu.memory_space<hbm>>, %arg5: memref<15566x768xf32, #tpu.memory_space<hbm>>, %arg6: memref<16xi32, #tpu.memory_space<vmem>>, %arg7: memref<16xi32, #tpu.memory_space<vmem>>, %arg8: memref<16x768xf32, #tpu.memory_space<vmem>>, %arg9: memref<!tpu.dma_semaphore, #tpu.memory_space<semaphore_mem>>) attributes {dimension_semantics = [#tpu.dimension_semantics<core_parallel>, #tpu.dimension_semantics<subcore_parallel>], iteration_bounds = array<i64: 2, 16>, scalar_prefetch = 0 : i64, scratch_operands = 4 : i64, tpu.core_type = #tpu.core_type<sc_vector_subcore>, window_params = [{transform_indices = #map}, {transform_indices = #map1}, {transform_indices = #map2}, {transform_indices = #map2}]} {
    %mul3A = arith.constant 2 : i32
    %mul3A_0 = arith.muli %arg1, %mul3A : i32
    %add3A = arith.addi %mul3A_0, %arg0 : i32
    %run_scoped3A = arith.constant 0 : i32
    "tpu.region"() ({
      %run_scoped3A_26 = tpu.sem_alloc : memref<!tpu.dma_semaphore, #tpu.memory_space<semaphore_mem>>
      %dma_start3A_27 = arith.constant 0 : i32
      %dma_start3A_28 = tpu.memref_slice %arg2[%run_scoped3A, %add3A, %dma_start3A_27] : memref<2x32x16xi32, #tpu.memory_space<hbm>> -> memref<1x1x16xi32, #tpu.memory_space<hbm>>
      %dma_start3A_29 = tpu.memref_squeeze %dma_start3A_28 : memref<1x1x16xi32, #tpu.memory_space<hbm>> -> memref<16xi32, #tpu.memory_space<hbm>>
      %dma_start3A_30 = arith.constant 0 : i32
      %dma_start3A_31 = tpu.memref_slice %arg2[%run_scoped3A, %add3A, %dma_start3A_30] : memref<2x32x16xi32, #tpu.memory_space<hbm>> -> memref<1x1x16xi32, #tpu.memory_space<hbm>>
      %dma_start3A_32 = tpu.memref_squeeze %dma_start3A_31 : memref<1x1x16xi32, #tpu.memory_space<hbm>> -> memref<16xi32, #tpu.memory_space<hbm>>
      tpu.enqueue_dma source(%dma_start3A_32 : memref<16xi32, #tpu.memory_space<hbm>>) target(%arg6 : memref<16xi32, #tpu.memory_space<vmem>>) target_semaphore(%run_scoped3A_26 : memref<!tpu.dma_semaphore, #tpu.memory_space<semaphore_mem>>)
      %dma_wait3A_33 = arith.constant 0 : i32
      %dma_wait3A_34 = tpu.memref_slice %arg2[%run_scoped3A, %add3A, %dma_wait3A_33] : memref<2x32x16xi32, #tpu.memory_space<hbm>> -> memref<1x1x16xi32, #tpu.memory_space<hbm>>
      %dma_wait3A_35 = tpu.memref_squeeze %dma_wait3A_34 : memref<1x1x16xi32, #tpu.memory_space<hbm>> -> memref<16xi32, #tpu.memory_space<hbm>>
      %dma_wait3A_36 = arith.constant 0 : i32
      %dma_wait3A_37 = tpu.memref_slice %arg2[%run_scoped3A, %add3A, %dma_wait3A_36] : memref<2x32x16xi32, #tpu.memory_space<hbm>> -> memref<1x1x16xi32, #tpu.memory_space<hbm>>
      %dma_wait3A_38 = tpu.memref_squeeze %dma_wait3A_37 : memref<1x1x16xi32, #tpu.memory_space<hbm>> -> memref<16xi32, #tpu.memory_space<hbm>>
      tpu.wait_dma2 semaphore(%run_scoped3A_26 : memref<!tpu.dma_semaphore, #tpu.memory_space<semaphore_mem>>) src(%dma_wait3A_38 : memref<16xi32, #tpu.memory_space<hbm>>) dst(%arg6 : memref<16xi32, #tpu.memory_space<vmem>>)
      tpu.yield
    }) : () -> ()
    %get3A = arith.constant 0 : index
    %get3A_1 = tpu.vector_load %arg6[%get3A] {strides = array<i32>} : memref<16xi32, #tpu.memory_space<vmem>>, vector<16xi32>,
    %add3A_2 = arith.constant 3687 : i32
    %add3A_3 = vector.broadcast %add3A_2 : i32 to vector<16xi32>
    %add3A_4 = arith.addi %get3A_1, %add3A_3 : vector<16xi32>
    %swap3A = arith.constant 0 : index
    %swap3A_5 = tpu.vector_load %arg7[%swap3A] {strides = array<i32>} : memref<16xi32, #tpu.memory_space<vmem>>, vector<16xi32>,
    tpu.vector_store %arg7[%swap3A], %add3A_4 {strides = array<i32>} : memref<16xi32, #tpu.memory_space<vmem>>, vector<16xi32>,
    %run_scoped3A_6 = arith.constant 0 : i32
    "tpu.region"() ({
      %run_scoped3A_26 = tpu.sem_alloc : memref<!tpu.dma_semaphore, #tpu.memory_space<semaphore_mem>>
      %dma_start3A_27 = arith.constant 0 : i32
      %dma_start3A_28 = arith.constant 0 : i32
      %dma_start3A_29 = tpu.memref_slice %arg3[%run_scoped3A_6, %add3A, %dma_start3A_27, %dma_start3A_28] : memref<2x32x16x768xf32, #tpu.memory_space<hbm>> -> memref<1x1x16x768xf32, #tpu.memory_space<hbm>>
      %dma_start3A_30 = tpu.memref_squeeze %dma_start3A_29 : memref<1x1x16x768xf32, #tpu.memory_space<hbm>> -> memref<16x768xf32, #tpu.memory_space<hbm>>
      %dma_start3A_31 = arith.constant 0 : i32
      %dma_start3A_32 = arith.constant 0 : i32
      %dma_start3A_33 = tpu.memref_slice %arg3[%run_scoped3A_6, %add3A, %dma_start3A_31, %dma_start3A_32] : memref<2x32x16x768xf32, #tpu.memory_space<hbm>> -> memref<1x1x16x768xf32, #tpu.memory_space<hbm>>
      %dma_start3A_34 = tpu.memref_squeeze %dma_start3A_33 : memref<1x1x16x768xf32, #tpu.memory_space<hbm>> -> memref<16x768xf32, #tpu.memory_space<hbm>>
      tpu.enqueue_dma source(%dma_start3A_34 : memref<16x768xf32, #tpu.memory_space<hbm>>) target(%arg8 : memref<16x768xf32, #tpu.memory_space<vmem>>) target_semaphore(%run_scoped3A_26 : memref<!tpu.dma_semaphore, #tpu.memory_space<semaphore_mem>>)
      %dma_wait3A_35 = arith.constant 0 : i32
      %dma_wait3A_36 = arith.constant 0 : i32
      %dma_wait3A_37 = tpu.memref_slice %arg3[%run_scoped3A_6, %add3A, %dma_wait3A_35, %dma_wait3A_36] : memref<2x32x16x768xf32, #tpu.memory_space<hbm>> -> memref<1x1x16x768xf32, #tpu.memory_space<hbm>>
      %dma_wait3A_38 = tpu.memref_squeeze %dma_wait3A_37 : memref<1x1x16x768xf32, #tpu.memory_space<hbm>> -> memref<16x768xf32, #tpu.memory_space<hbm>>
      %dma_wait3A_39 = arith.constant 0 : i32
      %dma_wait3A_40 = arith.constant 0 : i32
      %dma_wait3A_41 = tpu.memref_slice %arg3[%run_scoped3A_6, %add3A, %dma_wait3A_39, %dma_wait3A_40] : memref<2x32x16x768xf32, #tpu.memory_space<hbm>> -> memref<1x1x16x768xf32, #tpu.memory_space<hbm>>
      %dma_wait3A_42 = tpu.memref_squeeze %dma_wait3A_41 : memref<1x1x16x768xf32, #tpu.memory_space<hbm>> -> memref<16x768xf32, #tpu.memory_space<hbm>>
      tpu.wait_dma2 semaphore(%run_scoped3A_26 : memref<!tpu.dma_semaphore, #tpu.memory_space<semaphore_mem>>) src(%dma_wait3A_42 : memref<16x768xf32, #tpu.memory_space<hbm>>) dst(%arg8 : memref<16x768xf32, #tpu.memory_space<vmem>>)
      tpu.yield
    }) : () -> ()
    %dma_start3A = arith.constant 0 : i32
    %dma_start3A_7 = arith.constant 0 : i32
    %dma_start3A_8 = tpu.memref_slice %arg4[%dma_start3A, %dma_start3A_7] : memref<15566x768xf32, #tpu.memory_space<hbm>> -> memref<15566x768xf32, #tpu.memory_space<hbm>>
    tpu.enqueue_indirect_dma source(%arg8 : memref<16x768xf32, #tpu.memory_space<vmem>>) target(%dma_start3A_8 : memref<15566x768xf32, #tpu.memory_space<hbm>>) offsets(%arg7 : memref<16xi32, #tpu.memory_space<vmem>>) semaphore(%arg9 : memref<!tpu.dma_semaphore, #tpu.memory_space<semaphore_mem>>)
    %dma_wait3A = arith.constant 0 : i32
    %dma_wait3A_9 = arith.constant 0 : i32
    %dma_wait3A_10 = tpu.memref_slice %arg4[%dma_wait3A, %dma_wait3A_9] : memref<15566x768xf32, #tpu.memory_space<hbm>> -> memref<15566x768xf32, #tpu.memory_space<hbm>>
    tpu.wait_indirect_dma semaphore(%arg9 : memref<!tpu.dma_semaphore, #tpu.memory_space<semaphore_mem>>) src(%arg8 : memref<16x768xf32, #tpu.memory_space<vmem>>) dst(%dma_wait3A_10 : memref<15566x768xf32, #tpu.memory_space<hbm>>)
    %run_scoped3A_11 = arith.constant 1 : i32
    "tpu.region"() ({
      %run_scoped3A_26 = tpu.sem_alloc : memref<!tpu.dma_semaphore, #tpu.memory_space<semaphore_mem>>
      %dma_start3A_27 = arith.constant 0 : i32
      %dma_start3A_28 = tpu.memref_slice %arg2[%run_scoped3A_11, %add3A, %dma_start3A_27] : memref<2x32x16xi32, #tpu.memory_space<hbm>> -> memref<1x1x16xi32, #tpu.memory_space<hbm>>
      %dma_start3A_29 = tpu.memref_squeeze %dma_start3A_28 : memref<1x1x16xi32, #tpu.memory_space<hbm>> -> memref<16xi32, #tpu.memory_space<hbm>>
      %dma_start3A_30 = arith.constant 0 : i32
      %dma_start3A_31 = tpu.memref_slice %arg2[%run_scoped3A_11, %add3A, %dma_start3A_30] : memref<2x32x16xi32, #tpu.memory_space<hbm>> -> memref<1x1x16xi32, #tpu.memory_space<hbm>>
      %dma_start3A_32 = tpu.memref_squeeze %dma_start3A_31 : memref<1x1x16xi32, #tpu.memory_space<hbm>> -> memref<16xi32, #tpu.memory_space<hbm>>
      tpu.enqueue_dma source(%dma_start3A_32 : memref<16xi32, #tpu.memory_space<hbm>>) target(%arg6 : memref<16xi32, #tpu.memory_space<vmem>>) target_semaphore(%run_scoped3A_26 : memref<!tpu.dma_semaphore, #tpu.memory_space<semaphore_mem>>)
      %dma_wait3A_33 = arith.constant 0 : i32
      %dma_wait3A_34 = tpu.memref_slice %arg2[%run_scoped3A_11, %add3A, %dma_wait3A_33] : memref<2x32x16xi32, #tpu.memory_space<hbm>> -> memref<1x1x16xi32, #tpu.memory_space<hbm>>
      %dma_wait3A_35 = tpu.memref_squeeze %dma_wait3A_34 : memref<1x1x16xi32, #tpu.memory_space<hbm>> -> memref<16xi32, #tpu.memory_space<hbm>>
      %dma_wait3A_36 = arith.constant 0 : i32
      %dma_wait3A_37 = tpu.memref_slice %arg2[%run_scoped3A_11, %add3A, %dma_wait3A_36] : memref<2x32x16xi32, #tpu.memory_space<hbm>> -> memref<1x1x16xi32, #tpu.memory_space<hbm>>
      %dma_wait3A_38 = tpu.memref_squeeze %dma_wait3A_37 : memref<1x1x16xi32, #tpu.memory_space<hbm>> -> memref<16xi32, #tpu.memory_space<hbm>>
      tpu.wait_dma2 semaphore(%run_scoped3A_26 : memref<!tpu.dma_semaphore, #tpu.memory_space<semaphore_mem>>) src(%dma_wait3A_38 : memref<16xi32, #tpu.memory_space<hbm>>) dst(%arg6 : memref<16xi32, #tpu.memory_space<vmem>>)
      tpu.yield
    }) : () -> ()
    %get3A_12 = arith.constant 0 : index
    %get3A_13 = tpu.vector_load %arg6[%get3A_12] {strides = array<i32>} : memref<16xi32, #tpu.memory_space<vmem>>, vector<16xi32>,
    %add3A_14 = arith.constant 11470 : i32
    %add3A_15 = vector.broadcast %add3A_14 : i32 to vector<16xi32>
    %add3A_16 = arith.addi %get3A_13, %add3A_15 : vector<16xi32>
    %swap3A_17 = arith.constant 0 : index
    %swap3A_18 = tpu.vector_load %arg7[%swap3A_17] {strides = array<i32>} : memref<16xi32, #tpu.memory_space<vmem>>, vector<16xi32>,
    tpu.vector_store %arg7[%swap3A_17], %add3A_16 {strides = array<i32>} : memref<16xi32, #tpu.memory_space<vmem>>, vector<16xi32>,
    %run_scoped3A_19 = arith.constant 1 : i32
    "tpu.region"() ({
      %run_scoped3A_26 = tpu.sem_alloc : memref<!tpu.dma_semaphore, #tpu.memory_space<semaphore_mem>>
      %dma_start3A_27 = arith.constant 0 : i32
      %dma_start3A_28 = arith.constant 0 : i32
      %dma_start3A_29 = tpu.memref_slice %arg3[%run_scoped3A_19, %add3A, %dma_start3A_27, %dma_start3A_28] : memref<2x32x16x768xf32, #tpu.memory_space<hbm>> -> memref<1x1x16x768xf32, #tpu.memory_space<hbm>>
      %dma_start3A_30 = tpu.memref_squeeze %dma_start3A_29 : memref<1x1x16x768xf32, #tpu.memory_space<hbm>> -> memref<16x768xf32, #tpu.memory_space<hbm>>
      %dma_start3A_31 = arith.constant 0 : i32
      %dma_start3A_32 = arith.constant 0 : i32
      %dma_start3A_33 = tpu.memref_slice %arg3[%run_scoped3A_19, %add3A, %dma_start3A_31, %dma_start3A_32] : memref<2x32x16x768xf32, #tpu.memory_space<hbm>> -> memref<1x1x16x768xf32, #tpu.memory_space<hbm>>
      %dma_start3A_34 = tpu.memref_squeeze %dma_start3A_33 : memref<1x1x16x768xf32, #tpu.memory_space<hbm>> -> memref<16x768xf32, #tpu.memory_space<hbm>>
      tpu.enqueue_dma source(%dma_start3A_34 : memref<16x768xf32, #tpu.memory_space<hbm>>) target(%arg8 : memref<16x768xf32, #tpu.memory_space<vmem>>) target_semaphore(%run_scoped3A_26 : memref<!tpu.dma_semaphore, #tpu.memory_space<semaphore_mem>>)
      %dma_wait3A_35 = arith.constant 0 : i32
      %dma_wait3A_36 = arith.constant 0 : i32
      %dma_wait3A_37 = tpu.memref_slice %arg3[%run_scoped3A_19, %add3A, %dma_wait3A_35, %dma_wait3A_36] : memref<2x32x16x768xf32, #tpu.memory_space<hbm>> -> memref<1x1x16x768xf32, #tpu.memory_space<hbm>>
      %dma_wait3A_38 = tpu.memref_squeeze %dma_wait3A_37 : memref<1x1x16x768xf32, #tpu.memory_space<hbm>> -> memref<16x768xf32, #tpu.memory_space<hbm>>
      %dma_wait3A_39 = arith.constant 0 : i32
      %dma_wait3A_40 = arith.constant 0 : i32
      %dma_wait3A_41 = tpu.memref_slice %arg3[%run_scoped3A_19, %add3A, %dma_wait3A_39, %dma_wait3A_40] : memref<2x32x16x768xf32, #tpu.memory_space<hbm>> -> memref<1x1x16x768xf32, #tpu.memory_space<hbm>>
      %dma_wait3A_42 = tpu.memref_squeeze %dma_wait3A_41 : memref<1x1x16x768xf32, #tpu.memory_space<hbm>> -> memref<16x768xf32, #tpu.memory_space<hbm>>
      tpu.wait_dma2 semaphore(%run_scoped3A_26 : memref<!tpu.dma_semaphore, #tpu.memory_space<semaphore_mem>>) src(%dma_wait3A_42 : memref<16x768xf32, #tpu.memory_space<hbm>>) dst(%arg8 : memref<16x768xf32, #tpu.memory_space<vmem>>)
      tpu.yield
    }) : () -> ()
    %dma_start3A_20 = arith.constant 0 : i32
    %dma_start3A_21 = arith.constant 0 : i32
    %dma_start3A_22 = tpu.memref_slice %arg4[%dma_start3A_20, %dma_start3A_21] : memref<15566x768xf32, #tpu.memory_space<hbm>> -> memref<15566x768xf32, #tpu.memory_space<hbm>>
    tpu.enqueue_indirect_dma source(%arg8 : memref<16x768xf32, #tpu.memory_space<vmem>>) target(%dma_start3A_22 : memref<15566x768xf32, #tpu.memory_space<hbm>>) offsets(%arg7 : memref<16xi32, #tpu.memory_space<vmem>>) semaphore(%arg9 : memref<!tpu.dma_semaphore, #tpu.memory_space<semaphore_mem>>)
    %dma_wait3A_23 = arith.constant 0 : i32
    %dma_wait3A_24 = arith.constant 0 : i32
    %dma_wait3A_25 = tpu.memref_slice %arg4[%dma_wait3A_23, %dma_wait3A_24] : memref<15566x768xf32, #tpu.memory_space<hbm>> -> memref<15566x768xf32, #tpu.memory_space<hbm>>
    tpu.wait_indirect_dma semaphore(%arg9 : memref<!tpu.dma_semaphore, #tpu.memory_space<semaphore_mem>>) src(%arg8 : memref<16x768xf32, #tpu.memory_space<vmem>>) dst(%dma_wait3A_25 : memref<15566x768xf32, #tpu.memory_space<hbm>>)
    return
  }
}

#map = affine_map<(d0, d1) -> (0, 0)>
#map1 = affine_map<(d0, d1) -> (0)>
module attributes {stable_mosaic.version = 14 : i64} {
  func.func @new_body(%arg0: i32, %arg1: i32, %arg2: memref<16384x768xf32, #tpu.memory_space<hbm>>, %arg3: memref<8192xi32, #tpu.memory_space<hbm>>, %arg4: memref<1024xi32, #tpu.memory_space<hbm>>, %arg5: memref<15566x768xf32, #tpu.memory_space<hbm>>, %arg6: memref<15566x768xf32, #tpu.memory_space<hbm>>, %arg7: memref<4096xi32, #tpu.memory_space<vmem>>, %arg8: memref<4096xi32, #tpu.memory_space<vmem>>, %arg9: memref<512xi32, #tpu.memory_space<vmem>>, %arg10: memref<128xi32, #tpu.memory_space<vmem>>, %arg11: memref<128xi32, #tpu.memory_space<vmem>>, %arg12: memref<128x768xf32, #tpu.memory_space<vmem>>, %arg13: memref<!tpu.dma_semaphore, #tpu.memory_space<semaphore_mem>>) attributes {dimension_semantics = [#tpu.dimension_semantics<core_parallel>, #tpu.dimension_semantics<subcore_parallel>], iteration_bounds = array<i64: 2, 16>, scalar_prefetch = 0 : i64, scratch_operands = 7 : i64, tpu.core_type = #tpu.core_type<sc_vector_subcore>, window_params = [{transform_indices = #map}, {transform_indices = #map1}, {transform_indices = #map1}, {transform_indices = #map}, {transform_indices = #map}]} {
    %mul3A = arith.constant 2 : i32
    %mul3A_0 = arith.muli %arg1, %mul3A : i32
    %add3A = arith.addi %mul3A_0, %arg0 : i32
    %iota3A = tpu.iota {dimensions = array<i32: 0>} : vector<16xi32>
    "tpu.region"() ({
      %run_scoped3A = tpu.sem_alloc : memref<!tpu.dma_semaphore, #tpu.memory_space<semaphore_mem>>
      %dma_start3A_572 = arith.constant 0 : i32
      %dma_start3A_573 = tpu.memref_slice %arg3[%dma_start3A_572] : memref<8192xi32, #tpu.memory_space<hbm>> -> memref<4096xi32, #tpu.memory_space<hbm>>
      %dma_start3A_574 = arith.constant 0 : i32
      %dma_start3A_575 = tpu.memref_slice %arg3[%dma_start3A_574] : memref<8192xi32, #tpu.memory_space<hbm>> -> memref<4096xi32, #tpu.memory_space<hbm>>
      tpu.enqueue_dma source(%dma_start3A_575 : memref<4096xi32, #tpu.memory_space<hbm>>) target(%arg7 : memref<4096xi32, #tpu.memory_space<vmem>>) target_semaphore(%run_scoped3A : memref<!tpu.dma_semaphore, #tpu.memory_space<semaphore_mem>>)
      %dma_wait3A_576 = arith.constant 0 : i32
      %dma_wait3A_577 = tpu.memref_slice %arg3[%dma_wait3A_576] : memref<8192xi32, #tpu.memory_space<hbm>> -> memref<4096xi32, #tpu.memory_space<hbm>>
      %dma_wait3A_578 = arith.constant 0 : i32
      %dma_wait3A_579 = tpu.memref_slice %arg3[%dma_wait3A_578] : memref<8192xi32, #tpu.memory_space<hbm>> -> memref<4096xi32, #tpu.memory_space<hbm>>
      tpu.wait_dma2 semaphore(%run_scoped3A : memref<!tpu.dma_semaphore, #tpu.memory_space<semaphore_mem>>) src(%dma_wait3A_579 : memref<4096xi32, #tpu.memory_space<hbm>>) dst(%arg7 : memref<4096xi32, #tpu.memory_space<vmem>>)
      tpu.yield
    }) : () -> ()
    %scan3A = arith.constant 0 : i32
    %scan3A_1 = arith.constant 0 : i32
    %scan3A_2 = arith.constant 256 : i32
    %scan3A_3 = arith.addi %scan3A_1, %scan3A_2 : i32
    %scan3A_4 = arith.constant 8 : i32
    scf.for %scan3A_572 = %scan3A_1 to %scan3A_3 step %scan3A_4  : i32 {
      %mul3A_573 = arith.constant 16 : i32
      %mul3A_574 = arith.muli %scan3A_572, %mul3A_573 : i32
      %add3A_575 = vector.broadcast %mul3A_574 : i32 to vector<16xi32>
      %add3A_576 = arith.addi %iota3A, %add3A_575 : vector<16xi32>
      %gather3A_577 = tpu.vector_load_idx %arg7[%add3A_576] : memref<4096xi32, #tpu.memory_space<vmem>>[vector<16xi32>], vector<16xi32>,
      %mul3A_578 = arith.constant 16 : i32
      %mul3A_579 = arith.muli %scan3A_572, %mul3A_578 : i32
      %add3A_580 = vector.broadcast %mul3A_579 : i32 to vector<16xi32>
      %add3A_581 = arith.addi %iota3A, %add3A_580 : vector<16xi32>
      tpu.vector_store_idx %arg8[%gather3A_577], %add3A_581 : memref<4096xi32, #tpu.memory_space<vmem>>[vector<16xi32>], vector<16xi32>,
      %scan3A_582 = arith.constant 1 : i32
      %scan3A_583 = arith.addi %scan3A_572, %scan3A_582 : i32
      %mul3A_584 = arith.constant 16 : i32
      %mul3A_585 = arith.muli %scan3A_583, %mul3A_584 : i32
      %add3A_586 = vector.broadcast %mul3A_585 : i32 to vector<16xi32>
      %add3A_587 = arith.addi %iota3A, %add3A_586 : vector<16xi32>
      %gather3A_588 = tpu.vector_load_idx %arg7[%add3A_587] : memref<4096xi32, #tpu.memory_space<vmem>>[vector<16xi32>], vector<16xi32>,
      %mul3A_589 = arith.constant 16 : i32
      %mul3A_590 = arith.muli %scan3A_583, %mul3A_589 : i32
      %add3A_591 = vector.broadcast %mul3A_590 : i32 to vector<16xi32>
      %add3A_592 = arith.addi %iota3A, %add3A_591 : vector<16xi32>
      tpu.vector_store_idx %arg8[%gather3A_588], %add3A_592 : memref<4096xi32, #tpu.memory_space<vmem>>[vector<16xi32>], vector<16xi32>,
      %scan3A_593 = arith.constant 2 : i32
      %scan3A_594 = arith.addi %scan3A_572, %scan3A_593 : i32
      %mul3A_595 = arith.constant 16 : i32
      %mul3A_596 = arith.muli %scan3A_594, %mul3A_595 : i32
      %add3A_597 = vector.broadcast %mul3A_596 : i32 to vector<16xi32>
      %add3A_598 = arith.addi %iota3A, %add3A_597 : vector<16xi32>
      %gather3A_599 = tpu.vector_load_idx %arg7[%add3A_598] : memref<4096xi32, #tpu.memory_space<vmem>>[vector<16xi32>], vector<16xi32>,
      %mul3A_600 = arith.constant 16 : i32
      %mul3A_601 = arith.muli %scan3A_594, %mul3A_600 : i32
      %add3A_602 = vector.broadcast %mul3A_601 : i32 to vector<16xi32>
      %add3A_603 = arith.addi %iota3A, %add3A_602 : vector<16xi32>
      tpu.vector_store_idx %arg8[%gather3A_599], %add3A_603 : memref<4096xi32, #tpu.memory_space<vmem>>[vector<16xi32>], vector<16xi32>,
      %scan3A_604 = arith.constant 3 : i32
      %scan3A_605 = arith.addi %scan3A_572, %scan3A_604 : i32
      %mul3A_606 = arith.constant 16 : i32
      %mul3A_607 = arith.muli %scan3A_605, %mul3A_606 : i32
      %add3A_608 = vector.broadcast %mul3A_607 : i32 to vector<16xi32>
      %add3A_609 = arith.addi %iota3A, %add3A_608 : vector<16xi32>
      %gather3A_610 = tpu.vector_load_idx %arg7[%add3A_609] : memref<4096xi32, #tpu.memory_space<vmem>>[vector<16xi32>], vector<16xi32>,
      %mul3A_611 = arith.constant 16 : i32
      %mul3A_612 = arith.muli %scan3A_605, %mul3A_611 : i32
      %add3A_613 = vector.broadcast %mul3A_612 : i32 to vector<16xi32>
      %add3A_614 = arith.addi %iota3A, %add3A_613 : vector<16xi32>
      tpu.vector_store_idx %arg8[%gather3A_610], %add3A_614 : memref<4096xi32, #tpu.memory_space<vmem>>[vector<16xi32>], vector<16xi32>,
      %scan3A_615 = arith.constant 4 : i32
      %scan3A_616 = arith.addi %scan3A_572, %scan3A_615 : i32
      %mul3A_617 = arith.constant 16 : i32
      %mul3A_618 = arith.muli %scan3A_616, %mul3A_617 : i32
      %add3A_619 = vector.broadcast %mul3A_618 : i32 to vector<16xi32>
      %add3A_620 = arith.addi %iota3A, %add3A_619 : vector<16xi32>
      %gather3A_621 = tpu.vector_load_idx %arg7[%add3A_620] : memref<4096xi32, #tpu.memory_space<vmem>>[vector<16xi32>], vector<16xi32>,
      %mul3A_622 = arith.constant 16 : i32
      %mul3A_623 = arith.muli %scan3A_616, %mul3A_622 : i32
      %add3A_624 = vector.broadcast %mul3A_623 : i32 to vector<16xi32>
      %add3A_625 = arith.addi %iota3A, %add3A_624 : vector<16xi32>
      tpu.vector_store_idx %arg8[%gather3A_621], %add3A_625 : memref<4096xi32, #tpu.memory_space<vmem>>[vector<16xi32>], vector<16xi32>,
      %scan3A_626 = arith.constant 5 : i32
      %scan3A_627 = arith.addi %scan3A_572, %scan3A_626 : i32
      %mul3A_628 = arith.constant 16 : i32
      %mul3A_629 = arith.muli %scan3A_627, %mul3A_628 : i32
      %add3A_630 = vector.broadcast %mul3A_629 : i32 to vector<16xi32>
      %add3A_631 = arith.addi %iota3A, %add3A_630 : vector<16xi32>
      %gather3A_632 = tpu.vector_load_idx %arg7[%add3A_631] : memref<4096xi32, #tpu.memory_space<vmem>>[vector<16xi32>], vector<16xi32>,
      %mul3A_633 = arith.constant 16 : i32
      %mul3A_634 = arith.muli %scan3A_627, %mul3A_633 : i32
      %add3A_635 = vector.broadcast %mul3A_634 : i32 to vector<16xi32>
      %add3A_636 = arith.addi %iota3A, %add3A_635 : vector<16xi32>
      tpu.vector_store_idx %arg8[%gather3A_632], %add3A_636 : memref<4096xi32, #tpu.memory_space<vmem>>[vector<16xi32>], vector<16xi32>,
      %scan3A_637 = arith.constant 6 : i32
      %scan3A_638 = arith.addi %scan3A_572, %scan3A_637 : i32
      %mul3A_639 = arith.constant 16 : i32
      %mul3A_640 = arith.muli %scan3A_638, %mul3A_639 : i32
      %add3A_641 = vector.broadcast %mul3A_640 : i32 to vector<16xi32>
      %add3A_642 = arith.addi %iota3A, %add3A_641 : vector<16xi32>
      %gather3A_643 = tpu.vector_load_idx %arg7[%add3A_642] : memref<4096xi32, #tpu.memory_space<vmem>>[vector<16xi32>], vector<16xi32>,
      %mul3A_644 = arith.constant 16 : i32
      %mul3A_645 = arith.muli %scan3A_638, %mul3A_644 : i32
      %add3A_646 = vector.broadcast %mul3A_645 : i32 to vector<16xi32>
      %add3A_647 = arith.addi %iota3A, %add3A_646 : vector<16xi32>
      tpu.vector_store_idx %arg8[%gather3A_643], %add3A_647 : memref<4096xi32, #tpu.memory_space<vmem>>[vector<16xi32>], vector<16xi32>,
      %scan3A_648 = arith.constant 7 : i32
      %scan3A_649 = arith.addi %scan3A_572, %scan3A_648 : i32
      %mul3A_650 = arith.constant 16 : i32
      %mul3A_651 = arith.muli %scan3A_649, %mul3A_650 : i32
      %add3A_652 = vector.broadcast %mul3A_651 : i32 to vector<16xi32>
      %add3A_653 = arith.addi %iota3A, %add3A_652 : vector<16xi32>
      %gather3A_654 = tpu.vector_load_idx %arg7[%add3A_653] : memref<4096xi32, #tpu.memory_space<vmem>>[vector<16xi32>], vector<16xi32>,
      %mul3A_655 = arith.constant 16 : i32
      %mul3A_656 = arith.muli %scan3A_649, %mul3A_655 : i32
      %add3A_657 = vector.broadcast %mul3A_656 : i32 to vector<16xi32>
      %add3A_658 = arith.addi %iota3A, %add3A_657 : vector<16xi32>
      tpu.vector_store_idx %arg8[%gather3A_654], %add3A_658 : memref<4096xi32, #tpu.memory_space<vmem>>[vector<16xi32>], vector<16xi32>,
    }
    %scan3A_5 = arith.constant 256 : i32
    "tpu.region"() ({
      %run_scoped3A = tpu.sem_alloc : memref<!tpu.dma_semaphore, #tpu.memory_space<semaphore_mem>>
      %dma_start3A_572 = arith.constant 0 : i32
      %dma_start3A_573 = tpu.memref_slice %arg4[%dma_start3A_572] : memref<1024xi32, #tpu.memory_space<hbm>> -> memref<512xi32, #tpu.memory_space<hbm>>
      %dma_start3A_574 = arith.constant 0 : i32
      %dma_start3A_575 = tpu.memref_slice %arg4[%dma_start3A_574] : memref<1024xi32, #tpu.memory_space<hbm>> -> memref<512xi32, #tpu.memory_space<hbm>>
      tpu.enqueue_dma source(%dma_start3A_575 : memref<512xi32, #tpu.memory_space<hbm>>) target(%arg9 : memref<512xi32, #tpu.memory_space<vmem>>) target_semaphore(%run_scoped3A : memref<!tpu.dma_semaphore, #tpu.memory_space<semaphore_mem>>)
      %dma_wait3A_576 = arith.constant 0 : i32
      %dma_wait3A_577 = tpu.memref_slice %arg4[%dma_wait3A_576] : memref<1024xi32, #tpu.memory_space<hbm>> -> memref<512xi32, #tpu.memory_space<hbm>>
      %dma_wait3A_578 = arith.constant 0 : i32
      %dma_wait3A_579 = tpu.memref_slice %arg4[%dma_wait3A_578] : memref<1024xi32, #tpu.memory_space<hbm>> -> memref<512xi32, #tpu.memory_space<hbm>>
      tpu.wait_dma2 semaphore(%run_scoped3A : memref<!tpu.dma_semaphore, #tpu.memory_space<semaphore_mem>>) src(%dma_wait3A_579 : memref<512xi32, #tpu.memory_space<hbm>>) dst(%arg9 : memref<512xi32, #tpu.memory_space<vmem>>)
      tpu.yield
    }) : () -> ()
    %broadcast_in_dim3A = arith.constant 501 : i32
    %broadcast_in_dim3A_6 = vector.broadcast %broadcast_in_dim3A : i32 to vector<16xi32>
    %gather3A = tpu.vector_load_idx %arg9[%broadcast_in_dim3A_6] : memref<512xi32, #tpu.memory_space<vmem>>[vector<16xi32>], vector<16xi32>,
    %add3A_7 = arith.constant 3687 : i32
    %add3A_8 = vector.broadcast %add3A_7 : i32 to vector<16xi32>
    %add3A_9 = arith.addi %add3A_8, %gather3A : vector<16xi32>
    %scan3A_10 = arith.constant 0 : i32
    %scan3A_11 = arith.constant 0 : i32
    %mul3A_12 = arith.constant 16 : i32
    %mul3A_13 = arith.muli %scan3A_11, %mul3A_12 : i32
    %add3A_14 = vector.broadcast %mul3A_13 : i32 to vector<16xi32>
    %add3A_15 = arith.addi %add3A_14, %iota3A : vector<16xi32>
    %mul3A_16 = arith.constant 116 : i32
    %mul3A_17 = arith.muli %add3A, %mul3A_16 : i32
    %add3A_18 = vector.broadcast %mul3A_17 : i32 to vector<16xi32>
    %add3A_19 = arith.addi %add3A_18, %add3A_15 : vector<16xi32>
    %add3A_20 = arith.constant 409 : i32
    %add3A_21 = vector.broadcast %add3A_20 : i32 to vector<16xi32>
    %add3A_22 = arith.addi %add3A_21, %add3A_19 : vector<16xi32>
    %min3A = arith.constant 4095 : i32
    %min3A_23 = vector.broadcast %min3A : i32 to vector<16xi32>
    %min3A_24 = arith.minsi %add3A_22, %min3A_23 : vector<16xi32>
    %gather3A_25 = tpu.vector_load_idx %arg8[%min3A_24] : memref<4096xi32, #tpu.memory_space<vmem>>[vector<16xi32>], vector<16xi32>,
    %mul3A_26 = arith.constant 2 : i32
    %mul3A_27 = vector.broadcast %mul3A_26 : i32 to vector<16xi32>
    %mul3A_28 = arith.muli %gather3A_25, %mul3A_27 : vector<16xi32>
    %add3A_29 = arith.constant 0 : i32
    %add3A_30 = vector.broadcast %add3A_29 : i32 to vector<16xi32>
    %add3A_31 = arith.addi %mul3A_28, %add3A_30 : vector<16xi32>
    tpu.vector_store_idx %arg10[%add3A_15], %add3A_31 : memref<128xi32, #tpu.memory_space<vmem>>[vector<16xi32>], vector<16xi32>,
    %lt3A = arith.constant 116 : i32
    %lt3A_32 = vector.broadcast %lt3A : i32 to vector<16xi32>
    %lt3A_33 = arith.cmpi slt, %add3A_15, %lt3A_32 : vector<16xi32>
    %lt3A_34 = arith.constant 3687 : i32
    %lt3A_35 = vector.broadcast %lt3A_34 : i32 to vector<16xi32>
    %lt3A_36 = arith.cmpi slt, %add3A_19, %lt3A_35 : vector<16xi32>
    %and3A = arith.andi %lt3A_33, %lt3A_36 : vector<16xi1>
    %add3A_37 = arith.constant 0 : i32
    %add3A_38 = vector.broadcast %add3A_37 : i32 to vector<16xi32>
    %add3A_39 = arith.addi %add3A_38, %add3A_19 : vector<16xi32>
    %select_n3A = arith.select %and3A, %add3A_39, %add3A_9 : vector<16xi1>, vector<16xi32>
    tpu.vector_store_idx %arg11[%add3A_15], %select_n3A : memref<128xi32, #tpu.memory_space<vmem>>[vector<16xi32>], vector<16xi32>,
    %scan3A_40 = arith.constant 1 : i32
    %mul3A_41 = arith.constant 16 : i32
    %mul3A_42 = arith.muli %scan3A_40, %mul3A_41 : i32
    %add3A_43 = vector.broadcast %mul3A_42 : i32 to vector<16xi32>
    %add3A_44 = arith.addi %add3A_43, %iota3A : vector<16xi32>
    %mul3A_45 = arith.constant 116 : i32
    %mul3A_46 = arith.muli %add3A, %mul3A_45 : i32
    %add3A_47 = vector.broadcast %mul3A_46 : i32 to vector<16xi32>
    %add3A_48 = arith.addi %add3A_47, %add3A_44 : vector<16xi32>
    %add3A_49 = arith.constant 409 : i32
    %add3A_50 = vector.broadcast %add3A_49 : i32 to vector<16xi32>
    %add3A_51 = arith.addi %add3A_50, %add3A_48 : vector<16xi32>
    %min3A_52 = arith.constant 4095 : i32
    %min3A_53 = vector.broadcast %min3A_52 : i32 to vector<16xi32>
    %min3A_54 = arith.minsi %add3A_51, %min3A_53 : vector<16xi32>
    %gather3A_55 = tpu.vector_load_idx %arg8[%min3A_54] : memref<4096xi32, #tpu.memory_space<vmem>>[vector<16xi32>], vector<16xi32>,
    %mul3A_56 = arith.constant 2 : i32
    %mul3A_57 = vector.broadcast %mul3A_56 : i32 to vector<16xi32>
    %mul3A_58 = arith.muli %gather3A_55, %mul3A_57 : vector<16xi32>
    %add3A_59 = arith.constant 0 : i32
    %add3A_60 = vector.broadcast %add3A_59 : i32 to vector<16xi32>
    %add3A_61 = arith.addi %mul3A_58, %add3A_60 : vector<16xi32>
    tpu.vector_store_idx %arg10[%add3A_44], %add3A_61 : memref<128xi32, #tpu.memory_space<vmem>>[vector<16xi32>], vector<16xi32>,
    %lt3A_62 = arith.constant 116 : i32
    %lt3A_63 = vector.broadcast %lt3A_62 : i32 to vector<16xi32>
    %lt3A_64 = arith.cmpi slt, %add3A_44, %lt3A_63 : vector<16xi32>
    %lt3A_65 = arith.constant 3687 : i32
    %lt3A_66 = vector.broadcast %lt3A_65 : i32 to vector<16xi32>
    %lt3A_67 = arith.cmpi slt, %add3A_48, %lt3A_66 : vector<16xi32>
    %and3A_68 = arith.andi %lt3A_64, %lt3A_67 : vector<16xi1>
    %add3A_69 = arith.constant 0 : i32
    %add3A_70 = vector.broadcast %add3A_69 : i32 to vector<16xi32>
    %add3A_71 = arith.addi %add3A_70, %add3A_48 : vector<16xi32>
    %select_n3A_72 = arith.select %and3A_68, %add3A_71, %add3A_9 : vector<16xi1>, vector<16xi32>
    tpu.vector_store_idx %arg11[%add3A_44], %select_n3A_72 : memref<128xi32, #tpu.memory_space<vmem>>[vector<16xi32>], vector<16xi32>,
    %scan3A_73 = arith.constant 2 : i32
    %mul3A_74 = arith.constant 16 : i32
    %mul3A_75 = arith.muli %scan3A_73, %mul3A_74 : i32
    %add3A_76 = vector.broadcast %mul3A_75 : i32 to vector<16xi32>
    %add3A_77 = arith.addi %add3A_76, %iota3A : vector<16xi32>
    %mul3A_78 = arith.constant 116 : i32
    %mul3A_79 = arith.muli %add3A, %mul3A_78 : i32
    %add3A_80 = vector.broadcast %mul3A_79 : i32 to vector<16xi32>
    %add3A_81 = arith.addi %add3A_80, %add3A_77 : vector<16xi32>
    %add3A_82 = arith.constant 409 : i32
    %add3A_83 = vector.broadcast %add3A_82 : i32 to vector<16xi32>
    %add3A_84 = arith.addi %add3A_83, %add3A_81 : vector<16xi32>
    %min3A_85 = arith.constant 4095 : i32
    %min3A_86 = vector.broadcast %min3A_85 : i32 to vector<16xi32>
    %min3A_87 = arith.minsi %add3A_84, %min3A_86 : vector<16xi32>
    %gather3A_88 = tpu.vector_load_idx %arg8[%min3A_87] : memref<4096xi32, #tpu.memory_space<vmem>>[vector<16xi32>], vector<16xi32>,
    %mul3A_89 = arith.constant 2 : i32
    %mul3A_90 = vector.broadcast %mul3A_89 : i32 to vector<16xi32>
    %mul3A_91 = arith.muli %gather3A_88, %mul3A_90 : vector<16xi32>
    %add3A_92 = arith.constant 0 : i32
    %add3A_93 = vector.broadcast %add3A_92 : i32 to vector<16xi32>
    %add3A_94 = arith.addi %mul3A_91, %add3A_93 : vector<16xi32>
    tpu.vector_store_idx %arg10[%add3A_77], %add3A_94 : memref<128xi32, #tpu.memory_space<vmem>>[vector<16xi32>], vector<16xi32>,
    %lt3A_95 = arith.constant 116 : i32
    %lt3A_96 = vector.broadcast %lt3A_95 : i32 to vector<16xi32>
    %lt3A_97 = arith.cmpi slt, %add3A_77, %lt3A_96 : vector<16xi32>
    %lt3A_98 = arith.constant 3687 : i32
    %lt3A_99 = vector.broadcast %lt3A_98 : i32 to vector<16xi32>
    %lt3A_100 = arith.cmpi slt, %add3A_81, %lt3A_99 : vector<16xi32>
    %and3A_101 = arith.andi %lt3A_97, %lt3A_100 : vector<16xi1>
    %add3A_102 = arith.constant 0 : i32
    %add3A_103 = vector.broadcast %add3A_102 : i32 to vector<16xi32>
    %add3A_104 = arith.addi %add3A_103, %add3A_81 : vector<16xi32>
    %select_n3A_105 = arith.select %and3A_101, %add3A_104, %add3A_9 : vector<16xi1>, vector<16xi32>
    tpu.vector_store_idx %arg11[%add3A_77], %select_n3A_105 : memref<128xi32, #tpu.memory_space<vmem>>[vector<16xi32>], vector<16xi32>,
    %scan3A_106 = arith.constant 3 : i32
    %mul3A_107 = arith.constant 16 : i32
    %mul3A_108 = arith.muli %scan3A_106, %mul3A_107 : i32
    %add3A_109 = vector.broadcast %mul3A_108 : i32 to vector<16xi32>
    %add3A_110 = arith.addi %add3A_109, %iota3A : vector<16xi32>
    %mul3A_111 = arith.constant 116 : i32
    %mul3A_112 = arith.muli %add3A, %mul3A_111 : i32
    %add3A_113 = vector.broadcast %mul3A_112 : i32 to vector<16xi32>
    %add3A_114 = arith.addi %add3A_113, %add3A_110 : vector<16xi32>
    %add3A_115 = arith.constant 409 : i32
    %add3A_116 = vector.broadcast %add3A_115 : i32 to vector<16xi32>
    %add3A_117 = arith.addi %add3A_116, %add3A_114 : vector<16xi32>
    %min3A_118 = arith.constant 4095 : i32
    %min3A_119 = vector.broadcast %min3A_118 : i32 to vector<16xi32>
    %min3A_120 = arith.minsi %add3A_117, %min3A_119 : vector<16xi32>
    %gather3A_121 = tpu.vector_load_idx %arg8[%min3A_120] : memref<4096xi32, #tpu.memory_space<vmem>>[vector<16xi32>], vector<16xi32>,
    %mul3A_122 = arith.constant 2 : i32
    %mul3A_123 = vector.broadcast %mul3A_122 : i32 to vector<16xi32>
    %mul3A_124 = arith.muli %gather3A_121, %mul3A_123 : vector<16xi32>
    %add3A_125 = arith.constant 0 : i32
    %add3A_126 = vector.broadcast %add3A_125 : i32 to vector<16xi32>
    %add3A_127 = arith.addi %mul3A_124, %add3A_126 : vector<16xi32>
    tpu.vector_store_idx %arg10[%add3A_110], %add3A_127 : memref<128xi32, #tpu.memory_space<vmem>>[vector<16xi32>], vector<16xi32>,
    %lt3A_128 = arith.constant 116 : i32
    %lt3A_129 = vector.broadcast %lt3A_128 : i32 to vector<16xi32>
    %lt3A_130 = arith.cmpi slt, %add3A_110, %lt3A_129 : vector<16xi32>
    %lt3A_131 = arith.constant 3687 : i32
    %lt3A_132 = vector.broadcast %lt3A_131 : i32 to vector<16xi32>
    %lt3A_133 = arith.cmpi slt, %add3A_114, %lt3A_132 : vector<16xi32>
    %and3A_134 = arith.andi %lt3A_130, %lt3A_133 : vector<16xi1>
    %add3A_135 = arith.constant 0 : i32
    %add3A_136 = vector.broadcast %add3A_135 : i32 to vector<16xi32>
    %add3A_137 = arith.addi %add3A_136, %add3A_114 : vector<16xi32>
    %select_n3A_138 = arith.select %and3A_134, %add3A_137, %add3A_9 : vector<16xi1>, vector<16xi32>
    tpu.vector_store_idx %arg11[%add3A_110], %select_n3A_138 : memref<128xi32, #tpu.memory_space<vmem>>[vector<16xi32>], vector<16xi32>,
    %scan3A_139 = arith.constant 4 : i32
    %mul3A_140 = arith.constant 16 : i32
    %mul3A_141 = arith.muli %scan3A_139, %mul3A_140 : i32
    %add3A_142 = vector.broadcast %mul3A_141 : i32 to vector<16xi32>
    %add3A_143 = arith.addi %add3A_142, %iota3A : vector<16xi32>
    %mul3A_144 = arith.constant 116 : i32
    %mul3A_145 = arith.muli %add3A, %mul3A_144 : i32
    %add3A_146 = vector.broadcast %mul3A_145 : i32 to vector<16xi32>
    %add3A_147 = arith.addi %add3A_146, %add3A_143 : vector<16xi32>
    %add3A_148 = arith.constant 409 : i32
    %add3A_149 = vector.broadcast %add3A_148 : i32 to vector<16xi32>
    %add3A_150 = arith.addi %add3A_149, %add3A_147 : vector<16xi32>
    %min3A_151 = arith.constant 4095 : i32
    %min3A_152 = vector.broadcast %min3A_151 : i32 to vector<16xi32>
    %min3A_153 = arith.minsi %add3A_150, %min3A_152 : vector<16xi32>
    %gather3A_154 = tpu.vector_load_idx %arg8[%min3A_153] : memref<4096xi32, #tpu.memory_space<vmem>>[vector<16xi32>], vector<16xi32>,
    %mul3A_155 = arith.constant 2 : i32
    %mul3A_156 = vector.broadcast %mul3A_155 : i32 to vector<16xi32>
    %mul3A_157 = arith.muli %gather3A_154, %mul3A_156 : vector<16xi32>
    %add3A_158 = arith.constant 0 : i32
    %add3A_159 = vector.broadcast %add3A_158 : i32 to vector<16xi32>
    %add3A_160 = arith.addi %mul3A_157, %add3A_159 : vector<16xi32>
    tpu.vector_store_idx %arg10[%add3A_143], %add3A_160 : memref<128xi32, #tpu.memory_space<vmem>>[vector<16xi32>], vector<16xi32>,
    %lt3A_161 = arith.constant 116 : i32
    %lt3A_162 = vector.broadcast %lt3A_161 : i32 to vector<16xi32>
    %lt3A_163 = arith.cmpi slt, %add3A_143, %lt3A_162 : vector<16xi32>
    %lt3A_164 = arith.constant 3687 : i32
    %lt3A_165 = vector.broadcast %lt3A_164 : i32 to vector<16xi32>
    %lt3A_166 = arith.cmpi slt, %add3A_147, %lt3A_165 : vector<16xi32>
    %and3A_167 = arith.andi %lt3A_163, %lt3A_166 : vector<16xi1>
    %add3A_168 = arith.constant 0 : i32
    %add3A_169 = vector.broadcast %add3A_168 : i32 to vector<16xi32>
    %add3A_170 = arith.addi %add3A_169, %add3A_147 : vector<16xi32>
    %select_n3A_171 = arith.select %and3A_167, %add3A_170, %add3A_9 : vector<16xi1>, vector<16xi32>
    tpu.vector_store_idx %arg11[%add3A_143], %select_n3A_171 : memref<128xi32, #tpu.memory_space<vmem>>[vector<16xi32>], vector<16xi32>,
    %scan3A_172 = arith.constant 5 : i32
    %mul3A_173 = arith.constant 16 : i32
    %mul3A_174 = arith.muli %scan3A_172, %mul3A_173 : i32
    %add3A_175 = vector.broadcast %mul3A_174 : i32 to vector<16xi32>
    %add3A_176 = arith.addi %add3A_175, %iota3A : vector<16xi32>
    %mul3A_177 = arith.constant 116 : i32
    %mul3A_178 = arith.muli %add3A, %mul3A_177 : i32
    %add3A_179 = vector.broadcast %mul3A_178 : i32 to vector<16xi32>
    %add3A_180 = arith.addi %add3A_179, %add3A_176 : vector<16xi32>
    %add3A_181 = arith.constant 409 : i32
    %add3A_182 = vector.broadcast %add3A_181 : i32 to vector<16xi32>
    %add3A_183 = arith.addi %add3A_182, %add3A_180 : vector<16xi32>
    %min3A_184 = arith.constant 4095 : i32
    %min3A_185 = vector.broadcast %min3A_184 : i32 to vector<16xi32>
    %min3A_186 = arith.minsi %add3A_183, %min3A_185 : vector<16xi32>
    %gather3A_187 = tpu.vector_load_idx %arg8[%min3A_186] : memref<4096xi32, #tpu.memory_space<vmem>>[vector<16xi32>], vector<16xi32>,
    %mul3A_188 = arith.constant 2 : i32
    %mul3A_189 = vector.broadcast %mul3A_188 : i32 to vector<16xi32>
    %mul3A_190 = arith.muli %gather3A_187, %mul3A_189 : vector<16xi32>
    %add3A_191 = arith.constant 0 : i32
    %add3A_192 = vector.broadcast %add3A_191 : i32 to vector<16xi32>
    %add3A_193 = arith.addi %mul3A_190, %add3A_192 : vector<16xi32>
    tpu.vector_store_idx %arg10[%add3A_176], %add3A_193 : memref<128xi32, #tpu.memory_space<vmem>>[vector<16xi32>], vector<16xi32>,
    %lt3A_194 = arith.constant 116 : i32
    %lt3A_195 = vector.broadcast %lt3A_194 : i32 to vector<16xi32>
    %lt3A_196 = arith.cmpi slt, %add3A_176, %lt3A_195 : vector<16xi32>
    %lt3A_197 = arith.constant 3687 : i32
    %lt3A_198 = vector.broadcast %lt3A_197 : i32 to vector<16xi32>
    %lt3A_199 = arith.cmpi slt, %add3A_180, %lt3A_198 : vector<16xi32>
    %and3A_200 = arith.andi %lt3A_196, %lt3A_199 : vector<16xi1>
    %add3A_201 = arith.constant 0 : i32
    %add3A_202 = vector.broadcast %add3A_201 : i32 to vector<16xi32>
    %add3A_203 = arith.addi %add3A_202, %add3A_180 : vector<16xi32>
    %select_n3A_204 = arith.select %and3A_200, %add3A_203, %add3A_9 : vector<16xi1>, vector<16xi32>
    tpu.vector_store_idx %arg11[%add3A_176], %select_n3A_204 : memref<128xi32, #tpu.memory_space<vmem>>[vector<16xi32>], vector<16xi32>,
    %scan3A_205 = arith.constant 6 : i32
    %mul3A_206 = arith.constant 16 : i32
    %mul3A_207 = arith.muli %scan3A_205, %mul3A_206 : i32
    %add3A_208 = vector.broadcast %mul3A_207 : i32 to vector<16xi32>
    %add3A_209 = arith.addi %add3A_208, %iota3A : vector<16xi32>
    %mul3A_210 = arith.constant 116 : i32
    %mul3A_211 = arith.muli %add3A, %mul3A_210 : i32
    %add3A_212 = vector.broadcast %mul3A_211 : i32 to vector<16xi32>
    %add3A_213 = arith.addi %add3A_212, %add3A_209 : vector<16xi32>
    %add3A_214 = arith.constant 409 : i32
    %add3A_215 = vector.broadcast %add3A_214 : i32 to vector<16xi32>
    %add3A_216 = arith.addi %add3A_215, %add3A_213 : vector<16xi32>
    %min3A_217 = arith.constant 4095 : i32
    %min3A_218 = vector.broadcast %min3A_217 : i32 to vector<16xi32>
    %min3A_219 = arith.minsi %add3A_216, %min3A_218 : vector<16xi32>
    %gather3A_220 = tpu.vector_load_idx %arg8[%min3A_219] : memref<4096xi32, #tpu.memory_space<vmem>>[vector<16xi32>], vector<16xi32>,
    %mul3A_221 = arith.constant 2 : i32
    %mul3A_222 = vector.broadcast %mul3A_221 : i32 to vector<16xi32>
    %mul3A_223 = arith.muli %gather3A_220, %mul3A_222 : vector<16xi32>
    %add3A_224 = arith.constant 0 : i32
    %add3A_225 = vector.broadcast %add3A_224 : i32 to vector<16xi32>
    %add3A_226 = arith.addi %mul3A_223, %add3A_225 : vector<16xi32>
    tpu.vector_store_idx %arg10[%add3A_209], %add3A_226 : memref<128xi32, #tpu.memory_space<vmem>>[vector<16xi32>], vector<16xi32>,
    %lt3A_227 = arith.constant 116 : i32
    %lt3A_228 = vector.broadcast %lt3A_227 : i32 to vector<16xi32>
    %lt3A_229 = arith.cmpi slt, %add3A_209, %lt3A_228 : vector<16xi32>
    %lt3A_230 = arith.constant 3687 : i32
    %lt3A_231 = vector.broadcast %lt3A_230 : i32 to vector<16xi32>
    %lt3A_232 = arith.cmpi slt, %add3A_213, %lt3A_231 : vector<16xi32>
    %and3A_233 = arith.andi %lt3A_229, %lt3A_232 : vector<16xi1>
    %add3A_234 = arith.constant 0 : i32
    %add3A_235 = vector.broadcast %add3A_234 : i32 to vector<16xi32>
    %add3A_236 = arith.addi %add3A_235, %add3A_213 : vector<16xi32>
    %select_n3A_237 = arith.select %and3A_233, %add3A_236, %add3A_9 : vector<16xi1>, vector<16xi32>
    tpu.vector_store_idx %arg11[%add3A_209], %select_n3A_237 : memref<128xi32, #tpu.memory_space<vmem>>[vector<16xi32>], vector<16xi32>,
    %scan3A_238 = arith.constant 7 : i32
    %mul3A_239 = arith.constant 16 : i32
    %mul3A_240 = arith.muli %scan3A_238, %mul3A_239 : i32
    %add3A_241 = vector.broadcast %mul3A_240 : i32 to vector<16xi32>
    %add3A_242 = arith.addi %add3A_241, %iota3A : vector<16xi32>
    %mul3A_243 = arith.constant 116 : i32
    %mul3A_244 = arith.muli %add3A, %mul3A_243 : i32
    %add3A_245 = vector.broadcast %mul3A_244 : i32 to vector<16xi32>
    %add3A_246 = arith.addi %add3A_245, %add3A_242 : vector<16xi32>
    %add3A_247 = arith.constant 409 : i32
    %add3A_248 = vector.broadcast %add3A_247 : i32 to vector<16xi32>
    %add3A_249 = arith.addi %add3A_248, %add3A_246 : vector<16xi32>
    %min3A_250 = arith.constant 4095 : i32
    %min3A_251 = vector.broadcast %min3A_250 : i32 to vector<16xi32>
    %min3A_252 = arith.minsi %add3A_249, %min3A_251 : vector<16xi32>
    %gather3A_253 = tpu.vector_load_idx %arg8[%min3A_252] : memref<4096xi32, #tpu.memory_space<vmem>>[vector<16xi32>], vector<16xi32>,
    %mul3A_254 = arith.constant 2 : i32
    %mul3A_255 = vector.broadcast %mul3A_254 : i32 to vector<16xi32>
    %mul3A_256 = arith.muli %gather3A_253, %mul3A_255 : vector<16xi32>
    %add3A_257 = arith.constant 0 : i32
    %add3A_258 = vector.broadcast %add3A_257 : i32 to vector<16xi32>
    %add3A_259 = arith.addi %mul3A_256, %add3A_258 : vector<16xi32>
    tpu.vector_store_idx %arg10[%add3A_242], %add3A_259 : memref<128xi32, #tpu.memory_space<vmem>>[vector<16xi32>], vector<16xi32>,
    %lt3A_260 = arith.constant 116 : i32
    %lt3A_261 = vector.broadcast %lt3A_260 : i32 to vector<16xi32>
    %lt3A_262 = arith.cmpi slt, %add3A_242, %lt3A_261 : vector<16xi32>
    %lt3A_263 = arith.constant 3687 : i32
    %lt3A_264 = vector.broadcast %lt3A_263 : i32 to vector<16xi32>
    %lt3A_265 = arith.cmpi slt, %add3A_246, %lt3A_264 : vector<16xi32>
    %and3A_266 = arith.andi %lt3A_262, %lt3A_265 : vector<16xi1>
    %add3A_267 = arith.constant 0 : i32
    %add3A_268 = vector.broadcast %add3A_267 : i32 to vector<16xi32>
    %add3A_269 = arith.addi %add3A_268, %add3A_246 : vector<16xi32>
    %select_n3A_270 = arith.select %and3A_266, %add3A_269, %add3A_9 : vector<16xi1>, vector<16xi32>
    tpu.vector_store_idx %arg11[%add3A_242], %select_n3A_270 : memref<128xi32, #tpu.memory_space<vmem>>[vector<16xi32>], vector<16xi32>,
    %scan3A_271 = arith.constant 8 : i32
    %dma_start3A = arith.constant 0 : i32
    %dma_start3A_272 = arith.constant 0 : i32
    %dma_start3A_273 = tpu.memref_slice %arg2[%dma_start3A, %dma_start3A_272] : memref<16384x768xf32, #tpu.memory_space<hbm>> -> memref<16384x768xf32, #tpu.memory_space<hbm>>
    tpu.enqueue_indirect_dma source(%dma_start3A_273 : memref<16384x768xf32, #tpu.memory_space<hbm>>) target(%arg12 : memref<128x768xf32, #tpu.memory_space<vmem>>) offsets(%arg10 : memref<128xi32, #tpu.memory_space<vmem>>) semaphore(%arg13 : memref<!tpu.dma_semaphore, #tpu.memory_space<semaphore_mem>>)
    %dma_wait3A = arith.constant 0 : i32
    %dma_wait3A_274 = arith.constant 0 : i32
    %dma_wait3A_275 = tpu.memref_slice %arg2[%dma_wait3A, %dma_wait3A_274] : memref<16384x768xf32, #tpu.memory_space<hbm>> -> memref<16384x768xf32, #tpu.memory_space<hbm>>
    tpu.wait_indirect_dma semaphore(%arg13 : memref<!tpu.dma_semaphore, #tpu.memory_space<semaphore_mem>>) src(%dma_wait3A_275 : memref<16384x768xf32, #tpu.memory_space<hbm>>) dst(%arg12 : memref<128x768xf32, #tpu.memory_space<vmem>>)
    %dma_start3A_276 = arith.constant 0 : i32
    %dma_start3A_277 = arith.constant 0 : i32
    %dma_start3A_278 = tpu.memref_slice %arg5[%dma_start3A_276, %dma_start3A_277] : memref<15566x768xf32, #tpu.memory_space<hbm>> -> memref<15566x768xf32, #tpu.memory_space<hbm>>
    tpu.enqueue_indirect_dma source(%arg12 : memref<128x768xf32, #tpu.memory_space<vmem>>) target(%dma_start3A_278 : memref<15566x768xf32, #tpu.memory_space<hbm>>) offsets(%arg11 : memref<128xi32, #tpu.memory_space<vmem>>) semaphore(%arg13 : memref<!tpu.dma_semaphore, #tpu.memory_space<semaphore_mem>>)
    %dma_wait3A_279 = arith.constant 0 : i32
    %dma_wait3A_280 = arith.constant 0 : i32
    %dma_wait3A_281 = tpu.memref_slice %arg5[%dma_wait3A_279, %dma_wait3A_280] : memref<15566x768xf32, #tpu.memory_space<hbm>> -> memref<15566x768xf32, #tpu.memory_space<hbm>>
    tpu.wait_indirect_dma semaphore(%arg13 : memref<!tpu.dma_semaphore, #tpu.memory_space<semaphore_mem>>) src(%arg12 : memref<128x768xf32, #tpu.memory_space<vmem>>) dst(%dma_wait3A_281 : memref<15566x768xf32, #tpu.memory_space<hbm>>)
    "tpu.region"() ({
      %run_scoped3A = tpu.sem_alloc : memref<!tpu.dma_semaphore, #tpu.memory_space<semaphore_mem>>
      %dma_start3A_572 = arith.constant 4096 : i32
      %dma_start3A_573 = tpu.memref_slice %arg3[%dma_start3A_572] : memref<8192xi32, #tpu.memory_space<hbm>> -> memref<4096xi32, #tpu.memory_space<hbm>>
      %dma_start3A_574 = arith.constant 4096 : i32
      %dma_start3A_575 = tpu.memref_slice %arg3[%dma_start3A_574] : memref<8192xi32, #tpu.memory_space<hbm>> -> memref<4096xi32, #tpu.memory_space<hbm>>
      tpu.enqueue_dma source(%dma_start3A_575 : memref<4096xi32, #tpu.memory_space<hbm>>) target(%arg7 : memref<4096xi32, #tpu.memory_space<vmem>>) target_semaphore(%run_scoped3A : memref<!tpu.dma_semaphore, #tpu.memory_space<semaphore_mem>>)
      %dma_wait3A_576 = arith.constant 4096 : i32
      %dma_wait3A_577 = tpu.memref_slice %arg3[%dma_wait3A_576] : memref<8192xi32, #tpu.memory_space<hbm>> -> memref<4096xi32, #tpu.memory_space<hbm>>
      %dma_wait3A_578 = arith.constant 4096 : i32
      %dma_wait3A_579 = tpu.memref_slice %arg3[%dma_wait3A_578] : memref<8192xi32, #tpu.memory_space<hbm>> -> memref<4096xi32, #tpu.memory_space<hbm>>
      tpu.wait_dma2 semaphore(%run_scoped3A : memref<!tpu.dma_semaphore, #tpu.memory_space<semaphore_mem>>) src(%dma_wait3A_579 : memref<4096xi32, #tpu.memory_space<hbm>>) dst(%arg7 : memref<4096xi32, #tpu.memory_space<vmem>>)
      tpu.yield
    }) : () -> ()
    %scan3A_282 = arith.constant 0 : i32
    %scan3A_283 = arith.constant 0 : i32
    %scan3A_284 = arith.constant 256 : i32
    %scan3A_285 = arith.addi %scan3A_283, %scan3A_284 : i32
    %scan3A_286 = arith.constant 8 : i32
    scf.for %scan3A_572 = %scan3A_283 to %scan3A_285 step %scan3A_286  : i32 {
      %mul3A_573 = arith.constant 16 : i32
      %mul3A_574 = arith.muli %scan3A_572, %mul3A_573 : i32
      %add3A_575 = vector.broadcast %mul3A_574 : i32 to vector<16xi32>
      %add3A_576 = arith.addi %iota3A, %add3A_575 : vector<16xi32>
      %gather3A_577 = tpu.vector_load_idx %arg7[%add3A_576] : memref<4096xi32, #tpu.memory_space<vmem>>[vector<16xi32>], vector<16xi32>,
      %mul3A_578 = arith.constant 16 : i32
      %mul3A_579 = arith.muli %scan3A_572, %mul3A_578 : i32
      %add3A_580 = vector.broadcast %mul3A_579 : i32 to vector<16xi32>
      %add3A_581 = arith.addi %iota3A, %add3A_580 : vector<16xi32>
      tpu.vector_store_idx %arg8[%gather3A_577], %add3A_581 : memref<4096xi32, #tpu.memory_space<vmem>>[vector<16xi32>], vector<16xi32>,
      %scan3A_582 = arith.constant 1 : i32
      %scan3A_583 = arith.addi %scan3A_572, %scan3A_582 : i32
      %mul3A_584 = arith.constant 16 : i32
      %mul3A_585 = arith.muli %scan3A_583, %mul3A_584 : i32
      %add3A_586 = vector.broadcast %mul3A_585 : i32 to vector<16xi32>
      %add3A_587 = arith.addi %iota3A, %add3A_586 : vector<16xi32>
      %gather3A_588 = tpu.vector_load_idx %arg7[%add3A_587] : memref<4096xi32, #tpu.memory_space<vmem>>[vector<16xi32>], vector<16xi32>,
      %mul3A_589 = arith.constant 16 : i32
      %mul3A_590 = arith.muli %scan3A_583, %mul3A_589 : i32
      %add3A_591 = vector.broadcast %mul3A_590 : i32 to vector<16xi32>
      %add3A_592 = arith.addi %iota3A, %add3A_591 : vector<16xi32>
      tpu.vector_store_idx %arg8[%gather3A_588], %add3A_592 : memref<4096xi32, #tpu.memory_space<vmem>>[vector<16xi32>], vector<16xi32>,
      %scan3A_593 = arith.constant 2 : i32
      %scan3A_594 = arith.addi %scan3A_572, %scan3A_593 : i32
      %mul3A_595 = arith.constant 16 : i32
      %mul3A_596 = arith.muli %scan3A_594, %mul3A_595 : i32
      %add3A_597 = vector.broadcast %mul3A_596 : i32 to vector<16xi32>
      %add3A_598 = arith.addi %iota3A, %add3A_597 : vector<16xi32>
      %gather3A_599 = tpu.vector_load_idx %arg7[%add3A_598] : memref<4096xi32, #tpu.memory_space<vmem>>[vector<16xi32>], vector<16xi32>,
      %mul3A_600 = arith.constant 16 : i32
      %mul3A_601 = arith.muli %scan3A_594, %mul3A_600 : i32
      %add3A_602 = vector.broadcast %mul3A_601 : i32 to vector<16xi32>
      %add3A_603 = arith.addi %iota3A, %add3A_602 : vector<16xi32>
      tpu.vector_store_idx %arg8[%gather3A_599], %add3A_603 : memref<4096xi32, #tpu.memory_space<vmem>>[vector<16xi32>], vector<16xi32>,
      %scan3A_604 = arith.constant 3 : i32
      %scan3A_605 = arith.addi %scan3A_572, %scan3A_604 : i32
      %mul3A_606 = arith.constant 16 : i32
      %mul3A_607 = arith.muli %scan3A_605, %mul3A_606 : i32
      %add3A_608 = vector.broadcast %mul3A_607 : i32 to vector<16xi32>
      %add3A_609 = arith.addi %iota3A, %add3A_608 : vector<16xi32>
      %gather3A_610 = tpu.vector_load_idx %arg7[%add3A_609] : memref<4096xi32, #tpu.memory_space<vmem>>[vector<16xi32>], vector<16xi32>,
      %mul3A_611 = arith.constant 16 : i32
      %mul3A_612 = arith.muli %scan3A_605, %mul3A_611 : i32
      %add3A_613 = vector.broadcast %mul3A_612 : i32 to vector<16xi32>
      %add3A_614 = arith.addi %iota3A, %add3A_613 : vector<16xi32>
      tpu.vector_store_idx %arg8[%gather3A_610], %add3A_614 : memref<4096xi32, #tpu.memory_space<vmem>>[vector<16xi32>], vector<16xi32>,
      %scan3A_615 = arith.constant 4 : i32
      %scan3A_616 = arith.addi %scan3A_572, %scan3A_615 : i32
      %mul3A_617 = arith.constant 16 : i32
      %mul3A_618 = arith.muli %scan3A_616, %mul3A_617 : i32
      %add3A_619 = vector.broadcast %mul3A_618 : i32 to vector<16xi32>
      %add3A_620 = arith.addi %iota3A, %add3A_619 : vector<16xi32>
      %gather3A_621 = tpu.vector_load_idx %arg7[%add3A_620] : memref<4096xi32, #tpu.memory_space<vmem>>[vector<16xi32>], vector<16xi32>,
      %mul3A_622 = arith.constant 16 : i32
      %mul3A_623 = arith.muli %scan3A_616, %mul3A_622 : i32
      %add3A_624 = vector.broadcast %mul3A_623 : i32 to vector<16xi32>
      %add3A_625 = arith.addi %iota3A, %add3A_624 : vector<16xi32>
      tpu.vector_store_idx %arg8[%gather3A_621], %add3A_625 : memref<4096xi32, #tpu.memory_space<vmem>>[vector<16xi32>], vector<16xi32>,
      %scan3A_626 = arith.constant 5 : i32
      %scan3A_627 = arith.addi %scan3A_572, %scan3A_626 : i32
      %mul3A_628 = arith.constant 16 : i32
      %mul3A_629 = arith.muli %scan3A_627, %mul3A_628 : i32
      %add3A_630 = vector.broadcast %mul3A_629 : i32 to vector<16xi32>
      %add3A_631 = arith.addi %iota3A, %add3A_630 : vector<16xi32>
      %gather3A_632 = tpu.vector_load_idx %arg7[%add3A_631] : memref<4096xi32, #tpu.memory_space<vmem>>[vector<16xi32>], vector<16xi32>,
      %mul3A_633 = arith.constant 16 : i32
      %mul3A_634 = arith.muli %scan3A_627, %mul3A_633 : i32
      %add3A_635 = vector.broadcast %mul3A_634 : i32 to vector<16xi32>
      %add3A_636 = arith.addi %iota3A, %add3A_635 : vector<16xi32>
      tpu.vector_store_idx %arg8[%gather3A_632], %add3A_636 : memref<4096xi32, #tpu.memory_space<vmem>>[vector<16xi32>], vector<16xi32>,
      %scan3A_637 = arith.constant 6 : i32
      %scan3A_638 = arith.addi %scan3A_572, %scan3A_637 : i32
      %mul3A_639 = arith.constant 16 : i32
      %mul3A_640 = arith.muli %scan3A_638, %mul3A_639 : i32
      %add3A_641 = vector.broadcast %mul3A_640 : i32 to vector<16xi32>
      %add3A_642 = arith.addi %iota3A, %add3A_641 : vector<16xi32>
      %gather3A_643 = tpu.vector_load_idx %arg7[%add3A_642] : memref<4096xi32, #tpu.memory_space<vmem>>[vector<16xi32>], vector<16xi32>,
      %mul3A_644 = arith.constant 16 : i32
      %mul3A_645 = arith.muli %scan3A_638, %mul3A_644 : i32
      %add3A_646 = vector.broadcast %mul3A_645 : i32 to vector<16xi32>
      %add3A_647 = arith.addi %iota3A, %add3A_646 : vector<16xi32>
      tpu.vector_store_idx %arg8[%gather3A_643], %add3A_647 : memref<4096xi32, #tpu.memory_space<vmem>>[vector<16xi32>], vector<16xi32>,
      %scan3A_648 = arith.constant 7 : i32
      %scan3A_649 = arith.addi %scan3A_572, %scan3A_648 : i32
      %mul3A_650 = arith.constant 16 : i32
      %mul3A_651 = arith.muli %scan3A_649, %mul3A_650 : i32
      %add3A_652 = vector.broadcast %mul3A_651 : i32 to vector<16xi32>
      %add3A_653 = arith.addi %iota3A, %add3A_652 : vector<16xi32>
      %gather3A_654 = tpu.vector_load_idx %arg7[%add3A_653] : memref<4096xi32, #tpu.memory_space<vmem>>[vector<16xi32>], vector<16xi32>,
      %mul3A_655 = arith.constant 16 : i32
      %mul3A_656 = arith.muli %scan3A_649, %mul3A_655 : i32
      %add3A_657 = vector.broadcast %mul3A_656 : i32 to vector<16xi32>
      %add3A_658 = arith.addi %iota3A, %add3A_657 : vector<16xi32>
      tpu.vector_store_idx %arg8[%gather3A_654], %add3A_658 : memref<4096xi32, #tpu.memory_space<vmem>>[vector<16xi32>], vector<16xi32>,
    }
    %scan3A_287 = arith.constant 256 : i32
    "tpu.region"() ({
      %run_scoped3A = tpu.sem_alloc : memref<!tpu.dma_semaphore, #tpu.memory_space<semaphore_mem>>
      %dma_start3A_572 = arith.constant 512 : i32
      %dma_start3A_573 = tpu.memref_slice %arg4[%dma_start3A_572] : memref<1024xi32, #tpu.memory_space<hbm>> -> memref<512xi32, #tpu.memory_space<hbm>>
      %dma_start3A_574 = arith.constant 512 : i32
      %dma_start3A_575 = tpu.memref_slice %arg4[%dma_start3A_574] : memref<1024xi32, #tpu.memory_space<hbm>> -> memref<512xi32, #tpu.memory_space<hbm>>
      tpu.enqueue_dma source(%dma_start3A_575 : memref<512xi32, #tpu.memory_space<hbm>>) target(%arg9 : memref<512xi32, #tpu.memory_space<vmem>>) target_semaphore(%run_scoped3A : memref<!tpu.dma_semaphore, #tpu.memory_space<semaphore_mem>>)
      %dma_wait3A_576 = arith.constant 512 : i32
      %dma_wait3A_577 = tpu.memref_slice %arg4[%dma_wait3A_576] : memref<1024xi32, #tpu.memory_space<hbm>> -> memref<512xi32, #tpu.memory_space<hbm>>
      %dma_wait3A_578 = arith.constant 512 : i32
      %dma_wait3A_579 = tpu.memref_slice %arg4[%dma_wait3A_578] : memref<1024xi32, #tpu.memory_space<hbm>> -> memref<512xi32, #tpu.memory_space<hbm>>
      tpu.wait_dma2 semaphore(%run_scoped3A : memref<!tpu.dma_semaphore, #tpu.memory_space<semaphore_mem>>) src(%dma_wait3A_579 : memref<512xi32, #tpu.memory_space<hbm>>) dst(%arg9 : memref<512xi32, #tpu.memory_space<vmem>>)
      tpu.yield
    }) : () -> ()
    %broadcast_in_dim3A_288 = arith.constant 501 : i32
    %broadcast_in_dim3A_289 = vector.broadcast %broadcast_in_dim3A_288 : i32 to vector<16xi32>
    %gather3A_290 = tpu.vector_load_idx %arg9[%broadcast_in_dim3A_289] : memref<512xi32, #tpu.memory_space<vmem>>[vector<16xi32>], vector<16xi32>,
    %add3A_291 = arith.constant 11470 : i32
    %add3A_292 = vector.broadcast %add3A_291 : i32 to vector<16xi32>
    %add3A_293 = arith.addi %add3A_292, %gather3A_290 : vector<16xi32>
    %scan3A_294 = arith.constant 0 : i32
    %scan3A_295 = arith.constant 0 : i32
    %mul3A_296 = arith.constant 16 : i32
    %mul3A_297 = arith.muli %scan3A_295, %mul3A_296 : i32
    %add3A_298 = vector.broadcast %mul3A_297 : i32 to vector<16xi32>
    %add3A_299 = arith.addi %add3A_298, %iota3A : vector<16xi32>
    %mul3A_300 = arith.constant 116 : i32
    %mul3A_301 = arith.muli %add3A, %mul3A_300 : i32
    %add3A_302 = vector.broadcast %mul3A_301 : i32 to vector<16xi32>
    %add3A_303 = arith.addi %add3A_302, %add3A_299 : vector<16xi32>
    %add3A_304 = arith.constant 409 : i32
    %add3A_305 = vector.broadcast %add3A_304 : i32 to vector<16xi32>
    %add3A_306 = arith.addi %add3A_305, %add3A_303 : vector<16xi32>
    %min3A_307 = arith.constant 4095 : i32
    %min3A_308 = vector.broadcast %min3A_307 : i32 to vector<16xi32>
    %min3A_309 = arith.minsi %add3A_306, %min3A_308 : vector<16xi32>
    %gather3A_310 = tpu.vector_load_idx %arg8[%min3A_309] : memref<4096xi32, #tpu.memory_space<vmem>>[vector<16xi32>], vector<16xi32>,
    %mul3A_311 = arith.constant 2 : i32
    %mul3A_312 = vector.broadcast %mul3A_311 : i32 to vector<16xi32>
    %mul3A_313 = arith.muli %gather3A_310, %mul3A_312 : vector<16xi32>
    %add3A_314 = arith.constant 8192 : i32
    %add3A_315 = vector.broadcast %add3A_314 : i32 to vector<16xi32>
    %add3A_316 = arith.addi %mul3A_313, %add3A_315 : vector<16xi32>
    tpu.vector_store_idx %arg10[%add3A_299], %add3A_316 : memref<128xi32, #tpu.memory_space<vmem>>[vector<16xi32>], vector<16xi32>,
    %lt3A_317 = arith.constant 116 : i32
    %lt3A_318 = vector.broadcast %lt3A_317 : i32 to vector<16xi32>
    %lt3A_319 = arith.cmpi slt, %add3A_299, %lt3A_318 : vector<16xi32>
    %lt3A_320 = arith.constant 3687 : i32
    %lt3A_321 = vector.broadcast %lt3A_320 : i32 to vector<16xi32>
    %lt3A_322 = arith.cmpi slt, %add3A_303, %lt3A_321 : vector<16xi32>
    %and3A_323 = arith.andi %lt3A_319, %lt3A_322 : vector<16xi1>
    %add3A_324 = arith.constant 7783 : i32
    %add3A_325 = vector.broadcast %add3A_324 : i32 to vector<16xi32>
    %add3A_326 = arith.addi %add3A_325, %add3A_303 : vector<16xi32>
    %select_n3A_327 = arith.select %and3A_323, %add3A_326, %add3A_293 : vector<16xi1>, vector<16xi32>
    tpu.vector_store_idx %arg11[%add3A_299], %select_n3A_327 : memref<128xi32, #tpu.memory_space<vmem>>[vector<16xi32>], vector<16xi32>,
    %scan3A_328 = arith.constant 1 : i32
    %mul3A_329 = arith.constant 16 : i32
    %mul3A_330 = arith.muli %scan3A_328, %mul3A_329 : i32
    %add3A_331 = vector.broadcast %mul3A_330 : i32 to vector<16xi32>
    %add3A_332 = arith.addi %add3A_331, %iota3A : vector<16xi32>
    %mul3A_333 = arith.constant 116 : i32
    %mul3A_334 = arith.muli %add3A, %mul3A_333 : i32
    %add3A_335 = vector.broadcast %mul3A_334 : i32 to vector<16xi32>
    %add3A_336 = arith.addi %add3A_335, %add3A_332 : vector<16xi32>
    %add3A_337 = arith.constant 409 : i32
    %add3A_338 = vector.broadcast %add3A_337 : i32 to vector<16xi32>
    %add3A_339 = arith.addi %add3A_338, %add3A_336 : vector<16xi32>
    %min3A_340 = arith.constant 4095 : i32
    %min3A_341 = vector.broadcast %min3A_340 : i32 to vector<16xi32>
    %min3A_342 = arith.minsi %add3A_339, %min3A_341 : vector<16xi32>
    %gather3A_343 = tpu.vector_load_idx %arg8[%min3A_342] : memref<4096xi32, #tpu.memory_space<vmem>>[vector<16xi32>], vector<16xi32>,
    %mul3A_344 = arith.constant 2 : i32
    %mul3A_345 = vector.broadcast %mul3A_344 : i32 to vector<16xi32>
    %mul3A_346 = arith.muli %gather3A_343, %mul3A_345 : vector<16xi32>
    %add3A_347 = arith.constant 8192 : i32
    %add3A_348 = vector.broadcast %add3A_347 : i32 to vector<16xi32>
    %add3A_349 = arith.addi %mul3A_346, %add3A_348 : vector<16xi32>
    tpu.vector_store_idx %arg10[%add3A_332], %add3A_349 : memref<128xi32, #tpu.memory_space<vmem>>[vector<16xi32>], vector<16xi32>,
    %lt3A_350 = arith.constant 116 : i32
    %lt3A_351 = vector.broadcast %lt3A_350 : i32 to vector<16xi32>
    %lt3A_352 = arith.cmpi slt, %add3A_332, %lt3A_351 : vector<16xi32>
    %lt3A_353 = arith.constant 3687 : i32
    %lt3A_354 = vector.broadcast %lt3A_353 : i32 to vector<16xi32>
    %lt3A_355 = arith.cmpi slt, %add3A_336, %lt3A_354 : vector<16xi32>
    %and3A_356 = arith.andi %lt3A_352, %lt3A_355 : vector<16xi1>
    %add3A_357 = arith.constant 7783 : i32
    %add3A_358 = vector.broadcast %add3A_357 : i32 to vector<16xi32>
    %add3A_359 = arith.addi %add3A_358, %add3A_336 : vector<16xi32>
    %select_n3A_360 = arith.select %and3A_356, %add3A_359, %add3A_293 : vector<16xi1>, vector<16xi32>
    tpu.vector_store_idx %arg11[%add3A_332], %select_n3A_360 : memref<128xi32, #tpu.memory_space<vmem>>[vector<16xi32>], vector<16xi32>,
    %scan3A_361 = arith.constant 2 : i32
    %mul3A_362 = arith.constant 16 : i32
    %mul3A_363 = arith.muli %scan3A_361, %mul3A_362 : i32
    %add3A_364 = vector.broadcast %mul3A_363 : i32 to vector<16xi32>
    %add3A_365 = arith.addi %add3A_364, %iota3A : vector<16xi32>
    %mul3A_366 = arith.constant 116 : i32
    %mul3A_367 = arith.muli %add3A, %mul3A_366 : i32
    %add3A_368 = vector.broadcast %mul3A_367 : i32 to vector<16xi32>
    %add3A_369 = arith.addi %add3A_368, %add3A_365 : vector<16xi32>
    %add3A_370 = arith.constant 409 : i32
    %add3A_371 = vector.broadcast %add3A_370 : i32 to vector<16xi32>
    %add3A_372 = arith.addi %add3A_371, %add3A_369 : vector<16xi32>
    %min3A_373 = arith.constant 4095 : i32
    %min3A_374 = vector.broadcast %min3A_373 : i32 to vector<16xi32>
    %min3A_375 = arith.minsi %add3A_372, %min3A_374 : vector<16xi32>
    %gather3A_376 = tpu.vector_load_idx %arg8[%min3A_375] : memref<4096xi32, #tpu.memory_space<vmem>>[vector<16xi32>], vector<16xi32>,
    %mul3A_377 = arith.constant 2 : i32
    %mul3A_378 = vector.broadcast %mul3A_377 : i32 to vector<16xi32>
    %mul3A_379 = arith.muli %gather3A_376, %mul3A_378 : vector<16xi32>
    %add3A_380 = arith.constant 8192 : i32
    %add3A_381 = vector.broadcast %add3A_380 : i32 to vector<16xi32>
    %add3A_382 = arith.addi %mul3A_379, %add3A_381 : vector<16xi32>
    tpu.vector_store_idx %arg10[%add3A_365], %add3A_382 : memref<128xi32, #tpu.memory_space<vmem>>[vector<16xi32>], vector<16xi32>,
    %lt3A_383 = arith.constant 116 : i32
    %lt3A_384 = vector.broadcast %lt3A_383 : i32 to vector<16xi32>
    %lt3A_385 = arith.cmpi slt, %add3A_365, %lt3A_384 : vector<16xi32>
    %lt3A_386 = arith.constant 3687 : i32
    %lt3A_387 = vector.broadcast %lt3A_386 : i32 to vector<16xi32>
    %lt3A_388 = arith.cmpi slt, %add3A_369, %lt3A_387 : vector<16xi32>
    %and3A_389 = arith.andi %lt3A_385, %lt3A_388 : vector<16xi1>
    %add3A_390 = arith.constant 7783 : i32
    %add3A_391 = vector.broadcast %add3A_390 : i32 to vector<16xi32>
    %add3A_392 = arith.addi %add3A_391, %add3A_369 : vector<16xi32>
    %select_n3A_393 = arith.select %and3A_389, %add3A_392, %add3A_293 : vector<16xi1>, vector<16xi32>
    tpu.vector_store_idx %arg11[%add3A_365], %select_n3A_393 : memref<128xi32, #tpu.memory_space<vmem>>[vector<16xi32>], vector<16xi32>,
    %scan3A_394 = arith.constant 3 : i32
    %mul3A_395 = arith.constant 16 : i32
    %mul3A_396 = arith.muli %scan3A_394, %mul3A_395 : i32
    %add3A_397 = vector.broadcast %mul3A_396 : i32 to vector<16xi32>
    %add3A_398 = arith.addi %add3A_397, %iota3A : vector<16xi32>
    %mul3A_399 = arith.constant 116 : i32
    %mul3A_400 = arith.muli %add3A, %mul3A_399 : i32
    %add3A_401 = vector.broadcast %mul3A_400 : i32 to vector<16xi32>
    %add3A_402 = arith.addi %add3A_401, %add3A_398 : vector<16xi32>
    %add3A_403 = arith.constant 409 : i32
    %add3A_404 = vector.broadcast %add3A_403 : i32 to vector<16xi32>
    %add3A_405 = arith.addi %add3A_404, %add3A_402 : vector<16xi32>
    %min3A_406 = arith.constant 4095 : i32
    %min3A_407 = vector.broadcast %min3A_406 : i32 to vector<16xi32>
    %min3A_408 = arith.minsi %add3A_405, %min3A_407 : vector<16xi32>
    %gather3A_409 = tpu.vector_load_idx %arg8[%min3A_408] : memref<4096xi32, #tpu.memory_space<vmem>>[vector<16xi32>], vector<16xi32>,
    %mul3A_410 = arith.constant 2 : i32
    %mul3A_411 = vector.broadcast %mul3A_410 : i32 to vector<16xi32>
    %mul3A_412 = arith.muli %gather3A_409, %mul3A_411 : vector<16xi32>
    %add3A_413 = arith.constant 8192 : i32
    %add3A_414 = vector.broadcast %add3A_413 : i32 to vector<16xi32>
    %add3A_415 = arith.addi %mul3A_412, %add3A_414 : vector<16xi32>
    tpu.vector_store_idx %arg10[%add3A_398], %add3A_415 : memref<128xi32, #tpu.memory_space<vmem>>[vector<16xi32>], vector<16xi32>,
    %lt3A_416 = arith.constant 116 : i32
    %lt3A_417 = vector.broadcast %lt3A_416 : i32 to vector<16xi32>
    %lt3A_418 = arith.cmpi slt, %add3A_398, %lt3A_417 : vector<16xi32>
    %lt3A_419 = arith.constant 3687 : i32
    %lt3A_420 = vector.broadcast %lt3A_419 : i32 to vector<16xi32>
    %lt3A_421 = arith.cmpi slt, %add3A_402, %lt3A_420 : vector<16xi32>
    %and3A_422 = arith.andi %lt3A_418, %lt3A_421 : vector<16xi1>
    %add3A_423 = arith.constant 7783 : i32
    %add3A_424 = vector.broadcast %add3A_423 : i32 to vector<16xi32>
    %add3A_425 = arith.addi %add3A_424, %add3A_402 : vector<16xi32>
    %select_n3A_426 = arith.select %and3A_422, %add3A_425, %add3A_293 : vector<16xi1>, vector<16xi32>
    tpu.vector_store_idx %arg11[%add3A_398], %select_n3A_426 : memref<128xi32, #tpu.memory_space<vmem>>[vector<16xi32>], vector<16xi32>,
    %scan3A_427 = arith.constant 4 : i32
    %mul3A_428 = arith.constant 16 : i32
    %mul3A_429 = arith.muli %scan3A_427, %mul3A_428 : i32
    %add3A_430 = vector.broadcast %mul3A_429 : i32 to vector<16xi32>
    %add3A_431 = arith.addi %add3A_430, %iota3A : vector<16xi32>
    %mul3A_432 = arith.constant 116 : i32
    %mul3A_433 = arith.muli %add3A, %mul3A_432 : i32
    %add3A_434 = vector.broadcast %mul3A_433 : i32 to vector<16xi32>
    %add3A_435 = arith.addi %add3A_434, %add3A_431 : vector<16xi32>
    %add3A_436 = arith.constant 409 : i32
    %add3A_437 = vector.broadcast %add3A_436 : i32 to vector<16xi32>
    %add3A_438 = arith.addi %add3A_437, %add3A_435 : vector<16xi32>
    %min3A_439 = arith.constant 4095 : i32
    %min3A_440 = vector.broadcast %min3A_439 : i32 to vector<16xi32>
    %min3A_441 = arith.minsi %add3A_438, %min3A_440 : vector<16xi32>
    %gather3A_442 = tpu.vector_load_idx %arg8[%min3A_441] : memref<4096xi32, #tpu.memory_space<vmem>>[vector<16xi32>], vector<16xi32>,
    %mul3A_443 = arith.constant 2 : i32
    %mul3A_444 = vector.broadcast %mul3A_443 : i32 to vector<16xi32>
    %mul3A_445 = arith.muli %gather3A_442, %mul3A_444 : vector<16xi32>
    %add3A_446 = arith.constant 8192 : i32
    %add3A_447 = vector.broadcast %add3A_446 : i32 to vector<16xi32>
    %add3A_448 = arith.addi %mul3A_445, %add3A_447 : vector<16xi32>
    tpu.vector_store_idx %arg10[%add3A_431], %add3A_448 : memref<128xi32, #tpu.memory_space<vmem>>[vector<16xi32>], vector<16xi32>,
    %lt3A_449 = arith.constant 116 : i32
    %lt3A_450 = vector.broadcast %lt3A_449 : i32 to vector<16xi32>
    %lt3A_451 = arith.cmpi slt, %add3A_431, %lt3A_450 : vector<16xi32>
    %lt3A_452 = arith.constant 3687 : i32
    %lt3A_453 = vector.broadcast %lt3A_452 : i32 to vector<16xi32>
    %lt3A_454 = arith.cmpi slt, %add3A_435, %lt3A_453 : vector<16xi32>
    %and3A_455 = arith.andi %lt3A_451, %lt3A_454 : vector<16xi1>
    %add3A_456 = arith.constant 7783 : i32
    %add3A_457 = vector.broadcast %add3A_456 : i32 to vector<16xi32>
    %add3A_458 = arith.addi %add3A_457, %add3A_435 : vector<16xi32>
    %select_n3A_459 = arith.select %and3A_455, %add3A_458, %add3A_293 : vector<16xi1>, vector<16xi32>
    tpu.vector_store_idx %arg11[%add3A_431], %select_n3A_459 : memref<128xi32, #tpu.memory_space<vmem>>[vector<16xi32>], vector<16xi32>,
    %scan3A_460 = arith.constant 5 : i32
    %mul3A_461 = arith.constant 16 : i32
    %mul3A_462 = arith.muli %scan3A_460, %mul3A_461 : i32
    %add3A_463 = vector.broadcast %mul3A_462 : i32 to vector<16xi32>
    %add3A_464 = arith.addi %add3A_463, %iota3A : vector<16xi32>
    %mul3A_465 = arith.constant 116 : i32
    %mul3A_466 = arith.muli %add3A, %mul3A_465 : i32
    %add3A_467 = vector.broadcast %mul3A_466 : i32 to vector<16xi32>
    %add3A_468 = arith.addi %add3A_467, %add3A_464 : vector<16xi32>
    %add3A_469 = arith.constant 409 : i32
    %add3A_470 = vector.broadcast %add3A_469 : i32 to vector<16xi32>
    %add3A_471 = arith.addi %add3A_470, %add3A_468 : vector<16xi32>
    %min3A_472 = arith.constant 4095 : i32
    %min3A_473 = vector.broadcast %min3A_472 : i32 to vector<16xi32>
    %min3A_474 = arith.minsi %add3A_471, %min3A_473 : vector<16xi32>
    %gather3A_475 = tpu.vector_load_idx %arg8[%min3A_474] : memref<4096xi32, #tpu.memory_space<vmem>>[vector<16xi32>], vector<16xi32>,
    %mul3A_476 = arith.constant 2 : i32
    %mul3A_477 = vector.broadcast %mul3A_476 : i32 to vector<16xi32>
    %mul3A_478 = arith.muli %gather3A_475, %mul3A_477 : vector<16xi32>
    %add3A_479 = arith.constant 8192 : i32
    %add3A_480 = vector.broadcast %add3A_479 : i32 to vector<16xi32>
    %add3A_481 = arith.addi %mul3A_478, %add3A_480 : vector<16xi32>
    tpu.vector_store_idx %arg10[%add3A_464], %add3A_481 : memref<128xi32, #tpu.memory_space<vmem>>[vector<16xi32>], vector<16xi32>,
    %lt3A_482 = arith.constant 116 : i32
    %lt3A_483 = vector.broadcast %lt3A_482 : i32 to vector<16xi32>
    %lt3A_484 = arith.cmpi slt, %add3A_464, %lt3A_483 : vector<16xi32>
    %lt3A_485 = arith.constant 3687 : i32
    %lt3A_486 = vector.broadcast %lt3A_485 : i32 to vector<16xi32>
    %lt3A_487 = arith.cmpi slt, %add3A_468, %lt3A_486 : vector<16xi32>
    %and3A_488 = arith.andi %lt3A_484, %lt3A_487 : vector<16xi1>
    %add3A_489 = arith.constant 7783 : i32
    %add3A_490 = vector.broadcast %add3A_489 : i32 to vector<16xi32>
    %add3A_491 = arith.addi %add3A_490, %add3A_468 : vector<16xi32>
    %select_n3A_492 = arith.select %and3A_488, %add3A_491, %add3A_293 : vector<16xi1>, vector<16xi32>
    tpu.vector_store_idx %arg11[%add3A_464], %select_n3A_492 : memref<128xi32, #tpu.memory_space<vmem>>[vector<16xi32>], vector<16xi32>,
    %scan3A_493 = arith.constant 6 : i32
    %mul3A_494 = arith.constant 16 : i32
    %mul3A_495 = arith.muli %scan3A_493, %mul3A_494 : i32
    %add3A_496 = vector.broadcast %mul3A_495 : i32 to vector<16xi32>
    %add3A_497 = arith.addi %add3A_496, %iota3A : vector<16xi32>
    %mul3A_498 = arith.constant 116 : i32
    %mul3A_499 = arith.muli %add3A, %mul3A_498 : i32
    %add3A_500 = vector.broadcast %mul3A_499 : i32 to vector<16xi32>
    %add3A_501 = arith.addi %add3A_500, %add3A_497 : vector<16xi32>
    %add3A_502 = arith.constant 409 : i32
    %add3A_503 = vector.broadcast %add3A_502 : i32 to vector<16xi32>
    %add3A_504 = arith.addi %add3A_503, %add3A_501 : vector<16xi32>
    %min3A_505 = arith.constant 4095 : i32
    %min3A_506 = vector.broadcast %min3A_505 : i32 to vector<16xi32>
    %min3A_507 = arith.minsi %add3A_504, %min3A_506 : vector<16xi32>
    %gather3A_508 = tpu.vector_load_idx %arg8[%min3A_507] : memref<4096xi32, #tpu.memory_space<vmem>>[vector<16xi32>], vector<16xi32>,
    %mul3A_509 = arith.constant 2 : i32
    %mul3A_510 = vector.broadcast %mul3A_509 : i32 to vector<16xi32>
    %mul3A_511 = arith.muli %gather3A_508, %mul3A_510 : vector<16xi32>
    %add3A_512 = arith.constant 8192 : i32
    %add3A_513 = vector.broadcast %add3A_512 : i32 to vector<16xi32>
    %add3A_514 = arith.addi %mul3A_511, %add3A_513 : vector<16xi32>
    tpu.vector_store_idx %arg10[%add3A_497], %add3A_514 : memref<128xi32, #tpu.memory_space<vmem>>[vector<16xi32>], vector<16xi32>,
    %lt3A_515 = arith.constant 116 : i32
    %lt3A_516 = vector.broadcast %lt3A_515 : i32 to vector<16xi32>
    %lt3A_517 = arith.cmpi slt, %add3A_497, %lt3A_516 : vector<16xi32>
    %lt3A_518 = arith.constant 3687 : i32
    %lt3A_519 = vector.broadcast %lt3A_518 : i32 to vector<16xi32>
    %lt3A_520 = arith.cmpi slt, %add3A_501, %lt3A_519 : vector<16xi32>
    %and3A_521 = arith.andi %lt3A_517, %lt3A_520 : vector<16xi1>
    %add3A_522 = arith.constant 7783 : i32
    %add3A_523 = vector.broadcast %add3A_522 : i32 to vector<16xi32>
    %add3A_524 = arith.addi %add3A_523, %add3A_501 : vector<16xi32>
    %select_n3A_525 = arith.select %and3A_521, %add3A_524, %add3A_293 : vector<16xi1>, vector<16xi32>
    tpu.vector_store_idx %arg11[%add3A_497], %select_n3A_525 : memref<128xi32, #tpu.memory_space<vmem>>[vector<16xi32>], vector<16xi32>,
    %scan3A_526 = arith.constant 7 : i32
    %mul3A_527 = arith.constant 16 : i32
    %mul3A_528 = arith.muli %scan3A_526, %mul3A_527 : i32
    %add3A_529 = vector.broadcast %mul3A_528 : i32 to vector<16xi32>
    %add3A_530 = arith.addi %add3A_529, %iota3A : vector<16xi32>
    %mul3A_531 = arith.constant 116 : i32
    %mul3A_532 = arith.muli %add3A, %mul3A_531 : i32
    %add3A_533 = vector.broadcast %mul3A_532 : i32 to vector<16xi32>
    %add3A_534 = arith.addi %add3A_533, %add3A_530 : vector<16xi32>
    %add3A_535 = arith.constant 409 : i32
    %add3A_536 = vector.broadcast %add3A_535 : i32 to vector<16xi32>
    %add3A_537 = arith.addi %add3A_536, %add3A_534 : vector<16xi32>
    %min3A_538 = arith.constant 4095 : i32
    %min3A_539 = vector.broadcast %min3A_538 : i32 to vector<16xi32>
    %min3A_540 = arith.minsi %add3A_537, %min3A_539 : vector<16xi32>
    %gather3A_541 = tpu.vector_load_idx %arg8[%min3A_540] : memref<4096xi32, #tpu.memory_space<vmem>>[vector<16xi32>], vector<16xi32>,
    %mul3A_542 = arith.constant 2 : i32
    %mul3A_543 = vector.broadcast %mul3A_542 : i32 to vector<16xi32>
    %mul3A_544 = arith.muli %gather3A_541, %mul3A_543 : vector<16xi32>
    %add3A_545 = arith.constant 8192 : i32
    %add3A_546 = vector.broadcast %add3A_545 : i32 to vector<16xi32>
    %add3A_547 = arith.addi %mul3A_544, %add3A_546 : vector<16xi32>
    tpu.vector_store_idx %arg10[%add3A_530], %add3A_547 : memref<128xi32, #tpu.memory_space<vmem>>[vector<16xi32>], vector<16xi32>,
    %lt3A_548 = arith.constant 116 : i32
    %lt3A_549 = vector.broadcast %lt3A_548 : i32 to vector<16xi32>
    %lt3A_550 = arith.cmpi slt, %add3A_530, %lt3A_549 : vector<16xi32>
    %lt3A_551 = arith.constant 3687 : i32
    %lt3A_552 = vector.broadcast %lt3A_551 : i32 to vector<16xi32>
    %lt3A_553 = arith.cmpi slt, %add3A_534, %lt3A_552 : vector<16xi32>
    %and3A_554 = arith.andi %lt3A_550, %lt3A_553 : vector<16xi1>
    %add3A_555 = arith.constant 7783 : i32
    %add3A_556 = vector.broadcast %add3A_555 : i32 to vector<16xi32>
    %add3A_557 = arith.addi %add3A_556, %add3A_534 : vector<16xi32>
    %select_n3A_558 = arith.select %and3A_554, %add3A_557, %add3A_293 : vector<16xi1>, vector<16xi32>
    tpu.vector_store_idx %arg11[%add3A_530], %select_n3A_558 : memref<128xi32, #tpu.memory_space<vmem>>[vector<16xi32>], vector<16xi32>,
    %scan3A_559 = arith.constant 8 : i32
    %dma_start3A_560 = arith.constant 0 : i32
    %dma_start3A_561 = arith.constant 0 : i32
    %dma_start3A_562 = tpu.memref_slice %arg2[%dma_start3A_560, %dma_start3A_561] : memref<16384x768xf32, #tpu.memory_space<hbm>> -> memref<16384x768xf32, #tpu.memory_space<hbm>>
    tpu.enqueue_indirect_dma source(%dma_start3A_562 : memref<16384x768xf32, #tpu.memory_space<hbm>>) target(%arg12 : memref<128x768xf32, #tpu.memory_space<vmem>>) offsets(%arg10 : memref<128xi32, #tpu.memory_space<vmem>>) semaphore(%arg13 : memref<!tpu.dma_semaphore, #tpu.memory_space<semaphore_mem>>)
    %dma_wait3A_563 = arith.constant 0 : i32
    %dma_wait3A_564 = arith.constant 0 : i32
    %dma_wait3A_565 = tpu.memref_slice %arg2[%dma_wait3A_563, %dma_wait3A_564] : memref<16384x768xf32, #tpu.memory_space<hbm>> -> memref<16384x768xf32, #tpu.memory_space<hbm>>
    tpu.wait_indirect_dma semaphore(%arg13 : memref<!tpu.dma_semaphore, #tpu.memory_space<semaphore_mem>>) src(%dma_wait3A_565 : memref<16384x768xf32, #tpu.memory_space<hbm>>) dst(%arg12 : memref<128x768xf32, #tpu.memory_space<vmem>>)
    %dma_start3A_566 = arith.constant 0 : i32
    %dma_start3A_567 = arith.constant 0 : i32
    %dma_start3A_568 = tpu.memref_slice %arg5[%dma_start3A_566, %dma_start3A_567] : memref<15566x768xf32, #tpu.memory_space<hbm>> -> memref<15566x768xf32, #tpu.memory_space<hbm>>
    tpu.enqueue_indirect_dma source(%arg12 : memref<128x768xf32, #tpu.memory_space<vmem>>) target(%dma_start3A_568 : memref<15566x768xf32, #tpu.memory_space<hbm>>) offsets(%arg11 : memref<128xi32, #tpu.memory_space<vmem>>) semaphore(%arg13 : memref<!tpu.dma_semaphore, #tpu.memory_space<semaphore_mem>>)
    %dma_wait3A_569 = arith.constant 0 : i32
    %dma_wait3A_570 = arith.constant 0 : i32
    %dma_wait3A_571 = tpu.memref_slice %arg5[%dma_wait3A_569, %dma_wait3A_570] : memref<15566x768xf32, #tpu.memory_space<hbm>> -> memref<15566x768xf32, #tpu.memory_space<hbm>>
    tpu.wait_indirect_dma semaphore(%arg13 : memref<!tpu.dma_semaphore, #tpu.memory_space<semaphore_mem>>) src(%arg12 : memref<128x768xf32, #tpu.memory_space<vmem>>) dst(%dma_wait3A_571 : memref<15566x768xf32, #tpu.memory_space<hbm>>)
    return
  }
}

#map = affine_map<(d0, d1) -> (0, 0)>
module attributes {stable_mosaic.version = 14 : i64} {
  func.func @new_body(%arg0: i32, %arg1: i32, %arg2: memref<16384x768xf32, #tpu.memory_space<hbm>>, %arg3: memref<15566x768xf32, #tpu.memory_space<hbm>>, %arg4: memref<15566x768xf32, #tpu.memory_space<hbm>>, %arg5: memref<128xi32, #tpu.memory_space<vmem>>, %arg6: memref<128x768xf32, #tpu.memory_space<vmem>>, %arg7: memref<!tpu.dma_semaphore, #tpu.memory_space<semaphore_mem>>) attributes {dimension_semantics = [#tpu.dimension_semantics<core_parallel>, #tpu.dimension_semantics<subcore_parallel>], iteration_bounds = array<i64: 2, 16>, scalar_prefetch = 0 : i64, scratch_operands = 3 : i64, tpu.core_type = #tpu.core_type<sc_vector_subcore>, window_params = [{transform_indices = #map}, {transform_indices = #map}, {transform_indices = #map}]} {
    %mul3A = arith.constant 2 : i32
    %mul3A_0 = arith.muli %arg1, %mul3A : i32
    %add3A = arith.addi %mul3A_0, %arg0 : i32
    %iota3A = tpu.iota {dimensions = array<i32: 0>} : vector<16xi32>
    %scan3A = arith.constant 0 : i32
    %scan3A_1 = arith.constant 0 : i32
    %mul3A_2 = arith.constant 16 : i32
    %mul3A_3 = arith.muli %scan3A_1, %mul3A_2 : i32
    %add3A_4 = vector.broadcast %mul3A_3 : i32 to vector<16xi32>
    %add3A_5 = arith.addi %add3A_4, %iota3A : vector<16xi32>
    %mul3A_6 = arith.constant 128 : i32
    %mul3A_7 = arith.muli %add3A, %mul3A_6 : i32
    %add3A_8 = vector.broadcast %mul3A_7 : i32 to vector<16xi32>
    %add3A_9 = arith.addi %add3A_8, %add3A_5 : vector<16xi32>
    %mul3A_10 = arith.constant 2 : i32
    %mul3A_11 = vector.broadcast %mul3A_10 : i32 to vector<16xi32>
    %mul3A_12 = arith.muli %add3A_9, %mul3A_11 : vector<16xi32>
    %add3A_13 = arith.constant 1 : i32
    %add3A_14 = vector.broadcast %add3A_13 : i32 to vector<16xi32>
    %add3A_15 = arith.addi %mul3A_12, %add3A_14 : vector<16xi32>
    tpu.vector_store_idx %arg5[%add3A_5], %add3A_15 : memref<128xi32, #tpu.memory_space<vmem>>[vector<16xi32>], vector<16xi32>,
    %scan3A_16 = arith.constant 1 : i32
    %mul3A_17 = arith.constant 16 : i32
    %mul3A_18 = arith.muli %scan3A_16, %mul3A_17 : i32
    %add3A_19 = vector.broadcast %mul3A_18 : i32 to vector<16xi32>
    %add3A_20 = arith.addi %add3A_19, %iota3A : vector<16xi32>
    %mul3A_21 = arith.constant 128 : i32
    %mul3A_22 = arith.muli %add3A, %mul3A_21 : i32
    %add3A_23 = vector.broadcast %mul3A_22 : i32 to vector<16xi32>
    %add3A_24 = arith.addi %add3A_23, %add3A_20 : vector<16xi32>
    %mul3A_25 = arith.constant 2 : i32
    %mul3A_26 = vector.broadcast %mul3A_25 : i32 to vector<16xi32>
    %mul3A_27 = arith.muli %add3A_24, %mul3A_26 : vector<16xi32>
    %add3A_28 = arith.constant 1 : i32
    %add3A_29 = vector.broadcast %add3A_28 : i32 to vector<16xi32>
    %add3A_30 = arith.addi %mul3A_27, %add3A_29 : vector<16xi32>
    tpu.vector_store_idx %arg5[%add3A_20], %add3A_30 : memref<128xi32, #tpu.memory_space<vmem>>[vector<16xi32>], vector<16xi32>,
    %scan3A_31 = arith.constant 2 : i32
    %mul3A_32 = arith.constant 16 : i32
    %mul3A_33 = arith.muli %scan3A_31, %mul3A_32 : i32
    %add3A_34 = vector.broadcast %mul3A_33 : i32 to vector<16xi32>
    %add3A_35 = arith.addi %add3A_34, %iota3A : vector<16xi32>
    %mul3A_36 = arith.constant 128 : i32
    %mul3A_37 = arith.muli %add3A, %mul3A_36 : i32
    %add3A_38 = vector.broadcast %mul3A_37 : i32 to vector<16xi32>
    %add3A_39 = arith.addi %add3A_38, %add3A_35 : vector<16xi32>
    %mul3A_40 = arith.constant 2 : i32
    %mul3A_41 = vector.broadcast %mul3A_40 : i32 to vector<16xi32>
    %mul3A_42 = arith.muli %add3A_39, %mul3A_41 : vector<16xi32>
    %add3A_43 = arith.constant 1 : i32
    %add3A_44 = vector.broadcast %add3A_43 : i32 to vector<16xi32>
    %add3A_45 = arith.addi %mul3A_42, %add3A_44 : vector<16xi32>
    tpu.vector_store_idx %arg5[%add3A_35], %add3A_45 : memref<128xi32, #tpu.memory_space<vmem>>[vector<16xi32>], vector<16xi32>,
    %scan3A_46 = arith.constant 3 : i32
    %mul3A_47 = arith.constant 16 : i32
    %mul3A_48 = arith.muli %scan3A_46, %mul3A_47 : i32
    %add3A_49 = vector.broadcast %mul3A_48 : i32 to vector<16xi32>
    %add3A_50 = arith.addi %add3A_49, %iota3A : vector<16xi32>
    %mul3A_51 = arith.constant 128 : i32
    %mul3A_52 = arith.muli %add3A, %mul3A_51 : i32
    %add3A_53 = vector.broadcast %mul3A_52 : i32 to vector<16xi32>
    %add3A_54 = arith.addi %add3A_53, %add3A_50 : vector<16xi32>
    %mul3A_55 = arith.constant 2 : i32
    %mul3A_56 = vector.broadcast %mul3A_55 : i32 to vector<16xi32>
    %mul3A_57 = arith.muli %add3A_54, %mul3A_56 : vector<16xi32>
    %add3A_58 = arith.constant 1 : i32
    %add3A_59 = vector.broadcast %add3A_58 : i32 to vector<16xi32>
    %add3A_60 = arith.addi %mul3A_57, %add3A_59 : vector<16xi32>
    tpu.vector_store_idx %arg5[%add3A_50], %add3A_60 : memref<128xi32, #tpu.memory_space<vmem>>[vector<16xi32>], vector<16xi32>,
    %scan3A_61 = arith.constant 4 : i32
    %mul3A_62 = arith.constant 16 : i32
    %mul3A_63 = arith.muli %scan3A_61, %mul3A_62 : i32
    %add3A_64 = vector.broadcast %mul3A_63 : i32 to vector<16xi32>
    %add3A_65 = arith.addi %add3A_64, %iota3A : vector<16xi32>
    %mul3A_66 = arith.constant 128 : i32
    %mul3A_67 = arith.muli %add3A, %mul3A_66 : i32
    %add3A_68 = vector.broadcast %mul3A_67 : i32 to vector<16xi32>
    %add3A_69 = arith.addi %add3A_68, %add3A_65 : vector<16xi32>
    %mul3A_70 = arith.constant 2 : i32
    %mul3A_71 = vector.broadcast %mul3A_70 : i32 to vector<16xi32>
    %mul3A_72 = arith.muli %add3A_69, %mul3A_71 : vector<16xi32>
    %add3A_73 = arith.constant 1 : i32
    %add3A_74 = vector.broadcast %add3A_73 : i32 to vector<16xi32>
    %add3A_75 = arith.addi %mul3A_72, %add3A_74 : vector<16xi32>
    tpu.vector_store_idx %arg5[%add3A_65], %add3A_75 : memref<128xi32, #tpu.memory_space<vmem>>[vector<16xi32>], vector<16xi32>,
    %scan3A_76 = arith.constant 5 : i32
    %mul3A_77 = arith.constant 16 : i32
    %mul3A_78 = arith.muli %scan3A_76, %mul3A_77 : i32
    %add3A_79 = vector.broadcast %mul3A_78 : i32 to vector<16xi32>
    %add3A_80 = arith.addi %add3A_79, %iota3A : vector<16xi32>
    %mul3A_81 = arith.constant 128 : i32
    %mul3A_82 = arith.muli %add3A, %mul3A_81 : i32
    %add3A_83 = vector.broadcast %mul3A_82 : i32 to vector<16xi32>
    %add3A_84 = arith.addi %add3A_83, %add3A_80 : vector<16xi32>
    %mul3A_85 = arith.constant 2 : i32
    %mul3A_86 = vector.broadcast %mul3A_85 : i32 to vector<16xi32>
    %mul3A_87 = arith.muli %add3A_84, %mul3A_86 : vector<16xi32>
    %add3A_88 = arith.constant 1 : i32
    %add3A_89 = vector.broadcast %add3A_88 : i32 to vector<16xi32>
    %add3A_90 = arith.addi %mul3A_87, %add3A_89 : vector<16xi32>
    tpu.vector_store_idx %arg5[%add3A_80], %add3A_90 : memref<128xi32, #tpu.memory_space<vmem>>[vector<16xi32>], vector<16xi32>,
    %scan3A_91 = arith.constant 6 : i32
    %mul3A_92 = arith.constant 16 : i32
    %mul3A_93 = arith.muli %scan3A_91, %mul3A_92 : i32
    %add3A_94 = vector.broadcast %mul3A_93 : i32 to vector<16xi32>
    %add3A_95 = arith.addi %add3A_94, %iota3A : vector<16xi32>
    %mul3A_96 = arith.constant 128 : i32
    %mul3A_97 = arith.muli %add3A, %mul3A_96 : i32
    %add3A_98 = vector.broadcast %mul3A_97 : i32 to vector<16xi32>
    %add3A_99 = arith.addi %add3A_98, %add3A_95 : vector<16xi32>
    %mul3A_100 = arith.constant 2 : i32
    %mul3A_101 = vector.broadcast %mul3A_100 : i32 to vector<16xi32>
    %mul3A_102 = arith.muli %add3A_99, %mul3A_101 : vector<16xi32>
    %add3A_103 = arith.constant 1 : i32
    %add3A_104 = vector.broadcast %add3A_103 : i32 to vector<16xi32>
    %add3A_105 = arith.addi %mul3A_102, %add3A_104 : vector<16xi32>
    tpu.vector_store_idx %arg5[%add3A_95], %add3A_105 : memref<128xi32, #tpu.memory_space<vmem>>[vector<16xi32>], vector<16xi32>,
    %scan3A_106 = arith.constant 7 : i32
    %mul3A_107 = arith.constant 16 : i32
    %mul3A_108 = arith.muli %scan3A_106, %mul3A_107 : i32
    %add3A_109 = vector.broadcast %mul3A_108 : i32 to vector<16xi32>
    %add3A_110 = arith.addi %add3A_109, %iota3A : vector<16xi32>
    %mul3A_111 = arith.constant 128 : i32
    %mul3A_112 = arith.muli %add3A, %mul3A_111 : i32
    %add3A_113 = vector.broadcast %mul3A_112 : i32 to vector<16xi32>
    %add3A_114 = arith.addi %add3A_113, %add3A_110 : vector<16xi32>
    %mul3A_115 = arith.constant 2 : i32
    %mul3A_116 = vector.broadcast %mul3A_115 : i32 to vector<16xi32>
    %mul3A_117 = arith.muli %add3A_114, %mul3A_116 : vector<16xi32>
    %add3A_118 = arith.constant 1 : i32
    %add3A_119 = vector.broadcast %add3A_118 : i32 to vector<16xi32>
    %add3A_120 = arith.addi %mul3A_117, %add3A_119 : vector<16xi32>
    tpu.vector_store_idx %arg5[%add3A_110], %add3A_120 : memref<128xi32, #tpu.memory_space<vmem>>[vector<16xi32>], vector<16xi32>,
    %scan3A_121 = arith.constant 8 : i32
    %dma_start3A = arith.constant 0 : i32
    %dma_start3A_122 = arith.constant 0 : i32
    %dma_start3A_123 = tpu.memref_slice %arg2[%dma_start3A, %dma_start3A_122] : memref<16384x768xf32, #tpu.memory_space<hbm>> -> memref<16384x768xf32, #tpu.memory_space<hbm>>
    tpu.enqueue_indirect_dma source(%dma_start3A_123 : memref<16384x768xf32, #tpu.memory_space<hbm>>) target(%arg6 : memref<128x768xf32, #tpu.memory_space<vmem>>) offsets(%arg5 : memref<128xi32, #tpu.memory_space<vmem>>) semaphore(%arg7 : memref<!tpu.dma_semaphore, #tpu.memory_space<semaphore_mem>>)
    %dma_wait3A = arith.constant 0 : i32
    %dma_wait3A_124 = arith.constant 0 : i32
    %dma_wait3A_125 = tpu.memref_slice %arg2[%dma_wait3A, %dma_wait3A_124] : memref<16384x768xf32, #tpu.memory_space<hbm>> -> memref<16384x768xf32, #tpu.memory_space<hbm>>
    tpu.wait_indirect_dma semaphore(%arg7 : memref<!tpu.dma_semaphore, #tpu.memory_space<semaphore_mem>>) src(%dma_wait3A_125 : memref<16384x768xf32, #tpu.memory_space<hbm>>) dst(%arg6 : memref<128x768xf32, #tpu.memory_space<vmem>>)
    %scan3A_126 = arith.constant 0 : i32
    %scan3A_127 = arith.constant 0 : i32
    %mul3A_128 = arith.constant 16 : i32
    %mul3A_129 = arith.muli %scan3A_127, %mul3A_128 : i32
    %add3A_130 = vector.broadcast %mul3A_129 : i32 to vector<16xi32>
    %add3A_131 = arith.addi %add3A_130, %iota3A : vector<16xi32>
    %mul3A_132 = arith.constant 128 : i32
    %mul3A_133 = arith.muli %add3A, %mul3A_132 : i32
    %add3A_134 = arith.constant 3687 : i32
    %add3A_135 = arith.addi %add3A_134, %mul3A_133 : i32
    %add3A_136 = vector.broadcast %add3A_135 : i32 to vector<16xi32>
    %add3A_137 = arith.addi %add3A_136, %add3A_131 : vector<16xi32>
    tpu.vector_store_idx %arg5[%add3A_131], %add3A_137 : memref<128xi32, #tpu.memory_space<vmem>>[vector<16xi32>], vector<16xi32>,
    %scan3A_138 = arith.constant 1 : i32
    %mul3A_139 = arith.constant 16 : i32
    %mul3A_140 = arith.muli %scan3A_138, %mul3A_139 : i32
    %add3A_141 = vector.broadcast %mul3A_140 : i32 to vector<16xi32>
    %add3A_142 = arith.addi %add3A_141, %iota3A : vector<16xi32>
    %mul3A_143 = arith.constant 128 : i32
    %mul3A_144 = arith.muli %add3A, %mul3A_143 : i32
    %add3A_145 = arith.constant 3687 : i32
    %add3A_146 = arith.addi %add3A_145, %mul3A_144 : i32
    %add3A_147 = vector.broadcast %add3A_146 : i32 to vector<16xi32>
    %add3A_148 = arith.addi %add3A_147, %add3A_142 : vector<16xi32>
    tpu.vector_store_idx %arg5[%add3A_142], %add3A_148 : memref<128xi32, #tpu.memory_space<vmem>>[vector<16xi32>], vector<16xi32>,
    %scan3A_149 = arith.constant 2 : i32
    %mul3A_150 = arith.constant 16 : i32
    %mul3A_151 = arith.muli %scan3A_149, %mul3A_150 : i32
    %add3A_152 = vector.broadcast %mul3A_151 : i32 to vector<16xi32>
    %add3A_153 = arith.addi %add3A_152, %iota3A : vector<16xi32>
    %mul3A_154 = arith.constant 128 : i32
    %mul3A_155 = arith.muli %add3A, %mul3A_154 : i32
    %add3A_156 = arith.constant 3687 : i32
    %add3A_157 = arith.addi %add3A_156, %mul3A_155 : i32
    %add3A_158 = vector.broadcast %add3A_157 : i32 to vector<16xi32>
    %add3A_159 = arith.addi %add3A_158, %add3A_153 : vector<16xi32>
    tpu.vector_store_idx %arg5[%add3A_153], %add3A_159 : memref<128xi32, #tpu.memory_space<vmem>>[vector<16xi32>], vector<16xi32>,
    %scan3A_160 = arith.constant 3 : i32
    %mul3A_161 = arith.constant 16 : i32
    %mul3A_162 = arith.muli %scan3A_160, %mul3A_161 : i32
    %add3A_163 = vector.broadcast %mul3A_162 : i32 to vector<16xi32>
    %add3A_164 = arith.addi %add3A_163, %iota3A : vector<16xi32>
    %mul3A_165 = arith.constant 128 : i32
    %mul3A_166 = arith.muli %add3A, %mul3A_165 : i32
    %add3A_167 = arith.constant 3687 : i32
    %add3A_168 = arith.addi %add3A_167, %mul3A_166 : i32
    %add3A_169 = vector.broadcast %add3A_168 : i32 to vector<16xi32>
    %add3A_170 = arith.addi %add3A_169, %add3A_164 : vector<16xi32>
    tpu.vector_store_idx %arg5[%add3A_164], %add3A_170 : memref<128xi32, #tpu.memory_space<vmem>>[vector<16xi32>], vector<16xi32>,
    %scan3A_171 = arith.constant 4 : i32
    %mul3A_172 = arith.constant 16 : i32
    %mul3A_173 = arith.muli %scan3A_171, %mul3A_172 : i32
    %add3A_174 = vector.broadcast %mul3A_173 : i32 to vector<16xi32>
    %add3A_175 = arith.addi %add3A_174, %iota3A : vector<16xi32>
    %mul3A_176 = arith.constant 128 : i32
    %mul3A_177 = arith.muli %add3A, %mul3A_176 : i32
    %add3A_178 = arith.constant 3687 : i32
    %add3A_179 = arith.addi %add3A_178, %mul3A_177 : i32
    %add3A_180 = vector.broadcast %add3A_179 : i32 to vector<16xi32>
    %add3A_181 = arith.addi %add3A_180, %add3A_175 : vector<16xi32>
    tpu.vector_store_idx %arg5[%add3A_175], %add3A_181 : memref<128xi32, #tpu.memory_space<vmem>>[vector<16xi32>], vector<16xi32>,
    %scan3A_182 = arith.constant 5 : i32
    %mul3A_183 = arith.constant 16 : i32
    %mul3A_184 = arith.muli %scan3A_182, %mul3A_183 : i32
    %add3A_185 = vector.broadcast %mul3A_184 : i32 to vector<16xi32>
    %add3A_186 = arith.addi %add3A_185, %iota3A : vector<16xi32>
    %mul3A_187 = arith.constant 128 : i32
    %mul3A_188 = arith.muli %add3A, %mul3A_187 : i32
    %add3A_189 = arith.constant 3687 : i32
    %add3A_190 = arith.addi %add3A_189, %mul3A_188 : i32
    %add3A_191 = vector.broadcast %add3A_190 : i32 to vector<16xi32>
    %add3A_192 = arith.addi %add3A_191, %add3A_186 : vector<16xi32>
    tpu.vector_store_idx %arg5[%add3A_186], %add3A_192 : memref<128xi32, #tpu.memory_space<vmem>>[vector<16xi32>], vector<16xi32>,
    %scan3A_193 = arith.constant 6 : i32
    %mul3A_194 = arith.constant 16 : i32
    %mul3A_195 = arith.muli %scan3A_193, %mul3A_194 : i32
    %add3A_196 = vector.broadcast %mul3A_195 : i32 to vector<16xi32>
    %add3A_197 = arith.addi %add3A_196, %iota3A : vector<16xi32>
    %mul3A_198 = arith.constant 128 : i32
    %mul3A_199 = arith.muli %add3A, %mul3A_198 : i32
    %add3A_200 = arith.constant 3687 : i32
    %add3A_201 = arith.addi %add3A_200, %mul3A_199 : i32
    %add3A_202 = vector.broadcast %add3A_201 : i32 to vector<16xi32>
    %add3A_203 = arith.addi %add3A_202, %add3A_197 : vector<16xi32>
    tpu.vector_store_idx %arg5[%add3A_197], %add3A_203 : memref<128xi32, #tpu.memory_space<vmem>>[vector<16xi32>], vector<16xi32>,
    %scan3A_204 = arith.constant 7 : i32
    %mul3A_205 = arith.constant 16 : i32
    %mul3A_206 = arith.muli %scan3A_204, %mul3A_205 : i32
    %add3A_207 = vector.broadcast %mul3A_206 : i32 to vector<16xi32>
    %add3A_208 = arith.addi %add3A_207, %iota3A : vector<16xi32>
    %mul3A_209 = arith.constant 128 : i32
    %mul3A_210 = arith.muli %add3A, %mul3A_209 : i32
    %add3A_211 = arith.constant 3687 : i32
    %add3A_212 = arith.addi %add3A_211, %mul3A_210 : i32
    %add3A_213 = vector.broadcast %add3A_212 : i32 to vector<16xi32>
    %add3A_214 = arith.addi %add3A_213, %add3A_208 : vector<16xi32>
    tpu.vector_store_idx %arg5[%add3A_208], %add3A_214 : memref<128xi32, #tpu.memory_space<vmem>>[vector<16xi32>], vector<16xi32>,
    %scan3A_215 = arith.constant 8 : i32
    %dma_start3A_216 = arith.constant 0 : i32
    %dma_start3A_217 = arith.constant 0 : i32
    %dma_start3A_218 = tpu.memref_slice %arg3[%dma_start3A_216, %dma_start3A_217] : memref<15566x768xf32, #tpu.memory_space<hbm>> -> memref<15566x768xf32, #tpu.memory_space<hbm>>
    tpu.enqueue_indirect_dma source(%arg6 : memref<128x768xf32, #tpu.memory_space<vmem>>) target(%dma_start3A_218 : memref<15566x768xf32, #tpu.memory_space<hbm>>) offsets(%arg5 : memref<128xi32, #tpu.memory_space<vmem>>) semaphore(%arg7 : memref<!tpu.dma_semaphore, #tpu.memory_space<semaphore_mem>>)
    %dma_wait3A_219 = arith.constant 0 : i32
    %dma_wait3A_220 = arith.constant 0 : i32
    %dma_wait3A_221 = tpu.memref_slice %arg3[%dma_wait3A_219, %dma_wait3A_220] : memref<15566x768xf32, #tpu.memory_space<hbm>> -> memref<15566x768xf32, #tpu.memory_space<hbm>>
    tpu.wait_indirect_dma semaphore(%arg7 : memref<!tpu.dma_semaphore, #tpu.memory_space<semaphore_mem>>) src(%arg6 : memref<128x768xf32, #tpu.memory_space<vmem>>) dst(%dma_wait3A_221 : memref<15566x768xf32, #tpu.memory_space<hbm>>)
    %scan3A_222 = arith.constant 0 : i32
    %scan3A_223 = arith.constant 0 : i32
    %mul3A_224 = arith.constant 16 : i32
    %mul3A_225 = arith.muli %scan3A_223, %mul3A_224 : i32
    %add3A_226 = vector.broadcast %mul3A_225 : i32 to vector<16xi32>
    %add3A_227 = arith.addi %add3A_226, %iota3A : vector<16xi32>
    %mul3A_228 = arith.constant 128 : i32
    %mul3A_229 = arith.muli %add3A, %mul3A_228 : i32
    %add3A_230 = vector.broadcast %mul3A_229 : i32 to vector<16xi32>
    %add3A_231 = arith.addi %add3A_230, %add3A_227 : vector<16xi32>
    %mul3A_232 = arith.constant 2 : i32
    %mul3A_233 = vector.broadcast %mul3A_232 : i32 to vector<16xi32>
    %mul3A_234 = arith.muli %add3A_231, %mul3A_233 : vector<16xi32>
    %add3A_235 = arith.constant 8193 : i32
    %add3A_236 = vector.broadcast %add3A_235 : i32 to vector<16xi32>
    %add3A_237 = arith.addi %mul3A_234, %add3A_236 : vector<16xi32>
    tpu.vector_store_idx %arg5[%add3A_227], %add3A_237 : memref<128xi32, #tpu.memory_space<vmem>>[vector<16xi32>], vector<16xi32>,
    %scan3A_238 = arith.constant 1 : i32
    %mul3A_239 = arith.constant 16 : i32
    %mul3A_240 = arith.muli %scan3A_238, %mul3A_239 : i32
    %add3A_241 = vector.broadcast %mul3A_240 : i32 to vector<16xi32>
    %add3A_242 = arith.addi %add3A_241, %iota3A : vector<16xi32>
    %mul3A_243 = arith.constant 128 : i32
    %mul3A_244 = arith.muli %add3A, %mul3A_243 : i32
    %add3A_245 = vector.broadcast %mul3A_244 : i32 to vector<16xi32>
    %add3A_246 = arith.addi %add3A_245, %add3A_242 : vector<16xi32>
    %mul3A_247 = arith.constant 2 : i32
    %mul3A_248 = vector.broadcast %mul3A_247 : i32 to vector<16xi32>
    %mul3A_249 = arith.muli %add3A_246, %mul3A_248 : vector<16xi32>
    %add3A_250 = arith.constant 8193 : i32
    %add3A_251 = vector.broadcast %add3A_250 : i32 to vector<16xi32>
    %add3A_252 = arith.addi %mul3A_249, %add3A_251 : vector<16xi32>
    tpu.vector_store_idx %arg5[%add3A_242], %add3A_252 : memref<128xi32, #tpu.memory_space<vmem>>[vector<16xi32>], vector<16xi32>,
    %scan3A_253 = arith.constant 2 : i32
    %mul3A_254 = arith.constant 16 : i32
    %mul3A_255 = arith.muli %scan3A_253, %mul3A_254 : i32
    %add3A_256 = vector.broadcast %mul3A_255 : i32 to vector<16xi32>
    %add3A_257 = arith.addi %add3A_256, %iota3A : vector<16xi32>
    %mul3A_258 = arith.constant 128 : i32
    %mul3A_259 = arith.muli %add3A, %mul3A_258 : i32
    %add3A_260 = vector.broadcast %mul3A_259 : i32 to vector<16xi32>
    %add3A_261 = arith.addi %add3A_260, %add3A_257 : vector<16xi32>
    %mul3A_262 = arith.constant 2 : i32
    %mul3A_263 = vector.broadcast %mul3A_262 : i32 to vector<16xi32>
    %mul3A_264 = arith.muli %add3A_261, %mul3A_263 : vector<16xi32>
    %add3A_265 = arith.constant 8193 : i32
    %add3A_266 = vector.broadcast %add3A_265 : i32 to vector<16xi32>
    %add3A_267 = arith.addi %mul3A_264, %add3A_266 : vector<16xi32>
    tpu.vector_store_idx %arg5[%add3A_257], %add3A_267 : memref<128xi32, #tpu.memory_space<vmem>>[vector<16xi32>], vector<16xi32>,
    %scan3A_268 = arith.constant 3 : i32
    %mul3A_269 = arith.constant 16 : i32
    %mul3A_270 = arith.muli %scan3A_268, %mul3A_269 : i32
    %add3A_271 = vector.broadcast %mul3A_270 : i32 to vector<16xi32>
    %add3A_272 = arith.addi %add3A_271, %iota3A : vector<16xi32>
    %mul3A_273 = arith.constant 128 : i32
    %mul3A_274 = arith.muli %add3A, %mul3A_273 : i32
    %add3A_275 = vector.broadcast %mul3A_274 : i32 to vector<16xi32>
    %add3A_276 = arith.addi %add3A_275, %add3A_272 : vector<16xi32>
    %mul3A_277 = arith.constant 2 : i32
    %mul3A_278 = vector.broadcast %mul3A_277 : i32 to vector<16xi32>
    %mul3A_279 = arith.muli %add3A_276, %mul3A_278 : vector<16xi32>
    %add3A_280 = arith.constant 8193 : i32
    %add3A_281 = vector.broadcast %add3A_280 : i32 to vector<16xi32>
    %add3A_282 = arith.addi %mul3A_279, %add3A_281 : vector<16xi32>
    tpu.vector_store_idx %arg5[%add3A_272], %add3A_282 : memref<128xi32, #tpu.memory_space<vmem>>[vector<16xi32>], vector<16xi32>,
    %scan3A_283 = arith.constant 4 : i32
    %mul3A_284 = arith.constant 16 : i32
    %mul3A_285 = arith.muli %scan3A_283, %mul3A_284 : i32
    %add3A_286 = vector.broadcast %mul3A_285 : i32 to vector<16xi32>
    %add3A_287 = arith.addi %add3A_286, %iota3A : vector<16xi32>
    %mul3A_288 = arith.constant 128 : i32
    %mul3A_289 = arith.muli %add3A, %mul3A_288 : i32
    %add3A_290 = vector.broadcast %mul3A_289 : i32 to vector<16xi32>
    %add3A_291 = arith.addi %add3A_290, %add3A_287 : vector<16xi32>
    %mul3A_292 = arith.constant 2 : i32
    %mul3A_293 = vector.broadcast %mul3A_292 : i32 to vector<16xi32>
    %mul3A_294 = arith.muli %add3A_291, %mul3A_293 : vector<16xi32>
    %add3A_295 = arith.constant 8193 : i32
    %add3A_296 = vector.broadcast %add3A_295 : i32 to vector<16xi32>
    %add3A_297 = arith.addi %mul3A_294, %add3A_296 : vector<16xi32>
    tpu.vector_store_idx %arg5[%add3A_287], %add3A_297 : memref<128xi32, #tpu.memory_space<vmem>>[vector<16xi32>], vector<16xi32>,
    %scan3A_298 = arith.constant 5 : i32
    %mul3A_299 = arith.constant 16 : i32
    %mul3A_300 = arith.muli %scan3A_298, %mul3A_299 : i32
    %add3A_301 = vector.broadcast %mul3A_300 : i32 to vector<16xi32>
    %add3A_302 = arith.addi %add3A_301, %iota3A : vector<16xi32>
    %mul3A_303 = arith.constant 128 : i32
    %mul3A_304 = arith.muli %add3A, %mul3A_303 : i32
    %add3A_305 = vector.broadcast %mul3A_304 : i32 to vector<16xi32>
    %add3A_306 = arith.addi %add3A_305, %add3A_302 : vector<16xi32>
    %mul3A_307 = arith.constant 2 : i32
    %mul3A_308 = vector.broadcast %mul3A_307 : i32 to vector<16xi32>
    %mul3A_309 = arith.muli %add3A_306, %mul3A_308 : vector<16xi32>
    %add3A_310 = arith.constant 8193 : i32
    %add3A_311 = vector.broadcast %add3A_310 : i32 to vector<16xi32>
    %add3A_312 = arith.addi %mul3A_309, %add3A_311 : vector<16xi32>
    tpu.vector_store_idx %arg5[%add3A_302], %add3A_312 : memref<128xi32, #tpu.memory_space<vmem>>[vector<16xi32>], vector<16xi32>,
    %scan3A_313 = arith.constant 6 : i32
    %mul3A_314 = arith.constant 16 : i32
    %mul3A_315 = arith.muli %scan3A_313, %mul3A_314 : i32
    %add3A_316 = vector.broadcast %mul3A_315 : i32 to vector<16xi32>
    %add3A_317 = arith.addi %add3A_316, %iota3A : vector<16xi32>
    %mul3A_318 = arith.constant 128 : i32
    %mul3A_319 = arith.muli %add3A, %mul3A_318 : i32
    %add3A_320 = vector.broadcast %mul3A_319 : i32 to vector<16xi32>
    %add3A_321 = arith.addi %add3A_320, %add3A_317 : vector<16xi32>
    %mul3A_322 = arith.constant 2 : i32
    %mul3A_323 = vector.broadcast %mul3A_322 : i32 to vector<16xi32>
    %mul3A_324 = arith.muli %add3A_321, %mul3A_323 : vector<16xi32>
    %add3A_325 = arith.constant 8193 : i32
    %add3A_326 = vector.broadcast %add3A_325 : i32 to vector<16xi32>
    %add3A_327 = arith.addi %mul3A_324, %add3A_326 : vector<16xi32>
    tpu.vector_store_idx %arg5[%add3A_317], %add3A_327 : memref<128xi32, #tpu.memory_space<vmem>>[vector<16xi32>], vector<16xi32>,
    %scan3A_328 = arith.constant 7 : i32
    %mul3A_329 = arith.constant 16 : i32
    %mul3A_330 = arith.muli %scan3A_328, %mul3A_329 : i32
    %add3A_331 = vector.broadcast %mul3A_330 : i32 to vector<16xi32>
    %add3A_332 = arith.addi %add3A_331, %iota3A : vector<16xi32>
    %mul3A_333 = arith.constant 128 : i32
    %mul3A_334 = arith.muli %add3A, %mul3A_333 : i32
    %add3A_335 = vector.broadcast %mul3A_334 : i32 to vector<16xi32>
    %add3A_336 = arith.addi %add3A_335, %add3A_332 : vector<16xi32>
    %mul3A_337 = arith.constant 2 : i32
    %mul3A_338 = vector.broadcast %mul3A_337 : i32 to vector<16xi32>
    %mul3A_339 = arith.muli %add3A_336, %mul3A_338 : vector<16xi32>
    %add3A_340 = arith.constant 8193 : i32
    %add3A_341 = vector.broadcast %add3A_340 : i32 to vector<16xi32>
    %add3A_342 = arith.addi %mul3A_339, %add3A_341 : vector<16xi32>
    tpu.vector_store_idx %arg5[%add3A_332], %add3A_342 : memref<128xi32, #tpu.memory_space<vmem>>[vector<16xi32>], vector<16xi32>,
    %scan3A_343 = arith.constant 8 : i32
    %dma_start3A_344 = arith.constant 0 : i32
    %dma_start3A_345 = arith.constant 0 : i32
    %dma_start3A_346 = tpu.memref_slice %arg2[%dma_start3A_344, %dma_start3A_345] : memref<16384x768xf32, #tpu.memory_space<hbm>> -> memref<16384x768xf32, #tpu.memory_space<hbm>>
    tpu.enqueue_indirect_dma source(%dma_start3A_346 : memref<16384x768xf32, #tpu.memory_space<hbm>>) target(%arg6 : memref<128x768xf32, #tpu.memory_space<vmem>>) offsets(%arg5 : memref<128xi32, #tpu.memory_space<vmem>>) semaphore(%arg7 : memref<!tpu.dma_semaphore, #tpu.memory_space<semaphore_mem>>)
    %dma_wait3A_347 = arith.constant 0 : i32
    %dma_wait3A_348 = arith.constant 0 : i32
    %dma_wait3A_349 = tpu.memref_slice %arg2[%dma_wait3A_347, %dma_wait3A_348] : memref<16384x768xf32, #tpu.memory_space<hbm>> -> memref<16384x768xf32, #tpu.memory_space<hbm>>
    tpu.wait_indirect_dma semaphore(%arg7 : memref<!tpu.dma_semaphore, #tpu.memory_space<semaphore_mem>>) src(%dma_wait3A_349 : memref<16384x768xf32, #tpu.memory_space<hbm>>) dst(%arg6 : memref<128x768xf32, #tpu.memory_space<vmem>>)
    %scan3A_350 = arith.constant 0 : i32
    %scan3A_351 = arith.constant 0 : i32
    %mul3A_352 = arith.constant 16 : i32
    %mul3A_353 = arith.muli %scan3A_351, %mul3A_352 : i32
    %add3A_354 = vector.broadcast %mul3A_353 : i32 to vector<16xi32>
    %add3A_355 = arith.addi %add3A_354, %iota3A : vector<16xi32>
    %mul3A_356 = arith.constant 128 : i32
    %mul3A_357 = arith.muli %add3A, %mul3A_356 : i32
    %add3A_358 = arith.constant 11470 : i32
    %add3A_359 = arith.addi %add3A_358, %mul3A_357 : i32
    %add3A_360 = vector.broadcast %add3A_359 : i32 to vector<16xi32>
    %add3A_361 = arith.addi %add3A_360, %add3A_355 : vector<16xi32>
    tpu.vector_store_idx %arg5[%add3A_355], %add3A_361 : memref<128xi32, #tpu.memory_space<vmem>>[vector<16xi32>], vector<16xi32>,
    %scan3A_362 = arith.constant 1 : i32
    %mul3A_363 = arith.constant 16 : i32
    %mul3A_364 = arith.muli %scan3A_362, %mul3A_363 : i32
    %add3A_365 = vector.broadcast %mul3A_364 : i32 to vector<16xi32>
    %add3A_366 = arith.addi %add3A_365, %iota3A : vector<16xi32>
    %mul3A_367 = arith.constant 128 : i32
    %mul3A_368 = arith.muli %add3A, %mul3A_367 : i32
    %add3A_369 = arith.constant 11470 : i32
    %add3A_370 = arith.addi %add3A_369, %mul3A_368 : i32
    %add3A_371 = vector.broadcast %add3A_370 : i32 to vector<16xi32>
    %add3A_372 = arith.addi %add3A_371, %add3A_366 : vector<16xi32>
    tpu.vector_store_idx %arg5[%add3A_366], %add3A_372 : memref<128xi32, #tpu.memory_space<vmem>>[vector<16xi32>], vector<16xi32>,
    %scan3A_373 = arith.constant 2 : i32
    %mul3A_374 = arith.constant 16 : i32
    %mul3A_375 = arith.muli %scan3A_373, %mul3A_374 : i32
    %add3A_376 = vector.broadcast %mul3A_375 : i32 to vector<16xi32>
    %add3A_377 = arith.addi %add3A_376, %iota3A : vector<16xi32>
    %mul3A_378 = arith.constant 128 : i32
    %mul3A_379 = arith.muli %add3A, %mul3A_378 : i32
    %add3A_380 = arith.constant 11470 : i32
    %add3A_381 = arith.addi %add3A_380, %mul3A_379 : i32
    %add3A_382 = vector.broadcast %add3A_381 : i32 to vector<16xi32>
    %add3A_383 = arith.addi %add3A_382, %add3A_377 : vector<16xi32>
    tpu.vector_store_idx %arg5[%add3A_377], %add3A_383 : memref<128xi32, #tpu.memory_space<vmem>>[vector<16xi32>], vector<16xi32>,
    %scan3A_384 = arith.constant 3 : i32
    %mul3A_385 = arith.constant 16 : i32
    %mul3A_386 = arith.muli %scan3A_384, %mul3A_385 : i32
    %add3A_387 = vector.broadcast %mul3A_386 : i32 to vector<16xi32>
    %add3A_388 = arith.addi %add3A_387, %iota3A : vector<16xi32>
    %mul3A_389 = arith.constant 128 : i32
    %mul3A_390 = arith.muli %add3A, %mul3A_389 : i32
    %add3A_391 = arith.constant 11470 : i32
    %add3A_392 = arith.addi %add3A_391, %mul3A_390 : i32
    %add3A_393 = vector.broadcast %add3A_392 : i32 to vector<16xi32>
    %add3A_394 = arith.addi %add3A_393, %add3A_388 : vector<16xi32>
    tpu.vector_store_idx %arg5[%add3A_388], %add3A_394 : memref<128xi32, #tpu.memory_space<vmem>>[vector<16xi32>], vector<16xi32>,
    %scan3A_395 = arith.constant 4 : i32
    %mul3A_396 = arith.constant 16 : i32
    %mul3A_397 = arith.muli %scan3A_395, %mul3A_396 : i32
    %add3A_398 = vector.broadcast %mul3A_397 : i32 to vector<16xi32>
    %add3A_399 = arith.addi %add3A_398, %iota3A : vector<16xi32>
    %mul3A_400 = arith.constant 128 : i32
    %mul3A_401 = arith.muli %add3A, %mul3A_400 : i32
    %add3A_402 = arith.constant 11470 : i32
    %add3A_403 = arith.addi %add3A_402, %mul3A_401 : i32
    %add3A_404 = vector.broadcast %add3A_403 : i32 to vector<16xi32>
    %add3A_405 = arith.addi %add3A_404, %add3A_399 : vector<16xi32>
    tpu.vector_store_idx %arg5[%add3A_399], %add3A_405 : memref<128xi32, #tpu.memory_space<vmem>>[vector<16xi32>], vector<16xi32>,
    %scan3A_406 = arith.constant 5 : i32
    %mul3A_407 = arith.constant 16 : i32
    %mul3A_408 = arith.muli %scan3A_406, %mul3A_407 : i32
    %add3A_409 = vector.broadcast %mul3A_408 : i32 to vector<16xi32>
    %add3A_410 = arith.addi %add3A_409, %iota3A : vector<16xi32>
    %mul3A_411 = arith.constant 128 : i32
    %mul3A_412 = arith.muli %add3A, %mul3A_411 : i32
    %add3A_413 = arith.constant 11470 : i32
    %add3A_414 = arith.addi %add3A_413, %mul3A_412 : i32
    %add3A_415 = vector.broadcast %add3A_414 : i32 to vector<16xi32>
    %add3A_416 = arith.addi %add3A_415, %add3A_410 : vector<16xi32>
    tpu.vector_store_idx %arg5[%add3A_410], %add3A_416 : memref<128xi32, #tpu.memory_space<vmem>>[vector<16xi32>], vector<16xi32>,
    %scan3A_417 = arith.constant 6 : i32
    %mul3A_418 = arith.constant 16 : i32
    %mul3A_419 = arith.muli %scan3A_417, %mul3A_418 : i32
    %add3A_420 = vector.broadcast %mul3A_419 : i32 to vector<16xi32>
    %add3A_421 = arith.addi %add3A_420, %iota3A : vector<16xi32>
    %mul3A_422 = arith.constant 128 : i32
    %mul3A_423 = arith.muli %add3A, %mul3A_422 : i32
    %add3A_424 = arith.constant 11470 : i32
    %add3A_425 = arith.addi %add3A_424, %mul3A_423 : i32
    %add3A_426 = vector.broadcast %add3A_425 : i32 to vector<16xi32>
    %add3A_427 = arith.addi %add3A_426, %add3A_421 : vector<16xi32>
    tpu.vector_store_idx %arg5[%add3A_421], %add3A_427 : memref<128xi32, #tpu.memory_space<vmem>>[vector<16xi32>], vector<16xi32>,
    %scan3A_428 = arith.constant 7 : i32
    %mul3A_429 = arith.constant 16 : i32
    %mul3A_430 = arith.muli %scan3A_428, %mul3A_429 : i32
    %add3A_431 = vector.broadcast %mul3A_430 : i32 to vector<16xi32>
    %add3A_432 = arith.addi %add3A_431, %iota3A : vector<16xi32>
    %mul3A_433 = arith.constant 128 : i32
    %mul3A_434 = arith.muli %add3A, %mul3A_433 : i32
    %add3A_435 = arith.constant 11470 : i32
    %add3A_436 = arith.addi %add3A_435, %mul3A_434 : i32
    %add3A_437 = vector.broadcast %add3A_436 : i32 to vector<16xi32>
    %add3A_438 = arith.addi %add3A_437, %add3A_432 : vector<16xi32>
    tpu.vector_store_idx %arg5[%add3A_432], %add3A_438 : memref<128xi32, #tpu.memory_space<vmem>>[vector<16xi32>], vector<16xi32>,
    %scan3A_439 = arith.constant 8 : i32
    %dma_start3A_440 = arith.constant 0 : i32
    %dma_start3A_441 = arith.constant 0 : i32
    %dma_start3A_442 = tpu.memref_slice %arg3[%dma_start3A_440, %dma_start3A_441] : memref<15566x768xf32, #tpu.memory_space<hbm>> -> memref<15566x768xf32, #tpu.memory_space<hbm>>
    tpu.enqueue_indirect_dma source(%arg6 : memref<128x768xf32, #tpu.memory_space<vmem>>) target(%dma_start3A_442 : memref<15566x768xf32, #tpu.memory_space<hbm>>) offsets(%arg5 : memref<128xi32, #tpu.memory_space<vmem>>) semaphore(%arg7 : memref<!tpu.dma_semaphore, #tpu.memory_space<semaphore_mem>>)
    %dma_wait3A_443 = arith.constant 0 : i32
    %dma_wait3A_444 = arith.constant 0 : i32
    %dma_wait3A_445 = tpu.memref_slice %arg3[%dma_wait3A_443, %dma_wait3A_444] : memref<15566x768xf32, #tpu.memory_space<hbm>> -> memref<15566x768xf32, #tpu.memory_space<hbm>>
    tpu.wait_indirect_dma semaphore(%arg7 : memref<!tpu.dma_semaphore, #tpu.memory_space<semaphore_mem>>) src(%arg6 : memref<128x768xf32, #tpu.memory_space<vmem>>) dst(%dma_wait3A_445 : memref<15566x768xf32, #tpu.memory_space<hbm>>)
    return
  }
}

module attributes {stable_mosaic.version = 14 : i64} {
  func.func @body(%arg0: i32, %arg1: i32, %arg2: memref<1x1024x768xf32, #tpu.memory_space<vmem>>, %arg3: memref<1x512x768xf32, #tpu.memory_space<vmem>>, %arg4: memref<1x512x768xf32, #tpu.memory_space<vmem>>) attributes {dimension_semantics = [#tpu.dimension_semantics<arbitrary>, #tpu.dimension_semantics<arbitrary>], iteration_bounds = array<i64: 2, 8>, scalar_prefetch = 0 : i64, scratch_operands = 0 : i64, tpu.core_type = #tpu.core_type<tc>, window_params = [{transform_indices = @transform_0, window_bounds = array<i64: 1, 1024, 768>}, {transform_indices = @transform_1, window_bounds = array<i64: 1, 512, 768>}, {transform_indices = @transform_2, window_bounds = array<i64: 1, 512, 768>}]} {
    %get3A = arith.constant 0 : index
    %get3A_0 = arith.constant 0 : index
    %get3A_1 = arith.constant 0 : index
    %get3A_2 = vector.load %arg2[%get3A, %get3A_0, %get3A_1] : memref<1x1024x768xf32, #tpu.memory_space<vmem>>, vector<1x1024x768xf32>
    %get3A_3 = vector.shape_cast %get3A_2 : vector<1x1024x768xf32> to vector<1024x768xf32>
    %reshape3A = vector.shape_cast %get3A_3 : vector<1024x768xf32> to vector<512x2x768xf32>
    %slice3A = vector.extract_strided_slice %reshape3A {offsets = [0, 0, 0], sizes = [512, 1, 768], strides = [1, 1, 1]} : vector<512x2x768xf32> to vector<512x1x768xf32>
    %squeeze3A = vector.shape_cast %slice3A : vector<512x1x768xf32> to vector<512x768xf32>
    %swap3A = arith.constant 0 : index
    %swap3A_4 = arith.constant 0 : index
    %swap3A_5 = arith.constant 0 : index
    %swap3A_6 = vector.load %arg3[%swap3A, %swap3A_4, %swap3A_5] : memref<1x512x768xf32, #tpu.memory_space<vmem>>, vector<1x512x768xf32>
    %swap3A_7 = vector.shape_cast %swap3A_6 : vector<1x512x768xf32> to vector<512x768xf32>
    %swap3A_8 = vector.shape_cast %squeeze3A : vector<512x768xf32> to vector<1x512x768xf32>
    tpu.vector_store %arg3[%swap3A, %swap3A_4, %swap3A_5], %swap3A_8 {strides = array<i32>} : memref<1x512x768xf32, #tpu.memory_space<vmem>>, vector<1x512x768xf32>,
    %slice3A_9 = vector.extract_strided_slice %reshape3A {offsets = [0, 1, 0], sizes = [512, 1, 768], strides = [1, 1, 1]} : vector<512x2x768xf32> to vector<512x1x768xf32>
    %squeeze3A_10 = vector.shape_cast %slice3A_9 : vector<512x1x768xf32> to vector<512x768xf32>
    %swap3A_11 = arith.constant 0 : index
    %swap3A_12 = arith.constant 0 : index
    %swap3A_13 = arith.constant 0 : index
    %swap3A_14 = vector.load %arg4[%swap3A_11, %swap3A_12, %swap3A_13] : memref<1x512x768xf32, #tpu.memory_space<vmem>>, vector<1x512x768xf32>
    %swap3A_15 = vector.shape_cast %swap3A_14 : vector<1x512x768xf32> to vector<512x768xf32>
    %swap3A_16 = vector.shape_cast %squeeze3A_10 : vector<512x768xf32> to vector<1x512x768xf32>
    tpu.vector_store %arg4[%swap3A_11, %swap3A_12, %swap3A_13], %swap3A_16 {strides = array<i32>} : memref<1x512x768xf32, #tpu.memory_space<vmem>>, vector<1x512x768xf32>,
    return
  }
  func.func @transform_0(%arg0: i32, %arg1: i32) -> (i32, i32, i32) {
    %c0_i32 = arith.constant 0 : i32
    %c0_i32_0 = arith.constant 0 : i32
    return %arg0, %arg1, %c0_i32 : i32, i32, i32
  }
  func.func @transform_1(%arg0: i32, %arg1: i32) -> (i32, i32, i32) {
    %c0_i32 = arith.constant 0 : i32
    %c0_i32_0 = arith.constant 0 : i32
    return %arg0, %arg1, %c0_i32 : i32, i32, i32
  }
  func.func @transform_2(%arg0: i32, %arg1: i32) -> (i32, i32, i32) {
    %c0_i32 = arith.constant 0 : i32
    %c0_i32_0 = arith.constant 0 : i32
    return %arg0, %arg1, %c0_i32 : i32, i32, i32
  }
}

module attributes {stable_mosaic.version = 14 : i64} {
  func.func @body(%arg0: i32, %arg1: i32, %arg2: i32, %arg3: memref<1x512x768xf32, #tpu.memory_space<vmem>>, %arg4: memref<1x1024x768xf32, #tpu.memory_space<vmem>>, %arg5: memref<1x1x512xf32, #tpu.memory_space<vmem>>, %arg6: memref<1x1x512xi32, #tpu.memory_space<vmem>>) attributes {dimension_semantics = [#tpu.dimension_semantics<parallel>, #tpu.dimension_semantics<parallel>, #tpu.dimension_semantics<arbitrary>], iteration_bounds = array<i64: 2, 8, 4>, scalar_prefetch = 0 : i64, scratch_operands = 0 : i64, tpu.core_type = #tpu.core_type<tc>, window_params = [{transform_indices = @transform_0, window_bounds = array<i64: 1, 512, 768>}, {transform_indices = @transform_1, window_bounds = array<i64: 1, 1024, 768>}, {transform_indices = @transform_2, window_bounds = array<i64: 1, 1, 512>}, {transform_indices = @transform_3, window_bounds = array<i64: 1, 1, 512>}]} {
    %get3A = arith.constant 0 : index
    %get3A_0 = arith.constant 0 : index
    %get3A_1 = arith.constant 0 : index
    %get3A_2 = vector.load %arg3[%get3A, %get3A_0, %get3A_1] : memref<1x512x768xf32, #tpu.memory_space<vmem>>, vector<1x512x768xf32>
    %get3A_3 = vector.shape_cast %get3A_2 : vector<1x512x768xf32> to vector<512x768xf32>
    %convert_element_type3A = arith.truncf %get3A_3 : vector<512x768xf32> to vector<512x768xbf16>
    %get3A_4 = arith.constant 0 : index
    %get3A_5 = arith.constant 0 : index
    %get3A_6 = arith.constant 0 : index
    %get3A_7 = vector.load %arg4[%get3A_4, %get3A_5, %get3A_6] : memref<1x1024x768xf32, #tpu.memory_space<vmem>>, vector<1x1024x768xf32>
    %get3A_8 = vector.shape_cast %get3A_7 : vector<1x1024x768xf32> to vector<1024x768xf32>
    %convert_element_type3A_9 = arith.truncf %get3A_8 : vector<1024x768xf32> to vector<1024x768xbf16>
    %dot_general3A = arith.constant dense<0.000000e+00> : vector<512x1024xf32>
    %dot_general3A_10 = tpu.matmul %convert_element_type3A, %convert_element_type3A_9, %dot_general3A {dimension_numbers = #tpu.dot_dimension_numbers<[1], [1], [0], [0], [0, 0, 1, 0], [], []>, transpose_lhs_hint = false} : vector<512x768xbf16>, vector<1024x768xbf16>, vector<512x1024xf32> -> vector<512x1024xf32>
    %reduce_max3A = arith.constant dense<0xFF800000> : vector<512xf32>
    %reduce_max3A_11 = vector.multi_reduction <maximumf>, %dot_general3A_10, %reduce_max3A [1] : vector<512x1024xf32> to vector<512xf32>
    %broadcast_in_dim3A = vector.shape_cast %reduce_max3A_11 : vector<512xf32> to vector<512x1xf32>
    %iota3A = tpu.iota {dimensions = array<i32: 1>} : vector<512x1024xi32>
    %eq3A = vector.broadcast %broadcast_in_dim3A : vector<512x1xf32> to vector<512x1024xf32>
    %eq3A_12 = arith.cmpf oeq, %dot_general3A_10, %eq3A : vector<512x1024xf32>
    %jit3A = arith.constant 4096 : i32
    %broadcast_in_dim3A_13 = vector.broadcast %jit3A : i32 to vector<512x1024xi32>
    %select_n3A = arith.select %eq3A_12, %iota3A, %broadcast_in_dim3A_13 : vector<512x1024xi1>, vector<512x1024xi32>
    %reduce_min3A = arith.constant dense<2147483647> : vector<512xi32>
    %reduce_min3A_14 = vector.multi_reduction <minsi>, %select_n3A, %reduce_min3A [1] : vector<512x1024xi32> to vector<512xi32>
    %mul3A = arith.constant 1024 : i32
    %mul3A_15 = arith.muli %arg2, %mul3A : i32
    %add3A = vector.broadcast %mul3A_15 : i32 to vector<512xi32>
    %add3A_16 = arith.addi %reduce_min3A_14, %add3A : vector<512xi32>
    %eq3A_17 = arith.constant 0 : i32
    %eq3A_18 = arith.cmpi eq, %arg2, %eq3A_17 : i32
    %convert_element_type3A_19 = arith.extui %eq3A_18 : i1 to i32
    %cond3A = arith.constant 0 : i32
    %cond3A_20 = arith.cmpi ne, %convert_element_type3A_19, %cond3A : i32
    scf.if %cond3A_20 {
      %swap3A = arith.constant 0 : index
      %swap3A_25 = arith.constant 0 : index
      %swap3A_26 = arith.constant 0 : index
      %swap3A_27 = vector.load %arg5[%swap3A, %swap3A_25, %swap3A_26] : memref<1x1x512xf32, #tpu.memory_space<vmem>>, vector<1x1x512xf32>
      %swap3A_28 = vector.shape_cast %swap3A_27 : vector<1x1x512xf32> to vector<512xf32>
      %swap3A_29 = vector.shape_cast %reduce_max3A_11 : vector<512xf32> to vector<1x1x512xf32>
      tpu.vector_store %arg5[%swap3A, %swap3A_25, %swap3A_26], %swap3A_29 {strides = array<i32>} : memref<1x1x512xf32, #tpu.memory_space<vmem>>, vector<1x1x512xf32>,
      %swap3A_30 = arith.constant 0 : index
      %swap3A_31 = arith.constant 0 : index
      %swap3A_32 = arith.constant 0 : index
      %swap3A_33 = vector.load %arg6[%swap3A_30, %swap3A_31, %swap3A_32] : memref<1x1x512xi32, #tpu.memory_space<vmem>>, vector<1x1x512xi32>
      %swap3A_34 = vector.shape_cast %swap3A_33 : vector<1x1x512xi32> to vector<512xi32>
      %swap3A_35 = vector.shape_cast %add3A_16 : vector<512xi32> to vector<1x1x512xi32>
      tpu.vector_store %arg6[%swap3A_30, %swap3A_31, %swap3A_32], %swap3A_35 {strides = array<i32>} : memref<1x1x512xi32, #tpu.memory_space<vmem>>, vector<1x1x512xi32>,
    } else {
    }
    %ne3A = arith.constant 0 : i32
    %ne3A_21 = arith.cmpi ne, %arg2, %ne3A : i32
    %convert_element_type3A_22 = arith.extui %ne3A_21 : i1 to i32
    %cond3A_23 = arith.constant 0 : i32
    %cond3A_24 = arith.cmpi ne, %convert_element_type3A_22, %cond3A_23 : i32
    scf.if %cond3A_24 {
      %get3A_25 = arith.constant 0 : index
      %get3A_26 = arith.constant 0 : index
      %get3A_27 = arith.constant 0 : index
      %get3A_28 = vector.load %arg5[%get3A_25, %get3A_26, %get3A_27] : memref<1x1x512xf32, #tpu.memory_space<vmem>>, vector<1x1x512xf32>
      %get3A_29 = vector.shape_cast %get3A_28 : vector<1x1x512xf32> to vector<512xf32>
      %gt3A = arith.cmpf ogt, %reduce_max3A_11, %get3A_29 : vector<512xf32>
      %select_n3A_30 = arith.select %gt3A, %reduce_max3A_11, %get3A_29 : vector<512xi1>, vector<512xf32>
      %swap3A = arith.constant 0 : index
      %swap3A_31 = arith.constant 0 : index
      %swap3A_32 = arith.constant 0 : index
      %swap3A_33 = vector.load %arg5[%swap3A, %swap3A_31, %swap3A_32] : memref<1x1x512xf32, #tpu.memory_space<vmem>>, vector<1x1x512xf32>
      %swap3A_34 = vector.shape_cast %swap3A_33 : vector<1x1x512xf32> to vector<512xf32>
      %swap3A_35 = vector.shape_cast %select_n3A_30 : vector<512xf32> to vector<1x1x512xf32>
      tpu.vector_store %arg5[%swap3A, %swap3A_31, %swap3A_32], %swap3A_35 {strides = array<i32>} : memref<1x1x512xf32, #tpu.memory_space<vmem>>, vector<1x1x512xf32>,
      %get3A_36 = arith.constant 0 : index
      %get3A_37 = arith.constant 0 : index
      %get3A_38 = arith.constant 0 : index
      %get3A_39 = vector.load %arg6[%get3A_36, %get3A_37, %get3A_38] : memref<1x1x512xi32, #tpu.memory_space<vmem>>, vector<1x1x512xi32>
      %get3A_40 = vector.shape_cast %get3A_39 : vector<1x1x512xi32> to vector<512xi32>
      %select_n3A_41 = arith.select %gt3A, %add3A_16, %get3A_40 : vector<512xi1>, vector<512xi32>
      %swap3A_42 = arith.constant 0 : index
      %swap3A_43 = arith.constant 0 : index
      %swap3A_44 = arith.constant 0 : index
      %swap3A_45 = vector.load %arg6[%swap3A_42, %swap3A_43, %swap3A_44] : memref<1x1x512xi32, #tpu.memory_space<vmem>>, vector<1x1x512xi32>
      %swap3A_46 = vector.shape_cast %swap3A_45 : vector<1x1x512xi32> to vector<512xi32>
      %swap3A_47 = vector.shape_cast %select_n3A_41 : vector<512xi32> to vector<1x1x512xi32>
      tpu.vector_store %arg6[%swap3A_42, %swap3A_43, %swap3A_44], %swap3A_47 {strides = array<i32>} : memref<1x1x512xi32, #tpu.memory_space<vmem>>, vector<1x1x512xi32>,
    } else {
    }
    return
  }
  func.func @transform_0(%arg0: i32, %arg1: i32, %arg2: i32) -> (i32, i32, i32) {
    %c0_i32 = arith.constant 0 : i32
    %c0_i32_0 = arith.constant 0 : i32
    return %arg0, %arg1, %c0_i32 : i32, i32, i32
  }
  func.func @transform_1(%arg0: i32, %arg1: i32, %arg2: i32) -> (i32, i32, i32) {
    %c0_i32 = arith.constant 0 : i32
    %c0_i32_0 = arith.constant 0 : i32
    return %arg0, %arg2, %c0_i32 : i32, i32, i32
  }
  func.func @transform_2(%arg0: i32, %arg1: i32, %arg2: i32) -> (i32, i32, i32) {
    %c0_i32 = arith.constant 0 : i32
    %c0_i32_0 = arith.constant 0 : i32
    return %arg0, %c0_i32, %arg1 : i32, i32, i32
  }
  func.func @transform_3(%arg0: i32, %arg1: i32, %arg2: i32) -> (i32, i32, i32) {
    %c0_i32 = arith.constant 0 : i32
    %c0_i32_0 = arith.constant 0 : i32
    return %arg0, %c0_i32, %arg1 : i32, i32, i32
  }
}

module attributes {stable_mosaic.version = 14 : i64} {
  func.func @body(%arg0: i32, %arg1: i32, %arg2: memref<1x1x512xf32, #tpu.memory_space<vmem>>, %arg3: memref<1x1x4096xf32, #tpu.memory_space<vmem>>, %arg4: memref<1x1x512xi32, #tpu.memory_space<vmem>>) attributes {dimension_semantics = [#tpu.dimension_semantics<parallel>, #tpu.dimension_semantics<arbitrary>], iteration_bounds = array<i64: 2, 8>, scalar_prefetch = 0 : i64, scratch_operands = 0 : i64, tpu.core_type = #tpu.core_type<tc>, window_params = [{transform_indices = @transform_0, window_bounds = array<i64: 1, 1, 512>}, {transform_indices = @transform_1, window_bounds = array<i64: 1, 1, 4096>}, {transform_indices = @transform_2, window_bounds = array<i64: 1, 1, 512>}]} {
    %get3A = arith.constant 0 : index
    %get3A_0 = arith.constant 0 : index
    %get3A_1 = arith.constant 0 : index
    %get3A_2 = vector.load %arg2[%get3A, %get3A_0, %get3A_1] : memref<1x1x512xf32, #tpu.memory_space<vmem>>, vector<1x1x512xf32>
    %get3A_3 = vector.shape_cast %get3A_2 : vector<1x1x512xf32> to vector<512xf32>
    %broadcast_in_dim3A = vector.shape_cast %get3A_3 : vector<512xf32> to vector<512x1xf32>
    %get3A_4 = arith.constant 0 : index
    %get3A_5 = arith.constant 0 : index
    %get3A_6 = arith.constant 0 : index
    %get3A_7 = vector.load %arg3[%get3A_4, %get3A_5, %get3A_6] : memref<1x1x4096xf32, #tpu.memory_space<vmem>>, vector<1x1x4096xf32>
    %get3A_8 = vector.shape_cast %get3A_7 : vector<1x1x4096xf32> to vector<4096xf32>
    %broadcast_in_dim3A_9 = vector.shape_cast %get3A_8 : vector<4096xf32> to vector<1x4096xf32>
    %iota3A = tpu.iota {dimensions = array<i32: 1>} : vector<512x4096xi32>
    %iota3A_10 = tpu.iota {dimensions = array<i32: 0>} : vector<512x4096xi32>
    %mul3A = arith.constant 512 : i32
    %mul3A_11 = arith.muli %arg1, %mul3A : i32
    %add3A = vector.broadcast %mul3A_11 : i32 to vector<512x4096xi32>
    %add3A_12 = arith.addi %iota3A_10, %add3A : vector<512x4096xi32>
    %gt3A = vector.broadcast %broadcast_in_dim3A_9 : vector<1x4096xf32> to vector<512x4096xf32>
    %gt3A_13 = vector.broadcast %broadcast_in_dim3A : vector<512x1xf32> to vector<512x4096xf32>
    %gt3A_14 = arith.cmpf ogt, %gt3A, %gt3A_13 : vector<512x4096xf32>
    %eq3A = vector.broadcast %broadcast_in_dim3A_9 : vector<1x4096xf32> to vector<512x4096xf32>
    %eq3A_15 = vector.broadcast %broadcast_in_dim3A : vector<512x1xf32> to vector<512x4096xf32>
    %eq3A_16 = arith.cmpf oeq, %eq3A, %eq3A_15 : vector<512x4096xf32>
    %lt3A = arith.cmpi slt, %iota3A, %add3A_12 : vector<512x4096xi32>
    %and3A = arith.andi %eq3A_16, %lt3A : vector<512x4096xi1>
    %or3A = arith.ori %gt3A_14, %and3A : vector<512x4096xi1>
    %convert_element_type3A = arith.extui %or3A : vector<512x4096xi1> to vector<512x4096xi32>
    %reduce_sum3A = arith.constant dense<0> : vector<512xi32>
    %reduce_sum3A_17 = vector.multi_reduction <add>, %convert_element_type3A, %reduce_sum3A [1] : vector<512x4096xi32> to vector<512xi32>
    %swap3A = arith.constant 0 : index
    %swap3A_18 = arith.constant 0 : index
    %swap3A_19 = arith.constant 0 : index
    %swap3A_20 = vector.load %arg4[%swap3A, %swap3A_18, %swap3A_19] : memref<1x1x512xi32, #tpu.memory_space<vmem>>, vector<1x1x512xi32>
    %swap3A_21 = vector.shape_cast %swap3A_20 : vector<1x1x512xi32> to vector<512xi32>
    %swap3A_22 = vector.shape_cast %reduce_sum3A_17 : vector<512xi32> to vector<1x1x512xi32>
    tpu.vector_store %arg4[%swap3A, %swap3A_18, %swap3A_19], %swap3A_22 {strides = array<i32>} : memref<1x1x512xi32, #tpu.memory_space<vmem>>, vector<1x1x512xi32>,
    return
  }
  func.func @transform_0(%arg0: i32, %arg1: i32) -> (i32, i32, i32) {
    %c0_i32 = arith.constant 0 : i32
    %c0_i32_0 = arith.constant 0 : i32
    return %arg0, %c0_i32, %arg1 : i32, i32, i32
  }
  func.func @transform_1(%arg0: i32, %arg1: i32) -> (i32, i32, i32) {
    %c0_i32 = arith.constant 0 : i32
    %c0_i32_0 = arith.constant 0 : i32
    %c0_i32_1 = arith.constant 0 : i32
    return %arg0, %c0_i32, %c0_i32_0 : i32, i32, i32
  }
  func.func @transform_2(%arg0: i32, %arg1: i32) -> (i32, i32, i32) {
    %c0_i32 = arith.constant 0 : i32
    %c0_i32_0 = arith.constant 0 : i32
    return %arg0, %c0_i32, %arg1 : i32, i32, i32
  }
}

module attributes {stable_mosaic.version = 14 : i64} {
  func.func @body(%arg0: i32, %arg1: memref<1x1x512xi32, #tpu.memory_space<vmem>>, %arg2: memref<1x512x768xf32, #tpu.memory_space<vmem>>, %arg3: memref<1x512x768xf32, #tpu.memory_space<vmem>>, %arg4: memref<1x512x768xf32, #tpu.memory_space<vmem>>) attributes {dimension_semantics = [#tpu.dimension_semantics<arbitrary>], iteration_bounds = array<i64: 2>, scalar_prefetch = 0 : i64, scratch_operands = 0 : i64, tpu.core_type = #tpu.core_type<tc>, window_params = [{transform_indices = @transform_0, window_bounds = array<i64: 1, 1, 512>}, {transform_indices = @transform_1, window_bounds = array<i64: 1, 512, 768>}, {transform_indices = @transform_2, window_bounds = array<i64: 1, 512, 768>}, {transform_indices = @transform_3, window_bounds = array<i64: 1, 512, 768>}]} {
    %get3A = arith.constant 0 : index
    %get3A_0 = arith.constant 0 : index
    %get3A_1 = arith.constant 0 : index
    %get3A_2 = vector.load %arg1[%get3A, %get3A_0, %get3A_1] : memref<1x1x512xi32, #tpu.memory_space<vmem>>, vector<1x1x512xi32>
    %get3A_3 = vector.shape_cast %get3A_2 : vector<1x1x512xi32> to vector<512xi32>
    %iota3A = tpu.iota {dimensions = array<i32: 1>} : vector<512x512xi32>
    %and3A = arith.constant 15 : i32
    %and3A_4 = vector.broadcast %and3A : i32 to vector<512x512xi32>
    %and3A_5 = arith.andi %iota3A, %and3A_4 : vector<512x512xi32>
    %shift_right_arithmetic3A = arith.constant 4 : i32
    %shift_right_arithmetic3A_6 = vector.broadcast %shift_right_arithmetic3A : i32 to vector<512x512xi32>
    %shift_right_arithmetic3A_7 = arith.shrsi %iota3A, %shift_right_arithmetic3A_6 : vector<512x512xi32>
    %mul3A = arith.constant 13 : i32
    %mul3A_8 = vector.broadcast %mul3A : i32 to vector<512x512xi32>
    %mul3A_9 = arith.muli %shift_right_arithmetic3A_7, %mul3A_8 : vector<512x512xi32>
    %add3A = arith.addi %mul3A_9, %and3A_5 : vector<512x512xi32>
    %lt3A = arith.constant 13 : i32
    %lt3A_10 = vector.broadcast %lt3A : i32 to vector<512x512xi32>
    %lt3A_11 = arith.cmpi slt, %and3A_5, %lt3A_10 : vector<512x512xi32>
    %lt3A_12 = arith.constant 409 : i32
    %lt3A_13 = vector.broadcast %lt3A_12 : i32 to vector<512x512xi32>
    %lt3A_14 = arith.cmpi slt, %add3A, %lt3A_13 : vector<512x512xi32>
    %and3A_15 = arith.andi %lt3A_11, %lt3A_14 : vector<512x512xi1>
    %broadcast_in_dim3A = vector.shape_cast %get3A_3 : vector<512xi32> to vector<512x1xi32>
    %broadcast_in_dim3A_16 = vector.shape_cast %get3A_3 : vector<512xi32> to vector<1x512xi32>
    %eq3A = vector.broadcast %broadcast_in_dim3A : vector<512x1xi32> to vector<512x512xi32>
    %eq3A_17 = vector.broadcast %broadcast_in_dim3A_16 : vector<1x512xi32> to vector<512x512xi32>
    %eq3A_18 = arith.cmpi eq, %eq3A, %eq3A_17 : vector<512x512xi32>
    %and3A_19 = arith.andi %eq3A_18, %and3A_15 : vector<512x512xi1>
    %convert_element_type3A = arith.extui %and3A_19 : vector<512x512xi1> to vector<512x512xi32>
    %convert_element_type3A_20 = arith.sitofp %convert_element_type3A : vector<512x512xi32> to vector<512x512xf32>
    %get3A_21 = arith.constant 0 : index
    %get3A_22 = arith.constant 0 : index
    %get3A_23 = arith.constant 0 : index
    %get3A_24 = vector.load %arg2[%get3A_21, %get3A_22, %get3A_23] : memref<1x512x768xf32, #tpu.memory_space<vmem>>, vector<1x512x768xf32>
    %get3A_25 = vector.shape_cast %get3A_24 : vector<1x512x768xf32> to vector<512x768xf32>
    %dot_general3A = arith.constant dense<0.000000e+00> : vector<512x768xf32>
    %dot_general3A_26 = tpu.matmul %convert_element_type3A_20, %get3A_25, %dot_general3A {dimension_numbers = #tpu.dot_dimension_numbers<[1], [0], [0], [1], [0, 0, 1, 1], [], []>, precision = #tpu.contract_precision<fp32>, transpose_lhs_hint = false} : vector<512x512xf32>, vector<512x768xf32>, vector<512x768xf32> -> vector<512x768xf32>
    %reduce_sum3A = arith.constant dense<0.000000e+00> : vector<512xf32>
    %reduce_sum3A_27 = vector.multi_reduction <add>, %convert_element_type3A_20, %reduce_sum3A [1] : vector<512x512xf32> to vector<512xf32>
    %get3A_28 = arith.constant 0 : index
    %get3A_29 = arith.constant 0 : index
    %get3A_30 = arith.constant 0 : index
    %get3A_31 = vector.load %arg3[%get3A_28, %get3A_29, %get3A_30] : memref<1x512x768xf32, #tpu.memory_space<vmem>>, vector<1x512x768xf32>
    %get3A_32 = vector.shape_cast %get3A_31 : vector<1x512x768xf32> to vector<512x768xf32>
    %add3A_33 = arith.addf %get3A_32, %dot_general3A_26 : vector<512x768xf32>
    %add3A_34 = arith.constant 1.000000e+00 : f32
    %add3A_35 = vector.broadcast %add3A_34 : f32 to vector<512xf32>
    %add3A_36 = arith.addf %add3A_35, %reduce_sum3A_27 : vector<512xf32>
    %broadcast_in_dim3A_37 = vector.shape_cast %add3A_36 : vector<512xf32> to vector<512x1xf32>
    %div3A = vector.broadcast %broadcast_in_dim3A_37 : vector<512x1xf32> to vector<512x768xf32>
    %div3A_38 = arith.divf %add3A_33, %div3A : vector<512x768xf32>
    %swap3A = arith.constant 0 : index
    %swap3A_39 = arith.constant 0 : index
    %swap3A_40 = arith.constant 0 : index
    %swap3A_41 = vector.load %arg4[%swap3A, %swap3A_39, %swap3A_40] : memref<1x512x768xf32, #tpu.memory_space<vmem>>, vector<1x512x768xf32>
    %swap3A_42 = vector.shape_cast %swap3A_41 : vector<1x512x768xf32> to vector<512x768xf32>
    %swap3A_43 = vector.shape_cast %div3A_38 : vector<512x768xf32> to vector<1x512x768xf32>
    tpu.vector_store %arg4[%swap3A, %swap3A_39, %swap3A_40], %swap3A_43 {strides = array<i32>} : memref<1x512x768xf32, #tpu.memory_space<vmem>>, vector<1x512x768xf32>,
    return
  }
  func.func @transform_0(%arg0: i32) -> (i32, i32, i32) {
    %c0_i32 = arith.constant 0 : i32
    %c0_i32_0 = arith.constant 0 : i32
    %c0_i32_1 = arith.constant 0 : i32
    return %arg0, %c0_i32, %c0_i32_0 : i32, i32, i32
  }
  func.func @transform_1(%arg0: i32) -> (i32, i32, i32) {
    %c0_i32 = arith.constant 0 : i32
    %c0_i32_0 = arith.constant 0 : i32
    %c0_i32_1 = arith.constant 0 : i32
    return %arg0, %c0_i32, %c0_i32_0 : i32, i32, i32
  }
  func.func @transform_2(%arg0: i32) -> (i32, i32, i32) {
    %c0_i32 = arith.constant 0 : i32
    %c0_i32_0 = arith.constant 0 : i32
    %c0_i32_1 = arith.constant 0 : i32
    return %arg0, %c0_i32, %c0_i32_0 : i32, i32, i32
  }
  func.func @transform_3(%arg0: i32) -> (i32, i32, i32) {
    %c0_i32 = arith.constant 0 : i32
    %c0_i32_0 = arith.constant 0 : i32
    %c0_i32_1 = arith.constant 0 : i32
    return %arg0, %c0_i32, %c0_i32_0 : i32, i32, i32
  }
}

</mosaic_0001>

<sc_bundles>
// kernel: kernel.10.cloned.1.call-start
scs
__scs_entry_jumppad:
0x0: {  	(pc) =	sbr.rel $0x88, $3  }
0x1: {  	(tag) =	ssettag $0x0;
	lr =	simm.s32 $0x1  }
0x2: {  	[smem:$0x3FA0] =	sst lr;
	_ =	strace $0xD0000000  }
0x3: {  	_ = 	snop  }
0x4: {  	_ = 	snop  }
0x5: {  	_ = 	snop  }
0x6: {  	_ = 	snop  }
0x7: {  	_ = 	snop  }
__scs_overlays_trampoline_lowered:
0x8: {  	[smem:$0x3FAF] =	sst s0  }
0x9: {  	[smem:$0x3FB0] =	sst s1  }
0xa: {  	[smem:$0x3FB1] =	sst s2  }
0xb: {  	[smem:$0x3FB2] =	sst s3  }
0xc: {  	[smem:$0x3FB3] =	sst s4  }
0xd: {  	[smem:$0x3FB4] =	sst s5  }
0xe: {  	[smem:$0x3FB5] =	sst s6  }
0xf: {  	[smem:$0x3FB6] =	sst s7  }
0x10: {  	[smem:$0x3FB7] =	sst s8  }
0x11: {  	[smem:$0x3FB8] =	sst s9;
	s0 =	simm.s32 @!p0 $0x0  }
0x12: {  	s1 =	sld [smem:$0x3F9E];
	s0 =	simm.s32 @p0 $0x1  }
0x13: {  	[smem:$0x3FB9] =	sst s0;
	s0 =	simm.s32 @!p1 $0x0  }
0x14: {  	s2 =	sld [smem:$0x3F9D];
	s0 =	simm.s32 @p1 $0x1  }
0x15: {  	[smem:$0x3FBA] =	sst s0;
	s0 =	simm.s32 @!p2 $0x0  }
0x16: {  	s3 =	sld [smem:$0x3FDB];
	s0 =	simm.s32 @p2 $0x1  }
0x17: {  	s4 =	simm.s32 $0x1BF5;
	[smem:$0x3FBC] =	sst s0  }
0x18: {  	s0 =	sld [smem:$0x3F9F];
	_ =	swait.ge [sflag:s4], $0x0  }
0x19: {  	s7 =	sld [smem:$0x3FA0]  }
0x1a: {  	s8 =	sadd.s32 $0xFFFFE003, lr  }
0x1b: {  	s9 =	sadd.s32 $0xFFFFFEF7, lr;
	s5 =	simm.s32 $0xFFFFFFFF;
	p2 =	slt.u32 s8, $0xFFFFF086  }
0x1c: {  	p1 =	slt.u32 s9, $0xF7A;
	s5 =	simm.s32 @!p2 $0x0  }
0x1d: {  	s5 =	simm.s32 @p1 $0x1;
	p0 =	seq.s32 s7, s2  }
0x1e: {  	s7 =	smul.u32 @!p0 $0xF7A, s2;
	p2 =	seq.s32 @!p0 s5, $0x0  }
0x1f: {  	s9 =	smul.u32 $0xF7A, s1;
	s8 =	simm.s32 @!p0 $0x1BF5;
	p2 =	por !p2, p0  }
0x20: {  	[sflag:s8] =	ssyncset.s32 @!p0 $0xFFFFF086;
	s6 =	sadd.s32 @!p0 s3, s7;
	s7 =	simm.s32 @!p0 $0x108  }
0x21: {  	s3 =	sadd.s32 s3, s9;
	s6 =	sadd.s32 @!p0 $0x88, s6;
	s7 =	simm.s32 @p2 $0x1082  }
0x22: {  	[simem:s7], [sflag:s8] =	dma.local @!p0 [hbm:s6], $0xF7A  }
0x23: {  	s9 =	sor.u32 $0xD0000000, s2;
	s6 =	simm.s32 $0x108;
	_ =	swait.ge @!p0 [sflag:s8], $0x0  }
0x24: {  	s3 =	sadd.s32 $0x88, s3;
	s6 =	simm.s32 @!p1 $0x1082;
	[sflag:s4] =	ssyncset.s32 $0xFFFFF086  }
0x25: {  	[simem:s6], [sflag:s4] =	dma.local [hbm:s3], $0xF7A  }
0x26: {  	[smem:$0x3FA0] =	sst s1;
	(tag) =	ssettag s2;
	_ =	strace s9  }
0x27: {  	s1 =	sld [smem:$0x3FB0]  }
0x28: {  	s2 =	sld [smem:$0x3FB1]  }
0x29: {  	s4 =	sld [smem:$0x3FB3]  }
0x2a: {  	p0 =	seq.s32 s5, $0x0;
	s5 =	sld [smem:$0x3FB4]  }
0x2b: {  	s6 =	sld [smem:$0x3FB5]  }
0x2c: {  	s7 =	sld [smem:$0x3FB6]  }
0x2d: {  	s3 =	simm.s32 $0x108;
	s8 =	sld [smem:$0x3FB7]  }
0x2e: {  	s3 =	simm.s32 @!p0 $0x1082;
	s9 =	sld [smem:$0x3FB8]  }
0x2f: {  	lr =	sadd.s32 s0, s3;
	s0 =	sld [smem:$0x3FAF]  }
0x30: {  	s3 =	sld [smem:$0x3FB2]  }
0x31: {  	[smem:$0x3FBB] =	sst s10  }
0x32: {  	s10 =	sld [smem:$0x3FB9];
	_ =	sdelay $0x3  }
0x33: {  	p0 =	seq.s32 s10, $0x1;
	s10 =	sld [smem:$0x3FBB];
	_ =	sdelay $0x3  }
0x34: {  	[smem:$0x3FBB] =	sst s10  }
0x35: {  	s10 =	sld [smem:$0x3FBA];
	_ =	sdelay $0x3  }
0x36: {  	p1 =	seq.s32 s10, $0x1;
	s10 =	sld [smem:$0x3FBB];
	_ =	sdelay $0x3  }
0x37: {  	[smem:$0x3FBB] =	sst s10  }
0x38: {  	s10 =	sld [smem:$0x3FBC]  }
0x39: {  	_ = 	snop;
	(pc) =	sbr.ind lr, $3  }
0x3a: {  	_ = 	snop  }
0x3b: {  	_ = 	snop  }
0x3c: {  	p2 =	seq.s32 s10, $0x1;
	s10 =	sld [smem:$0x3FBB]  }
0x3d: {  	_ =	shalt  }
0x3e: {  	_ =	shalt  }
0x3f: {  	_ =	shalt  }
0x40: {  	_ =	shalt  }
0x41: {  	_ =	shalt  }
0x42: {  	_ =	shalt  }
0x43: {  	_ =	shalt  }
0x44: {  	_ =	shalt  }
0x45: {  	_ =	shalt  }
0x46: {  	_ =	shalt  }
0x47: {  	_ =	shalt  }
0x48: {  	_ =	shalt  }
0x49: {  	_ =	shalt  }
0x4a: {  	_ =	shalt  }
0x4b: {  	_ =	shalt  }
0x4c: {  	_ =	shalt  }
0x4d: {  	_ =	shalt  }
0x4e: {  	_ =	shalt  }
0x4f: {  	_ =	shalt  }
0x50: {  	_ =	shalt  }
0x51: {  	_ =	shalt  }
0x52: {  	_ =	shalt  }
0x53: {  	_ =	shalt  }
0x54: {  	_ =	shalt  }
0x55: {  	_ =	shalt  }
0x56: {  	_ =	shalt  }
0x57: {  	_ =	shalt  }
0x58: {  	_ =	shalt  }
0x59: {  	_ =	shalt  }
0x5a: {  	_ =	shalt  }
0x5b: {  	_ =	shalt  }
0x5c: {  	_ =	shalt  }
0x5d: {  	_ =	shalt  }
0x5e: {  	_ =	shalt  }
0x5f: {  	_ =	shalt  }
0x60: {  	_ =	shalt  }
0x61: {  	_ =	shalt  }
0x62: {  	_ =	shalt  }
0x63: {  	_ =	shalt  }
0x64: {  	_ =	shalt  }
0x65: {  	_ =	shalt  }
0x66: {  	_ =	shalt  }
0x67: {  	_ =	shalt  }
0x68: {  	_ =	shalt  }
0x69: {  	_ =	shalt  }
0x6a: {  	_ =	shalt  }
0x6b: {  	_ =	shalt  }
0x6c: {  	_ =	shalt  }
0x6d: {  	_ =	shalt  }
0x6e: {  	_ =	shalt  }
0x6f: {  	_ =	shalt  }
0x70: {  	_ =	shalt  }
0x71: {  	_ =	shalt  }
0x72: {  	_ =	shalt  }
0x73: {  	_ =	shalt  }
0x74: {  	_ =	shalt  }
0x75: {  	_ =	shalt  }
0x76: {  	_ =	shalt  }
0x77: {  	_ =	shalt  }
0x78: {  	_ =	shalt  }
0x79: {  	_ =	shalt  }
0x7a: {  	_ =	shalt  }
0x7b: {  	_ =	shalt  }
0x7c: {  	_ =	shalt  }
0x7d: {  	_ =	shalt  }
0x7e: {  	_ =	shalt  }
0x7f: {  	_ =	shalt  }
0x80: {  	_ =	shalt  }
0x81: {  	_ =	shalt  }
0x82: {  	_ =	shalt  }
0x83: {  	_ =	shalt  }
0x84: {  	_ =	shalt  }
0x85: {  	_ =	shalt  }
0x86: {  	_ =	shalt  }
0x87: {  	_ =	shalt  }
.Lfunc_end0:
.L_simem_size_0:
called_computation.1_lowered:
.L_overlay_start_0:
0x88: {  	s2 =	sld [smem:$0x3FD9]  }
0x89: {  	s3 =	sld [smem:$0x3FFE];
	_ =	sdelay $0x1  }
0x8a: {  	s1 =	srdreg.scid  }
0x8b: {  	s0 =	sand.u32 $0x1, s1  }
0x8c: {  	s17 =	sshll.u32 s0, $0xA;
	s2 =	sadd.s32 s3, s2  }
0x8d: {  	s2 =	sadd.s32 s2, s17  }
0x8e: {  	[smem:$0x3FC7] =	sst s2  }
0x8f: {  	_ = 	snop  }
0x90: {  	s2 =	sld [smem:$0x3FC9]  }
0x91: {  	s18 =	sld [smem:$0x3FD0];
	(tm) =	ssettm $0x1  }
0x92: {  	s4 =	sld [smem:$0x3FFB];
	_ =	sdelay $0x3  }
0x93: {  	_ =	strace s4  }
0x94: {  	s4 =	sld [smem:$0x3FFC];
	_ =	sdelay $0x3  }
0x95: {  	_ =	strace s4  }
0x96: {  	s4 =	sld [smem:$0x3FFD];
	_ =	sdelay $0x3  }
0x97: {  	_ =	strace s4  }
0x98: {  	_ =	strace $0x8FFFFFFF  }
0x99: {  	s19 =	sld [smem:$0x3FDB];
	_ =	sdelay $0x1  }
0x9a: {  	s5 =	simm.s32 $_scs_section_size  }
0x9b: {  	s6 =	simm.s32 $_size__tile_overlayer_lowered;
	s7 =	simm.s32 $_tile_overlayer_lowered  }
0x9c: {  	s22 =	simm.s32 $0x1BFF;
	s21 =	sshll.u32 s7, $0x1;
	s4 =	sadd.s32 s5, s19  }
0x9d: {  	s8 =	simm.s32 $0x0;
	s20 =	sshll.u32 s6, $0x1;
	s6 =	sadd.s32 s21, s4  }
0x9e: {  	[timem:s8], [sflag:s22] =	dma.local [hbm:s6], s20  }
0x9f: {  	_ =	swait.ge [sflag:s22], s20  }
0xa0: {  	s5 =	ssub.s32 $0x0, s20;
	[sflag:s22] =	ssyncset.done $0x0  }
0xa1: {  	[sflag:s22] =	ssyncadd.s32 s5;
	_ =	sdelay $0x1  }
0xa2: {  	s23 =	simm.s32 $0x1B8B  }
0xa3: {  	_ =	swait.ge [sflag:s23], $0x1  }
0xa4: {  	[sflag:s23] =	ssyncset.done $0x0  }
0xa5: {  	s25 =	simm.s32 $0x1B8E;
	s24 =	sld [smem:$0x3FFE];
	[sflag:s23] =	ssyncadd.s32 $0xFFFFFFFF  }
0xa6: {  	s26 =	simm.s32 $execute0_lowered;
	[smem:$0x3FD2] =	sst s25  }
0xa7: {  	s6 =	sshll.u32 s26, $0x1;
	_ =	strace $0x80000046;
	[dreg:$0x1] =	wrdreg $0xFFFFFFFF  }
0xa8: {  	s28 =	simm.s32 $_size_execute0_lowered;
	s4 =	sadd.s32 s4, s6;
	[dreg:$0x0] =	wrdreg $0x0  }
0xa9: {  	s6 =	sshll.u32 s28, $0x1;
	[dreg:$0x2] =	wrdreg s4  }
0xaa: {  	[dreg:$0x3] =	wrdreg s6  }
0xab: {  	[dreg:$0x4] =	wrdreg $0xC0  }
0xac: {  	_ =	task [dreg:s8], $0x5FFFF  }
0xad: {  	[dreg:$0x1] =	wrdreg $0xFFFFFFFF  }
0xae: {  	[dreg:$0x0] =	wrdreg $0x60  }
0xaf: {  	[dreg:$0x2] =	wrdreg s2  }
0xb0: {  	[dreg:$0x3] =	wrdreg s24  }
0xb1: {  	[dreg:$0x4] =	wrdreg s18  }
0xb2: {  	[dreg:$0x5] =	wrdreg $0x9  }
0xb3: {  	_ =	task.clear_ibuf [dreg:s8], $0x6FFFF;
	_ =	strace $0x90000046  }
0xb4: {  	s29 =	simm.s32 $0x9;
	_ =	strace $0x80000048  }
0xb5: {  	_ =	swait.ge [sflag:s29], $0x1  }
0xb6: {  	[sflag:s29] =	ssyncadd.s32 $0xFFFFFFFF  }
0xb7: {  	_ =	strace $0x90000048  }
0xb8: {  	_ =	sfence  }
0xb9: {  	s30 =	sld [smem:$0x0];
	_ =	sdelay $0x2  }
0xba: {  	s31 =	sshll.u32 s1, $0xD;
	s1 =	sshrl.u32 s1, $0x2  }
0xbb: {  	s3 =	sand.u32 $0x4000, s31;
	s1 =	sadd.s32 s1, s30  }
0xbc: {  	s0 =	sor.u32 s3, s0;
	s1 =	sshll.u32 s1, $0x11  }
0xbd: {  	s0 =	sor.u32 s1, s0  }
0xbe: {  	s0 =	sadd.s32 $0x8F2B, s0  }
0xbf: {  	[sflag:s0] =	ssyncadd.remote.s32 $0x1  }
0xc0: {  	_ =	sfence.sel $0xFFFF  }
0xc1: {  	[dreg:$0x0] =	wrdreg $0xFFFFFFFF;
	(pc) =	sbr.abs _section_cstart, $3  }
0xc2: {  	[dreg:$0x1] =	wrdreg $0xFFFFFFFF  }
0xc3: {  	_ =	task.clear_ibuf [dreg:s8], $0x2FFFF;
	_ =	strace $0x9FFFFFFF  }
0xc4: {  	(tm) =	ssettm $0x7FFFFFFF  }
0xc5: {  	_ =	shalt  }
tec
execute0_lowered:
.L_overlay_start_1:
0x0: {  	(tag) =	ssettag $0x1  }
0x1: {  	s1 =	rddreg [dreg:$0x0]  }
0x2: {  	s12 =	rddreg [dreg:$0x1]  }
0x3: {  	s14 =	rddreg [dreg:$0x2];
	s3 =	simm.s32 $0x0  }
0x4: {  	s4 =	srdreg.scid;
	s2 =	stileid.u32;
	s19 =	simm.s32 $0x2000  }
0x5: {  	s20 =	simm.s32 $0x3080;
	s21 =	simm.s32 $0x3100;
	s22 =	simm.s32 $0x3900  }
0x6: {  	s23 =	simm.s32 $0x4100;
	s24 =	simm.s32 $0x4900;
	s25 =	simm.s32 $0x5100  }
0x7: {  	s26 =	simm.s32 $0x5900;
	s28 =	simm.s32 $0x1;
	s29 =	simm.s32 $0x0  }
0x8: {  	[smem:$0x7FF] =	sst s3;
	s6 =	sand.u32 $0x1, s4;
	s7 =	sshll.u32 s2, $0x1  }
0x9: {  	s4 =	sadd.s32 $0x2800, s12;
	s5 =	sadd.s32 $0x2400, s12;
	s15 =	sadd.s32 $0x2C00, s12  }
0xa: {  	s11 =	sadd.s32 $0x2600, s12;
	_ =	strace $0x80000047;
	s7 =	sor.u32 s6, s7  }
0xb: {  	s6 =	ssub.s32 $0x2, s6;
	s8 =	sshll.u32 s7, $0x4;
	s9 =	smul.u32 $0x3000, s7  }
0xc: {  	s31 =	sshrl.u32 s6, $0x1;
	s17 =	smul.u32 $0xD, s7;
	s7 =	sadd.s32 $0x100, s1  }
0xd: {  	s13 =	sadd.s32 s8, s12;
	s16 =	ssub.s32 s6, s31;
	s8 =	sadd.s32 $0x200, s1  }
0xe: {  	v0 =	vlaneseq.u32;
	vm1 =	vmmov $0x1fff;
	s12 =	sadd.s32 $0x2A00, s12;
	s6 =	sadd.s32 $0x1AC00, s13;
	s18 =	sshrl.u32 s9, $0x3  }
0xf: {  	v2 =	vimm.s32 $0x198;
	v4 =	vshrl.u32 v0, $0x3;
	s13 =	sadd.s32 $0x1AE00, s13;
	v1 =	vadd.s32 s17, v0;
	s16 =	smax.u32 s16, $0x1;
	s17 =	simm.s32 $0x1000  }
0x10: {  	v3 =	vand.u32 $0x7, v0;
	v5 =	vor.u32 $0x8, v0;
	s9 =	sadd.s32 s14, s18;
	s10 =	sadd.s32 s15, s18;
	s18 =	sadd.s32 $0xC000, s18;
	vm0 =	vlt.u32 v1, $0x199  }
0x11: {  	v4 =	vmul.u32 $0x8, v4;
	s14 =	sadd.s32 s14, s18;
	s15 =	sadd.s32 s15, s18;
	s18 =	simm.s32 $0x2;
	vm0 =	vmand vm0, vm1;
	vm1 =	vmmov $0xffff  }
.LBB2_1:
0x12: {  	[tilespmem:s17], [sflag:$0x2] =	stream.linear.gather [hbm4b:s5+s3], $0x1000, $0x38;
	[tilespmem:$0x6100] =	vst v63  }
0x13: {  	_ =	swait.ge [sflag:s18], $0x1000  }
0x14: {  	[sflag:s18] =	ssyncset.done $0x0  }
0x15: {  	[sflag:s18] =	ssyncadd.s32 $0xFFFFF000  }
0x16: {  	[tilespmem:s3], [sflag:$0x2] =	stream.linear.gather [hbm4b:s4+s3], $0x1000, $0x38;
	[tilespmem:$0x6100] =	vst v63  }
0x17: {  	_ =	swait.ge [sflag:s18], $0x1000  }
0x18: {  	[sflag:s18] =	ssyncset.done $0x0  }
0x19: {  	s30 =	simm.s32 $0xFFFFFFF8;
	s31 =	simm.s32 $0x70;
	[sflag:s18] =	ssyncadd.s32 $0xFFFFF000  }
.LBB2_2:
0x1a: {  	s0 =	sadd.s32 $0xFFFFFF90, s31  }
0x1b: {  	v6 =	vor.u32 s0, v0;
	_ =	sdelay $0x4  }
0x1c: {  	v7 =	vld.idx.msk [tilespmem:v6+s3+$0x0], $0xffff;
	_ =	sdelay $0x2  }
0x1d: {  	s0 =	sadd.s32 $0xFFFFFFA0, s31  }
0x1e: {  	v8 =	vor.u32 s0, v0;
	_ =	sdelay $0x3  }
0x1f: {  	[tilespmem:v7+s19+$0x0] =	vst.idx.msk $0xffff, v6  }
0x20: {  	v6 =	vld.idx.msk [tilespmem:v8+s3+$0x0], $0xffff;
	_ =	sdelay $0x2  }
0x21: {  	s0 =	sadd.s32 $0xFFFFFFB0, s31  }
0x22: {  	v7 =	vor.u32 s0, v0;
	_ =	sdelay $0x3  }
0x23: {  	[tilespmem:v6+s19+$0x0] =	vst.idx.msk $0xffff, v8  }
0x24: {  	v6 =	vld.idx.msk [tilespmem:v7+s3+$0x0], $0xffff;
	_ =	sdelay $0x2  }
0x25: {  	s0 =	sadd.s32 $0xFFFFFFC0, s31  }
0x26: {  	v61 =	vor.u32 s0, v0;
	_ =	sdelay $0x3  }
0x27: {  	[tilespmem:v6+s19+$0x0] =	vst.idx.msk $0xffff, v7  }
0x28: {  	v6 =	vld.idx.msk [tilespmem:v61+s3+$0x0], $0xffff;
	_ =	sdelay $0x2  }
0x29: {  	s0 =	sadd.s32 $0xFFFFFFD0, s31  }
0x2a: {  	v7 =	vor.u32 s0, v0;
	_ =	sdelay $0x3  }
0x2b: {  	[tilespmem:v6+s19+$0x0] =	vst.idx.msk $0xffff, v61  }
0x2c: {  	v6 =	vld.idx.msk [tilespmem:v7+s3+$0x0], $0xffff;
	_ =	sdelay $0x2  }
0x2d: {  	s0 =	sadd.s32 $0xFFFFFFE0, s31  }
0x2e: {  	v62 =	vor.u32 s0, v0;
	_ =	sdelay $0x3  }
0x2f: {  	[tilespmem:v6+s19+$0x0] =	vst.idx.msk $0xffff, v7  }
0x30: {  	v6 =	vld.idx.msk [tilespmem:v62+s3+$0x0], $0xffff;
	_ =	sdelay $0x2  }
0x31: {  	s0 =	sadd.s32 $0xFFFFFFF0, s31  }
0x32: {  	v7 =	vor.u32 s0, v0;
	_ =	sdelay $0x3  }
0x33: {  	[tilespmem:v6+s19+$0x0] =	vst.idx.msk $0xffff, v62  }
0x34: {  	v6 =	vld.idx.msk [tilespmem:v7+s3+$0x0], $0xffff;
	_ =	sdelay $0x3  }
0x35: {  	v63 =	vor.u32 s31, v0;
	_ =	sdelay $0x3  }
0x36: {  	[tilespmem:v6+s19+$0x0] =	vst.idx.msk $0xffff, v7  }
0x37: {  	v6 =	vld.idx.msk [tilespmem:v63+s3+$0x0], $0xffff;
	_ =	sdelay $0x1  }
0x38: {  	s30 =	sadd.s32 $0x8, s30  }
0x39: {  	p0 =	slt.u32 s30, $0xF8  }
.Ltmp0:
0x3a: {  	_ = 	snop;
	(pc) =	sbr.rel @p0 .LBB2_2-.Ltmp0, $2  }
0x3b: {  	_ =	sdelay $0x2  }
0x3c: {  	s31 =	sadd.s32 $0x80, s31;
	[tilespmem:v6+s19+$0x0] =	vst.idx.msk $0xffff, v63  }
0x3d: {  	_ =	sdelay $0x3  }
0x3e: {  	v6 =	vld.idx.msk [tilespmem:v1+s19+$0x0], $0xffff  }
0x3f: {  	v7 =	vld.idx.msk [tilespmem:v2+s19+$0x0], $0xffff;
	_ =	sdelay $0x6  }
0x40: {  	v8 =	vld.idx.msk [tilespmem:v6+s17+$0x0], $0xffff  }
0x41: {  	v7 =	vld.idx.msk [tilespmem:v7+s17+$0x0], $0xffff  }
0x42: {  	v9 =	vshrl.u32 v6, $0x2  }
0x43: {  	v9 =	vmul.u32 $0x30, v9;
	v6 =	vshll.u32 v6, $0x1  }
0x44: {  	v10 =	vand.u32 $0x6, v6  }
0x45: {  	v9 =	vor.u32 v10, v9  }
0x46: {  	v62 =	vperm.xlane v9, v3;
	v7 =	vsel vm0, v8, v7  }
0x47: {  	[tilespmem:$0x3080] =	vst v7  }
0x48: {  	v8 =	vadd.s32 v4, v62;
	[hbm4b:s6+s3] =	stream.linear.scatter [tilespmem:s20], [sflag:$0x2], $0x80, $0x38;
	[tilespmem:$0x6100] =	vst v63  }
0x49: {  	_ =	swait.ge [sflag:s18], $0x80  }
0x4a: {  	[sflag:s18] =	ssyncset.done $0x0  }
0x4b: {  	[sflag:s18] =	ssyncadd.s32 $0xFFFFFF80  }
0x4c: {  	[tilespmem:$0x3000] =	vst v6;
	v6 =	vperm.xlane v9, v5  }
0x4d: {  	[tilespmem:s21], [sflag:$0x1] =	stream.indirect_vreg.gather [hbm4b:s1+s3], $0x80, v8, vm1, $0xb8;
	[tilespmem:$0x6100] =	vst v63  }
0x4e: {  	v6 =	vadd.s32 v4, v6  }
0x4f: {  	[tilespmem:s22], [sflag:$0x1] =	stream.indirect_vreg.gather [hbm4b:s7+s3], $0x80, v8, vm1, $0xb8;
	[tilespmem:$0x6100] =	vst v63  }
0x50: {  	_ = 	snop  }
0x51: {  	[tilespmem:s23], [sflag:$0x1] =	stream.indirect_vreg.gather [hbm4b:s8+s3], $0x80, v8, vm1, $0xb8;
	[tilespmem:$0x6100] =	vst v63  }
0x52: {  	_ = 	snop  }
0x53: {  	[tilespmem:s24], [sflag:$0x1] =	stream.indirect_vreg.gather [hbm4b:s1+s3], $0x80, v6, vm1, $0xb8;
	[tilespmem:$0x6100] =	vst v63  }
0x54: {  	_ = 	snop  }
0x55: {  	v63 =	vshll.u32 v7, $0x1;
	v7 =	vshrl.u32 v7, $0x2;
	[tilespmem:s25], [sflag:$0x1] =	stream.indirect_vreg.gather [hbm4b:s7+s3], $0x80, v6, vm1, $0xb8;
	[tilespmem:$0x6100] =	vst v63  }
0x56: {  	v7 =	vmul.u32 $0x30, v7;
	v8 =	vor.u32 $0x1, v63  }
0x57: {  	[tilespmem:s26], [sflag:$0x1] =	stream.indirect_vreg.gather [hbm4b:s8+s3], $0x80, v6, vm1, $0xb8;
	v6 =	vand.u32 $0x7, v8;
	[tilespmem:$0x6100] =	vst v63  }
0x58: {  	_ =	swait.ge [sflag:s28], $0x3000;
	v6 =	vor.u32 v6, v7  }
0x59: {  	[sflag:s28] =	ssyncset.done $0x0;
	v7 =	vperm.xlane v6, v3  }
0x5a: {  	[sflag:s28] =	ssyncadd.s32 $0xFFFFD000  }
0x5b: {  	[hbm4b:s9+s3] =	stream.linear.scatter [tilespmem:s21], [sflag:$0x2], $0x3000, $0x38;
	v7 =	vadd.s32 v4, v7;
	[tilespmem:$0x6100] =	vst v63  }
0x5c: {  	_ =	swait.ge [sflag:s18], $0x3000  }
0x5d: {  	[sflag:s18] =	ssyncset.done $0x0  }
0x5e: {  	[sflag:s18] =	ssyncadd.s32 $0xFFFFD000  }
0x5f: {  	v6 =	vperm.xlane v6, v5;
	[tilespmem:$0x3000] =	vst v8  }
0x60: {  	[tilespmem:s21], [sflag:$0x1] =	stream.indirect_vreg.gather [hbm4b:s1+s3], $0x80, v7, vm1, $0xb8;
	[tilespmem:$0x6100] =	vst v63  }
0x61: {  	v6 =	vadd.s32 v4, v6  }
0x62: {  	[tilespmem:s22], [sflag:$0x1] =	stream.indirect_vreg.gather [hbm4b:s7+s3], $0x80, v7, vm1, $0xb8;
	[tilespmem:$0x6100] =	vst v63  }
0x63: {  	_ = 	snop  }
0x64: {  	[tilespmem:s23], [sflag:$0x1] =	stream.indirect_vreg.gather [hbm4b:s8+s3], $0x80, v7, vm1, $0xb8;
	[tilespmem:$0x6100] =	vst v63  }
0x65: {  	_ = 	snop  }
0x66: {  	[tilespmem:s24], [sflag:$0x1] =	stream.indirect_vreg.gather [hbm4b:s1+s3], $0x80, v6, vm1, $0xb8;
	[tilespmem:$0x6100] =	vst v63  }
0x67: {  	_ = 	snop  }
0x68: {  	[tilespmem:s25], [sflag:$0x1] =	stream.indirect_vreg.gather [hbm4b:s7+s3], $0x80, v6, vm1, $0xb8;
	[tilespmem:$0x6100] =	vst v63  }
0x69: {  	_ = 	snop  }
0x6a: {  	[tilespmem:s26], [sflag:$0x1] =	stream.indirect_vreg.gather [hbm4b:s8+s3], $0x80, v6, vm1, $0xb8;
	[tilespmem:$0x6100] =	vst v63  }
0x6b: {  	_ =	swait.ge [sflag:s28], $0x3000  }
0x6c: {  	[sflag:s28] =	ssyncset.done $0x0  }
0x6d: {  	[sflag:s28] =	ssyncadd.s32 $0xFFFFD000  }
0x6e: {  	[hbm4b:s10+s3] =	stream.linear.scatter [tilespmem:s21], [sflag:$0x2], $0x3000, $0x38;
	[tilespmem:$0x6100] =	vst v63  }
0x6f: {  	_ =	swait.ge [sflag:s18], $0x3000  }
0x70: {  	[sflag:s18] =	ssyncset.done $0x0  }
0x71: {  	[sflag:s18] =	ssyncadd.s32 $0xFFFFD000  }
0x72: {  	[tilespmem:s17], [sflag:$0x2] =	stream.linear.gather [hbm4b:s11+s3], $0x1000, $0x38;
	[tilespmem:$0x6100] =	vst v63  }
0x73: {  	_ =	swait.ge [sflag:s18], $0x1000  }
0x74: {  	[sflag:s18] =	ssyncset.done $0x0  }
0x75: {  	[sflag:s18] =	ssyncadd.s32 $0xFFFFF000  }
0x76: {  	[tilespmem:s3], [sflag:$0x2] =	stream.linear.gather [hbm4b:s12+s3], $0x1000, $0x38;
	[tilespmem:$0x6100] =	vst v63  }
0x77: {  	_ =	swait.ge [sflag:s18], $0x1000  }
0x78: {  	[sflag:s18] =	ssyncset.done $0x0  }
0x79: {  	s30 =	simm.s32 $0xFFFFFFF8;
	s31 =	simm.s32 $0x70;
	[sflag:s18] =	ssyncadd.s32 $0xFFFFF000  }
.LBB2_4:
0x7a: {  	s0 =	sadd.s32 $0xFFFFFF90, s31  }
0x7b: {  	v6 =	vor.u32 s0, v0;
	_ =	sdelay $0x4  }
0x7c: {  	v7 =	vld.idx.msk [tilespmem:v6+s3+$0x0], $0xffff;
	_ =	sdelay $0x2  }
0x7d: {  	s0 =	sadd.s32 $0xFFFFFFA0, s31  }
0x7e: {  	v8 =	vor.u32 s0, v0;
	_ =	sdelay $0x3  }
0x7f: {  	[tilespmem:v7+s19+$0x0] =	vst.idx.msk $0xffff, v6  }
0x80: {  	v6 =	vld.idx.msk [tilespmem:v8+s3+$0x0], $0xffff;
	_ =	sdelay $0x2  }
0x81: {  	s0 =	sadd.s32 $0xFFFFFFB0, s31  }
0x82: {  	v7 =	vor.u32 s0, v0;
	_ =	sdelay $0x3  }
0x83: {  	[tilespmem:v6+s19+$0x0] =	vst.idx.msk $0xffff, v8  }
0x84: {  	v6 =	vld.idx.msk [tilespmem:v7+s3+$0x0], $0xffff;
	_ =	sdelay $0x2  }
0x85: {  	s0 =	sadd.s32 $0xFFFFFFC0, s31  }
0x86: {  	v61 =	vor.u32 s0, v0;
	_ =	sdelay $0x3  }
0x87: {  	[tilespmem:v6+s19+$0x0] =	vst.idx.msk $0xffff, v7  }
0x88: {  	v6 =	vld.idx.msk [tilespmem:v61+s3+$0x0], $0xffff;
	_ =	sdelay $0x2  }
0x89: {  	s0 =	sadd.s32 $0xFFFFFFD0, s31  }
0x8a: {  	v7 =	vor.u32 s0, v0;
	_ =	sdelay $0x3  }
0x8b: {  	[tilespmem:v6+s19+$0x0] =	vst.idx.msk $0xffff, v61  }
0x8c: {  	v6 =	vld.idx.msk [tilespmem:v7+s3+$0x0], $0xffff;
	_ =	sdelay $0x2  }
0x8d: {  	s0 =	sadd.s32 $0xFFFFFFE0, s31  }
0x8e: {  	v62 =	vor.u32 s0, v0;
	_ =	sdelay $0x3  }
0x8f: {  	[tilespmem:v6+s19+$0x0] =	vst.idx.msk $0xffff, v7  }
0x90: {  	v6 =	vld.idx.msk [tilespmem:v62+s3+$0x0], $0xffff;
	_ =	sdelay $0x2  }
0x91: {  	s0 =	sadd.s32 $0xFFFFFFF0, s31  }
0x92: {  	v7 =	vor.u32 s0, v0;
	_ =	sdelay $0x3  }
0x93: {  	[tilespmem:v6+s19+$0x0] =	vst.idx.msk $0xffff, v62  }
0x94: {  	v6 =	vld.idx.msk [tilespmem:v7+s3+$0x0], $0xffff;
	_ =	sdelay $0x3  }
0x95: {  	v63 =	vor.u32 s31, v0;
	_ =	sdelay $0x3  }
0x96: {  	[tilespmem:v6+s19+$0x0] =	vst.idx.msk $0xffff, v7  }
0x97: {  	v6 =	vld.idx.msk [tilespmem:v63+s3+$0x0], $0xffff;
	_ =	sdelay $0x1  }
0x98: {  	s30 =	sadd.s32 $0x8, s30  }
0x99: {  	p0 =	slt.u32 s30, $0xF8  }
.Ltmp1:
0x9a: {  	_ = 	snop;
	(pc) =	sbr.rel @p0 .LBB2_4-.Ltmp1, $2  }
0x9b: {  	_ =	sdelay $0x2  }
0x9c: {  	s31 =	sadd.s32 $0x80, s31;
	[tilespmem:v6+s19+$0x0] =	vst.idx.msk $0xffff, v63  }
0x9d: {  	_ =	sdelay $0x3  }
0x9e: {  	v6 =	vld.idx.msk [tilespmem:v1+s19+$0x0], $0xffff  }
0x9f: {  	v7 =	vld.idx.msk [tilespmem:v2+s19+$0x0], $0xffff;
	_ =	sdelay $0x6  }
0xa0: {  	v8 =	vld.idx.msk [tilespmem:v6+s17+$0x0], $0xffff;
	v6 =	vshll.u32 v6, $0x1  }
0xa1: {  	v7 =	vld.idx.msk [tilespmem:v7+s17+$0x0], $0xffff;
	v9 =	vadd.s32 $0x2000, v6  }
0xa2: {  	v10 =	vshrl.u32 v9, $0x3  }
0xa3: {  	v10 =	vmul.u32 $0x30, v10  }
0xa4: {  	v6 =	vand.u32 $0x6, v6  }
0xa5: {  	v6 =	vor.u32 v6, v10  }
0xa6: {  	v7 =	vsel vm0, v8, v7;
	v62 =	vperm.xlane v6, v3  }
0xa7: {  	[tilespmem:$0x3080] =	vst v7  }
0xa8: {  	[hbm4b:s13+s3] =	stream.linear.scatter [tilespmem:s20], [sflag:$0x2], $0x80, $0x38;
	v8 =	vadd.s32 v4, v62;
	[tilespmem:$0x6100] =	vst v63  }
0xa9: {  	_ =	swait.ge [sflag:s18], $0x80  }
0xaa: {  	[sflag:s18] =	ssyncset.done $0x0  }
0xab: {  	[sflag:s18] =	ssyncadd.s32 $0xFFFFFF80  }
0xac: {  	v6 =	vperm.xlane v6, v5;
	[tilespmem:$0x3000] =	vst v9  }
0xad: {  	[tilespmem:s21], [sflag:$0x1] =	stream.indirect_vreg.gather [hbm4b:s1+s3], $0x80, v8, vm1, $0xb8;
	[tilespmem:$0x6100] =	vst v63  }
0xae: {  	v6 =	vadd.s32 v4, v6  }
0xaf: {  	[tilespmem:s22], [sflag:$0x1] =	stream.indirect_vreg.gather [hbm4b:s7+s3], $0x80, v8, vm1, $0xb8;
	[tilespmem:$0x6100] =	vst v63  }
0xb0: {  	_ = 	snop  }
0xb1: {  	[tilespmem:s23], [sflag:$0x1] =	stream.indirect_vreg.gather [hbm4b:s8+s3], $0x80, v8, vm1, $0xb8;
	[tilespmem:$0x6100] =	vst v63  }
0xb2: {  	_ = 	snop  }
0xb3: {  	v7 =	vshll.u32 v7, $0x1;
	[tilespmem:s24], [sflag:$0x1] =	stream.indirect_vreg.gather [hbm4b:s1+s3], $0x80, v6, vm1, $0xb8;
	[tilespmem:$0x6100] =	vst v63  }
0xb4: {  	v7 =	vadd.s32 $0x2001, v7  }
0xb5: {  	v63 =	vshrl.u32 v7, $0x3;
	[tilespmem:s25], [sflag:$0x1] =	stream.indirect_vreg.gather [hbm4b:s7+s3], $0x80, v6, vm1, $0xb8;
	[tilespmem:$0x6100] =	vst v63  }
0xb6: {  	v8 =	vmul.u32 $0x30, v63  }
0xb7: {  	[tilespmem:s26], [sflag:$0x1] =	stream.indirect_vreg.gather [hbm4b:s8+s3], $0x80, v6, vm1, $0xb8;
	v6 =	vand.u32 $0x7, v7;
	[tilespmem:$0x6100] =	vst v63  }
0xb8: {  	_ =	swait.ge [sflag:s28], $0x3000;
	v6 =	vor.u32 v6, v8  }
0xb9: {  	[sflag:s28] =	ssyncset.done $0x0;
	v8 =	vperm.xlane v6, v3  }
0xba: {  	[sflag:s28] =	ssyncadd.s32 $0xFFFFD000  }
0xbb: {  	[hbm4b:s14+s3] =	stream.linear.scatter [tilespmem:s21], [sflag:$0x2], $0x3000, $0x38;
	v8 =	vadd.s32 v4, v8;
	[tilespmem:$0x6100] =	vst v63  }
0xbc: {  	_ =	swait.ge [sflag:s18], $0x3000  }
0xbd: {  	[sflag:s18] =	ssyncset.done $0x0  }
0xbe: {  	[sflag:s18] =	ssyncadd.s32 $0xFFFFD000  }
0xbf: {  	v6 =	vperm.xlane v6, v5;
	[tilespmem:$0x3000] =	vst v7  }
0xc0: {  	[tilespmem:s21], [sflag:$0x1] =	stream.indirect_vreg.gather [hbm4b:s1+s3], $0x80, v8, vm1, $0xb8;
	[tilespmem:$0x6100] =	vst v63  }
0xc1: {  	v6 =	vadd.s32 v4, v6  }
0xc2: {  	[tilespmem:s22], [sflag:$0x1] =	stream.indirect_vreg.gather [hbm4b:s7+s3], $0x80, v8, vm1, $0xb8;
	[tilespmem:$0x6100] =	vst v63  }
0xc3: {  	_ = 	snop  }
0xc4: {  	[tilespmem:s23], [sflag:$0x1] =	stream.indirect_vreg.gather [hbm4b:s8+s3], $0x80, v8, vm1, $0xb8;
	[tilespmem:$0x6100] =	vst v63  }
0xc5: {  	_ = 	snop  }
0xc6: {  	[tilespmem:s24], [sflag:$0x1] =	stream.indirect_vreg.gather [hbm4b:s1+s3], $0x80, v6, vm1, $0xb8;
	[tilespmem:$0x6100] =	vst v63  }
0xc7: {  	_ = 	snop  }
0xc8: {  	[tilespmem:s25], [sflag:$0x1] =	stream.indirect_vreg.gather [hbm4b:s7+s3], $0x80, v6, vm1, $0xb8;
	[tilespmem:$0x6100] =	vst v63  }
0xc9: {  	_ = 	snop  }
0xca: {  	[tilespmem:s26], [sflag:$0x1] =	stream.indirect_vreg.gather [hbm4b:s8+s3], $0x80, v6, vm1, $0xb8;
	[tilespmem:$0x6100] =	vst v63  }
0xcb: {  	s29 =	sadd.s32 $0x1, s29;
	_ =	swait.ge [sflag:s28], $0x3000  }
0xcc: {  	p0 =	sne.s32 s29, s16;
	[sflag:s28] =	ssyncset.done $0x0  }
.Ltmp2:
0xcd: {  	[sflag:s28] =	ssyncadd.s32 $0xFFFFD000;
	(pc) =	sbr.rel @p0 .LBB2_1-.Ltmp2, $4  }
0xce: {  	[hbm4b:s15+s3] =	stream.linear.scatter [tilespmem:s21], [sflag:$0x2], $0x3000, $0x38;
	[tilespmem:$0x6100] =	vst v63  }
0xcf: {  	_ =	swait.ge [sflag:s18], $0x3000  }
0xd0: {  	[sflag:s18] =	ssyncset.done $0x0  }
0xd1: {  	[sflag:s18] =	ssyncadd.s32 $0xFFFFD000  }
0xd2: {  	_ =	sfence.sel $0x180000  }
0xd3: {  	[bflag:$0x0] =	sbarrier.arrive $0xFFFF  }
0xd4: {  	_ =	strace $0x90000047  }
0xd5: {  	[bflag:$0x2] =	sbarrier.arrive $0xFFFF  }
0xd6: {  	p0 =	sne.s32 s2, $0x0;
	s0 =	rddreg [dreg:$0x3]  }
0xd7: {  	s0 =	sadd.s32 @!p0 $0x100000, s0  }
0xd8: {  	[sflag:s0] =	ssyncadd.tile.s32 @!p0 $0x1;
	_ =	shalt  }
.Lfunc_end2:
_tile_overlayer_lowered:
.L_overlay_start_2:
0xd9: {  	(tag) =	ssettag $0x2  }
0xda: {  	s0 =	rddreg [dreg:$0x0];
	s2 =	stileid.u32  }
0xdb: {  	s1 =	rddreg [dreg:$0x1];
	p0 =	sne.s32 s2, $0x0  }
0xdc: {  	s3 =	rddreg [dreg:$0x2];
	[bflag:$0x3] =	sbarrier.arrive $0xFFFF;
	s2 =	simm.s32 @!p0 $0x1C02  }
0xdd: {  	[timem:s3], [sflag:s2] =	dma.local @!p0 [hbm:s0], s1  }
0xde: {  	s0 =	simm.s32 @!p0 $0x2  }
0xdf: {  	_ =	swait.ge @!p0 [sflag:s0], s1  }
0xe0: {  	s1 =	ssub.s32 @!p0 $0x0, s1;
	[sflag:s0] =	ssyncset.done @!p0 $0x0  }
0xe1: {  	[sflag:s0] =	ssyncadd.s32 @!p0 s1  }
0xe2: {  	[bflag:$0x3] =	sbarrier.arrive $0xFFFF  }
0xe3: {  	_ =	shalt  }

// kernel: kernel.13.cloned.1.call-start
scs
__scs_entry_jumppad:
0x0: {  	(pc) =	sbr.rel $0x88, $3  }
0x1: {  	(tag) =	ssettag $0x0;
	lr =	simm.s32 $0x1  }
0x2: {  	[smem:$0x3FA0] =	sst lr;
	_ =	strace $0xD0000000  }
0x3: {  	_ = 	snop  }
0x4: {  	_ = 	snop  }
0x5: {  	_ = 	snop  }
0x6: {  	_ = 	snop  }
0x7: {  	_ = 	snop  }
__scs_overlays_trampoline_lowered:
0x8: {  	[smem:$0x3FAF] =	sst s0  }
0x9: {  	[smem:$0x3FB0] =	sst s1  }
0xa: {  	[smem:$0x3FB1] =	sst s2  }
0xb: {  	[smem:$0x3FB2] =	sst s3  }
0xc: {  	[smem:$0x3FB3] =	sst s4  }
0xd: {  	[smem:$0x3FB4] =	sst s5  }
0xe: {  	[smem:$0x3FB5] =	sst s6  }
0xf: {  	[smem:$0x3FB6] =	sst s7  }
0x10: {  	[smem:$0x3FB7] =	sst s8  }
0x11: {  	[smem:$0x3FB8] =	sst s9;
	s0 =	simm.s32 @!p0 $0x0  }
0x12: {  	s1 =	sld [smem:$0x3F9E];
	s0 =	simm.s32 @p0 $0x1  }
0x13: {  	[smem:$0x3FB9] =	sst s0;
	s0 =	simm.s32 @!p1 $0x0  }
0x14: {  	s2 =	sld [smem:$0x3F9D];
	s0 =	simm.s32 @p1 $0x1  }
0x15: {  	[smem:$0x3FBA] =	sst s0;
	s0 =	simm.s32 @!p2 $0x0  }
0x16: {  	s3 =	sld [smem:$0x3FDB];
	s0 =	simm.s32 @p2 $0x1  }
0x17: {  	s4 =	simm.s32 $0x1BF5;
	[smem:$0x3FBC] =	sst s0  }
0x18: {  	s0 =	sld [smem:$0x3F9F];
	_ =	swait.ge [sflag:s4], $0x0  }
0x19: {  	s7 =	sld [smem:$0x3FA0]  }
0x1a: {  	s8 =	sadd.s32 $0xFFFFE003, lr  }
0x1b: {  	s9 =	sadd.s32 $0xFFFFFEF7, lr;
	s5 =	simm.s32 $0xFFFFFFFF;
	p2 =	slt.u32 s8, $0xFFFFF086  }
0x1c: {  	p1 =	slt.u32 s9, $0xF7A;
	s5 =	simm.s32 @!p2 $0x0  }
0x1d: {  	s5 =	simm.s32 @p1 $0x1;
	p0 =	seq.s32 s7, s2  }
0x1e: {  	s7 =	smul.u32 @!p0 $0xF7A, s2;
	p2 =	seq.s32 @!p0 s5, $0x0  }
0x1f: {  	s9 =	smul.u32 $0xF7A, s1;
	s8 =	simm.s32 @!p0 $0x1BF5;
	p2 =	por !p2, p0  }
0x20: {  	[sflag:s8] =	ssyncset.s32 @!p0 $0xFFFFF086;
	s6 =	sadd.s32 @!p0 s3, s7;
	s7 =	simm.s32 @!p0 $0x108  }
0x21: {  	s3 =	sadd.s32 s3, s9;
	s6 =	sadd.s32 @!p0 $0x88, s6;
	s7 =	simm.s32 @p2 $0x1082  }
0x22: {  	[simem:s7], [sflag:s8] =	dma.local @!p0 [hbm:s6], $0xF7A  }
0x23: {  	s9 =	sor.u32 $0xD0000000, s2;
	s6 =	simm.s32 $0x108;
	_ =	swait.ge @!p0 [sflag:s8], $0x0  }
0x24: {  	s3 =	sadd.s32 $0x88, s3;
	s6 =	simm.s32 @!p1 $0x1082;
	[sflag:s4] =	ssyncset.s32 $0xFFFFF086  }
0x25: {  	[simem:s6], [sflag:s4] =	dma.local [hbm:s3], $0xF7A  }
0x26: {  	[smem:$0x3FA0] =	sst s1;
	(tag) =	ssettag s2;
	_ =	strace s9  }
0x27: {  	s1 =	sld [smem:$0x3FB0]  }
0x28: {  	s2 =	sld [smem:$0x3FB1]  }
0x29: {  	s4 =	sld [smem:$0x3FB3]  }
0x2a: {  	p0 =	seq.s32 s5, $0x0;
	s5 =	sld [smem:$0x3FB4]  }
0x2b: {  	s6 =	sld [smem:$0x3FB5]  }
0x2c: {  	s7 =	sld [smem:$0x3FB6]  }
0x2d: {  	s3 =	simm.s32 $0x108;
	s8 =	sld [smem:$0x3FB7]  }
0x2e: {  	s3 =	simm.s32 @!p0 $0x1082;
	s9 =	sld [smem:$0x3FB8]  }
0x2f: {  	lr =	sadd.s32 s0, s3;
	s0 =	sld [smem:$0x3FAF]  }
0x30: {  	s3 =	sld [smem:$0x3FB2]  }
0x31: {  	[smem:$0x3FBB] =	sst s10  }
0x32: {  	s10 =	sld [smem:$0x3FB9];
	_ =	sdelay $0x3  }
0x33: {  	p0 =	seq.s32 s10, $0x1;
	s10 =	sld [smem:$0x3FBB];
	_ =	sdelay $0x3  }
0x34: {  	[smem:$0x3FBB] =	sst s10  }
0x35: {  	s10 =	sld [smem:$0x3FBA];
	_ =	sdelay $0x3  }
0x36: {  	p1 =	seq.s32 s10, $0x1;
	s10 =	sld [smem:$0x3FBB];
	_ =	sdelay $0x3  }
0x37: {  	[smem:$0x3FBB] =	sst s10  }
0x38: {  	s10 =	sld [smem:$0x3FBC]  }
0x39: {  	_ = 	snop;
	(pc) =	sbr.ind lr, $3  }
0x3a: {  	_ = 	snop  }
0x3b: {  	_ = 	snop  }
0x3c: {  	p2 =	seq.s32 s10, $0x1;
	s10 =	sld [smem:$0x3FBB]  }
0x3d: {  	_ =	shalt  }
0x3e: {  	_ =	shalt  }
0x3f: {  	_ =	shalt  }
0x40: {  	_ =	shalt  }
0x41: {  	_ =	shalt  }
0x42: {  	_ =	shalt  }
0x43: {  	_ =	shalt  }
0x44: {  	_ =	shalt  }
0x45: {  	_ =	shalt  }
0x46: {  	_ =	shalt  }
0x47: {  	_ =	shalt  }
0x48: {  	_ =	shalt  }
0x49: {  	_ =	shalt  }
0x4a: {  	_ =	shalt  }
0x4b: {  	_ =	shalt  }
0x4c: {  	_ =	shalt  }
0x4d: {  	_ =	shalt  }
0x4e: {  	_ =	shalt  }
0x4f: {  	_ =	shalt  }
0x50: {  	_ =	shalt  }
0x51: {  	_ =	shalt  }
0x52: {  	_ =	shalt  }
0x53: {  	_ =	shalt  }
0x54: {  	_ =	shalt  }
0x55: {  	_ =	shalt  }
0x56: {  	_ =	shalt  }
0x57: {  	_ =	shalt  }
0x58: {  	_ =	shalt  }
0x59: {  	_ =	shalt  }
0x5a: {  	_ =	shalt  }
0x5b: {  	_ =	shalt  }
0x5c: {  	_ =	shalt  }
0x5d: {  	_ =	shalt  }
0x5e: {  	_ =	shalt  }
0x5f: {  	_ =	shalt  }
0x60: {  	_ =	shalt  }
0x61: {  	_ =	shalt  }
0x62: {  	_ =	shalt  }
0x63: {  	_ =	shalt  }
0x64: {  	_ =	shalt  }
0x65: {  	_ =	shalt  }
0x66: {  	_ =	shalt  }
0x67: {  	_ =	shalt  }
0x68: {  	_ =	shalt  }
0x69: {  	_ =	shalt  }
0x6a: {  	_ =	shalt  }
0x6b: {  	_ =	shalt  }
0x6c: {  	_ =	shalt  }
0x6d: {  	_ =	shalt  }
0x6e: {  	_ =	shalt  }
0x6f: {  	_ =	shalt  }
0x70: {  	_ =	shalt  }
0x71: {  	_ =	shalt  }
0x72: {  	_ =	shalt  }
0x73: {  	_ =	shalt  }
0x74: {  	_ =	shalt  }
0x75: {  	_ =	shalt  }
0x76: {  	_ =	shalt  }
0x77: {  	_ =	shalt  }
0x78: {  	_ =	shalt  }
0x79: {  	_ =	shalt  }
0x7a: {  	_ =	shalt  }
0x7b: {  	_ =	shalt  }
0x7c: {  	_ =	shalt  }
0x7d: {  	_ =	shalt  }
0x7e: {  	_ =	shalt  }
0x7f: {  	_ =	shalt  }
0x80: {  	_ =	shalt  }
0x81: {  	_ =	shalt  }
0x82: {  	_ =	shalt  }
0x83: {  	_ =	shalt  }
0x84: {  	_ =	shalt  }
0x85: {  	_ =	shalt  }
0x86: {  	_ =	shalt  }
0x87: {  	_ =	shalt  }
.Lfunc_end0:
.L_simem_size_0:
called_computation.2_lowered:
.L_overlay_start_0:
0x88: {  	s2 =	sld [smem:$0x3FD9]  }
0x89: {  	s3 =	sld [smem:$0x3FFE];
	_ =	sdelay $0x1  }
0x8a: {  	s1 =	srdreg.scid  }
0x8b: {  	s0 =	sand.u32 $0x1, s1  }
0x8c: {  	s17 =	sshll.u32 s0, $0xA;
	s2 =	sadd.s32 s3, s2  }
0x8d: {  	s2 =	sadd.s32 s2, s17  }
0x8e: {  	[smem:$0x3FC7] =	sst s2  }
0x8f: {  	_ = 	snop  }
0x90: {  	s18 =	sld [smem:$0x3FC9];
	(tm) =	ssettm $0x1  }
0x91: {  	s19 =	sld [smem:$0x3FFB];
	_ =	sdelay $0x3  }
0x92: {  	_ =	strace s19  }
0x93: {  	s2 =	sld [smem:$0x3FFC];
	_ =	sdelay $0x3  }
0x94: {  	_ =	strace s2  }
0x95: {  	s2 =	sld [smem:$0x3FFD];
	_ =	sdelay $0x3  }
0x96: {  	_ =	strace s2  }
0x97: {  	_ =	strace $0x8FFFFFFF  }
0x98: {  	s20 =	sld [smem:$0x3FDB];
	_ =	sdelay $0x1  }
0x99: {  	s4 =	simm.s32 $_scs_section_size  }
0x9a: {  	s5 =	simm.s32 $_size__tile_overlayer_lowered;
	s6 =	simm.s32 $_tile_overlayer_lowered  }
0x9b: {  	s7 =	simm.s32 $0x1BFF;
	s21 =	sshll.u32 s6, $0x1;
	s4 =	sadd.s32 s4, s20  }
0x9c: {  	s22 =	simm.s32 $0x0;
	s5 =	sshll.u32 s5, $0x1;
	s6 =	sadd.s32 s21, s4  }
0x9d: {  	[timem:s22], [sflag:s7] =	dma.local [hbm:s6], s5  }
0x9e: {  	_ =	swait.ge [sflag:s7], s5  }
0x9f: {  	s5 =	ssub.s32 $0x0, s5;
	[sflag:s7] =	ssyncset.done $0x0  }
0xa0: {  	[sflag:s7] =	ssyncadd.s32 s5;
	_ =	sdelay $0x1  }
0xa1: {  	s23 =	simm.s32 $0x1B8B  }
0xa2: {  	_ =	swait.ge [sflag:s23], $0x1  }
0xa3: {  	[sflag:s23] =	ssyncset.done $0x0  }
0xa4: {  	[sflag:s23] =	ssyncadd.s32 $0xFFFFFFFF  }
0xa5: {  	s5 =	sld [smem:$0x0]  }
0xa6: {  	s6 =	sand.u32 $0xFFFFFFFE, s1  }
0xa7: {  	p0 =	sne.s32 s1, s6  }
0xa8: {  	s6 =	sshll.u32 @p0 s6, $0xE  }
0xa9: {  	s6 =	sadd.s32 @p0 $0x11B8D, s6;
	s7 =	sshll.u32 @p0 s5, $0x11  }
0xaa: {  	s6 =	sor.u32 @p0 s7, s6  }
0xab: {  	[sflag:s6] =	ssyncadd.remote.s32 @p0 $0x1;
	_ =	sdelay $0x1  }
0xac: {  	s6 =	simm.s32 @p0 $0x1B8D  }
0xad: {  	_ =	swait.eq @p0 [sflag:s6], $0x1  }
0xae: {  	[sflag:s6] =	ssyncadd.s32 @p0 $0xFFFFFFFF  }
0xaf: {  	s7 =	sshll.u32 @!p0 s1, $0xE  }
0xb0: {  	s7 =	sor.u32 @!p0 $0x4000, s7;
	s6 =	simm.s32 @!p0 $0x1B8D  }
0xb1: {  	s5 =	sshll.u32 @!p0 s5, $0x11;
	s7 =	sadd.s32 @!p0 $0x11B8D, s7;
	_ =	swait.eq @!p0 [sflag:s6], $0x1  }
0xb2: {  	s5 =	sor.u32 @!p0 s5, s7;
	[sflag:s6] =	ssyncadd.s32 @!p0 $0xFFFFFFFF  }
0xb3: {  	s25 =	simm.s32 $0x1B8E;
	s24 =	sld [smem:$0x3FFE];
	[sflag:s5] =	ssyncadd.remote.s32 @!p0 $0x1  }
0xb4: {  	s26 =	simm.s32 $execute0_lowered;
	[smem:$0x3FD2] =	sst s25  }
0xb5: {  	s6 =	sshll.u32 s26, $0x1;
	_ =	strace $0x80000049;
	[dreg:$0x1] =	wrdreg $0xFFFFFFFF  }
0xb6: {  	s28 =	simm.s32 $_size_execute0_lowered;
	s4 =	sadd.s32 s4, s6;
	[dreg:$0x0] =	wrdreg $0x0  }
0xb7: {  	s6 =	sshll.u32 s28, $0x1;
	[dreg:$0x2] =	wrdreg s4  }
0xb8: {  	[dreg:$0x3] =	wrdreg s6  }
0xb9: {  	[dreg:$0x4] =	wrdreg $0xC0  }
0xba: {  	_ =	task [dreg:s22], $0x5FFFF  }
0xbb: {  	[dreg:$0x1] =	wrdreg $0xFFFFFFFF  }
0xbc: {  	[dreg:$0x0] =	wrdreg $0x60  }
0xbd: {  	[dreg:$0x2] =	wrdreg s18  }
0xbe: {  	[dreg:$0x3] =	wrdreg s24  }
0xbf: {  	[dreg:$0x4] =	wrdreg $0xA  }
0xc0: {  	_ =	task.clear_ibuf [dreg:s22], $0x5FFFF;
	_ =	strace $0x90000049  }
0xc1: {  	s29 =	simm.s32 $0xA;
	_ =	strace $0x8000004B  }
0xc2: {  	_ =	swait.ge [sflag:s29], $0x1  }
0xc3: {  	[sflag:s29] =	ssyncadd.s32 $0xFFFFFFFF  }
0xc4: {  	_ =	strace $0x9000004B  }
0xc5: {  	_ =	sfence  }
0xc6: {  	s30 =	sld [smem:$0x0];
	_ =	sdelay $0x2  }
0xc7: {  	s31 =	sshll.u32 s1, $0xD;
	s1 =	sshrl.u32 s1, $0x2  }
0xc8: {  	s4 =	sand.u32 $0x4000, s31;
	s1 =	sadd.s32 s1, s30  }
0xc9: {  	s0 =	sor.u32 s4, s0;
	s1 =	sshll.u32 s1, $0x11  }
0xca: {  	s0 =	sor.u32 s1, s0  }
0xcb: {  	s0 =	sadd.s32 $0x8F2B, s0  }
0xcc: {  	[sflag:s0] =	ssyncadd.remote.s32 $0x1  }
0xcd: {  	_ =	sfence.sel $0xFFFF  }
0xce: {  	[dreg:$0x0] =	wrdreg $0xFFFFFFFF;
	(pc) =	sbr.abs _section_cstart, $3  }
0xcf: {  	[dreg:$0x1] =	wrdreg $0xFFFFFFFF  }
0xd0: {  	_ =	task.clear_ibuf [dreg:s22], $0x2FFFF;
	_ =	strace $0x9FFFFFFF  }
0xd1: {  	(tm) =	ssettm $0x7FFFFFFF  }
tec
execute0_lowered:
.L_overlay_start_1:
0x0: {  	(tag) =	ssettag $0x1  }
0x1: {  	v0 =	vlaneseq.u32  }
0x2: {  	vm0 =	vmmov $0xffff;
	v24 =	vmul.u32 $0x2, v0  }
0x3: {  	s0 =	srdreg.scid;
	v2 =	vor.u32 $0x20, v0;
	v3 =	vor.u32 $0x30, v0;
	v4 =	vor.u32 $0x40, v0  }
0x4: {  	s1 =	stileid.u32;
	s0 =	sand.u32 $0x1, s0;
	v5 =	vor.u32 $0x50, v0;
	v6 =	vor.u32 $0x60, v0;
	v41 =	vshrl.u32 v0, $0x3  }
0x5: {  	s2 =	sshll.u32 s1, $0x8;
	v7 =	vor.u32 $0x70, v0;
	v42 =	vor.u32 $0x8, v0;
	s3 =	sshll.u32 s0, $0x7;
	v41 =	vmul.u32 $0x8, v41  }
0x6: {  	s2 =	sor.u32 s3, s2;
	v31 =	vor.u32 $0xE0, v24;
	v33 =	vor.u32 $0xC0, v24;
	v29 =	vor.u32 $0xA0, v24  }
0x7: {  	v27 =	vor.u32 $0x80, v24;
	v25 =	vor.u32 $0x20, v24;
	v1 =	vmov s2  }
0x8: {  	v28 =	vor.u32 $0x60, v24;
	v26 =	vor.u32 $0x40, v24;
	s10 =	sadd.s32 $0xE67, s2;
	v30 =	vshll.u32 v1, $0x1  }
0x9: {  	v1 =	vor.u32 $0x10, v0;
	v8 =	vadd.s32 s10, v0;
	v10 =	vadd.s32 s10, v2  }
0xa: {  	s2 =	sadd.s32 $0x2CCE, s2;
	v11 =	vadd.s32 s10, v3;
	v12 =	vadd.s32 s10, v4;
	v13 =	vadd.s32 s10, v5  }
0xb: {  	v14 =	vadd.s32 s10, v6;
	v15 =	vadd.s32 s10, v7;
	v16 =	vadd.s32 s2, v0  }
0xc: {  	v18 =	vadd.s32 s2, v2;
	v19 =	vadd.s32 s2, v3;
	v20 =	vadd.s32 s2, v4  }
0xd: {  	v21 =	vadd.s32 s2, v5;
	v22 =	vadd.s32 s2, v6;
	v23 =	vadd.s32 s2, v7  }
0xe: {  	v32 =	vor.u32 v24, v30;
	v9 =	vadd.s32 s10, v1;
	v17 =	vadd.s32 s2, v1  }
0xf: {  	v34 =	vor.u32 v25, v30;
	v35 =	vor.u32 v26, v30;
	v36 =	vor.u32 v28, v30  }
0x10: {  	v37 =	vor.u32 v27, v30;
	v38 =	vor.u32 v29, v30;
	v39 =	vor.u32 v33, v30  }
0x11: {  	v40 =	vor.u32 v31, v30;
	v24 =	vor.u32 $0x1, v32;
	v25 =	vor.u32 $0x1, v34  }
0x12: {  	s7 =	rddreg [dreg:$0x1];
	s9 =	simm.s32 $0x0;
	v26 =	vor.u32 $0x1, v35;
	v27 =	vor.u32 $0x1, v36;
	v28 =	vor.u32 $0x1, v37  }
0x13: {  	s12 =	simm.s32 $0x1;
	s1 =	rddreg [dreg:$0x0];
	s0 =	ssub.s32 $0x2, s0;
	v29 =	vor.u32 $0x1, v38;
	v30 =	vor.u32 $0x1, v39;
	v31 =	vor.u32 $0x1, v40  }
0x14: {  	_ =	strace $0x8000004A;
	s6 =	sadd.s32 $0x1B100, s7;
	s4 =	sshrl.u32 s0, $0x1;
	v32 =	vor.u32 $0x2001, v32;
	v33 =	vor.u32 $0x2001, v34;
	v34 =	vor.u32 $0x2001, v35  }
0x15: {  	s5 =	sadd.s32 $0x200, s1;
	s3 =	sadd.s32 $0x1B000, s7;
	s0 =	ssub.s32 s0, s4;
	v35 =	vor.u32 $0x2001, v36;
	v36 =	vor.u32 $0x2001, v37;
	v37 =	vor.u32 $0x2001, v38  }
0x16: {  	s7 =	sadd.s32 $0x1B200, s7;
	s4 =	sadd.s32 $0x100, s1;
	s8 =	smax.u32 s0, $0x1;
	v38 =	vor.u32 $0x2001, v39;
	v39 =	vor.u32 $0x2001, v40;
	v40 =	vand.u32 $0x7, v0  }
.LBB2_1:
0x17: {  	[tilespmem:v0+s9+$0x0] =	vst.idx.msk $0xffff, v24  }
0x18: {  	[tilespmem:v1+s9+$0x0] =	vst.idx.msk $0xffff, v25  }
0x19: {  	[tilespmem:v2+s9+$0x0] =	vst.idx.msk $0xffff, v26  }
0x1a: {  	[tilespmem:v3+s9+$0x0] =	vst.idx.msk $0xffff, v27  }
0x1b: {  	[tilespmem:v4+s9+$0x0] =	vst.idx.msk $0xffff, v28  }
0x1c: {  	[tilespmem:v5+s9+$0x0] =	vst.idx.msk $0xffff, v29  }
0x1d: {  	[tilespmem:v6+s9+$0x0] =	vst.idx.msk $0xffff, v30  }
0x1e: {  	[tilespmem:v7+s9+$0x0] =	vst.idx.msk $0xffff, v31  }
0x1f: {  	v43 =	vld [tilespmem:$0x0];
	_ =	sdelay $0x4  }
0x20: {  	v44 =	vshrl.u32 v43, $0x3  }
0x21: {  	v44 =	vmul.u32 $0x30, v44  }
0x22: {  	v43 =	vand.u32 $0x7, v43  }
0x23: {  	v43 =	vor.u32 v43, v44  }
0x24: {  	v44 =	vperm.xlane v43, v40;
	_ =	sdelay $0x1  }
0x25: {  	v44 =	vadd.s32 v41, v44;
	_ =	sdelay $0x3  }
0x26: {  	s0 =	simm.s32 $0x80;
	v43 =	vperm.xlane v43, v42  }
0x27: {  	[tilespmem:s0], [sflag:$0x1] =	stream.indirect_vreg.gather [hbm4b:s1+s9], $0x80, v44, vm0, $0xb8;
	[tilespmem:$0x18080] =	vst v63  }
0x28: {  	s18 =	simm.s32 $0x880;
	v43 =	vadd.s32 v41, v43  }
0x29: {  	[tilespmem:s18], [sflag:$0x1] =	stream.indirect_vreg.gather [hbm4b:s4+s9], $0x80, v44, vm0, $0xb8;
	[tilespmem:$0x18080] =	vst v63  }
0x2a: {  	s19 =	simm.s32 $0x1080  }
0x2b: {  	[tilespmem:s19], [sflag:$0x1] =	stream.indirect_vreg.gather [hbm4b:s5+s9], $0x80, v44, vm0, $0xb8;
	[tilespmem:$0x18080] =	vst v63  }
0x2c: {  	s20 =	simm.s32 $0x1880  }
0x2d: {  	[tilespmem:s20], [sflag:$0x1] =	stream.indirect_vreg.gather [hbm4b:s1+s9], $0x80, v43, vm0, $0xb8;
	[tilespmem:$0x18080] =	vst v63  }
0x2e: {  	s21 =	simm.s32 $0x2080  }
0x2f: {  	[tilespmem:s21], [sflag:$0x1] =	stream.indirect_vreg.gather [hbm4b:s4+s9], $0x80, v43, vm0, $0xb8;
	[tilespmem:$0x18080] =	vst v63  }
0x30: {  	s22 =	simm.s32 $0x2880  }
0x31: {  	[tilespmem:s22], [sflag:$0x1] =	stream.indirect_vreg.gather [hbm4b:s5+s9], $0x80, v43, vm0, $0xb8;
	[tilespmem:$0x18080] =	vst v63  }
0x32: {  	v43 =	vld [tilespmem:$0x10];
	_ =	sdelay $0x4  }
0x33: {  	v62 =	vshrl.u32 v43, $0x3  }
0x34: {  	v44 =	vmul.u32 $0x30, v62  }
0x35: {  	v43 =	vand.u32 $0x7, v43  }
0x36: {  	v43 =	vor.u32 v43, v44  }
0x37: {  	v44 =	vperm.xlane v43, v40;
	_ =	sdelay $0x1  }
0x38: {  	v44 =	vadd.s32 v41, v44;
	_ =	sdelay $0x3  }
0x39: {  	s23 =	simm.s32 $0x3080;
	v43 =	vperm.xlane v43, v42  }
0x3a: {  	[tilespmem:s23], [sflag:$0x1] =	stream.indirect_vreg.gather [hbm4b:s1+s9], $0x80, v44, vm0, $0xb8;
	[tilespmem:$0x18080] =	vst v63  }
0x3b: {  	s24 =	simm.s32 $0x3880;
	v43 =	vadd.s32 v41, v43  }
0x3c: {  	[tilespmem:s24], [sflag:$0x1] =	stream.indirect_vreg.gather [hbm4b:s4+s9], $0x80, v44, vm0, $0xb8;
	[tilespmem:$0x18080] =	vst v63  }
0x3d: {  	s25 =	simm.s32 $0x4080  }
0x3e: {  	[tilespmem:s25], [sflag:$0x1] =	stream.indirect_vreg.gather [hbm4b:s5+s9], $0x80, v44, vm0, $0xb8;
	[tilespmem:$0x18080] =	vst v63  }
0x3f: {  	s26 =	simm.s32 $0x4880  }
0x40: {  	[tilespmem:s26], [sflag:$0x1] =	stream.indirect_vreg.gather [hbm4b:s1+s9], $0x80, v43, vm0, $0xb8;
	[tilespmem:$0x18080] =	vst v63  }
0x41: {  	s28 =	simm.s32 $0x5080  }
0x42: {  	[tilespmem:s28], [sflag:$0x1] =	stream.indirect_vreg.gather [hbm4b:s4+s9], $0x80, v43, vm0, $0xb8;
	[tilespmem:$0x18080] =	vst v63  }
0x43: {  	s29 =	simm.s32 $0x5880  }
0x44: {  	[tilespmem:s29], [sflag:$0x1] =	stream.indirect_vreg.gather [hbm4b:s5+s9], $0x80, v43, vm0, $0xb8;
	[tilespmem:$0x18080] =	vst v63  }
0x45: {  	v43 =	vld [tilespmem:$0x20];
	_ =	sdelay $0x4  }
0x46: {  	v63 =	vshrl.u32 v43, $0x3  }
0x47: {  	v44 =	vmul.u32 $0x30, v63  }
0x48: {  	v43 =	vand.u32 $0x7, v43  }
0x49: {  	v43 =	vor.u32 v43, v44  }
0x4a: {  	v44 =	vperm.xlane v43, v40;
	_ =	sdelay $0x1  }
0x4b: {  	v44 =	vadd.s32 v41, v44;
	_ =	sdelay $0x3  }
0x4c: {  	s30 =	simm.s32 $0x6080;
	v43 =	vperm.xlane v43, v42  }
0x4d: {  	[tilespmem:s30], [sflag:$0x1] =	stream.indirect_vreg.gather [hbm4b:s1+s9], $0x80, v44, vm0, $0xb8;
	[tilespmem:$0x18080] =	vst v63  }
0x4e: {  	s31 =	simm.s32 $0x6880;
	v43 =	vadd.s32 v41, v43  }
0x4f: {  	[tilespmem:s31], [sflag:$0x1] =	stream.indirect_vreg.gather [hbm4b:s4+s9], $0x80, v44, vm0, $0xb8;
	[tilespmem:$0x18080] =	vst v63  }
0x50: {  	s10 =	simm.s32 $0x7080  }
0x51: {  	[tilespmem:s10], [sflag:$0x1] =	stream.indirect_vreg.gather [hbm4b:s5+s9], $0x80, v44, vm0, $0xb8;
	[tilespmem:$0x18080] =	vst v63  }
0x52: {  	s11 =	simm.s32 $0x7880  }
0x53: {  	[tilespmem:s11], [sflag:$0x1] =	stream.indirect_vreg.gather [hbm4b:s1+s9], $0x80, v43, vm0, $0xb8;
	[tilespmem:$0x18080] =	vst v63  }
0x54: {  	s13 =	simm.s32 $0x8080  }
0x55: {  	[tilespmem:s13], [sflag:$0x1] =	stream.indirect_vreg.gather [hbm4b:s4+s9], $0x80, v43, vm0, $0xb8;
	[tilespmem:$0x18080] =	vst v63  }
0x56: {  	s14 =	simm.s32 $0x8880  }
0x57: {  	[tilespmem:s14], [sflag:$0x1] =	stream.indirect_vreg.gather [hbm4b:s5+s9], $0x80, v43, vm0, $0xb8;
	[tilespmem:$0x18080] =	vst v63  }
0x58: {  	v43 =	vld [tilespmem:$0x30];
	_ =	sdelay $0x4  }
0x59: {  	v48 =	vshrl.u32 v43, $0x3  }
0x5a: {  	v44 =	vmul.u32 $0x30, v48  }
0x5b: {  	v43 =	vand.u32 $0x7, v43  }
0x5c: {  	v43 =	vor.u32 v43, v44  }
0x5d: {  	v44 =	vperm.xlane v43, v40;
	_ =	sdelay $0x1  }
0x5e: {  	v44 =	vadd.s32 v41, v44;
	_ =	sdelay $0x3  }
0x5f: {  	s15 =	simm.s32 $0x9080;
	v43 =	vperm.xlane v43, v42  }
0x60: {  	[tilespmem:s15], [sflag:$0x1] =	stream.indirect_vreg.gather [hbm4b:s1+s9], $0x80, v44, vm0, $0xb8;
	[tilespmem:$0x18080] =	vst v63  }
0x61: {  	s16 =	simm.s32 $0x9880;
	v43 =	vadd.s32 v41, v43  }
0x62: {  	[tilespmem:s16], [sflag:$0x1] =	stream.indirect_vreg.gather [hbm4b:s4+s9], $0x80, v44, vm0, $0xb8;
	[tilespmem:$0x18080] =	vst v63  }
0x63: {  	s17 =	simm.s32 $0xA080  }
0x64: {  	[tilespmem:s17], [sflag:$0x1] =	stream.indirect_vreg.gather [hbm4b:s5+s9], $0x80, v44, vm0, $0xb8;
	[tilespmem:$0x18080] =	vst v63  }
0x65: {  	s18 =	simm.s32 $0xA880  }
0x66: {  	[tilespmem:s18], [sflag:$0x1] =	stream.indirect_vreg.gather [hbm4b:s1+s9], $0x80, v43, vm0, $0xb8;
	[tilespmem:$0x18080] =	vst v63  }
0x67: {  	s24 =	simm.s32 $0xB080  }
0x68: {  	[tilespmem:s24], [sflag:$0x1] =	stream.indirect_vreg.gather [hbm4b:s4+s9], $0x80, v43, vm0, $0xb8;
	[tilespmem:$0x18080] =	vst v63  }
0x69: {  	s25 =	simm.s32 $0xB880  }
0x6a: {  	[tilespmem:s25], [sflag:$0x1] =	stream.indirect_vreg.gather [hbm4b:s5+s9], $0x80, v43, vm0, $0xb8;
	[tilespmem:$0x18080] =	vst v63  }
0x6b: {  	v43 =	vld [tilespmem:$0x40];
	_ =	sdelay $0x4  }
0x6c: {  	v49 =	vshrl.u32 v43, $0x3  }
0x6d: {  	v44 =	vmul.u32 $0x30, v49  }
0x6e: {  	v43 =	vand.u32 $0x7, v43  }
0x6f: {  	v43 =	vor.u32 v43, v44  }
0x70: {  	v44 =	vperm.xlane v43, v40;
	_ =	sdelay $0x1  }
0x71: {  	v44 =	vadd.s32 v41, v44;
	_ =	sdelay $0x3  }
0x72: {  	s31 =	simm.s32 $0xC080;
	v43 =	vperm.xlane v43, v42  }
0x73: {  	[tilespmem:s31], [sflag:$0x1] =	stream.indirect_vreg.gather [hbm4b:s1+s9], $0x80, v44, vm0, $0xb8;
	[tilespmem:$0x18080] =	vst v63  }
0x74: {  	s10 =	simm.s32 $0xC880;
	v43 =	vadd.s32 v41, v43  }
0x75: {  	[tilespmem:s10], [sflag:$0x1] =	stream.indirect_vreg.gather [hbm4b:s4+s9], $0x80, v44, vm0, $0xb8;
	[tilespmem:$0x18080] =	vst v63  }
0x76: {  	s11 =	simm.s32 $0xD080  }
0x77: {  	[tilespmem:s11], [sflag:$0x1] =	stream.indirect_vreg.gather [hbm4b:s5+s9], $0x80, v44, vm0, $0xb8;
	[tilespmem:$0x18080] =	vst v63  }
0x78: {  	s13 =	simm.s32 $0xD880  }
0x79: {  	[tilespmem:s13], [sflag:$0x1] =	stream.indirect_vreg.gather [hbm4b:s1+s9], $0x80, v43, vm0, $0xb8;
	[tilespmem:$0x18080] =	vst v63  }
0x7a: {  	s14 =	simm.s32 $0xE080  }
0x7b: {  	[tilespmem:s14], [sflag:$0x1] =	stream.indirect_vreg.gather [hbm4b:s4+s9], $0x80, v43, vm0, $0xb8;
	[tilespmem:$0x18080] =	vst v63  }
0x7c: {  	s15 =	simm.s32 $0xE880  }
0x7d: {  	[tilespmem:s15], [sflag:$0x1] =	stream.indirect_vreg.gather [hbm4b:s5+s9], $0x80, v43, vm0, $0xb8;
	[tilespmem:$0x18080] =	vst v63  }
0x7e: {  	v43 =	vld [tilespmem:$0x50];
	_ =	sdelay $0x4  }
0x7f: {  	v50 =	vshrl.u32 v43, $0x3  }
0x80: {  	v44 =	vmul.u32 $0x30, v50  }
0x81: {  	v43 =	vand.u32 $0x7, v43  }
0x82: {  	v43 =	vor.u32 v43, v44  }
0x83: {  	v44 =	vperm.xlane v43, v40;
	_ =	sdelay $0x1  }
0x84: {  	v44 =	vadd.s32 v41, v44;
	_ =	sdelay $0x3  }
0x85: {  	s16 =	simm.s32 $0xF080;
	v43 =	vperm.xlane v43, v42  }
0x86: {  	[tilespmem:s16], [sflag:$0x1] =	stream.indirect_vreg.gather [hbm4b:s1+s9], $0x80, v44, vm0, $0xb8;
	[tilespmem:$0x18080] =	vst v63  }
0x87: {  	s17 =	simm.s32 $0xF880;
	v43 =	vadd.s32 v41, v43  }
0x88: {  	[tilespmem:s17], [sflag:$0x1] =	stream.indirect_vreg.gather [hbm4b:s4+s9], $0x80, v44, vm0, $0xb8;
	[tilespmem:$0x18080] =	vst v63  }
0x89: {  	s18 =	simm.s32 $0x10080  }
0x8a: {  	[tilespmem:s18], [sflag:$0x1] =	stream.indirect_vreg.gather [hbm4b:s5+s9], $0x80, v44, vm0, $0xb8;
	[tilespmem:$0x18080] =	vst v63  }
0x8b: {  	s31 =	simm.s32 $0x10880  }
0x8c: {  	[tilespmem:s31], [sflag:$0x1] =	stream.indirect_vreg.gather [hbm4b:s1+s9], $0x80, v43, vm0, $0xb8;
	[tilespmem:$0x18080] =	vst v63  }
0x8d: {  	s10 =	simm.s32 $0x11080  }
0x8e: {  	[tilespmem:s10], [sflag:$0x1] =	stream.indirect_vreg.gather [hbm4b:s4+s9], $0x80, v43, vm0, $0xb8;
	[tilespmem:$0x18080] =	vst v63  }
0x8f: {  	s11 =	simm.s32 $0x11880  }
0x90: {  	[tilespmem:s11], [sflag:$0x1] =	stream.indirect_vreg.gather [hbm4b:s5+s9], $0x80, v43, vm0, $0xb8;
	[tilespmem:$0x18080] =	vst v63  }
0x91: {  	v43 =	vld [tilespmem:$0x60];
	_ =	sdelay $0x4  }
0x92: {  	v51 =	vshrl.u32 v43, $0x3  }
0x93: {  	v44 =	vmul.u32 $0x30, v51  }
0x94: {  	v43 =	vand.u32 $0x7, v43  }
0x95: {  	v43 =	vor.u32 v43, v44  }
0x96: {  	v44 =	vperm.xlane v43, v40;
	_ =	sdelay $0x1  }
0x97: {  	v44 =	vadd.s32 v41, v44;
	_ =	sdelay $0x3  }
0x98: {  	s15 =	simm.s32 $0x12080;
	v43 =	vperm.xlane v43, v42  }
0x99: {  	[tilespmem:s15], [sflag:$0x1] =	stream.indirect_vreg.gather [hbm4b:s1+s9], $0x80, v44, vm0, $0xb8;
	[tilespmem:$0x18080] =	vst v63  }
0x9a: {  	s16 =	simm.s32 $0x12880;
	v43 =	vadd.s32 v41, v43  }
0x9b: {  	[tilespmem:s16], [sflag:$0x1] =	stream.indirect_vreg.gather [hbm4b:s4+s9], $0x80, v44, vm0, $0xb8;
	[tilespmem:$0x18080] =	vst v63  }
0x9c: {  	s17 =	simm.s32 $0x13080  }
0x9d: {  	[tilespmem:s17], [sflag:$0x1] =	stream.indirect_vreg.gather [hbm4b:s5+s9], $0x80, v44, vm0, $0xb8;
	[tilespmem:$0x18080] =	vst v63  }
0x9e: {  	s18 =	simm.s32 $0x13880  }
0x9f: {  	[tilespmem:s18], [sflag:$0x1] =	stream.indirect_vreg.gather [hbm4b:s1+s9], $0x80, v43, vm0, $0xb8;
	[tilespmem:$0x18080] =	vst v63  }
0xa0: {  	s31 =	simm.s32 $0x14080  }
0xa1: {  	[tilespmem:s31], [sflag:$0x1] =	stream.indirect_vreg.gather [hbm4b:s4+s9], $0x80, v43, vm0, $0xb8;
	[tilespmem:$0x18080] =	vst v63  }
0xa2: {  	s10 =	simm.s32 $0x14880  }
0xa3: {  	[tilespmem:s10], [sflag:$0x1] =	stream.indirect_vreg.gather [hbm4b:s5+s9], $0x80, v43, vm0, $0xb8;
	[tilespmem:$0x18080] =	vst v63  }
0xa4: {  	v43 =	vld [tilespmem:$0x70];
	_ =	sdelay $0x4  }
0xa5: {  	v52 =	vshrl.u32 v43, $0x3  }
0xa6: {  	v44 =	vmul.u32 $0x30, v52  }
0xa7: {  	v43 =	vand.u32 $0x7, v43  }
0xa8: {  	v43 =	vor.u32 v43, v44  }
0xa9: {  	v44 =	vperm.xlane v43, v40;
	_ =	sdelay $0x1  }
0xaa: {  	v44 =	vadd.s32 v41, v44;
	_ =	sdelay $0x3  }
0xab: {  	s11 =	simm.s32 $0x15080;
	v43 =	vperm.xlane v43, v42  }
0xac: {  	[tilespmem:s11], [sflag:$0x1] =	stream.indirect_vreg.gather [hbm4b:s1+s9], $0x80, v44, vm0, $0xb8;
	[tilespmem:$0x18080] =	vst v63  }
0xad: {  	s17 =	simm.s32 $0x15880;
	v43 =	vadd.s32 v41, v43  }
0xae: {  	[tilespmem:s17], [sflag:$0x1] =	stream.indirect_vreg.gather [hbm4b:s4+s9], $0x80, v44, vm0, $0xb8;
	[tilespmem:$0x18080] =	vst v63  }
0xaf: {  	s18 =	simm.s32 $0x16080  }
0xb0: {  	[tilespmem:s18], [sflag:$0x1] =	stream.indirect_vreg.gather [hbm4b:s5+s9], $0x80, v44, vm0, $0xb8;
	[tilespmem:$0x18080] =	vst v63  }
0xb1: {  	s31 =	simm.s32 $0x16880  }
0xb2: {  	[tilespmem:s31], [sflag:$0x1] =	stream.indirect_vreg.gather [hbm4b:s1+s9], $0x80, v43, vm0, $0xb8;
	[tilespmem:$0x18080] =	vst v63  }
0xb3: {  	s10 =	simm.s32 $0x17080  }
0xb4: {  	[tilespmem:s10], [sflag:$0x1] =	stream.indirect_vreg.gather [hbm4b:s4+s9], $0x80, v43, vm0, $0xb8;
	[tilespmem:$0x18080] =	vst v63  }
0xb5: {  	s11 =	simm.s32 $0x17880  }
0xb6: {  	[tilespmem:s11], [sflag:$0x1] =	stream.indirect_vreg.gather [hbm4b:s5+s9], $0x80, v43, vm0, $0xb8;
	[tilespmem:$0x18080] =	vst v63  }
0xb7: {  	_ =	swait.ge [sflag:s12], $0x18000  }
0xb8: {  	[sflag:s12] =	ssyncset.done $0x0  }
0xb9: {  	[sflag:s12] =	ssyncadd.s32 $0xFFFE8000  }
0xba: {  	[tilespmem:v0+s9+$0x0] =	vst.idx.msk $0xffff, v8  }
0xbb: {  	[tilespmem:v1+s9+$0x0] =	vst.idx.msk $0xffff, v9  }
0xbc: {  	[tilespmem:v2+s9+$0x0] =	vst.idx.msk $0xffff, v10  }
0xbd: {  	[tilespmem:v3+s9+$0x0] =	vst.idx.msk $0xffff, v11  }
0xbe: {  	[tilespmem:v4+s9+$0x0] =	vst.idx.msk $0xffff, v12  }
0xbf: {  	[tilespmem:v5+s9+$0x0] =	vst.idx.msk $0xffff, v13  }
0xc0: {  	[tilespmem:v6+s9+$0x0] =	vst.idx.msk $0xffff, v14  }
0xc1: {  	[tilespmem:v7+s9+$0x0] =	vst.idx.msk $0xffff, v15  }
0xc2: {  	v53 =	vld [tilespmem:$0x0];
	_ =	sdelay $0x4  }
0xc3: {  	v54 =	vshrl.u32 v53, $0x3  }
0xc4: {  	v44 =	vmul.u32 $0x30, v54  }
0xc5: {  	v43 =	vand.u32 $0x7, v53  }
0xc6: {  	v43 =	vor.u32 v43, v44  }
0xc7: {  	v44 =	vperm.xlane v43, v40;
	_ =	sdelay $0x1  }
0xc8: {  	v44 =	vadd.s32 v41, v44;
	_ =	sdelay $0x3  }
0xc9: {  	s31 =	simm.s32 $0x80;
	v43 =	vperm.xlane v43, v42  }
0xca: {  	[hbm4b:s3+s9] =	stream.indirect_vreg.scatter [tilespmem:s31], [sflag:$0x1], $0x80, v44, vm0, $0xb8;
	[tilespmem:$0x18080] =	vst v63  }
0xcb: {  	s2 =	simm.s32 $0x880;
	v43 =	vadd.s32 v41, v43  }
0xcc: {  	[hbm4b:s6+s9] =	stream.indirect_vreg.scatter [tilespmem:s2], [sflag:$0x1], $0x80, v44, vm0, $0xb8;
	[tilespmem:$0x18080] =	vst v63  }
0xcd: {  	s19 =	simm.s32 $0x1080  }
0xce: {  	[hbm4b:s7+s9] =	stream.indirect_vreg.scatter [tilespmem:s19], [sflag:$0x1], $0x80, v44, vm0, $0xb8;
	[tilespmem:$0x18080] =	vst v63  }
0xcf: {  	s20 =	simm.s32 $0x1880  }
0xd0: {  	[hbm4b:s3+s9] =	stream.indirect_vreg.scatter [tilespmem:s20], [sflag:$0x1], $0x80, v43, vm0, $0xb8;
	[tilespmem:$0x18080] =	vst v63  }
0xd1: {  	s0 =	simm.s32 $0x2080  }
0xd2: {  	[hbm4b:s6+s9] =	stream.indirect_vreg.scatter [tilespmem:s0], [sflag:$0x1], $0x80, v43, vm0, $0xb8;
	[tilespmem:$0x18080] =	vst v63  }
0xd3: {  	s19 =	simm.s32 $0x2880  }
0xd4: {  	[hbm4b:s7+s9] =	stream.indirect_vreg.scatter [tilespmem:s19], [sflag:$0x1], $0x80, v43, vm0, $0xb8;
	[tilespmem:$0x18080] =	vst v63  }
0xd5: {  	v43 =	vld [tilespmem:$0x10];
	_ =	sdelay $0x4  }
0xd6: {  	v55 =	vshrl.u32 v43, $0x3  }
0xd7: {  	v44 =	vmul.u32 $0x30, v55  }
0xd8: {  	v43 =	vand.u32 $0x7, v43  }
0xd9: {  	v43 =	vor.u32 v43, v44  }
0xda: {  	v44 =	vperm.xlane v43, v40;
	_ =	sdelay $0x1  }
0xdb: {  	v44 =	vadd.s32 v41, v44;
	_ =	sdelay $0x3  }
0xdc: {  	s20 =	simm.s32 $0x3080;
	v43 =	vperm.xlane v43, v42  }
0xdd: {  	[hbm4b:s3+s9] =	stream.indirect_vreg.scatter [tilespmem:s20], [sflag:$0x1], $0x80, v44, vm0, $0xb8;
	[tilespmem:$0x18080] =	vst v63  }
0xde: {  	s21 =	simm.s32 $0x3880;
	v43 =	vadd.s32 v41, v43  }
0xdf: {  	[hbm4b:s6+s9] =	stream.indirect_vreg.scatter [tilespmem:s21], [sflag:$0x1], $0x80, v44, vm0, $0xb8;
	[tilespmem:$0x18080] =	vst v63  }
0xe0: {  	s22 =	simm.s32 $0x4080  }
0xe1: {  	[hbm4b:s7+s9] =	stream.indirect_vreg.scatter [tilespmem:s22], [sflag:$0x1], $0x80, v44, vm0, $0xb8;
	[tilespmem:$0x18080] =	vst v63  }
0xe2: {  	s2 =	simm.s32 $0x4880  }
0xe3: {  	[hbm4b:s3+s9] =	stream.indirect_vreg.scatter [tilespmem:s2], [sflag:$0x1], $0x80, v43, vm0, $0xb8;
	[tilespmem:$0x18080] =	vst v63  }
0xe4: {  	s23 =	simm.s32 $0x5080  }
0xe5: {  	[hbm4b:s6+s9] =	stream.indirect_vreg.scatter [tilespmem:s23], [sflag:$0x1], $0x80, v43, vm0, $0xb8;
	[tilespmem:$0x18080] =	vst v63  }
0xe6: {  	s10 =	simm.s32 $0x5880  }
0xe7: {  	[hbm4b:s7+s9] =	stream.indirect_vreg.scatter [tilespmem:s10], [sflag:$0x1], $0x80, v43, vm0, $0xb8;
	[tilespmem:$0x18080] =	vst v63  }
0xe8: {  	v43 =	vld [tilespmem:$0x20];
	_ =	sdelay $0x4  }
0xe9: {  	v56 =	vshrl.u32 v43, $0x3  }
0xea: {  	v44 =	vmul.u32 $0x30, v56  }
0xeb: {  	v43 =	vand.u32 $0x7, v43  }
0xec: {  	v43 =	vor.u32 v43, v44  }
0xed: {  	v44 =	vperm.xlane v43, v40;
	_ =	sdelay $0x1  }
0xee: {  	v44 =	vadd.s32 v41, v44;
	_ =	sdelay $0x3  }
0xef: {  	s23 =	simm.s32 $0x6080;
	v43 =	vperm.xlane v43, v42  }
0xf0: {  	[hbm4b:s3+s9] =	stream.indirect_vreg.scatter [tilespmem:s23], [sflag:$0x1], $0x80, v44, vm0, $0xb8;
	[tilespmem:$0x18080] =	vst v63  }
0xf1: {  	s26 =	simm.s32 $0x6880;
	v43 =	vadd.s32 v41, v43  }
0xf2: {  	[hbm4b:s6+s9] =	stream.indirect_vreg.scatter [tilespmem:s26], [sflag:$0x1], $0x80, v44, vm0, $0xb8;
	[tilespmem:$0x18080] =	vst v63  }
0xf3: {  	s28 =	simm.s32 $0x7080  }
0xf4: {  	[hbm4b:s7+s9] =	stream.indirect_vreg.scatter [tilespmem:s28], [sflag:$0x1], $0x80, v44, vm0, $0xb8;
	[tilespmem:$0x18080] =	vst v63  }
0xf5: {  	s29 =	simm.s32 $0x7880  }
0xf6: {  	[hbm4b:s3+s9] =	stream.indirect_vreg.scatter [tilespmem:s29], [sflag:$0x1], $0x80, v43, vm0, $0xb8;
	[tilespmem:$0x18080] =	vst v63  }
0xf7: {  	s30 =	simm.s32 $0x8080  }
0xf8: {  	[hbm4b:s6+s9] =	stream.indirect_vreg.scatter [tilespmem:s30], [sflag:$0x1], $0x80, v43, vm0, $0xb8;
	[tilespmem:$0x18080] =	vst v63  }
0xf9: {  	s11 =	simm.s32 $0x8880  }
0xfa: {  	[hbm4b:s7+s9] =	stream.indirect_vreg.scatter [tilespmem:s11], [sflag:$0x1], $0x80, v43, vm0, $0xb8;
	[tilespmem:$0x18080] =	vst v63  }
0xfb: {  	v43 =	vld [tilespmem:$0x30];
	_ =	sdelay $0x4  }
0xfc: {  	v57 =	vshrl.u32 v43, $0x3  }
0xfd: {  	v44 =	vmul.u32 $0x30, v57  }
0xfe: {  	v43 =	vand.u32 $0x7, v43  }
0xff: {  	v43 =	vor.u32 v43, v44  }
0x100: {  	v44 =	vperm.xlane v43, v40;
	_ =	sdelay $0x1  }
0x101: {  	v44 =	vadd.s32 v41, v44;
	_ =	sdelay $0x3  }
0x102: {  	s30 =	simm.s32 $0x9080;
	v43 =	vperm.xlane v43, v42  }
0x103: {  	[hbm4b:s3+s9] =	stream.indirect_vreg.scatter [tilespmem:s30], [sflag:$0x1], $0x80, v44, vm0, $0xb8;
	[tilespmem:$0x18080] =	vst v63  }
0x104: {  	s22 =	simm.s32 $0x9880;
	v43 =	vadd.s32 v41, v43  }
0x105: {  	[hbm4b:s6+s9] =	stream.indirect_vreg.scatter [tilespmem:s22], [sflag:$0x1], $0x80, v44, vm0, $0xb8;
	[tilespmem:$0x18080] =	vst v63  }
0x106: {  	s19 =	simm.s32 $0xA080  }
0x107: {  	[hbm4b:s7+s9] =	stream.indirect_vreg.scatter [tilespmem:s19], [sflag:$0x1], $0x80, v44, vm0, $0xb8;
	[tilespmem:$0x18080] =	vst v63  }
0x108: {  	s20 =	simm.s32 $0xA880  }
0x109: {  	[hbm4b:s3+s9] =	stream.indirect_vreg.scatter [tilespmem:s20], [sflag:$0x1], $0x80, v43, vm0, $0xb8;
	[tilespmem:$0x18080] =	vst v63  }
0x10a: {  	s21 =	simm.s32 $0xB080  }
0x10b: {  	[hbm4b:s6+s9] =	stream.indirect_vreg.scatter [tilespmem:s21], [sflag:$0x1], $0x80, v43, vm0, $0xb8;
	[tilespmem:$0x18080] =	vst v63  }
0x10c: {  	s23 =	simm.s32 $0xB880  }
0x10d: {  	[hbm4b:s7+s9] =	stream.indirect_vreg.scatter [tilespmem:s23], [sflag:$0x1], $0x80, v43, vm0, $0xb8;
	[tilespmem:$0x18080] =	vst v63  }
0x10e: {  	v43 =	vld [tilespmem:$0x40];
	_ =	sdelay $0x4  }
0x10f: {  	v58 =	vshrl.u32 v43, $0x3  }
0x110: {  	v44 =	vmul.u32 $0x30, v58  }
0x111: {  	v43 =	vand.u32 $0x7, v43  }
0x112: {  	v43 =	vor.u32 v43, v44  }
0x113: {  	v44 =	vperm.xlane v43, v40;
	_ =	sdelay $0x1  }
0x114: {  	v44 =	vadd.s32 v41, v44;
	_ =	sdelay $0x3  }
0x115: {  	s24 =	simm.s32 $0xC080;
	v43 =	vperm.xlane v43, v42  }
0x116: {  	[hbm4b:s3+s9] =	stream.indirect_vreg.scatter [tilespmem:s24], [sflag:$0x1], $0x80, v44, vm0, $0xb8;
	[tilespmem:$0x18080] =	vst v63  }
0x117: {  	s26 =	simm.s32 $0xC880;
	v43 =	vadd.s32 v41, v43  }
0x118: {  	[hbm4b:s6+s9] =	stream.indirect_vreg.scatter [tilespmem:s26], [sflag:$0x1], $0x80, v44, vm0, $0xb8;
	[tilespmem:$0x18080] =	vst v63  }
0x119: {  	s28 =	simm.s32 $0xD080  }
0x11a: {  	[hbm4b:s7+s9] =	stream.indirect_vreg.scatter [tilespmem:s28], [sflag:$0x1], $0x80, v44, vm0, $0xb8;
	[tilespmem:$0x18080] =	vst v63  }
0x11b: {  	s29 =	simm.s32 $0xD880  }
0x11c: {  	[hbm4b:s3+s9] =	stream.indirect_vreg.scatter [tilespmem:s29], [sflag:$0x1], $0x80, v43, vm0, $0xb8;
	[tilespmem:$0x18080] =	vst v63  }
0x11d: {  	s26 =	simm.s32 $0xE080  }
0x11e: {  	[hbm4b:s6+s9] =	stream.indirect_vreg.scatter [tilespmem:s26], [sflag:$0x1], $0x80, v43, vm0, $0xb8;
	[tilespmem:$0x18080] =	vst v63  }
0x11f: {  	s24 =	simm.s32 $0xE880  }
0x120: {  	[hbm4b:s7+s9] =	stream.indirect_vreg.scatter [tilespmem:s24], [sflag:$0x1], $0x80, v43, vm0, $0xb8;
	[tilespmem:$0x18080] =	vst v63  }
0x121: {  	v43 =	vld [tilespmem:$0x50];
	_ =	sdelay $0x4  }
0x122: {  	v59 =	vshrl.u32 v43, $0x3  }
0x123: {  	v44 =	vmul.u32 $0x30, v59  }
0x124: {  	v43 =	vand.u32 $0x7, v43  }
0x125: {  	v43 =	vor.u32 v43, v44  }
0x126: {  	v44 =	vperm.xlane v43, v40;
	_ =	sdelay $0x1  }
0x127: {  	v44 =	vadd.s32 v41, v44;
	_ =	sdelay $0x3  }
0x128: {  	s25 =	simm.s32 $0xF080;
	v43 =	vperm.xlane v43, v42  }
0x129: {  	[hbm4b:s3+s9] =	stream.indirect_vreg.scatter [tilespmem:s25], [sflag:$0x1], $0x80, v44, vm0, $0xb8;
	[tilespmem:$0x18080] =	vst v63  }
0x12a: {  	s13 =	simm.s32 $0xF880;
	v43 =	vadd.s32 v41, v43  }
0x12b: {  	[hbm4b:s6+s9] =	stream.indirect_vreg.scatter [tilespmem:s13], [sflag:$0x1], $0x80, v44, vm0, $0xb8;
	[tilespmem:$0x18080] =	vst v63  }
0x12c: {  	s28 =	simm.s32 $0x10080  }
0x12d: {  	[hbm4b:s7+s9] =	stream.indirect_vreg.scatter [tilespmem:s28], [sflag:$0x1], $0x80, v44, vm0, $0xb8;
	[tilespmem:$0x18080] =	vst v63  }
0x12e: {  	s14 =	simm.s32 $0x10880  }
0x12f: {  	[hbm4b:s3+s9] =	stream.indirect_vreg.scatter [tilespmem:s14], [sflag:$0x1], $0x80, v43, vm0, $0xb8;
	[tilespmem:$0x18080] =	vst v63  }
0x130: {  	s29 =	simm.s32 $0x11080  }
0x131: {  	[hbm4b:s6+s9] =	stream.indirect_vreg.scatter [tilespmem:s29], [sflag:$0x1], $0x80, v43, vm0, $0xb8;
	[tilespmem:$0x18080] =	vst v63  }
0x132: {  	s26 =	simm.s32 $0x11880  }
0x133: {  	[hbm4b:s7+s9] =	stream.indirect_vreg.scatter [tilespmem:s26], [sflag:$0x1], $0x80, v43, vm0, $0xb8;
	[tilespmem:$0x18080] =	vst v63  }
0x134: {  	v43 =	vld [tilespmem:$0x60];
	_ =	sdelay $0x4  }
0x135: {  	v60 =	vshrl.u32 v43, $0x3  }
0x136: {  	v44 =	vmul.u32 $0x30, v60  }
0x137: {  	v43 =	vand.u32 $0x7, v43  }
0x138: {  	v43 =	vor.u32 v43, v44  }
0x139: {  	v44 =	vperm.xlane v43, v40;
	_ =	sdelay $0x1  }
0x13a: {  	v44 =	vadd.s32 v41, v44;
	_ =	sdelay $0x3  }
0x13b: {  	s25 =	simm.s32 $0x12080;
	v43 =	vperm.xlane v43, v42  }
0x13c: {  	[hbm4b:s3+s9] =	stream.indirect_vreg.scatter [tilespmem:s25], [sflag:$0x1], $0x80, v44, vm0, $0xb8;
	[tilespmem:$0x18080] =	vst v63  }
0x13d: {  	s15 =	simm.s32 $0x12880;
	v43 =	vadd.s32 v41, v43  }
0x13e: {  	[hbm4b:s6+s9] =	stream.indirect_vreg.scatter [tilespmem:s15], [sflag:$0x1], $0x80, v44, vm0, $0xb8;
	[tilespmem:$0x18080] =	vst v63  }
0x13f: {  	s15 =	simm.s32 $0x13080  }
0x140: {  	[hbm4b:s7+s9] =	stream.indirect_vreg.scatter [tilespmem:s15], [sflag:$0x1], $0x80, v44, vm0, $0xb8;
	[tilespmem:$0x18080] =	vst v63  }
0x141: {  	s16 =	simm.s32 $0x13880  }
0x142: {  	[hbm4b:s3+s9] =	stream.indirect_vreg.scatter [tilespmem:s16], [sflag:$0x1], $0x80, v43, vm0, $0xb8;
	[tilespmem:$0x18080] =	vst v63  }
0x143: {  	s16 =	simm.s32 $0x14080  }
0x144: {  	[hbm4b:s6+s9] =	stream.indirect_vreg.scatter [tilespmem:s16], [sflag:$0x1], $0x80, v43, vm0, $0xb8;
	[tilespmem:$0x18080] =	vst v63  }
0x145: {  	s29 =	simm.s32 $0x14880  }
0x146: {  	[hbm4b:s7+s9] =	stream.indirect_vreg.scatter [tilespmem:s29], [sflag:$0x1], $0x80, v43, vm0, $0xb8;
	[tilespmem:$0x18080] =	vst v63  }
0x147: {  	v43 =	vld [tilespmem:$0x70];
	_ =	sdelay $0x4  }
0x148: {  	v61 =	vshrl.u32 v43, $0x3  }
0x149: {  	v44 =	vmul.u32 $0x30, v61  }
0x14a: {  	v43 =	vand.u32 $0x7, v43  }
0x14b: {  	v43 =	vor.u32 v43, v44  }
0x14c: {  	v44 =	vperm.xlane v43, v40;
	_ =	sdelay $0x1  }
0x14d: {  	v44 =	vadd.s32 v41, v44;
	_ =	sdelay $0x3  }
0x14e: {  	s28 =	simm.s32 $0x15080;
	v43 =	vperm.xlane v43, v42  }
0x14f: {  	[hbm4b:s3+s9] =	stream.indirect_vreg.scatter [tilespmem:s28], [sflag:$0x1], $0x80, v44, vm0, $0xb8;
	[tilespmem:$0x18080] =	vst v63  }
0x150: {  	s17 =	simm.s32 $0x15880;
	v43 =	vadd.s32 v41, v43  }
0x151: {  	[hbm4b:s6+s9] =	stream.indirect_vreg.scatter [tilespmem:s17], [sflag:$0x1], $0x80, v44, vm0, $0xb8;
	[tilespmem:$0x18080] =	vst v63  }
0x152: {  	s17 =	simm.s32 $0x16080  }
0x153: {  	[hbm4b:s7+s9] =	stream.indirect_vreg.scatter [tilespmem:s17], [sflag:$0x1], $0x80, v44, vm0, $0xb8;
	[tilespmem:$0x18080] =	vst v63  }
0x154: {  	s18 =	simm.s32 $0x16880  }
0x155: {  	[hbm4b:s3+s9] =	stream.indirect_vreg.scatter [tilespmem:s18], [sflag:$0x1], $0x80, v43, vm0, $0xb8;
	[tilespmem:$0x18080] =	vst v63  }
0x156: {  	s18 =	simm.s32 $0x17080  }
0x157: {  	[hbm4b:s6+s9] =	stream.indirect_vreg.scatter [tilespmem:s18], [sflag:$0x1], $0x80, v43, vm0, $0xb8;
	[tilespmem:$0x18080] =	vst v63  }
0x158: {  	s14 =	simm.s32 $0x17880  }
0x159: {  	[hbm4b:s7+s9] =	stream.indirect_vreg.scatter [tilespmem:s14], [sflag:$0x1], $0x80, v43, vm0, $0xb8;
	[tilespmem:$0x18080] =	vst v63  }
0x15a: {  	_ =	swait.ge [sflag:s12], $0x18000  }
0x15b: {  	[sflag:s12] =	ssyncset.done $0x0  }
0x15c: {  	[sflag:s12] =	ssyncadd.s32 $0xFFFE8000  }
0x15d: {  	[tilespmem:v0+s9+$0x0] =	vst.idx.msk $0xffff, v32  }
0x15e: {  	[tilespmem:v1+s9+$0x0] =	vst.idx.msk $0xffff, v33  }
0x15f: {  	[tilespmem:v2+s9+$0x0] =	vst.idx.msk $0xffff, v34  }
0x160: {  	[tilespmem:v3+s9+$0x0] =	vst.idx.msk $0xffff, v35  }
0x161: {  	[tilespmem:v4+s9+$0x0] =	vst.idx.msk $0xffff, v36  }
0x162: {  	[tilespmem:v5+s9+$0x0] =	vst.idx.msk $0xffff, v37  }
0x163: {  	[tilespmem:v6+s9+$0x0] =	vst.idx.msk $0xffff, v38  }
0x164: {  	[tilespmem:v7+s9+$0x0] =	vst.idx.msk $0xffff, v39  }
0x165: {  	v62 =	vld [tilespmem:$0x0];
	_ =	sdelay $0x4  }
0x166: {  	v63 =	vshrl.u32 v62, $0x3  }
0x167: {  	v44 =	vmul.u32 $0x30, v63  }
0x168: {  	v43 =	vand.u32 $0x7, v62  }
0x169: {  	v43 =	vor.u32 v43, v44  }
0x16a: {  	v44 =	vperm.xlane v43, v40;
	_ =	sdelay $0x1  }
0x16b: {  	v44 =	vadd.s32 v41, v44;
	_ =	sdelay $0x3  }
0x16c: {  	v43 =	vperm.xlane v43, v42  }
0x16d: {  	[tilespmem:s31], [sflag:$0x1] =	stream.indirect_vreg.gather [hbm4b:s1+s9], $0x80, v44, vm0, $0xb8;
	[tilespmem:$0x18080] =	vst v63  }
0x16e: {  	s13 =	simm.s32 $0x880;
	v43 =	vadd.s32 v41, v43  }
0x16f: {  	[tilespmem:s13], [sflag:$0x1] =	stream.indirect_vreg.gather [hbm4b:s4+s9], $0x80, v44, vm0, $0xb8;
	[tilespmem:$0x18080] =	vst v63  }
0x170: {  	s13 =	simm.s32 $0x1080  }
0x171: {  	[tilespmem:s13], [sflag:$0x1] =	stream.indirect_vreg.gather [hbm4b:s5+s9], $0x80, v44, vm0, $0xb8;
	[tilespmem:$0x18080] =	vst v63  }
0x172: {  	s31 =	simm.s32 $0x1880  }
0x173: {  	[tilespmem:s31], [sflag:$0x1] =	stream.indirect_vreg.gather [hbm4b:s1+s9], $0x80, v43, vm0, $0xb8;
	[tilespmem:$0x18080] =	vst v63  }
0x174: {  	_ = 	snop  }
0x175: {  	[tilespmem:s0], [sflag:$0x1] =	stream.indirect_vreg.gather [hbm4b:s4+s9], $0x80, v43, vm0, $0xb8;
	[tilespmem:$0x18080] =	vst v63  }
0x176: {  	s14 =	simm.s32 $0x2880  }
0x177: {  	[tilespmem:s14], [sflag:$0x1] =	stream.indirect_vreg.gather [hbm4b:s5+s9], $0x80, v43, vm0, $0xb8;
	[tilespmem:$0x18080] =	vst v63  }
0x178: {  	v43 =	vld [tilespmem:$0x10];
	_ =	sdelay $0x4  }
0x179: {  	v48 =	vshrl.u32 v43, $0x3  }
0x17a: {  	v44 =	vmul.u32 $0x30, v48  }
0x17b: {  	v43 =	vand.u32 $0x7, v43  }
0x17c: {  	v43 =	vor.u32 v43, v44  }
0x17d: {  	v44 =	vperm.xlane v43, v40;
	_ =	sdelay $0x1  }
0x17e: {  	v44 =	vadd.s32 v41, v44;
	_ =	sdelay $0x3  }
0x17f: {  	s14 =	simm.s32 $0x3080;
	v43 =	vperm.xlane v43, v42  }
0x180: {  	[tilespmem:s14], [sflag:$0x1] =	stream.indirect_vreg.gather [hbm4b:s1+s9], $0x80, v44, vm0, $0xb8;
	[tilespmem:$0x18080] =	vst v63  }
0x181: {  	v43 =	vadd.s32 v41, v43;
	s14 =	simm.s32 $0x3880  }
0x182: {  	[tilespmem:s14], [sflag:$0x1] =	stream.indirect_vreg.gather [hbm4b:s4+s9], $0x80, v44, vm0, $0xb8;
	[tilespmem:$0x18080] =	vst v63  }
0x183: {  	s14 =	simm.s32 $0x4080  }
0x184: {  	[tilespmem:s14], [sflag:$0x1] =	stream.indirect_vreg.gather [hbm4b:s5+s9], $0x80, v44, vm0, $0xb8;
	[tilespmem:$0x18080] =	vst v63  }
0x185: {  	_ = 	snop  }
0x186: {  	[tilespmem:s2], [sflag:$0x1] =	stream.indirect_vreg.gather [hbm4b:s1+s9], $0x80, v43, vm0, $0xb8;
	[tilespmem:$0x18080] =	vst v63  }
0x187: {  	s14 =	simm.s32 $0x5080  }
0x188: {  	[tilespmem:s14], [sflag:$0x1] =	stream.indirect_vreg.gather [hbm4b:s4+s9], $0x80, v43, vm0, $0xb8;
	[tilespmem:$0x18080] =	vst v63  }
0x189: {  	_ = 	snop  }
0x18a: {  	[tilespmem:s10], [sflag:$0x1] =	stream.indirect_vreg.gather [hbm4b:s5+s9], $0x80, v43, vm0, $0xb8;
	[tilespmem:$0x18080] =	vst v63  }
0x18b: {  	v43 =	vld [tilespmem:$0x20];
	_ =	sdelay $0x4  }
0x18c: {  	v49 =	vshrl.u32 v43, $0x3  }
0x18d: {  	v44 =	vmul.u32 $0x30, v49  }
0x18e: {  	v43 =	vand.u32 $0x7, v43  }
0x18f: {  	v43 =	vor.u32 v43, v44  }
0x190: {  	v44 =	vperm.xlane v43, v40;
	_ =	sdelay $0x1  }
0x191: {  	v44 =	vadd.s32 v41, v44;
	_ =	sdelay $0x3  }
0x192: {  	s10 =	simm.s32 $0x6080;
	v43 =	vperm.xlane v43, v42  }
0x193: {  	[tilespmem:s10], [sflag:$0x1] =	stream.indirect_vreg.gather [hbm4b:s1+s9], $0x80, v44, vm0, $0xb8;
	[tilespmem:$0x18080] =	vst v63  }
0x194: {  	s2 =	simm.s32 $0x6880;
	v43 =	vadd.s32 v41, v43  }
0x195: {  	[tilespmem:s2], [sflag:$0x1] =	stream.indirect_vreg.gather [hbm4b:s4+s9], $0x80, v44, vm0, $0xb8;
	[tilespmem:$0x18080] =	vst v63  }
0x196: {  	s10 =	simm.s32 $0x7080  }
0x197: {  	[tilespmem:s10], [sflag:$0x1] =	stream.indirect_vreg.gather [hbm4b:s5+s9], $0x80, v44, vm0, $0xb8;
	[tilespmem:$0x18080] =	vst v63  }
0x198: {  	s2 =	simm.s32 $0x7880  }
0x199: {  	[tilespmem:s2], [sflag:$0x1] =	stream.indirect_vreg.gather [hbm4b:s1+s9], $0x80, v43, vm0, $0xb8;
	[tilespmem:$0x18080] =	vst v63  }
0x19a: {  	s10 =	simm.s32 $0x8080  }
0x19b: {  	[tilespmem:s10], [sflag:$0x1] =	stream.indirect_vreg.gather [hbm4b:s4+s9], $0x80, v43, vm0, $0xb8;
	[tilespmem:$0x18080] =	vst v63  }
0x19c: {  	_ = 	snop  }
0x19d: {  	[tilespmem:s11], [sflag:$0x1] =	stream.indirect_vreg.gather [hbm4b:s5+s9], $0x80, v43, vm0, $0xb8;
	[tilespmem:$0x18080] =	vst v63  }
0x19e: {  	v43 =	vld [tilespmem:$0x30];
	_ =	sdelay $0x4  }
0x19f: {  	v50 =	vshrl.u32 v43, $0x3  }
0x1a0: {  	v44 =	vmul.u32 $0x30, v50  }
0x1a1: {  	v43 =	vand.u32 $0x7, v43  }
0x1a2: {  	v43 =	vor.u32 v43, v44  }
0x1a3: {  	v44 =	vperm.xlane v43, v40;
	_ =	sdelay $0x1  }
0x1a4: {  	v44 =	vadd.s32 v41, v44;
	_ =	sdelay $0x3  }
0x1a5: {  	v43 =	vperm.xlane v43, v42  }
0x1a6: {  	[tilespmem:s30], [sflag:$0x1] =	stream.indirect_vreg.gather [hbm4b:s1+s9], $0x80, v44, vm0, $0xb8;
	[tilespmem:$0x18080] =	vst v63  }
0x1a7: {  	v43 =	vadd.s32 v41, v43  }
0x1a8: {  	[tilespmem:s22], [sflag:$0x1] =	stream.indirect_vreg.gather [hbm4b:s4+s9], $0x80, v44, vm0, $0xb8;
	[tilespmem:$0x18080] =	vst v63  }
0x1a9: {  	_ = 	snop  }
0x1aa: {  	[tilespmem:s19], [sflag:$0x1] =	stream.indirect_vreg.gather [hbm4b:s5+s9], $0x80, v44, vm0, $0xb8;
	[tilespmem:$0x18080] =	vst v63  }
0x1ab: {  	_ = 	snop  }
0x1ac: {  	[tilespmem:s20], [sflag:$0x1] =	stream.indirect_vreg.gather [hbm4b:s1+s9], $0x80, v43, vm0, $0xb8;
	[tilespmem:$0x18080] =	vst v63  }
0x1ad: {  	_ = 	snop  }
0x1ae: {  	[tilespmem:s21], [sflag:$0x1] =	stream.indirect_vreg.gather [hbm4b:s4+s9], $0x80, v43, vm0, $0xb8;
	[tilespmem:$0x18080] =	vst v63  }
0x1af: {  	_ = 	snop  }
0x1b0: {  	[tilespmem:s23], [sflag:$0x1] =	stream.indirect_vreg.gather [hbm4b:s5+s9], $0x80, v43, vm0, $0xb8;
	[tilespmem:$0x18080] =	vst v63  }
0x1b1: {  	v43 =	vld [tilespmem:$0x40];
	_ =	sdelay $0x4  }
0x1b2: {  	v51 =	vshrl.u32 v43, $0x3  }
0x1b3: {  	v44 =	vmul.u32 $0x30, v51  }
0x1b4: {  	v43 =	vand.u32 $0x7, v43  }
0x1b5: {  	v43 =	vor.u32 v43, v44  }
0x1b6: {  	v44 =	vperm.xlane v43, v40;
	_ =	sdelay $0x1  }
0x1b7: {  	v44 =	vadd.s32 v41, v44;
	_ =	sdelay $0x3  }
0x1b8: {  	s20 =	simm.s32 $0xC080;
	v43 =	vperm.xlane v43, v42  }
0x1b9: {  	[tilespmem:s20], [sflag:$0x1] =	stream.indirect_vreg.gather [hbm4b:s1+s9], $0x80, v44, vm0, $0xb8;
	[tilespmem:$0x18080] =	vst v63  }
0x1ba: {  	s19 =	simm.s32 $0xC880;
	v43 =	vadd.s32 v41, v43  }
0x1bb: {  	[tilespmem:s19], [sflag:$0x1] =	stream.indirect_vreg.gather [hbm4b:s4+s9], $0x80, v44, vm0, $0xb8;
	[tilespmem:$0x18080] =	vst v63  }
0x1bc: {  	s21 =	simm.s32 $0xD080  }
0x1bd: {  	[tilespmem:s21], [sflag:$0x1] =	stream.indirect_vreg.gather [hbm4b:s5+s9], $0x80, v44, vm0, $0xb8;
	[tilespmem:$0x18080] =	vst v63  }
0x1be: {  	s0 =	simm.s32 $0xD880  }
0x1bf: {  	[tilespmem:s0], [sflag:$0x1] =	stream.indirect_vreg.gather [hbm4b:s1+s9], $0x80, v43, vm0, $0xb8;
	[tilespmem:$0x18080] =	vst v63  }
0x1c0: {  	s22 =	simm.s32 $0xE080  }
0x1c1: {  	[tilespmem:s22], [sflag:$0x1] =	stream.indirect_vreg.gather [hbm4b:s4+s9], $0x80, v43, vm0, $0xb8;
	[tilespmem:$0x18080] =	vst v63  }
0x1c2: {  	_ = 	snop  }
0x1c3: {  	[tilespmem:s24], [sflag:$0x1] =	stream.indirect_vreg.gather [hbm4b:s5+s9], $0x80, v43, vm0, $0xb8;
	[tilespmem:$0x18080] =	vst v63  }
0x1c4: {  	v43 =	vld [tilespmem:$0x50];
	_ =	sdelay $0x4  }
0x1c5: {  	v52 =	vshrl.u32 v43, $0x3  }
0x1c6: {  	v44 =	vmul.u32 $0x30, v52  }
0x1c7: {  	v43 =	vand.u32 $0x7, v43  }
0x1c8: {  	v43 =	vor.u32 v43, v44  }
0x1c9: {  	v44 =	vperm.xlane v43, v40;
	_ =	sdelay $0x1  }
0x1ca: {  	v44 =	vadd.s32 v41, v44;
	_ =	sdelay $0x3  }
0x1cb: {  	s21 =	simm.s32 $0xF080;
	v43 =	vperm.xlane v43, v42  }
0x1cc: {  	[tilespmem:s21], [sflag:$0x1] =	stream.indirect_vreg.gather [hbm4b:s1+s9], $0x80, v44, vm0, $0xb8;
	[tilespmem:$0x18080] =	vst v63  }
0x1cd: {  	s22 =	simm.s32 $0xF880;
	v43 =	vadd.s32 v41, v43  }
0x1ce: {  	[tilespmem:s22], [sflag:$0x1] =	stream.indirect_vreg.gather [hbm4b:s4+s9], $0x80, v44, vm0, $0xb8;
	[tilespmem:$0x18080] =	vst v63  }
0x1cf: {  	s23 =	simm.s32 $0x10080  }
0x1d0: {  	[tilespmem:s23], [sflag:$0x1] =	stream.indirect_vreg.gather [hbm4b:s5+s9], $0x80, v44, vm0, $0xb8;
	[tilespmem:$0x18080] =	vst v63  }
0x1d1: {  	s2 =	simm.s32 $0x10880  }
0x1d2: {  	[tilespmem:s2], [sflag:$0x1] =	stream.indirect_vreg.gather [hbm4b:s1+s9], $0x80, v43, vm0, $0xb8;
	[tilespmem:$0x18080] =	vst v63  }
0x1d3: {  	s24 =	simm.s32 $0x11080  }
0x1d4: {  	[tilespmem:s24], [sflag:$0x1] =	stream.indirect_vreg.gather [hbm4b:s4+s9], $0x80, v43, vm0, $0xb8;
	[tilespmem:$0x18080] =	vst v63  }
0x1d5: {  	_ = 	snop  }
0x1d6: {  	[tilespmem:s26], [sflag:$0x1] =	stream.indirect_vreg.gather [hbm4b:s5+s9], $0x80, v43, vm0, $0xb8;
	[tilespmem:$0x18080] =	vst v63  }
0x1d7: {  	v43 =	vld [tilespmem:$0x60];
	_ =	sdelay $0x4  }
0x1d8: {  	v53 =	vshrl.u32 v43, $0x3  }
0x1d9: {  	v44 =	vmul.u32 $0x30, v53  }
0x1da: {  	v43 =	vand.u32 $0x7, v43  }
0x1db: {  	v43 =	vor.u32 v43, v44  }
0x1dc: {  	v44 =	vperm.xlane v43, v40;
	_ =	sdelay $0x1  }
0x1dd: {  	v44 =	vadd.s32 v41, v44;
	_ =	sdelay $0x3  }
0x1de: {  	v43 =	vperm.xlane v43, v42  }
0x1df: {  	[tilespmem:s25], [sflag:$0x1] =	stream.indirect_vreg.gather [hbm4b:s1+s9], $0x80, v44, vm0, $0xb8;
	[tilespmem:$0x18080] =	vst v63  }
0x1e0: {  	s11 =	simm.s32 $0x12880;
	v43 =	vadd.s32 v41, v43  }
0x1e1: {  	[tilespmem:s11], [sflag:$0x1] =	stream.indirect_vreg.gather [hbm4b:s4+s9], $0x80, v44, vm0, $0xb8;
	[tilespmem:$0x18080] =	vst v63  }
0x1e2: {  	_ = 	snop  }
0x1e3: {  	[tilespmem:s15], [sflag:$0x1] =	stream.indirect_vreg.gather [hbm4b:s5+s9], $0x80, v44, vm0, $0xb8;
	[tilespmem:$0x18080] =	vst v63  }
0x1e4: {  	s26 =	simm.s32 $0x13880  }
0x1e5: {  	[tilespmem:s26], [sflag:$0x1] =	stream.indirect_vreg.gather [hbm4b:s1+s9], $0x80, v43, vm0, $0xb8;
	[tilespmem:$0x18080] =	vst v63  }
0x1e6: {  	_ = 	snop  }
0x1e7: {  	[tilespmem:s16], [sflag:$0x1] =	stream.indirect_vreg.gather [hbm4b:s4+s9], $0x80, v43, vm0, $0xb8;
	[tilespmem:$0x18080] =	vst v63  }
0x1e8: {  	_ = 	snop  }
0x1e9: {  	[tilespmem:s29], [sflag:$0x1] =	stream.indirect_vreg.gather [hbm4b:s5+s9], $0x80, v43, vm0, $0xb8;
	[tilespmem:$0x18080] =	vst v63  }
0x1ea: {  	v43 =	vld [tilespmem:$0x70];
	_ =	sdelay $0x4  }
0x1eb: {  	v54 =	vshrl.u32 v43, $0x3  }
0x1ec: {  	v44 =	vmul.u32 $0x30, v54  }
0x1ed: {  	v43 =	vand.u32 $0x7, v43  }
0x1ee: {  	v43 =	vor.u32 v43, v44  }
0x1ef: {  	v44 =	vperm.xlane v43, v40;
	_ =	sdelay $0x1  }
0x1f0: {  	v44 =	vadd.s32 v41, v44;
	_ =	sdelay $0x3  }
0x1f1: {  	v43 =	vperm.xlane v43, v42  }
0x1f2: {  	[tilespmem:s28], [sflag:$0x1] =	stream.indirect_vreg.gather [hbm4b:s1+s9], $0x80, v44, vm0, $0xb8;
	[tilespmem:$0x18080] =	vst v63  }
0x1f3: {  	v43 =	vadd.s32 v41, v43;
	s28 =	simm.s32 $0x15880  }
0x1f4: {  	[tilespmem:s28], [sflag:$0x1] =	stream.indirect_vreg.gather [hbm4b:s4+s9], $0x80, v44, vm0, $0xb8;
	[tilespmem:$0x18080] =	vst v63  }
0x1f5: {  	_ = 	snop  }
0x1f6: {  	[tilespmem:s17], [sflag:$0x1] =	stream.indirect_vreg.gather [hbm4b:s5+s9], $0x80, v44, vm0, $0xb8;
	[tilespmem:$0x18080] =	vst v63  }
0x1f7: {  	s29 =	simm.s32 $0x16880  }
0x1f8: {  	[tilespmem:s29], [sflag:$0x1] =	stream.indirect_vreg.gather [hbm4b:s1+s9], $0x80, v43, vm0, $0xb8;
	[tilespmem:$0x18080] =	vst v63  }
0x1f9: {  	_ = 	snop  }
0x1fa: {  	[tilespmem:s18], [sflag:$0x1] =	stream.indirect_vreg.gather [hbm4b:s4+s9], $0x80, v43, vm0, $0xb8;
	[tilespmem:$0x18080] =	vst v63  }
0x1fb: {  	s10 =	simm.s32 $0x17880  }
0x1fc: {  	[tilespmem:s10], [sflag:$0x1] =	stream.indirect_vreg.gather [hbm4b:s5+s9], $0x80, v43, vm0, $0xb8;
	[tilespmem:$0x18080] =	vst v63  }
0x1fd: {  	_ =	swait.ge [sflag:s12], $0x18000  }
0x1fe: {  	[sflag:s12] =	ssyncset.done $0x0  }
0x1ff: {  	[sflag:s12] =	ssyncadd.s32 $0xFFFE8000  }
0x200: {  	[tilespmem:v0+s9+$0x0] =	vst.idx.msk $0xffff, v16  }
0x201: {  	[tilespmem:v1+s9+$0x0] =	vst.idx.msk $0xffff, v17  }
0x202: {  	[tilespmem:v2+s9+$0x0] =	vst.idx.msk $0xffff, v18  }
0x203: {  	[tilespmem:v3+s9+$0x0] =	vst.idx.msk $0xffff, v19  }
0x204: {  	[tilespmem:v4+s9+$0x0] =	vst.idx.msk $0xffff, v20  }
0x205: {  	[tilespmem:v5+s9+$0x0] =	vst.idx.msk $0xffff, v21  }
0x206: {  	[tilespmem:v6+s9+$0x0] =	vst.idx.msk $0xffff, v22  }
0x207: {  	[tilespmem:v7+s9+$0x0] =	vst.idx.msk $0xffff, v23  }
0x208: {  	v55 =	vld [tilespmem:$0x0];
	_ =	sdelay $0x4  }
0x209: {  	v56 =	vshrl.u32 v55, $0x3  }
0x20a: {  	v44 =	vmul.u32 $0x30, v56  }
0x20b: {  	v43 =	vand.u32 $0x7, v55  }
0x20c: {  	v43 =	vor.u32 v43, v44  }
0x20d: {  	v44 =	vperm.xlane v43, v40;
	_ =	sdelay $0x1  }
0x20e: {  	v44 =	vadd.s32 v41, v44;
	_ =	sdelay $0x3  }
0x20f: {  	s15 =	simm.s32 $0x80;
	v43 =	vperm.xlane v43, v42  }
0x210: {  	[hbm4b:s3+s9] =	stream.indirect_vreg.scatter [tilespmem:s15], [sflag:$0x1], $0x80, v44, vm0, $0xb8;
	[tilespmem:$0x18080] =	vst v63  }
0x211: {  	v43 =	vadd.s32 v41, v43;
	s15 =	simm.s32 $0x880  }
0x212: {  	[hbm4b:s6+s9] =	stream.indirect_vreg.scatter [tilespmem:s15], [sflag:$0x1], $0x80, v44, vm0, $0xb8;
	[tilespmem:$0x18080] =	vst v63  }
0x213: {  	_ = 	snop  }
0x214: {  	[hbm4b:s7+s9] =	stream.indirect_vreg.scatter [tilespmem:s13], [sflag:$0x1], $0x80, v44, vm0, $0xb8;
	[tilespmem:$0x18080] =	vst v63  }
0x215: {  	_ = 	snop  }
0x216: {  	[hbm4b:s3+s9] =	stream.indirect_vreg.scatter [tilespmem:s31], [sflag:$0x1], $0x80, v43, vm0, $0xb8;
	[tilespmem:$0x18080] =	vst v63  }
0x217: {  	s31 =	simm.s32 $0x2080  }
0x218: {  	[hbm4b:s6+s9] =	stream.indirect_vreg.scatter [tilespmem:s31], [sflag:$0x1], $0x80, v43, vm0, $0xb8;
	[tilespmem:$0x18080] =	vst v63  }
0x219: {  	s15 =	simm.s32 $0x2880  }
0x21a: {  	[hbm4b:s7+s9] =	stream.indirect_vreg.scatter [tilespmem:s15], [sflag:$0x1], $0x80, v43, vm0, $0xb8;
	[tilespmem:$0x18080] =	vst v63  }
0x21b: {  	v43 =	vld [tilespmem:$0x10];
	_ =	sdelay $0x4  }
0x21c: {  	v57 =	vshrl.u32 v43, $0x3  }
0x21d: {  	v44 =	vmul.u32 $0x30, v57  }
0x21e: {  	v43 =	vand.u32 $0x7, v43  }
0x21f: {  	v43 =	vor.u32 v43, v44  }
0x220: {  	v44 =	vperm.xlane v43, v40;
	_ =	sdelay $0x1  }
0x221: {  	v44 =	vadd.s32 v41, v44;
	_ =	sdelay $0x3  }
0x222: {  	s31 =	simm.s32 $0x3080;
	v43 =	vperm.xlane v43, v42  }
0x223: {  	[hbm4b:s3+s9] =	stream.indirect_vreg.scatter [tilespmem:s31], [sflag:$0x1], $0x80, v44, vm0, $0xb8;
	[tilespmem:$0x18080] =	vst v63  }
0x224: {  	s15 =	simm.s32 $0x3880;
	v43 =	vadd.s32 v41, v43  }
0x225: {  	[hbm4b:s6+s9] =	stream.indirect_vreg.scatter [tilespmem:s15], [sflag:$0x1], $0x80, v44, vm0, $0xb8;
	[tilespmem:$0x18080] =	vst v63  }
0x226: {  	s31 =	simm.s32 $0x4080  }
0x227: {  	[hbm4b:s7+s9] =	stream.indirect_vreg.scatter [tilespmem:s31], [sflag:$0x1], $0x80, v44, vm0, $0xb8;
	[tilespmem:$0x18080] =	vst v63  }
0x228: {  	s15 =	simm.s32 $0x4880  }
0x229: {  	[hbm4b:s3+s9] =	stream.indirect_vreg.scatter [tilespmem:s15], [sflag:$0x1], $0x80, v43, vm0, $0xb8;
	[tilespmem:$0x18080] =	vst v63  }
0x22a: {  	_ = 	snop  }
0x22b: {  	[hbm4b:s6+s9] =	stream.indirect_vreg.scatter [tilespmem:s14], [sflag:$0x1], $0x80, v43, vm0, $0xb8;
	[tilespmem:$0x18080] =	vst v63  }
0x22c: {  	s31 =	simm.s32 $0x5880  }
0x22d: {  	[hbm4b:s7+s9] =	stream.indirect_vreg.scatter [tilespmem:s31], [sflag:$0x1], $0x80, v43, vm0, $0xb8;
	[tilespmem:$0x18080] =	vst v63  }
0x22e: {  	v43 =	vld [tilespmem:$0x20];
	_ =	sdelay $0x4  }
0x22f: {  	v58 =	vshrl.u32 v43, $0x3  }
0x230: {  	v44 =	vmul.u32 $0x30, v58  }
0x231: {  	v43 =	vand.u32 $0x7, v43  }
0x232: {  	v43 =	vor.u32 v43, v44  }
0x233: {  	v44 =	vperm.xlane v43, v40;
	_ =	sdelay $0x1  }
0x234: {  	v44 =	vadd.s32 v41, v44;
	_ =	sdelay $0x3  }
0x235: {  	s14 =	simm.s32 $0x6080;
	v43 =	vperm.xlane v43, v42  }
0x236: {  	[hbm4b:s3+s9] =	stream.indirect_vreg.scatter [tilespmem:s14], [sflag:$0x1], $0x80, v44, vm0, $0xb8;
	[tilespmem:$0x18080] =	vst v63  }
0x237: {  	s15 =	simm.s32 $0x6880;
	v43 =	vadd.s32 v41, v43  }
0x238: {  	[hbm4b:s6+s9] =	stream.indirect_vreg.scatter [tilespmem:s15], [sflag:$0x1], $0x80, v44, vm0, $0xb8;
	[tilespmem:$0x18080] =	vst v63  }
0x239: {  	s31 =	simm.s32 $0x7080  }
0x23a: {  	[hbm4b:s7+s9] =	stream.indirect_vreg.scatter [tilespmem:s31], [sflag:$0x1], $0x80, v44, vm0, $0xb8;
	[tilespmem:$0x18080] =	vst v63  }
0x23b: {  	s14 =	simm.s32 $0x7880  }
0x23c: {  	[hbm4b:s3+s9] =	stream.indirect_vreg.scatter [tilespmem:s14], [sflag:$0x1], $0x80, v43, vm0, $0xb8;
	[tilespmem:$0x18080] =	vst v63  }
0x23d: {  	s15 =	simm.s32 $0x8080  }
0x23e: {  	[hbm4b:s6+s9] =	stream.indirect_vreg.scatter [tilespmem:s15], [sflag:$0x1], $0x80, v43, vm0, $0xb8;
	[tilespmem:$0x18080] =	vst v63  }
0x23f: {  	s31 =	simm.s32 $0x8880  }
0x240: {  	[hbm4b:s7+s9] =	stream.indirect_vreg.scatter [tilespmem:s31], [sflag:$0x1], $0x80, v43, vm0, $0xb8;
	[tilespmem:$0x18080] =	vst v63  }
0x241: {  	v43 =	vld [tilespmem:$0x30];
	_ =	sdelay $0x4  }
0x242: {  	v59 =	vshrl.u32 v43, $0x3  }
0x243: {  	v44 =	vmul.u32 $0x30, v59  }
0x244: {  	v43 =	vand.u32 $0x7, v43  }
0x245: {  	v43 =	vor.u32 v43, v44  }
0x246: {  	v44 =	vperm.xlane v43, v40;
	_ =	sdelay $0x1  }
0x247: {  	v44 =	vadd.s32 v41, v44;
	_ =	sdelay $0x3  }
0x248: {  	s30 =	simm.s32 $0x9080;
	v43 =	vperm.xlane v43, v42  }
0x249: {  	[hbm4b:s3+s9] =	stream.indirect_vreg.scatter [tilespmem:s30], [sflag:$0x1], $0x80, v44, vm0, $0xb8;
	[tilespmem:$0x18080] =	vst v63  }
0x24a: {  	s14 =	simm.s32 $0x9880;
	v43 =	vadd.s32 v41, v43  }
0x24b: {  	[hbm4b:s6+s9] =	stream.indirect_vreg.scatter [tilespmem:s14], [sflag:$0x1], $0x80, v44, vm0, $0xb8;
	[tilespmem:$0x18080] =	vst v63  }
0x24c: {  	s15 =	simm.s32 $0xA080  }
0x24d: {  	[hbm4b:s7+s9] =	stream.indirect_vreg.scatter [tilespmem:s15], [sflag:$0x1], $0x80, v44, vm0, $0xb8;
	[tilespmem:$0x18080] =	vst v63  }
0x24e: {  	s30 =	simm.s32 $0xA880  }
0x24f: {  	[hbm4b:s3+s9] =	stream.indirect_vreg.scatter [tilespmem:s30], [sflag:$0x1], $0x80, v43, vm0, $0xb8;
	[tilespmem:$0x18080] =	vst v63  }
0x250: {  	s31 =	simm.s32 $0xB080  }
0x251: {  	[hbm4b:s6+s9] =	stream.indirect_vreg.scatter [tilespmem:s31], [sflag:$0x1], $0x80, v43, vm0, $0xb8;
	[tilespmem:$0x18080] =	vst v63  }
0x252: {  	s14 =	simm.s32 $0xB880  }
0x253: {  	[hbm4b:s7+s9] =	stream.indirect_vreg.scatter [tilespmem:s14], [sflag:$0x1], $0x80, v43, vm0, $0xb8;
	[tilespmem:$0x18080] =	vst v63  }
0x254: {  	v43 =	vld [tilespmem:$0x40];
	_ =	sdelay $0x4  }
0x255: {  	v60 =	vshrl.u32 v43, $0x3  }
0x256: {  	v44 =	vmul.u32 $0x30, v60  }
0x257: {  	v43 =	vand.u32 $0x7, v43  }
0x258: {  	v43 =	vor.u32 v43, v44  }
0x259: {  	v44 =	vperm.xlane v43, v40;
	_ =	sdelay $0x1  }
0x25a: {  	v44 =	vadd.s32 v41, v44;
	_ =	sdelay $0x3  }
0x25b: {  	v43 =	vperm.xlane v43, v42  }
0x25c: {  	[hbm4b:s3+s9] =	stream.indirect_vreg.scatter [tilespmem:s20], [sflag:$0x1], $0x80, v44, vm0, $0xb8;
	[tilespmem:$0x18080] =	vst v63  }
0x25d: {  	v43 =	vadd.s32 v41, v43  }
0x25e: {  	[hbm4b:s6+s9] =	stream.indirect_vreg.scatter [tilespmem:s19], [sflag:$0x1], $0x80, v44, vm0, $0xb8;
	[tilespmem:$0x18080] =	vst v63  }
0x25f: {  	s15 =	simm.s32 $0xD080  }
0x260: {  	[hbm4b:s7+s9] =	stream.indirect_vreg.scatter [tilespmem:s15], [sflag:$0x1], $0x80, v44, vm0, $0xb8;
	[tilespmem:$0x18080] =	vst v63  }
0x261: {  	_ = 	snop  }
0x262: {  	[hbm4b:s3+s9] =	stream.indirect_vreg.scatter [tilespmem:s0], [sflag:$0x1], $0x80, v43, vm0, $0xb8;
	[tilespmem:$0x18080] =	vst v63  }
0x263: {  	s19 =	simm.s32 $0xE080  }
0x264: {  	[hbm4b:s6+s9] =	stream.indirect_vreg.scatter [tilespmem:s19], [sflag:$0x1], $0x80, v43, vm0, $0xb8;
	[tilespmem:$0x18080] =	vst v63  }
0x265: {  	s20 =	simm.s32 $0xE880  }
0x266: {  	[hbm4b:s7+s9] =	stream.indirect_vreg.scatter [tilespmem:s20], [sflag:$0x1], $0x80, v43, vm0, $0xb8;
	[tilespmem:$0x18080] =	vst v63  }
0x267: {  	v43 =	vld [tilespmem:$0x50];
	_ =	sdelay $0x4  }
0x268: {  	v61 =	vshrl.u32 v43, $0x3  }
0x269: {  	v44 =	vmul.u32 $0x30, v61  }
0x26a: {  	v43 =	vand.u32 $0x7, v43  }
0x26b: {  	v43 =	vor.u32 v43, v44  }
0x26c: {  	v44 =	vperm.xlane v43, v40;
	_ =	sdelay $0x1  }
0x26d: {  	v44 =	vadd.s32 v41, v44;
	_ =	sdelay $0x3  }
0x26e: {  	v43 =	vperm.xlane v43, v42  }
0x26f: {  	[hbm4b:s3+s9] =	stream.indirect_vreg.scatter [tilespmem:s21], [sflag:$0x1], $0x80, v44, vm0, $0xb8;
	[tilespmem:$0x18080] =	vst v63  }
0x270: {  	v43 =	vadd.s32 v41, v43  }
0x271: {  	[hbm4b:s6+s9] =	stream.indirect_vreg.scatter [tilespmem:s22], [sflag:$0x1], $0x80, v44, vm0, $0xb8;
	[tilespmem:$0x18080] =	vst v63  }
0x272: {  	s21 =	simm.s32 $0x10080  }
0x273: {  	[hbm4b:s7+s9] =	stream.indirect_vreg.scatter [tilespmem:s21], [sflag:$0x1], $0x80, v44, vm0, $0xb8;
	[tilespmem:$0x18080] =	vst v63  }
0x274: {  	_ = 	snop  }
0x275: {  	[hbm4b:s3+s9] =	stream.indirect_vreg.scatter [tilespmem:s2], [sflag:$0x1], $0x80, v43, vm0, $0xb8;
	[tilespmem:$0x18080] =	vst v63  }
0x276: {  	s22 =	simm.s32 $0x11080  }
0x277: {  	[hbm4b:s6+s9] =	stream.indirect_vreg.scatter [tilespmem:s22], [sflag:$0x1], $0x80, v43, vm0, $0xb8;
	[tilespmem:$0x18080] =	vst v63  }
0x278: {  	s24 =	simm.s32 $0x11880  }
0x279: {  	[hbm4b:s7+s9] =	stream.indirect_vreg.scatter [tilespmem:s24], [sflag:$0x1], $0x80, v43, vm0, $0xb8;
	[tilespmem:$0x18080] =	vst v63  }
0x27a: {  	v43 =	vld [tilespmem:$0x60];
	_ =	sdelay $0x4  }
0x27b: {  	v62 =	vshrl.u32 v43, $0x3  }
0x27c: {  	v44 =	vmul.u32 $0x30, v62  }
0x27d: {  	v43 =	vand.u32 $0x7, v43  }
0x27e: {  	v43 =	vor.u32 v43, v44  }
0x27f: {  	v44 =	vperm.xlane v43, v40;
	_ =	sdelay $0x1  }
0x280: {  	v44 =	vadd.s32 v41, v44;
	_ =	sdelay $0x3  }
0x281: {  	s23 =	simm.s32 $0x12080;
	v43 =	vperm.xlane v43, v42  }
0x282: {  	[hbm4b:s3+s9] =	stream.indirect_vreg.scatter [tilespmem:s23], [sflag:$0x1], $0x80, v44, vm0, $0xb8;
	[tilespmem:$0x18080] =	vst v63  }
0x283: {  	v43 =	vadd.s32 v41, v43  }
0x284: {  	[hbm4b:s6+s9] =	stream.indirect_vreg.scatter [tilespmem:s11], [sflag:$0x1], $0x80, v44, vm0, $0xb8;
	[tilespmem:$0x18080] =	vst v63  }
0x285: {  	s30 =	simm.s32 $0x13080  }
0x286: {  	[hbm4b:s7+s9] =	stream.indirect_vreg.scatter [tilespmem:s30], [sflag:$0x1], $0x80, v44, vm0, $0xb8;
	[tilespmem:$0x18080] =	vst v63  }
0x287: {  	s31 =	simm.s32 $0x13880  }
0x288: {  	[hbm4b:s3+s9] =	stream.indirect_vreg.scatter [tilespmem:s31], [sflag:$0x1], $0x80, v43, vm0, $0xb8;
	[tilespmem:$0x18080] =	vst v63  }
0x289: {  	s16 =	simm.s32 $0x14080  }
0x28a: {  	[hbm4b:s6+s9] =	stream.indirect_vreg.scatter [tilespmem:s16], [sflag:$0x1], $0x80, v43, vm0, $0xb8;
	[tilespmem:$0x18080] =	vst v63  }
0x28b: {  	s26 =	simm.s32 $0x14880  }
0x28c: {  	[hbm4b:s7+s9] =	stream.indirect_vreg.scatter [tilespmem:s26], [sflag:$0x1], $0x80, v43, vm0, $0xb8;
	[tilespmem:$0x18080] =	vst v63  }
0x28d: {  	v43 =	vld [tilespmem:$0x70];
	_ =	sdelay $0x4  }
0x28e: {  	v63 =	vshrl.u32 v43, $0x3  }
0x28f: {  	v44 =	vmul.u32 $0x30, v63  }
0x290: {  	v43 =	vand.u32 $0x7, v43  }
0x291: {  	v43 =	vor.u32 v43, v44  }
0x292: {  	v44 =	vperm.xlane v43, v40;
	_ =	sdelay $0x1  }
0x293: {  	v44 =	vadd.s32 v41, v44;
	_ =	sdelay $0x3  }
0x294: {  	s25 =	simm.s32 $0x15080;
	v43 =	vperm.xlane v43, v42  }
0x295: {  	[hbm4b:s3+s9] =	stream.indirect_vreg.scatter [tilespmem:s25], [sflag:$0x1], $0x80, v44, vm0, $0xb8;
	[tilespmem:$0x18080] =	vst v63  }
0x296: {  	v43 =	vadd.s32 v41, v43  }
0x297: {  	[hbm4b:s6+s9] =	stream.indirect_vreg.scatter [tilespmem:s28], [sflag:$0x1], $0x80, v44, vm0, $0xb8;
	[tilespmem:$0x18080] =	vst v63  }
0x298: {  	s17 =	simm.s32 $0x16080  }
0x299: {  	[hbm4b:s7+s9] =	stream.indirect_vreg.scatter [tilespmem:s17], [sflag:$0x1], $0x80, v44, vm0, $0xb8;
	[tilespmem:$0x18080] =	vst v63  }
0x29a: {  	_ = 	snop  }
0x29b: {  	[hbm4b:s3+s9] =	stream.indirect_vreg.scatter [tilespmem:s29], [sflag:$0x1], $0x80, v43, vm0, $0xb8;
	[tilespmem:$0x18080] =	vst v63  }
0x29c: {  	p0 =	sne.s32 s8, $0x1;
	s18 =	simm.s32 $0x17080  }
0x29d: {  	[hbm4b:s6+s9] =	stream.indirect_vreg.scatter [tilespmem:s18], [sflag:$0x1], $0x80, v43, vm0, $0xb8;
	[tilespmem:$0x18080] =	vst v63  }
.Ltmp0:
0x29e: {  	_ = 	snop;
	(pc) =	sbr.rel @p0 .LBB2_1-.Ltmp0, $4  }
0x29f: {  	[hbm4b:s7+s9] =	stream.indirect_vreg.scatter [tilespmem:s10], [sflag:$0x1], $0x80, v43, vm0, $0xb8;
	[tilespmem:$0x18080] =	vst v63  }
0x2a0: {  	_ =	swait.ge [sflag:s12], $0x18000  }
0x2a1: {  	[sflag:s12] =	ssyncset.done $0x0  }
0x2a2: {  	s8 =	sadd.s32 $0xFFFFFFFF, s8;
	[sflag:s12] =	ssyncadd.s32 $0xFFFE8000  }
0x2a3: {  	_ =	sfence.sel $0x180000  }
0x2a4: {  	[bflag:$0x0] =	sbarrier.arrive $0xFFFF  }
0x2a5: {  	_ =	strace $0x9000004A  }
0x2a6: {  	s0 =	stileid.u32;
	[bflag:$0x2] =	sbarrier.arrive $0xFFFF  }
0x2a7: {  	p0 =	sne.s32 s0, $0x0;
	s0 =	rddreg [dreg:$0x2]  }
0x2a8: {  	s0 =	sadd.s32 @!p0 $0x100000, s0  }
0x2a9: {  	[sflag:s0] =	ssyncadd.tile.s32 @!p0 $0x1;
	_ =	shalt  }
.Lfunc_end2:
_tile_overlayer_lowered:
.L_overlay_start_2:
0x2aa: {  	(tag) =	ssettag $0x2  }
0x2ab: {  	s0 =	rddreg [dreg:$0x0];
	s2 =	stileid.u32  }
0x2ac: {  	s1 =	rddreg [dreg:$0x1];
	p0 =	sne.s32 s2, $0x0  }
0x2ad: {  	s3 =	rddreg [dreg:$0x2];
	[bflag:$0x3] =	sbarrier.arrive $0xFFFF;
	s2 =	simm.s32 @!p0 $0x1C02  }
0x2ae: {  	[timem:s3], [sflag:s2] =	dma.local @!p0 [hbm:s0], s1  }
0x2af: {  	s0 =	simm.s32 @!p0 $0x2  }
0x2b0: {  	_ =	swait.ge @!p0 [sflag:s0], s1  }
0x2b1: {  	s1 =	ssub.s32 @!p0 $0x0, s1;
	[sflag:s0] =	ssyncset.done @!p0 $0x0  }
0x2b2: {  	[sflag:s0] =	ssyncadd.s32 @!p0 s1  }
0x2b3: {  	[bflag:$0x3] =	sbarrier.arrive $0xFFFF  }
0x2b4: {  	_ =	shalt  }

// kernel: kernel.16.cloned.1.call-start
scs
__scs_entry_jumppad:
0x0: {  	(pc) =	sbr.rel $0x88, $3  }
0x1: {  	(tag) =	ssettag $0x0;
	lr =	simm.s32 $0x1  }
0x2: {  	[smem:$0x3FA0] =	sst lr;
	_ =	strace $0xD0000000  }
0x3: {  	_ = 	snop  }
0x4: {  	_ = 	snop  }
0x5: {  	_ = 	snop  }
0x6: {  	_ = 	snop  }
0x7: {  	_ = 	snop  }
__scs_overlays_trampoline_lowered:
0x8: {  	[smem:$0x3FAF] =	sst s0  }
0x9: {  	[smem:$0x3FB0] =	sst s1  }
0xa: {  	[smem:$0x3FB1] =	sst s2  }
0xb: {  	[smem:$0x3FB2] =	sst s3  }
0xc: {  	[smem:$0x3FB3] =	sst s4  }
0xd: {  	[smem:$0x3FB4] =	sst s5  }
0xe: {  	[smem:$0x3FB5] =	sst s6  }
0xf: {  	[smem:$0x3FB6] =	sst s7  }
0x10: {  	[smem:$0x3FB7] =	sst s8  }
0x11: {  	[smem:$0x3FB8] =	sst s9;
	s0 =	simm.s32 @!p0 $0x0  }
0x12: {  	s1 =	sld [smem:$0x3F9E];
	s0 =	simm.s32 @p0 $0x1  }
0x13: {  	[smem:$0x3FB9] =	sst s0;
	s0 =	simm.s32 @!p1 $0x0  }
0x14: {  	s2 =	sld [smem:$0x3F9D];
	s0 =	simm.s32 @p1 $0x1  }
0x15: {  	[smem:$0x3FBA] =	sst s0;
	s0 =	simm.s32 @!p2 $0x0  }
0x16: {  	s3 =	sld [smem:$0x3FDB];
	s0 =	simm.s32 @p2 $0x1  }
0x17: {  	s4 =	simm.s32 $0x1BF5;
	[smem:$0x3FBC] =	sst s0  }
0x18: {  	s0 =	sld [smem:$0x3F9F];
	_ =	swait.ge [sflag:s4], $0x0  }
0x19: {  	s7 =	sld [smem:$0x3FA0]  }
0x1a: {  	s8 =	sadd.s32 $0xFFFFE003, lr  }
0x1b: {  	s9 =	sadd.s32 $0xFFFFFEF7, lr;
	s5 =	simm.s32 $0xFFFFFFFF;
	p2 =	slt.u32 s8, $0xFFFFF086  }
0x1c: {  	p1 =	slt.u32 s9, $0xF7A;
	s5 =	simm.s32 @!p2 $0x0  }
0x1d: {  	s5 =	simm.s32 @p1 $0x1;
	p0 =	seq.s32 s7, s2  }
0x1e: {  	s7 =	smul.u32 @!p0 $0xF7A, s2;
	p2 =	seq.s32 @!p0 s5, $0x0  }
0x1f: {  	s9 =	smul.u32 $0xF7A, s1;
	s8 =	simm.s32 @!p0 $0x1BF5;
	p2 =	por !p2, p0  }
0x20: {  	[sflag:s8] =	ssyncset.s32 @!p0 $0xFFFFF086;
	s6 =	sadd.s32 @!p0 s3, s7;
	s7 =	simm.s32 @!p0 $0x108  }
0x21: {  	s3 =	sadd.s32 s3, s9;
	s6 =	sadd.s32 @!p0 $0x88, s6;
	s7 =	simm.s32 @p2 $0x1082  }
0x22: {  	[simem:s7], [sflag:s8] =	dma.local @!p0 [hbm:s6], $0xF7A  }
0x23: {  	s9 =	sor.u32 $0xD0000000, s2;
	s6 =	simm.s32 $0x108;
	_ =	swait.ge @!p0 [sflag:s8], $0x0  }
0x24: {  	s3 =	sadd.s32 $0x88, s3;
	s6 =	simm.s32 @!p1 $0x1082;
	[sflag:s4] =	ssyncset.s32 $0xFFFFF086  }
0x25: {  	[simem:s6], [sflag:s4] =	dma.local [hbm:s3], $0xF7A  }
0x26: {  	[smem:$0x3FA0] =	sst s1;
	(tag) =	ssettag s2;
	_ =	strace s9  }
0x27: {  	s1 =	sld [smem:$0x3FB0]  }
0x28: {  	s2 =	sld [smem:$0x3FB1]  }
0x29: {  	s4 =	sld [smem:$0x3FB3]  }
0x2a: {  	p0 =	seq.s32 s5, $0x0;
	s5 =	sld [smem:$0x3FB4]  }
0x2b: {  	s6 =	sld [smem:$0x3FB5]  }
0x2c: {  	s7 =	sld [smem:$0x3FB6]  }
0x2d: {  	s3 =	simm.s32 $0x108;
	s8 =	sld [smem:$0x3FB7]  }
0x2e: {  	s3 =	simm.s32 @!p0 $0x1082;
	s9 =	sld [smem:$0x3FB8]  }
0x2f: {  	lr =	sadd.s32 s0, s3;
	s0 =	sld [smem:$0x3FAF]  }
0x30: {  	s3 =	sld [smem:$0x3FB2]  }
0x31: {  	[smem:$0x3FBB] =	sst s10  }
0x32: {  	s10 =	sld [smem:$0x3FB9];
	_ =	sdelay $0x3  }
0x33: {  	p0 =	seq.s32 s10, $0x1;
	s10 =	sld [smem:$0x3FBB];
	_ =	sdelay $0x3  }
0x34: {  	[smem:$0x3FBB] =	sst s10  }
0x35: {  	s10 =	sld [smem:$0x3FBA];
	_ =	sdelay $0x3  }
0x36: {  	p1 =	seq.s32 s10, $0x1;
	s10 =	sld [smem:$0x3FBB];
	_ =	sdelay $0x3  }
0x37: {  	[smem:$0x3FBB] =	sst s10  }
0x38: {  	s10 =	sld [smem:$0x3FBC]  }
0x39: {  	_ = 	snop;
	(pc) =	sbr.ind lr, $3  }
0x3a: {  	_ = 	snop  }
0x3b: {  	_ = 	snop  }
0x3c: {  	p2 =	seq.s32 s10, $0x1;
	s10 =	sld [smem:$0x3FBB]  }
0x3d: {  	_ =	shalt  }
0x3e: {  	_ =	shalt  }
0x3f: {  	_ =	shalt  }
0x40: {  	_ =	shalt  }
0x41: {  	_ =	shalt  }
0x42: {  	_ =	shalt  }
0x43: {  	_ =	shalt  }
0x44: {  	_ =	shalt  }
0x45: {  	_ =	shalt  }
0x46: {  	_ =	shalt  }
0x47: {  	_ =	shalt  }
0x48: {  	_ =	shalt  }
0x49: {  	_ =	shalt  }
0x4a: {  	_ =	shalt  }
0x4b: {  	_ =	shalt  }
0x4c: {  	_ =	shalt  }
0x4d: {  	_ =	shalt  }
0x4e: {  	_ =	shalt  }
0x4f: {  	_ =	shalt  }
0x50: {  	_ =	shalt  }
0x51: {  	_ =	shalt  }
0x52: {  	_ =	shalt  }
0x53: {  	_ =	shalt  }
0x54: {  	_ =	shalt  }
0x55: {  	_ =	shalt  }
0x56: {  	_ =	shalt  }
0x57: {  	_ =	shalt  }
0x58: {  	_ =	shalt  }
0x59: {  	_ =	shalt  }
0x5a: {  	_ =	shalt  }
0x5b: {  	_ =	shalt  }
0x5c: {  	_ =	shalt  }
0x5d: {  	_ =	shalt  }
0x5e: {  	_ =	shalt  }
0x5f: {  	_ =	shalt  }
0x60: {  	_ =	shalt  }
0x61: {  	_ =	shalt  }
0x62: {  	_ =	shalt  }
0x63: {  	_ =	shalt  }
0x64: {  	_ =	shalt  }
0x65: {  	_ =	shalt  }
0x66: {  	_ =	shalt  }
0x67: {  	_ =	shalt  }
0x68: {  	_ =	shalt  }
0x69: {  	_ =	shalt  }
0x6a: {  	_ =	shalt  }
0x6b: {  	_ =	shalt  }
0x6c: {  	_ =	shalt  }
0x6d: {  	_ =	shalt  }
0x6e: {  	_ =	shalt  }
0x6f: {  	_ =	shalt  }
0x70: {  	_ =	shalt  }
0x71: {  	_ =	shalt  }
0x72: {  	_ =	shalt  }
0x73: {  	_ =	shalt  }
0x74: {  	_ =	shalt  }
0x75: {  	_ =	shalt  }
0x76: {  	_ =	shalt  }
0x77: {  	_ =	shalt  }
0x78: {  	_ =	shalt  }
0x79: {  	_ =	shalt  }
0x7a: {  	_ =	shalt  }
0x7b: {  	_ =	shalt  }
0x7c: {  	_ =	shalt  }
0x7d: {  	_ =	shalt  }
0x7e: {  	_ =	shalt  }
0x7f: {  	_ =	shalt  }
0x80: {  	_ =	shalt  }
0x81: {  	_ =	shalt  }
0x82: {  	_ =	shalt  }
0x83: {  	_ =	shalt  }
0x84: {  	_ =	shalt  }
0x85: {  	_ =	shalt  }
0x86: {  	_ =	shalt  }
0x87: {  	_ =	shalt  }
.Lfunc_end0:
.L_simem_size_0:
called_computation.3_lowered:
.L_overlay_start_0:
0x88: {  	s2 =	sld [smem:$0x3FD9]  }
0x89: {  	s3 =	sld [smem:$0x3FFE];
	_ =	sdelay $0x1  }
0x8a: {  	s1 =	srdreg.scid  }
0x8b: {  	s0 =	sand.u32 $0x1, s1  }
0x8c: {  	s17 =	sshll.u32 s0, $0xA;
	s2 =	sadd.s32 s3, s2  }
0x8d: {  	s2 =	sadd.s32 s2, s17  }
0x8e: {  	[smem:$0x3FC7] =	sst s2  }
0x8f: {  	_ = 	snop  }
0x90: {  	s2 =	sld [smem:$0x3FC9];
	(tm) =	ssettm $0x1  }
0x91: {  	s18 =	sld [smem:$0x3FFB];
	_ =	sdelay $0x3  }
0x92: {  	_ =	strace s18  }
0x93: {  	s3 =	sld [smem:$0x3FFC];
	_ =	sdelay $0x3  }
0x94: {  	_ =	strace s3  }
0x95: {  	s3 =	sld [smem:$0x3FFD];
	_ =	sdelay $0x3  }
0x96: {  	_ =	strace s3  }
0x97: {  	_ =	strace $0x8FFFFFFF  }
0x98: {  	s19 =	sld [smem:$0x3FDB];
	_ =	sdelay $0x1  }
0x99: {  	s4 =	simm.s32 $_scs_section_size  }
0x9a: {  	s5 =	simm.s32 $_size__tile_overlayer_lowered;
	s6 =	simm.s32 $_tile_overlayer_lowered  }
0x9b: {  	s22 =	simm.s32 $0x1BFF;
	s21 =	sshll.u32 s6, $0x1;
	s3 =	sadd.s32 s4, s19  }
0x9c: {  	s7 =	simm.s32 $0x0;
	s20 =	sshll.u32 s5, $0x1;
	s5 =	sadd.s32 s21, s3  }
0x9d: {  	[timem:s7], [sflag:s22] =	dma.local [hbm:s5], s20  }
0x9e: {  	_ =	swait.ge [sflag:s22], s20  }
0x9f: {  	s4 =	ssub.s32 $0x0, s20;
	[sflag:s22] =	ssyncset.done $0x0  }
0xa0: {  	[sflag:s22] =	ssyncadd.s32 s4;
	_ =	sdelay $0x1  }
0xa1: {  	s23 =	simm.s32 $0x1B8B  }
0xa2: {  	_ =	swait.ge [sflag:s23], $0x1  }
0xa3: {  	[sflag:s23] =	ssyncset.done $0x0  }
0xa4: {  	s25 =	simm.s32 $0x1B8E;
	s24 =	sld [smem:$0x3FFE];
	[sflag:s23] =	ssyncadd.s32 $0xFFFFFFFF  }
0xa5: {  	s26 =	simm.s32 $execute0_lowered;
	[smem:$0x3FD2] =	sst s25  }
0xa6: {  	s5 =	sshll.u32 s26, $0x1;
	_ =	strace $0x8000004C;
	[dreg:$0x1] =	wrdreg $0xFFFFFFFF  }
0xa7: {  	s28 =	simm.s32 $_size_execute0_lowered;
	s3 =	sadd.s32 s3, s5;
	[dreg:$0x0] =	wrdreg $0x0  }
0xa8: {  	s5 =	sshll.u32 s28, $0x1;
	[dreg:$0x2] =	wrdreg s3  }
0xa9: {  	[dreg:$0x3] =	wrdreg s5  }
0xaa: {  	[dreg:$0x4] =	wrdreg $0xC0  }
0xab: {  	_ =	task [dreg:s7], $0x5FFFF  }
0xac: {  	[dreg:$0x1] =	wrdreg $0xFFFFFFFF  }
0xad: {  	[dreg:$0x0] =	wrdreg $0x60  }
0xae: {  	[dreg:$0x2] =	wrdreg s2  }
0xaf: {  	[dreg:$0x3] =	wrdreg s24  }
0xb0: {  	[dreg:$0x4] =	wrdreg $0x9  }
0xb1: {  	_ =	task.clear_ibuf [dreg:s7], $0x5FFFF;
	_ =	strace $0x9000004C  }
0xb2: {  	s29 =	simm.s32 $0x9;
	_ =	strace $0x8000004E  }
0xb3: {  	_ =	swait.ge [sflag:s29], $0x1  }
0xb4: {  	[sflag:s29] =	ssyncadd.s32 $0xFFFFFFFF  }
0xb5: {  	_ =	strace $0x9000004E  }
0xb6: {  	_ =	sfence  }
0xb7: {  	s30 =	sld [smem:$0x0];
	_ =	sdelay $0x2  }
0xb8: {  	s31 =	sshll.u32 s1, $0xD;
	s1 =	sshrl.u32 s1, $0x2  }
0xb9: {  	s3 =	sand.u32 $0x4000, s31;
	s1 =	sadd.s32 s1, s30  }
0xba: {  	s0 =	sor.u32 s3, s0;
	s1 =	sshll.u32 s1, $0x11  }
0xbb: {  	s0 =	sor.u32 s1, s0  }
0xbc: {  	s0 =	sadd.s32 $0x8F2B, s0  }
0xbd: {  	[sflag:s0] =	ssyncadd.remote.s32 $0x1  }
0xbe: {  	_ =	sfence.sel $0xFFFF  }
0xbf: {  	[dreg:$0x0] =	wrdreg $0xFFFFFFFF;
	(pc) =	sbr.abs _section_cstart, $3  }
0xc0: {  	[dreg:$0x1] =	wrdreg $0xFFFFFFFF  }
0xc1: {  	_ =	task.clear_ibuf [dreg:s7], $0x2FFFF;
	_ =	strace $0x9FFFFFFF  }
0xc2: {  	(tm) =	ssettm $0x7FFFFFFF  }
0xc3: {  	_ =	shalt  }
tec
execute0_lowered:
.L_overlay_start_1:
0x0: {  	(tag) =	ssettag $0x1  }
0x1: {  	v0 =	vlaneseq.u32;
	vm1 =	vmmov $0xf;
	v32 =	vimm.s32 $0x1F5  }
0x2: {  	vm8 =	vmmov $0xffff;
	v3 =	vadd.s32 $0x199, v0;
	v1 =	vor.u32 $0x10, v0  }
0x3: {  	v5 =	vadd.s32 $0x1A9, v0;
	v4 =	vor.u32 $0x20, v0;
	v6 =	vadd.s32 $0x1B9, v0  }
0x4: {  	v9 =	vadd.s32 $0x1C9, v0;
	v7 =	vor.u32 $0x40, v0;
	v11 =	vadd.s32 $0x1D9, v0  }
0x5: {  	s0 =	srdreg.scid;
	s3 =	stileid.u32;
	v10 =	vor.u32 $0x50, v0;
	v12 =	vadd.s32 $0x1E9, v0;
	v15 =	vadd.s32 $0x1F9, v0  }
0x6: {  	s1 =	sand.u32 $0x1, s0;
	s28 =	sshll.u32 s3, $0x1;
	v13 =	vor.u32 $0x70, v0;
	v16 =	vadd.s32 $0x209, v0;
	v17 =	vadd.s32 $0x1E67, v0  }
0x7: {  	v18 =	vadd.s32 $0x1E77, v0;
	v19 =	vadd.s32 $0x1E97, v0;
	v20 =	vadd.s32 $0x1EA7, v0;
	s0 =	sor.u32 s1, s28  }
0x8: {  	v21 =	vadd.s32 $0x1EB7, v0;
	v22 =	vadd.s32 $0x1EC7, v0;
	v23 =	vadd.s32 $0x1ED7, v0;
	s0 =	smul.u32 $0x74, s0  }
0x9: {  	v34 =	vshrl.u32 v0, $0x3;
	v33 =	vand.u32 $0x7, v0;
	v35 =	vor.u32 $0x8, v0  }
0xa: {  	v34 =	vmul.u32 $0x8, v34;
	v2 =	vadd.s32 s0, v0;
	v24 =	vadd.s32 s0, v3  }
0xb: {  	v3 =	vadd.s32 s0, v1;
	v25 =	vadd.s32 s0, v5;
	v5 =	vadd.s32 s0, v4  }
0xc: {  	v26 =	vadd.s32 s0, v6;
	v6 =	vor.u32 $0x30, v0;
	v27 =	vadd.s32 s0, v9  }
0xd: {  	v9 =	vadd.s32 s0, v7;
	v28 =	vadd.s32 s0, v11;
	v11 =	vadd.s32 s0, v10  }
0xe: {  	v29 =	vadd.s32 s0, v12;
	v12 =	vor.u32 $0x60, v0;
	v30 =	vadd.s32 s0, v15  }
0xf: {  	s11 =	rddreg [dreg:$0x0];
	v15 =	vadd.s32 s0, v13;
	v31 =	vadd.s32 s0, v16;
	v16 =	vadd.s32 s0, v17  }
0x10: {  	s4 =	rddreg [dreg:$0x1];
	v17 =	vadd.s32 s0, v18;
	v18 =	vadd.s32 $0x1E87, v0;
	v19 =	vadd.s32 s0, v19  }
0x11: {  	s15 =	simm.s32 $0x1000;
	s2 =	simm.s32 $0x0;
	s3 =	simm.s32 $0x0;
	v20 =	vadd.s32 s0, v20;
	v21 =	vadd.s32 s0, v21;
	v22 =	vadd.s32 s0, v22  }
0x12: {  	s5 =	sadd.s32 $0x2800, s4;
	s29 =	sadd.s32 $0x2400, s4;
	s6 =	sadd.s32 $0x1B000, s4;
	v23 =	vadd.s32 s0, v23;
	v8 =	vadd.s32 s0, v6;
	v14 =	vadd.s32 s0, v12  }
0x13: {  	s9 =	sadd.s32 $0x1B100, s4;
	s10 =	sadd.s32 $0x1B200, s4;
	[smem:$0x7FF] =	sst s3;
	v18 =	vadd.s32 s0, v18;
	v24 =	vmin.u32 v24, $0xFFF;
	v25 =	vmin.u32 v25, $0xFFF  }
0x14: {  	s1 =	ssub.s32 $0x2, s1;
	_ =	strace $0x8000004D;
	[dreg:$0x3] =	wrdreg s5;
	v26 =	vmin.u32 v26, $0xFFF;
	v27 =	vmin.u32 v27, $0xFFF;
	v28 =	vmin.u32 v28, $0xFFF  }
0x15: {  	s31 =	sadd.s32 $0x2A00, s4;
	[dreg:$0x4] =	wrdreg s29;
	s30 =	sshrl.u32 s1, $0x1;
	v29 =	vmin.u32 v29, $0xFFF;
	v30 =	vmin.u32 v30, $0xFFF;
	vm0 =	vlt.u32 v15, $0xE67  }
0x16: {  	s4 =	sadd.s32 $0x2440, s4;
	[dreg:$0x5] =	wrdreg s31;
	s1 =	ssub.s32 s1, s30;
	v31 =	vmin.u32 v31, $0xFFF;
	vm2 =	vlt.u32 v11, $0xE67;
	vm3 =	vlt.u32 v9, $0xE67  }
0x17: {  	s7 =	sadd.s32 $0x100, s11;
	[dreg:$0x6] =	wrdreg s4;
	s1 =	smax.u32 s1, $0x1;
	vm5 =	vlt.u32 v5, $0xE67;
	vm6 =	vlt.u32 v3, $0xE67;
	vm7 =	vlt.u32 v2, $0xE67  }
0x18: {  	s8 =	sadd.s32 $0x200, s11;
	s4 =	simm.s32 $0x2;
	[dreg:$0x7] =	wrdreg s1;
	vm0 =	vmand vm0, vm1;
	vm1 =	vlt.u32 v14, $0xE67;
	vm4 =	vlt.u32 v8, $0xE67  }
.LBB2_1:
0x19: {  	[dreg:$0x8] =	wrdreg s2  }
0x1a: {  	s1 =	rddreg [dreg:$0x3]  }
0x1b: {  	[tilespmem:s3], [sflag:$0x2] =	stream.linear.gather [hbm4b:s1+s3], $0x1000, $0x38;
	[tilespmem:$0x1A300] =	vst v63  }
0x1c: {  	_ =	swait.ge [sflag:s4], $0x1000  }
0x1d: {  	[sflag:s4] =	ssyncset.done $0x0  }
0x1e: {  	s30 =	simm.s32 $0xFFFFFFF8;
	s31 =	simm.s32 $0x70;
	[sflag:s4] =	ssyncadd.s32 $0xFFFFF000  }
.LBB2_2:
0x1f: {  	s1 =	sadd.s32 $0xFFFFFF90, s31  }
0x20: {  	v36 =	vor.u32 s1, v0;
	_ =	sdelay $0x4  }
0x21: {  	v37 =	vld.idx.msk [tilespmem:v36+s3+$0x0], $0xffff;
	_ =	sdelay $0x2  }
0x22: {  	s23 =	sadd.s32 $0xFFFFFFA0, s31  }
0x23: {  	v38 =	vor.u32 s23, v0;
	_ =	sdelay $0x3  }
0x24: {  	[tilespmem:v37+s15+$0x0] =	vst.idx.msk $0xffff, v36  }
0x25: {  	v36 =	vld.idx.msk [tilespmem:v38+s3+$0x0], $0xffff;
	_ =	sdelay $0x2  }
0x26: {  	s24 =	sadd.s32 $0xFFFFFFB0, s31  }
0x27: {  	v58 =	vor.u32 s24, v0;
	_ =	sdelay $0x3  }
0x28: {  	[tilespmem:v36+s15+$0x0] =	vst.idx.msk $0xffff, v38  }
0x29: {  	v36 =	vld.idx.msk [tilespmem:v58+s3+$0x0], $0xffff;
	_ =	sdelay $0x2  }
0x2a: {  	s25 =	sadd.s32 $0xFFFFFFC0, s31  }
0x2b: {  	v59 =	vor.u32 s25, v0;
	_ =	sdelay $0x3  }
0x2c: {  	[tilespmem:v36+s15+$0x0] =	vst.idx.msk $0xffff, v58  }
0x2d: {  	v36 =	vld.idx.msk [tilespmem:v59+s3+$0x0], $0xffff;
	_ =	sdelay $0x2  }
0x2e: {  	s26 =	sadd.s32 $0xFFFFFFD0, s31  }
0x2f: {  	v60 =	vor.u32 s26, v0;
	_ =	sdelay $0x3  }
0x30: {  	[tilespmem:v36+s15+$0x0] =	vst.idx.msk $0xffff, v59  }
0x31: {  	v36 =	vld.idx.msk [tilespmem:v60+s3+$0x0], $0xffff;
	_ =	sdelay $0x2  }
0x32: {  	s28 =	sadd.s32 $0xFFFFFFE0, s31  }
0x33: {  	v61 =	vor.u32 s28, v0;
	_ =	sdelay $0x3  }
0x34: {  	[tilespmem:v36+s15+$0x0] =	vst.idx.msk $0xffff, v60  }
0x35: {  	v36 =	vld.idx.msk [tilespmem:v61+s3+$0x0], $0xffff;
	_ =	sdelay $0x2  }
0x36: {  	s29 =	sadd.s32 $0xFFFFFFF0, s31  }
0x37: {  	v62 =	vor.u32 s29, v0;
	_ =	sdelay $0x3  }
0x38: {  	[tilespmem:v36+s15+$0x0] =	vst.idx.msk $0xffff, v61  }
0x39: {  	v36 =	vld.idx.msk [tilespmem:v62+s3+$0x0], $0xffff;
	_ =	sdelay $0x3  }
0x3a: {  	v63 =	vor.u32 s31, v0;
	_ =	sdelay $0x3  }
0x3b: {  	[tilespmem:v36+s15+$0x0] =	vst.idx.msk $0xffff, v62  }
0x3c: {  	v36 =	vld.idx.msk [tilespmem:v63+s3+$0x0], $0xffff;
	_ =	sdelay $0x1  }
0x3d: {  	s30 =	sadd.s32 $0x8, s30  }
0x3e: {  	p0 =	slt.u32 s30, $0xF8  }
.Ltmp0:
0x3f: {  	_ = 	snop;
	(pc) =	sbr.rel @p0 .LBB2_2-.Ltmp0, $2  }
0x40: {  	_ =	sdelay $0x2  }
0x41: {  	s31 =	sadd.s32 $0x80, s31;
	[tilespmem:v36+s15+$0x0] =	vst.idx.msk $0xffff, v63  }
0x42: {  	s1 =	rddreg [dreg:$0x4];
	s30 =	simm.s32 $0x2000  }
0x43: {  	[tilespmem:s30], [sflag:$0x2] =	stream.linear.gather [hbm4b:s1+s3], $0x200, $0x38;
	[tilespmem:$0x1A300] =	vst v63  }
0x44: {  	_ =	swait.ge [sflag:s4], $0x200  }
0x45: {  	[sflag:s4] =	ssyncset.done $0x0  }
0x46: {  	[sflag:s4] =	ssyncadd.s32 $0xFFFFFE00  }
0x47: {  	v36 =	vld.idx.msk [tilespmem:v32+s30+$0x0], $0xffff  }
0x48: {  	v37 =	vld.idx.msk [tilespmem:v24+s15+$0x0], $0xffff;
	_ =	sdelay $0x4  }
0x49: {  	s0 =	simm.s32 $0x2200;
	v36 =	vadd.s32 $0xE67, v36;
	v37 =	vshll.u32 v37, $0x1  }
0x4a: {  	s4 =	simm.s32 $0x2280;
	[tilespmem:v0+s0+$0x0] =	vst.idx.msk $0xffff, v37;
	v40 =	vsel vm7, v2, v36  }
0x4b: {  	[tilespmem:v0+s4+$0x0] =	vst.idx.msk $0xffff, v40  }
0x4c: {  	v37 =	vld.idx.msk [tilespmem:v25+s15+$0x0], $0xffff;
	_ =	sdelay $0x4  }
0x4d: {  	v37 =	vshll.u32 v37, $0x1  }
0x4e: {  	v41 =	vsel vm6, v3, v36;
	[tilespmem:v1+s0+$0x0] =	vst.idx.msk $0xffff, v37  }
0x4f: {  	[tilespmem:v1+s4+$0x0] =	vst.idx.msk $0xffff, v41  }
0x50: {  	v37 =	vld.idx.msk [tilespmem:v26+s15+$0x0], $0xffff;
	_ =	sdelay $0x4  }
0x51: {  	v37 =	vshll.u32 v37, $0x1  }
0x52: {  	v42 =	vsel vm5, v5, v36;
	[tilespmem:v4+s0+$0x0] =	vst.idx.msk $0xffff, v37  }
0x53: {  	[tilespmem:v4+s4+$0x0] =	vst.idx.msk $0xffff, v42  }
0x54: {  	v37 =	vld.idx.msk [tilespmem:v27+s15+$0x0], $0xffff;
	_ =	sdelay $0x4  }
0x55: {  	v37 =	vshll.u32 v37, $0x1  }
0x56: {  	v43 =	vsel vm4, v8, v36;
	[tilespmem:v6+s0+$0x0] =	vst.idx.msk $0xffff, v37  }
0x57: {  	[tilespmem:v6+s4+$0x0] =	vst.idx.msk $0xffff, v43  }
0x58: {  	v37 =	vld.idx.msk [tilespmem:v28+s15+$0x0], $0xffff;
	_ =	sdelay $0x4  }
0x59: {  	v37 =	vshll.u32 v37, $0x1  }
0x5a: {  	v44 =	vsel vm3, v9, v36;
	[tilespmem:v7+s0+$0x0] =	vst.idx.msk $0xffff, v37  }
0x5b: {  	[tilespmem:v7+s4+$0x0] =	vst.idx.msk $0xffff, v44  }
0x5c: {  	v37 =	vld.idx.msk [tilespmem:v29+s15+$0x0], $0xffff;
	_ =	sdelay $0x4  }
0x5d: {  	v37 =	vshll.u32 v37, $0x1  }
0x5e: {  	v45 =	vsel vm2, v11, v36;
	[tilespmem:v10+s0+$0x0] =	vst.idx.msk $0xffff, v37  }
0x5f: {  	[tilespmem:v10+s4+$0x0] =	vst.idx.msk $0xffff, v45  }
0x60: {  	v37 =	vld.idx.msk [tilespmem:v30+s15+$0x0], $0xffff;
	_ =	sdelay $0x4  }
0x61: {  	v37 =	vshll.u32 v37, $0x1  }
0x62: {  	v46 =	vsel vm1, v14, v36;
	[tilespmem:v12+s0+$0x0] =	vst.idx.msk $0xffff, v37  }
0x63: {  	[tilespmem:v12+s4+$0x0] =	vst.idx.msk $0xffff, v46  }
0x64: {  	v37 =	vld.idx.msk [tilespmem:v31+s15+$0x0], $0xffff;
	_ =	sdelay $0x4  }
0x65: {  	v37 =	vshll.u32 v37, $0x1  }
0x66: {  	v36 =	vsel vm0, v15, v36;
	[tilespmem:v13+s0+$0x0] =	vst.idx.msk $0xffff, v37  }
0x67: {  	[tilespmem:v13+s4+$0x0] =	vst.idx.msk $0xffff, v36  }
0x68: {  	v36 =	vld [tilespmem:$0x2200];
	_ =	sdelay $0x4  }
0x69: {  	v47 =	vshrl.u32 v36, $0x3  }
0x6a: {  	v37 =	vmul.u32 $0x30, v47  }
0x6b: {  	v36 =	vand.u32 $0x7, v36  }
0x6c: {  	v36 =	vor.u32 v36, v37  }
0x6d: {  	v37 =	vperm.xlane v36, v33;
	_ =	sdelay $0x1  }
0x6e: {  	v37 =	vadd.s32 v34, v37;
	_ =	sdelay $0x3  }
0x6f: {  	s1 =	simm.s32 $0x2300;
	v36 =	vperm.xlane v36, v35  }
0x70: {  	[tilespmem:s1], [sflag:$0x1] =	stream.indirect_vreg.gather [hbm4b:s11+s3], $0x80, v37, vm8, $0xb8;
	[tilespmem:$0x1A300] =	vst v63  }
0x71: {  	s30 =	simm.s32 $0x2B00;
	v36 =	vadd.s32 v34, v36  }
0x72: {  	[tilespmem:s30], [sflag:$0x1] =	stream.indirect_vreg.gather [hbm4b:s7+s3], $0x80, v37, vm8, $0xb8;
	[tilespmem:$0x1A300] =	vst v63  }
0x73: {  	s31 =	simm.s32 $0x3300  }
0x74: {  	[tilespmem:s31], [sflag:$0x1] =	stream.indirect_vreg.gather [hbm4b:s8+s3], $0x80, v37, vm8, $0xb8;
	[tilespmem:$0x1A300] =	vst v63  }
0x75: {  	s0 =	simm.s32 $0x3B00  }
0x76: {  	[tilespmem:s0], [sflag:$0x1] =	stream.indirect_vreg.gather [hbm4b:s11+s3], $0x80, v36, vm8, $0xb8;
	[tilespmem:$0x1A300] =	vst v63  }
0x77: {  	s4 =	simm.s32 $0x4300  }
0x78: {  	[tilespmem:s4], [sflag:$0x1] =	stream.indirect_vreg.gather [hbm4b:s7+s3], $0x80, v36, vm8, $0xb8;
	[tilespmem:$0x1A300] =	vst v63  }
0x79: {  	s5 =	simm.s32 $0x4B00  }
0x7a: {  	[tilespmem:s5], [sflag:$0x1] =	stream.indirect_vreg.gather [hbm4b:s8+s3], $0x80, v36, vm8, $0xb8;
	[tilespmem:$0x1A300] =	vst v63  }
0x7b: {  	v36 =	vld [tilespmem:$0x2210];
	_ =	sdelay $0x4  }
0x7c: {  	v48 =	vshrl.u32 v36, $0x3  }
0x7d: {  	v37 =	vmul.u32 $0x30, v48  }
0x7e: {  	v36 =	vand.u32 $0x7, v36  }
0x7f: {  	v36 =	vor.u32 v36, v37  }
0x80: {  	v37 =	vperm.xlane v36, v33;
	_ =	sdelay $0x1  }
0x81: {  	v37 =	vadd.s32 v34, v37;
	_ =	sdelay $0x3  }
0x82: {  	s2 =	simm.s32 $0x5300;
	v36 =	vperm.xlane v36, v35  }
0x83: {  	[tilespmem:s2], [sflag:$0x1] =	stream.indirect_vreg.gather [hbm4b:s11+s3], $0x80, v37, vm8, $0xb8;
	[tilespmem:$0x1A300] =	vst v63  }
0x84: {  	s12 =	simm.s32 $0x5B00;
	v36 =	vadd.s32 v34, v36  }
0x85: {  	[tilespmem:s12], [sflag:$0x1] =	stream.indirect_vreg.gather [hbm4b:s7+s3], $0x80, v37, vm8, $0xb8;
	[tilespmem:$0x1A300] =	vst v63  }
0x86: {  	s13 =	simm.s32 $0x6300  }
0x87: {  	[tilespmem:s13], [sflag:$0x1] =	stream.indirect_vreg.gather [hbm4b:s8+s3], $0x80, v37, vm8, $0xb8;
	[tilespmem:$0x1A300] =	vst v63  }
0x88: {  	s16 =	simm.s32 $0x6B00  }
0x89: {  	[tilespmem:s16], [sflag:$0x1] =	stream.indirect_vreg.gather [hbm4b:s11+s3], $0x80, v36, vm8, $0xb8;
	[tilespmem:$0x1A300] =	vst v63  }
0x8a: {  	s19 =	simm.s32 $0x7300  }
0x8b: {  	[tilespmem:s19], [sflag:$0x1] =	stream.indirect_vreg.gather [hbm4b:s7+s3], $0x80, v36, vm8, $0xb8;
	[tilespmem:$0x1A300] =	vst v63  }
0x8c: {  	s20 =	simm.s32 $0x7B00  }
0x8d: {  	[tilespmem:s20], [sflag:$0x1] =	stream.indirect_vreg.gather [hbm4b:s8+s3], $0x80, v36, vm8, $0xb8;
	[tilespmem:$0x1A300] =	vst v63  }
0x8e: {  	v36 =	vld [tilespmem:$0x2220];
	_ =	sdelay $0x4  }
0x8f: {  	v49 =	vshrl.u32 v36, $0x3  }
0x90: {  	v37 =	vmul.u32 $0x30, v49  }
0x91: {  	v36 =	vand.u32 $0x7, v36  }
0x92: {  	v36 =	vor.u32 v36, v37  }
0x93: {  	v37 =	vperm.xlane v36, v33;
	_ =	sdelay $0x1  }
0x94: {  	v37 =	vadd.s32 v34, v37;
	_ =	sdelay $0x3  }
0x95: {  	s21 =	simm.s32 $0x8300;
	v36 =	vperm.xlane v36, v35  }
0x96: {  	[tilespmem:s21], [sflag:$0x1] =	stream.indirect_vreg.gather [hbm4b:s11+s3], $0x80, v37, vm8, $0xb8;
	[tilespmem:$0x1A300] =	vst v63  }
0x97: {  	s22 =	simm.s32 $0x8B00;
	v36 =	vadd.s32 v34, v36  }
0x98: {  	[tilespmem:s22], [sflag:$0x1] =	stream.indirect_vreg.gather [hbm4b:s7+s3], $0x80, v37, vm8, $0xb8;
	[tilespmem:$0x1A300] =	vst v63  }
0x99: {  	s23 =	simm.s32 $0x9300  }
0x9a: {  	[tilespmem:s23], [sflag:$0x1] =	stream.indirect_vreg.gather [hbm4b:s8+s3], $0x80, v37, vm8, $0xb8;
	[tilespmem:$0x1A300] =	vst v63  }
0x9b: {  	s24 =	simm.s32 $0x9B00  }
0x9c: {  	[tilespmem:s24], [sflag:$0x1] =	stream.indirect_vreg.gather [hbm4b:s11+s3], $0x80, v36, vm8, $0xb8;
	[tilespmem:$0x1A300] =	vst v63  }
0x9d: {  	s25 =	simm.s32 $0xA300  }
0x9e: {  	[tilespmem:s25], [sflag:$0x1] =	stream.indirect_vreg.gather [hbm4b:s7+s3], $0x80, v36, vm8, $0xb8;
	[tilespmem:$0x1A300] =	vst v63  }
0x9f: {  	s26 =	simm.s32 $0xAB00  }
0xa0: {  	[tilespmem:s26], [sflag:$0x1] =	stream.indirect_vreg.gather [hbm4b:s8+s3], $0x80, v36, vm8, $0xb8;
	[tilespmem:$0x1A300] =	vst v63  }
0xa1: {  	v36 =	vld [tilespmem:$0x2230];
	_ =	sdelay $0x4  }
0xa2: {  	v50 =	vshrl.u32 v36, $0x3  }
0xa3: {  	v37 =	vmul.u32 $0x30, v50  }
0xa4: {  	v36 =	vand.u32 $0x7, v36  }
0xa5: {  	v36 =	vor.u32 v36, v37  }
0xa6: {  	v37 =	vperm.xlane v36, v33;
	_ =	sdelay $0x1  }
0xa7: {  	v37 =	vadd.s32 v34, v37;
	_ =	sdelay $0x3  }
0xa8: {  	s14 =	simm.s32 $0xB300;
	v36 =	vperm.xlane v36, v35  }
0xa9: {  	[tilespmem:s14], [sflag:$0x1] =	stream.indirect_vreg.gather [hbm4b:s11+s3], $0x80, v37, vm8, $0xb8;
	[tilespmem:$0x1A300] =	vst v63  }
0xaa: {  	s28 =	simm.s32 $0xBB00;
	v36 =	vadd.s32 v34, v36  }
0xab: {  	[tilespmem:s28], [sflag:$0x1] =	stream.indirect_vreg.gather [hbm4b:s7+s3], $0x80, v37, vm8, $0xb8;
	[tilespmem:$0x1A300] =	vst v63  }
0xac: {  	s17 =	simm.s32 $0xC300  }
0xad: {  	[tilespmem:s17], [sflag:$0x1] =	stream.indirect_vreg.gather [hbm4b:s8+s3], $0x80, v37, vm8, $0xb8;
	[tilespmem:$0x1A300] =	vst v63  }
0xae: {  	s29 =	simm.s32 $0xCB00  }
0xaf: {  	[tilespmem:s29], [sflag:$0x1] =	stream.indirect_vreg.gather [hbm4b:s11+s3], $0x80, v36, vm8, $0xb8;
	[tilespmem:$0x1A300] =	vst v63  }
0xb0: {  	s18 =	simm.s32 $0xD300  }
0xb1: {  	[tilespmem:s18], [sflag:$0x1] =	stream.indirect_vreg.gather [hbm4b:s7+s3], $0x80, v36, vm8, $0xb8;
	[tilespmem:$0x1A300] =	vst v63  }
0xb2: {  	s2 =	simm.s32 $0xDB00  }
0xb3: {  	[tilespmem:s2], [sflag:$0x1] =	stream.indirect_vreg.gather [hbm4b:s8+s3], $0x80, v36, vm8, $0xb8;
	[tilespmem:$0x1A300] =	vst v63  }
0xb4: {  	v36 =	vld [tilespmem:$0x2240];
	_ =	sdelay $0x4  }
0xb5: {  	v51 =	vshrl.u32 v36, $0x3  }
0xb6: {  	v37 =	vmul.u32 $0x30, v51  }
0xb7: {  	v36 =	vand.u32 $0x7, v36  }
0xb8: {  	v36 =	vor.u32 v36, v37  }
0xb9: {  	v37 =	vperm.xlane v36, v33;
	_ =	sdelay $0x1  }
0xba: {  	v37 =	vadd.s32 v34, v37;
	_ =	sdelay $0x3  }
0xbb: {  	s2 =	simm.s32 $0xE300;
	v36 =	vperm.xlane v36, v35  }
0xbc: {  	[tilespmem:s2], [sflag:$0x1] =	stream.indirect_vreg.gather [hbm4b:s11+s3], $0x80, v37, vm8, $0xb8;
	[tilespmem:$0x1A300] =	vst v63  }
0xbd: {  	v36 =	vadd.s32 v34, v36;
	s2 =	simm.s32 $0xEB00  }
0xbe: {  	[tilespmem:s2], [sflag:$0x1] =	stream.indirect_vreg.gather [hbm4b:s7+s3], $0x80, v37, vm8, $0xb8;
	[tilespmem:$0x1A300] =	vst v63  }
0xbf: {  	s2 =	simm.s32 $0xF300  }
0xc0: {  	[tilespmem:s2], [sflag:$0x1] =	stream.indirect_vreg.gather [hbm4b:s8+s3], $0x80, v37, vm8, $0xb8;
	[tilespmem:$0x1A300] =	vst v63  }
0xc1: {  	s2 =	simm.s32 $0xFB00  }
0xc2: {  	[tilespmem:s2], [sflag:$0x1] =	stream.indirect_vreg.gather [hbm4b:s11+s3], $0x80, v36, vm8, $0xb8;
	[tilespmem:$0x1A300] =	vst v63  }
0xc3: {  	s2 =	simm.s32 $0x10300  }
0xc4: {  	[tilespmem:s2], [sflag:$0x1] =	stream.indirect_vreg.gather [hbm4b:s7+s3], $0x80, v36, vm8, $0xb8;
	[tilespmem:$0x1A300] =	vst v63  }
0xc5: {  	s2 =	simm.s32 $0x10B00  }
0xc6: {  	[tilespmem:s2], [sflag:$0x1] =	stream.indirect_vreg.gather [hbm4b:s8+s3], $0x80, v36, vm8, $0xb8;
	[tilespmem:$0x1A300] =	vst v63  }
0xc7: {  	v36 =	vld [tilespmem:$0x2250];
	_ =	sdelay $0x4  }
0xc8: {  	v52 =	vshrl.u32 v36, $0x3  }
0xc9: {  	v37 =	vmul.u32 $0x30, v52  }
0xca: {  	v36 =	vand.u32 $0x7, v36  }
0xcb: {  	v36 =	vor.u32 v36, v37  }
0xcc: {  	v37 =	vperm.xlane v36, v33;
	_ =	sdelay $0x1  }
0xcd: {  	v37 =	vadd.s32 v34, v37;
	_ =	sdelay $0x3  }
0xce: {  	s2 =	simm.s32 $0x11300;
	v36 =	vperm.xlane v36, v35  }
0xcf: {  	[tilespmem:s2], [sflag:$0x1] =	stream.indirect_vreg.gather [hbm4b:s11+s3], $0x80, v37, vm8, $0xb8;
	[tilespmem:$0x1A300] =	vst v63  }
0xd0: {  	v36 =	vadd.s32 v34, v36;
	s2 =	simm.s32 $0x11B00  }
0xd1: {  	[tilespmem:s2], [sflag:$0x1] =	stream.indirect_vreg.gather [hbm4b:s7+s3], $0x80, v37, vm8, $0xb8;
	[tilespmem:$0x1A300] =	vst v63  }
0xd2: {  	s2 =	simm.s32 $0x12300  }
0xd3: {  	[tilespmem:s2], [sflag:$0x1] =	stream.indirect_vreg.gather [hbm4b:s8+s3], $0x80, v37, vm8, $0xb8;
	[tilespmem:$0x1A300] =	vst v63  }
0xd4: {  	s2 =	simm.s32 $0x12B00  }
0xd5: {  	[tilespmem:s2], [sflag:$0x1] =	stream.indirect_vreg.gather [hbm4b:s11+s3], $0x80, v36, vm8, $0xb8;
	[tilespmem:$0x1A300] =	vst v63  }
0xd6: {  	s2 =	simm.s32 $0x13300  }
0xd7: {  	[tilespmem:s2], [sflag:$0x1] =	stream.indirect_vreg.gather [hbm4b:s7+s3], $0x80, v36, vm8, $0xb8;
	[tilespmem:$0x1A300] =	vst v63  }
0xd8: {  	s2 =	simm.s32 $0x13B00  }
0xd9: {  	[tilespmem:s2], [sflag:$0x1] =	stream.indirect_vreg.gather [hbm4b:s8+s3], $0x80, v36, vm8, $0xb8;
	[tilespmem:$0x1A300] =	vst v63  }
0xda: {  	v36 =	vld [tilespmem:$0x2260];
	_ =	sdelay $0x4  }
0xdb: {  	v53 =	vshrl.u32 v36, $0x3  }
0xdc: {  	v37 =	vmul.u32 $0x30, v53  }
0xdd: {  	v36 =	vand.u32 $0x7, v36  }
0xde: {  	v36 =	vor.u32 v36, v37  }
0xdf: {  	v37 =	vperm.xlane v36, v33;
	_ =	sdelay $0x1  }
0xe0: {  	v37 =	vadd.s32 v34, v37;
	_ =	sdelay $0x3  }
0xe1: {  	s2 =	simm.s32 $0x14300;
	v36 =	vperm.xlane v36, v35  }
0xe2: {  	[tilespmem:s2], [sflag:$0x1] =	stream.indirect_vreg.gather [hbm4b:s11+s3], $0x80, v37, vm8, $0xb8;
	[tilespmem:$0x1A300] =	vst v63  }
0xe3: {  	v36 =	vadd.s32 v34, v36;
	s2 =	simm.s32 $0x14B00  }
0xe4: {  	[tilespmem:s2], [sflag:$0x1] =	stream.indirect_vreg.gather [hbm4b:s7+s3], $0x80, v37, vm8, $0xb8;
	[tilespmem:$0x1A300] =	vst v63  }
0xe5: {  	s2 =	simm.s32 $0x15300  }
0xe6: {  	[tilespmem:s2], [sflag:$0x1] =	stream.indirect_vreg.gather [hbm4b:s8+s3], $0x80, v37, vm8, $0xb8;
	[tilespmem:$0x1A300] =	vst v63  }
0xe7: {  	s2 =	simm.s32 $0x15B00  }
0xe8: {  	[tilespmem:s2], [sflag:$0x1] =	stream.indirect_vreg.gather [hbm4b:s11+s3], $0x80, v36, vm8, $0xb8;
	[tilespmem:$0x1A300] =	vst v63  }
0xe9: {  	s2 =	simm.s32 $0x16300  }
0xea: {  	[tilespmem:s2], [sflag:$0x1] =	stream.indirect_vreg.gather [hbm4b:s7+s3], $0x80, v36, vm8, $0xb8;
	[tilespmem:$0x1A300] =	vst v63  }
0xeb: {  	s2 =	simm.s32 $0x16B00  }
0xec: {  	[tilespmem:s2], [sflag:$0x1] =	stream.indirect_vreg.gather [hbm4b:s8+s3], $0x80, v36, vm8, $0xb8;
	[tilespmem:$0x1A300] =	vst v63  }
0xed: {  	v36 =	vld [tilespmem:$0x2270];
	_ =	sdelay $0x4  }
0xee: {  	v54 =	vshrl.u32 v36, $0x3  }
0xef: {  	v37 =	vmul.u32 $0x30, v54  }
0xf0: {  	v36 =	vand.u32 $0x7, v36  }
0xf1: {  	v36 =	vor.u32 v36, v37  }
0xf2: {  	v37 =	vperm.xlane v36, v33;
	_ =	sdelay $0x1  }
0xf3: {  	v37 =	vadd.s32 v34, v37;
	_ =	sdelay $0x3  }
0xf4: {  	s2 =	simm.s32 $0x17300;
	v36 =	vperm.xlane v36, v35  }
0xf5: {  	[tilespmem:s2], [sflag:$0x1] =	stream.indirect_vreg.gather [hbm4b:s11+s3], $0x80, v37, vm8, $0xb8;
	[tilespmem:$0x1A300] =	vst v63  }
0xf6: {  	v36 =	vadd.s32 v34, v36;
	s2 =	simm.s32 $0x17B00  }
0xf7: {  	[tilespmem:s2], [sflag:$0x1] =	stream.indirect_vreg.gather [hbm4b:s7+s3], $0x80, v37, vm8, $0xb8;
	[tilespmem:$0x1A300] =	vst v63  }
0xf8: {  	s2 =	simm.s32 $0x18300  }
0xf9: {  	[tilespmem:s2], [sflag:$0x1] =	stream.indirect_vreg.gather [hbm4b:s8+s3], $0x80, v37, vm8, $0xb8;
	[tilespmem:$0x1A300] =	vst v63  }
0xfa: {  	s2 =	simm.s32 $0x18B00  }
0xfb: {  	[tilespmem:s2], [sflag:$0x1] =	stream.indirect_vreg.gather [hbm4b:s11+s3], $0x80, v36, vm8, $0xb8;
	[tilespmem:$0x1A300] =	vst v63  }
0xfc: {  	s2 =	simm.s32 $0x19300  }
0xfd: {  	[tilespmem:s2], [sflag:$0x1] =	stream.indirect_vreg.gather [hbm4b:s7+s3], $0x80, v36, vm8, $0xb8;
	[tilespmem:$0x1A300] =	vst v63  }
0xfe: {  	s2 =	simm.s32 $0x19B00  }
0xff: {  	[tilespmem:s2], [sflag:$0x1] =	stream.indirect_vreg.gather [hbm4b:s8+s3], $0x80, v36, vm8, $0xb8;
	[tilespmem:$0x1A300] =	vst v63  }
0x100: {  	s2 =	simm.s32 $0x1  }
0x101: {  	_ =	swait.ge [sflag:s2], $0x18000  }
0x102: {  	[sflag:s2] =	ssyncset.done $0x0  }
0x103: {  	[sflag:s2] =	ssyncadd.s32 $0xFFFE8000  }
0x104: {  	v55 =	vld [tilespmem:$0x2280];
	_ =	sdelay $0x4  }
0x105: {  	v56 =	vshrl.u32 v55, $0x3  }
0x106: {  	v37 =	vmul.u32 $0x30, v56  }
0x107: {  	v36 =	vand.u32 $0x7, v55  }
0x108: {  	v36 =	vor.u32 v36, v37  }
0x109: {  	v37 =	vperm.xlane v36, v33;
	_ =	sdelay $0x1  }
0x10a: {  	v37 =	vadd.s32 v34, v37;
	_ =	sdelay $0x3  }
0x10b: {  	v36 =	vperm.xlane v36, v35  }
0x10c: {  	[hbm4b:s6+s3] =	stream.indirect_vreg.scatter [tilespmem:s1], [sflag:$0x1], $0x80, v37, vm8, $0xb8;
	[tilespmem:$0x1A300] =	vst v63  }
0x10d: {  	v36 =	vadd.s32 v34, v36  }
0x10e: {  	[hbm4b:s9+s3] =	stream.indirect_vreg.scatter [tilespmem:s30], [sflag:$0x1], $0x80, v37, vm8, $0xb8;
	[tilespmem:$0x1A300] =	vst v63  }
0x10f: {  	_ = 	snop  }
0x110: {  	[hbm4b:s10+s3] =	stream.indirect_vreg.scatter [tilespmem:s31], [sflag:$0x1], $0x80, v37, vm8, $0xb8;
	[tilespmem:$0x1A300] =	vst v63  }
0x111: {  	_ = 	snop  }
0x112: {  	[hbm4b:s6+s3] =	stream.indirect_vreg.scatter [tilespmem:s0], [sflag:$0x1], $0x80, v36, vm8, $0xb8;
	[tilespmem:$0x1A300] =	vst v63  }
0x113: {  	_ = 	snop  }
0x114: {  	[hbm4b:s9+s3] =	stream.indirect_vreg.scatter [tilespmem:s4], [sflag:$0x1], $0x80, v36, vm8, $0xb8;
	[tilespmem:$0x1A300] =	vst v63  }
0x115: {  	_ = 	snop  }
0x116: {  	[hbm4b:s10+s3] =	stream.indirect_vreg.scatter [tilespmem:s5], [sflag:$0x1], $0x80, v36, vm8, $0xb8;
	[tilespmem:$0x1A300] =	vst v63  }
0x117: {  	v36 =	vld [tilespmem:$0x2290];
	_ =	sdelay $0x4  }
0x118: {  	v57 =	vshrl.u32 v36, $0x3  }
0x119: {  	v37 =	vmul.u32 $0x30, v57  }
0x11a: {  	v36 =	vand.u32 $0x7, v36  }
0x11b: {  	v36 =	vor.u32 v36, v37  }
0x11c: {  	v37 =	vperm.xlane v36, v33;
	_ =	sdelay $0x1  }
0x11d: {  	v37 =	vadd.s32 v34, v37;
	_ =	sdelay $0x3  }
0x11e: {  	s5 =	simm.s32 $0x5300;
	v36 =	vperm.xlane v36, v35  }
0x11f: {  	[hbm4b:s6+s3] =	stream.indirect_vreg.scatter [tilespmem:s5], [sflag:$0x1], $0x80, v37, vm8, $0xb8;
	[tilespmem:$0x1A300] =	vst v63  }
0x120: {  	v36 =	vadd.s32 v34, v36  }
0x121: {  	[hbm4b:s9+s3] =	stream.indirect_vreg.scatter [tilespmem:s12], [sflag:$0x1], $0x80, v37, vm8, $0xb8;
	[tilespmem:$0x1A300] =	vst v63  }
0x122: {  	_ = 	snop  }
0x123: {  	[hbm4b:s10+s3] =	stream.indirect_vreg.scatter [tilespmem:s13], [sflag:$0x1], $0x80, v37, vm8, $0xb8;
	[tilespmem:$0x1A300] =	vst v63  }
0x124: {  	_ = 	snop  }
0x125: {  	[hbm4b:s6+s3] =	stream.indirect_vreg.scatter [tilespmem:s16], [sflag:$0x1], $0x80, v36, vm8, $0xb8;
	[tilespmem:$0x1A300] =	vst v63  }
0x126: {  	_ = 	snop  }
0x127: {  	[hbm4b:s9+s3] =	stream.indirect_vreg.scatter [tilespmem:s19], [sflag:$0x1], $0x80, v36, vm8, $0xb8;
	[tilespmem:$0x1A300] =	vst v63  }
0x128: {  	_ = 	snop  }
0x129: {  	[hbm4b:s10+s3] =	stream.indirect_vreg.scatter [tilespmem:s20], [sflag:$0x1], $0x80, v36, vm8, $0xb8;
	[tilespmem:$0x1A300] =	vst v63  }
0x12a: {  	v36 =	vld [tilespmem:$0x22A0];
	_ =	sdelay $0x4  }
0x12b: {  	v58 =	vshrl.u32 v36, $0x3  }
0x12c: {  	v37 =	vmul.u32 $0x30, v58  }
0x12d: {  	v36 =	vand.u32 $0x7, v36  }
0x12e: {  	v36 =	vor.u32 v36, v37  }
0x12f: {  	v37 =	vperm.xlane v36, v33;
	_ =	sdelay $0x1  }
0x130: {  	v37 =	vadd.s32 v34, v37;
	_ =	sdelay $0x3  }
0x131: {  	v36 =	vperm.xlane v36, v35  }
0x132: {  	[hbm4b:s6+s3] =	stream.indirect_vreg.scatter [tilespmem:s21], [sflag:$0x1], $0x80, v37, vm8, $0xb8;
	[tilespmem:$0x1A300] =	vst v63  }
0x133: {  	v36 =	vadd.s32 v34, v36  }
0x134: {  	[hbm4b:s9+s3] =	stream.indirect_vreg.scatter [tilespmem:s22], [sflag:$0x1], $0x80, v37, vm8, $0xb8;
	[tilespmem:$0x1A300] =	vst v63  }
0x135: {  	_ = 	snop  }
0x136: {  	[hbm4b:s10+s3] =	stream.indirect_vreg.scatter [tilespmem:s23], [sflag:$0x1], $0x80, v37, vm8, $0xb8;
	[tilespmem:$0x1A300] =	vst v63  }
0x137: {  	_ = 	snop  }
0x138: {  	[hbm4b:s6+s3] =	stream.indirect_vreg.scatter [tilespmem:s24], [sflag:$0x1], $0x80, v36, vm8, $0xb8;
	[tilespmem:$0x1A300] =	vst v63  }
0x139: {  	_ = 	snop  }
0x13a: {  	[hbm4b:s9+s3] =	stream.indirect_vreg.scatter [tilespmem:s25], [sflag:$0x1], $0x80, v36, vm8, $0xb8;
	[tilespmem:$0x1A300] =	vst v63  }
0x13b: {  	_ = 	snop  }
0x13c: {  	[hbm4b:s10+s3] =	stream.indirect_vreg.scatter [tilespmem:s26], [sflag:$0x1], $0x80, v36, vm8, $0xb8;
	[tilespmem:$0x1A300] =	vst v63  }
0x13d: {  	v36 =	vld [tilespmem:$0x22B0];
	_ =	sdelay $0x4  }
0x13e: {  	v59 =	vshrl.u32 v36, $0x3  }
0x13f: {  	v37 =	vmul.u32 $0x30, v59  }
0x140: {  	v36 =	vand.u32 $0x7, v36  }
0x141: {  	v36 =	vor.u32 v36, v37  }
0x142: {  	v37 =	vperm.xlane v36, v33;
	_ =	sdelay $0x1  }
0x143: {  	v37 =	vadd.s32 v34, v37;
	_ =	sdelay $0x3  }
0x144: {  	v36 =	vperm.xlane v36, v35  }
0x145: {  	[hbm4b:s6+s3] =	stream.indirect_vreg.scatter [tilespmem:s14], [sflag:$0x1], $0x80, v37, vm8, $0xb8;
	[tilespmem:$0x1A300] =	vst v63  }
0x146: {  	v36 =	vadd.s32 v34, v36  }
0x147: {  	[hbm4b:s9+s3] =	stream.indirect_vreg.scatter [tilespmem:s28], [sflag:$0x1], $0x80, v37, vm8, $0xb8;
	[tilespmem:$0x1A300] =	vst v63  }
0x148: {  	_ = 	snop  }
0x149: {  	[hbm4b:s10+s3] =	stream.indirect_vreg.scatter [tilespmem:s17], [sflag:$0x1], $0x80, v37, vm8, $0xb8;
	[tilespmem:$0x1A300] =	vst v63  }
0x14a: {  	_ = 	snop  }
0x14b: {  	[hbm4b:s6+s3] =	stream.indirect_vreg.scatter [tilespmem:s29], [sflag:$0x1], $0x80, v36, vm8, $0xb8;
	[tilespmem:$0x1A300] =	vst v63  }
0x14c: {  	_ = 	snop  }
0x14d: {  	[hbm4b:s9+s3] =	stream.indirect_vreg.scatter [tilespmem:s18], [sflag:$0x1], $0x80, v36, vm8, $0xb8;
	[tilespmem:$0x1A300] =	vst v63  }
0x14e: {  	s21 =	simm.s32 $0xDB00  }
0x14f: {  	[hbm4b:s10+s3] =	stream.indirect_vreg.scatter [tilespmem:s21], [sflag:$0x1], $0x80, v36, vm8, $0xb8;
	[tilespmem:$0x1A300] =	vst v63  }
0x150: {  	v36 =	vld [tilespmem:$0x22C0];
	_ =	sdelay $0x4  }
0x151: {  	v60 =	vshrl.u32 v36, $0x3  }
0x152: {  	v37 =	vmul.u32 $0x30, v60  }
0x153: {  	v36 =	vand.u32 $0x7, v36  }
0x154: {  	v36 =	vor.u32 v36, v37  }
0x155: {  	v37 =	vperm.xlane v36, v33;
	_ =	sdelay $0x1  }
0x156: {  	v37 =	vadd.s32 v34, v37;
	_ =	sdelay $0x3  }
0x157: {  	s22 =	simm.s32 $0xE300;
	v36 =	vperm.xlane v36, v35  }
0x158: {  	[hbm4b:s6+s3] =	stream.indirect_vreg.scatter [tilespmem:s22], [sflag:$0x1], $0x80, v37, vm8, $0xb8;
	[tilespmem:$0x1A300] =	vst v63  }
0x159: {  	s23 =	simm.s32 $0xEB00;
	v36 =	vadd.s32 v34, v36  }
0x15a: {  	[hbm4b:s9+s3] =	stream.indirect_vreg.scatter [tilespmem:s23], [sflag:$0x1], $0x80, v37, vm8, $0xb8;
	[tilespmem:$0x1A300] =	vst v63  }
0x15b: {  	s24 =	simm.s32 $0xF300  }
0x15c: {  	[hbm4b:s10+s3] =	stream.indirect_vreg.scatter [tilespmem:s24], [sflag:$0x1], $0x80, v37, vm8, $0xb8;
	[tilespmem:$0x1A300] =	vst v63  }
0x15d: {  	s25 =	simm.s32 $0xFB00  }
0x15e: {  	[hbm4b:s6+s3] =	stream.indirect_vreg.scatter [tilespmem:s25], [sflag:$0x1], $0x80, v36, vm8, $0xb8;
	[tilespmem:$0x1A300] =	vst v63  }
0x15f: {  	s26 =	simm.s32 $0x10300  }
0x160: {  	[hbm4b:s9+s3] =	stream.indirect_vreg.scatter [tilespmem:s26], [sflag:$0x1], $0x80, v36, vm8, $0xb8;
	[tilespmem:$0x1A300] =	vst v63  }
0x161: {  	s28 =	simm.s32 $0x10B00  }
0x162: {  	[hbm4b:s10+s3] =	stream.indirect_vreg.scatter [tilespmem:s28], [sflag:$0x1], $0x80, v36, vm8, $0xb8;
	[tilespmem:$0x1A300] =	vst v63  }
0x163: {  	v36 =	vld [tilespmem:$0x22D0];
	_ =	sdelay $0x4  }
0x164: {  	v61 =	vshrl.u32 v36, $0x3  }
0x165: {  	v37 =	vmul.u32 $0x30, v61  }
0x166: {  	v36 =	vand.u32 $0x7, v36  }
0x167: {  	v36 =	vor.u32 v36, v37  }
0x168: {  	v37 =	vperm.xlane v36, v33;
	_ =	sdelay $0x1  }
0x169: {  	v37 =	vadd.s32 v34, v37;
	_ =	sdelay $0x3  }
0x16a: {  	s29 =	simm.s32 $0x11300;
	v36 =	vperm.xlane v36, v35  }
0x16b: {  	[hbm4b:s6+s3] =	stream.indirect_vreg.scatter [tilespmem:s29], [sflag:$0x1], $0x80, v37, vm8, $0xb8;
	[tilespmem:$0x1A300] =	vst v63  }
0x16c: {  	s4 =	simm.s32 $0x11B00;
	v36 =	vadd.s32 v34, v36  }
0x16d: {  	[hbm4b:s9+s3] =	stream.indirect_vreg.scatter [tilespmem:s4], [sflag:$0x1], $0x80, v37, vm8, $0xb8;
	[tilespmem:$0x1A300] =	vst v63  }
0x16e: {  	s5 =	simm.s32 $0x12300  }
0x16f: {  	[hbm4b:s10+s3] =	stream.indirect_vreg.scatter [tilespmem:s5], [sflag:$0x1], $0x80, v37, vm8, $0xb8;
	[tilespmem:$0x1A300] =	vst v63  }
0x170: {  	s12 =	simm.s32 $0x12B00  }
0x171: {  	[hbm4b:s6+s3] =	stream.indirect_vreg.scatter [tilespmem:s12], [sflag:$0x1], $0x80, v36, vm8, $0xb8;
	[tilespmem:$0x1A300] =	vst v63  }
0x172: {  	s13 =	simm.s32 $0x13300  }
0x173: {  	[hbm4b:s9+s3] =	stream.indirect_vreg.scatter [tilespmem:s13], [sflag:$0x1], $0x80, v36, vm8, $0xb8;
	[tilespmem:$0x1A300] =	vst v63  }
0x174: {  	s14 =	simm.s32 $0x13B00  }
0x175: {  	[hbm4b:s10+s3] =	stream.indirect_vreg.scatter [tilespmem:s14], [sflag:$0x1], $0x80, v36, vm8, $0xb8;
	[tilespmem:$0x1A300] =	vst v63  }
0x176: {  	v36 =	vld [tilespmem:$0x22E0];
	_ =	sdelay $0x4  }
0x177: {  	v62 =	vshrl.u32 v36, $0x3  }
0x178: {  	v37 =	vmul.u32 $0x30, v62  }
0x179: {  	v36 =	vand.u32 $0x7, v36  }
0x17a: {  	v36 =	vor.u32 v36, v37  }
0x17b: {  	v37 =	vperm.xlane v36, v33;
	_ =	sdelay $0x1  }
0x17c: {  	v37 =	vadd.s32 v34, v37;
	_ =	sdelay $0x3  }
0x17d: {  	s16 =	simm.s32 $0x14300;
	v36 =	vperm.xlane v36, v35  }
0x17e: {  	[hbm4b:s6+s3] =	stream.indirect_vreg.scatter [tilespmem:s16], [sflag:$0x1], $0x80, v37, vm8, $0xb8;
	[tilespmem:$0x1A300] =	vst v63  }
0x17f: {  	s17 =	simm.s32 $0x14B00;
	v36 =	vadd.s32 v34, v36  }
0x180: {  	[hbm4b:s9+s3] =	stream.indirect_vreg.scatter [tilespmem:s17], [sflag:$0x1], $0x80, v37, vm8, $0xb8;
	[tilespmem:$0x1A300] =	vst v63  }
0x181: {  	s18 =	simm.s32 $0x15300  }
0x182: {  	[hbm4b:s10+s3] =	stream.indirect_vreg.scatter [tilespmem:s18], [sflag:$0x1], $0x80, v37, vm8, $0xb8;
	[tilespmem:$0x1A300] =	vst v63  }
0x183: {  	s19 =	simm.s32 $0x15B00  }
0x184: {  	[hbm4b:s6+s3] =	stream.indirect_vreg.scatter [tilespmem:s19], [sflag:$0x1], $0x80, v36, vm8, $0xb8;
	[tilespmem:$0x1A300] =	vst v63  }
0x185: {  	s20 =	simm.s32 $0x16300  }
0x186: {  	[hbm4b:s9+s3] =	stream.indirect_vreg.scatter [tilespmem:s20], [sflag:$0x1], $0x80, v36, vm8, $0xb8;
	[tilespmem:$0x1A300] =	vst v63  }
0x187: {  	s21 =	simm.s32 $0x16B00  }
0x188: {  	[hbm4b:s10+s3] =	stream.indirect_vreg.scatter [tilespmem:s21], [sflag:$0x1], $0x80, v36, vm8, $0xb8;
	[tilespmem:$0x1A300] =	vst v63  }
0x189: {  	v36 =	vld [tilespmem:$0x22F0];
	_ =	sdelay $0x4  }
0x18a: {  	v63 =	vshrl.u32 v36, $0x3  }
0x18b: {  	v37 =	vmul.u32 $0x30, v63  }
0x18c: {  	v36 =	vand.u32 $0x7, v36  }
0x18d: {  	v36 =	vor.u32 v36, v37  }
0x18e: {  	v37 =	vperm.xlane v36, v33;
	_ =	sdelay $0x1  }
0x18f: {  	v37 =	vadd.s32 v34, v37;
	_ =	sdelay $0x3  }
0x190: {  	s22 =	simm.s32 $0x17300;
	v36 =	vperm.xlane v36, v35  }
0x191: {  	[hbm4b:s6+s3] =	stream.indirect_vreg.scatter [tilespmem:s22], [sflag:$0x1], $0x80, v37, vm8, $0xb8;
	[tilespmem:$0x1A300] =	vst v63  }
0x192: {  	s23 =	simm.s32 $0x17B00;
	v36 =	vadd.s32 v34, v36  }
0x193: {  	[hbm4b:s9+s3] =	stream.indirect_vreg.scatter [tilespmem:s23], [sflag:$0x1], $0x80, v37, vm8, $0xb8;
	[tilespmem:$0x1A300] =	vst v63  }
0x194: {  	s24 =	simm.s32 $0x18300  }
0x195: {  	[hbm4b:s10+s3] =	stream.indirect_vreg.scatter [tilespmem:s24], [sflag:$0x1], $0x80, v37, vm8, $0xb8;
	[tilespmem:$0x1A300] =	vst v63  }
0x196: {  	s25 =	simm.s32 $0x18B00  }
0x197: {  	[hbm4b:s6+s3] =	stream.indirect_vreg.scatter [tilespmem:s25], [sflag:$0x1], $0x80, v36, vm8, $0xb8;
	[tilespmem:$0x1A300] =	vst v63  }
0x198: {  	s26 =	simm.s32 $0x19300  }
0x199: {  	[hbm4b:s9+s3] =	stream.indirect_vreg.scatter [tilespmem:s26], [sflag:$0x1], $0x80, v36, vm8, $0xb8;
	[tilespmem:$0x1A300] =	vst v63  }
0x19a: {  	s28 =	simm.s32 $0x19B00  }
0x19b: {  	[hbm4b:s10+s3] =	stream.indirect_vreg.scatter [tilespmem:s28], [sflag:$0x1], $0x80, v36, vm8, $0xb8;
	[tilespmem:$0x1A300] =	vst v63  }
0x19c: {  	_ =	swait.ge [sflag:s2], $0x18000  }
0x19d: {  	[sflag:s2] =	ssyncset.done $0x0  }
0x19e: {  	s0 =	simm.s32 $0x2;
	s29 =	rddreg [dreg:$0x5];
	[sflag:s2] =	ssyncadd.s32 $0xFFFE8000  }
0x19f: {  	[tilespmem:s3], [sflag:$0x2] =	stream.linear.gather [hbm4b:s29+s3], $0x1000, $0x38;
	[tilespmem:$0x1A300] =	vst v63  }
0x1a0: {  	_ =	swait.ge [sflag:s0], $0x1000  }
0x1a1: {  	[sflag:s0] =	ssyncset.done $0x0  }
0x1a2: {  	s30 =	simm.s32 $0xFFFFFFF8;
	s31 =	simm.s32 $0x70;
	[sflag:s0] =	ssyncadd.s32 $0xFFFFF000  }
.LBB2_4:
0x1a3: {  	s1 =	sadd.s32 $0xFFFFFF90, s31  }
0x1a4: {  	v36 =	vor.u32 s1, v0;
	_ =	sdelay $0x4  }
0x1a5: {  	v37 =	vld.idx.msk [tilespmem:v36+s3+$0x0], $0xffff;
	_ =	sdelay $0x2  }
0x1a6: {  	s23 =	sadd.s32 $0xFFFFFFA0, s31  }
0x1a7: {  	v38 =	vor.u32 s23, v0;
	_ =	sdelay $0x3  }
0x1a8: {  	[tilespmem:v37+s15+$0x0] =	vst.idx.msk $0xffff, v36  }
0x1a9: {  	v36 =	vld.idx.msk [tilespmem:v38+s3+$0x0], $0xffff;
	_ =	sdelay $0x2  }
0x1aa: {  	s24 =	sadd.s32 $0xFFFFFFB0, s31  }
0x1ab: {  	v58 =	vor.u32 s24, v0;
	_ =	sdelay $0x3  }
0x1ac: {  	[tilespmem:v36+s15+$0x0] =	vst.idx.msk $0xffff, v38  }
0x1ad: {  	v36 =	vld.idx.msk [tilespmem:v58+s3+$0x0], $0xffff;
	_ =	sdelay $0x2  }
0x1ae: {  	s25 =	sadd.s32 $0xFFFFFFC0, s31  }
0x1af: {  	v59 =	vor.u32 s25, v0;
	_ =	sdelay $0x3  }
0x1b0: {  	[tilespmem:v36+s15+$0x0] =	vst.idx.msk $0xffff, v58  }
0x1b1: {  	v36 =	vld.idx.msk [tilespmem:v59+s3+$0x0], $0xffff;
	_ =	sdelay $0x2  }
0x1b2: {  	s26 =	sadd.s32 $0xFFFFFFD0, s31  }
0x1b3: {  	v60 =	vor.u32 s26, v0;
	_ =	sdelay $0x3  }
0x1b4: {  	[tilespmem:v36+s15+$0x0] =	vst.idx.msk $0xffff, v59  }
0x1b5: {  	v36 =	vld.idx.msk [tilespmem:v60+s3+$0x0], $0xffff;
	_ =	sdelay $0x2  }
0x1b6: {  	s28 =	sadd.s32 $0xFFFFFFE0, s31  }
0x1b7: {  	v61 =	vor.u32 s28, v0;
	_ =	sdelay $0x3  }
0x1b8: {  	[tilespmem:v36+s15+$0x0] =	vst.idx.msk $0xffff, v60  }
0x1b9: {  	v36 =	vld.idx.msk [tilespmem:v61+s3+$0x0], $0xffff;
	_ =	sdelay $0x2  }
0x1ba: {  	s29 =	sadd.s32 $0xFFFFFFF0, s31  }
0x1bb: {  	v62 =	vor.u32 s29, v0;
	_ =	sdelay $0x3  }
0x1bc: {  	[tilespmem:v36+s15+$0x0] =	vst.idx.msk $0xffff, v61  }
0x1bd: {  	v36 =	vld.idx.msk [tilespmem:v62+s3+$0x0], $0xffff;
	_ =	sdelay $0x3  }
0x1be: {  	v63 =	vor.u32 s31, v0;
	_ =	sdelay $0x3  }
0x1bf: {  	[tilespmem:v36+s15+$0x0] =	vst.idx.msk $0xffff, v62  }
0x1c0: {  	v36 =	vld.idx.msk [tilespmem:v63+s3+$0x0], $0xffff;
	_ =	sdelay $0x1  }
0x1c1: {  	s30 =	sadd.s32 $0x8, s30  }
0x1c2: {  	p0 =	slt.u32 s30, $0xF8  }
.Ltmp1:
0x1c3: {  	_ = 	snop;
	(pc) =	sbr.rel @p0 .LBB2_4-.Ltmp1, $2  }
0x1c4: {  	_ =	sdelay $0x2  }
0x1c5: {  	s31 =	sadd.s32 $0x80, s31;
	[tilespmem:v36+s15+$0x0] =	vst.idx.msk $0xffff, v63  }
0x1c6: {  	s1 =	rddreg [dreg:$0x6];
	s30 =	simm.s32 $0x2000  }
0x1c7: {  	[tilespmem:s30], [sflag:$0x2] =	stream.linear.gather [hbm4b:s1+s3], $0x200, $0x38;
	[tilespmem:$0x1A300] =	vst v63  }
0x1c8: {  	_ =	swait.ge [sflag:s0], $0x200  }
0x1c9: {  	[sflag:s0] =	ssyncset.done $0x0  }
0x1ca: {  	[sflag:s0] =	ssyncadd.s32 $0xFFFFFE00  }
0x1cb: {  	v36 =	vld.idx.msk [tilespmem:v24+s15+$0x0], $0xffff  }
0x1cc: {  	v37 =	vld.idx.msk [tilespmem:v32+s30+$0x0], $0xffff;
	_ =	sdelay $0x3  }
0x1cd: {  	v36 =	vshll.u32 v36, $0x1  }
0x1ce: {  	s26 =	simm.s32 $0x2200;
	v37 =	vadd.s32 $0x2CCE, v37;
	v36 =	vadd.s32 $0x2000, v36  }
0x1cf: {  	s28 =	simm.s32 $0x2280;
	v63 =	vsel vm7, v16, v37;
	[tilespmem:v0+s26+$0x0] =	vst.idx.msk $0xffff, v36  }
0x1d0: {  	[tilespmem:v0+s28+$0x0] =	vst.idx.msk $0xffff, v63  }
0x1d1: {  	v36 =	vld.idx.msk [tilespmem:v25+s15+$0x0], $0xffff;
	_ =	sdelay $0x4  }
0x1d2: {  	v36 =	vshll.u32 v36, $0x1  }
0x1d3: {  	v36 =	vadd.s32 $0x2000, v36  }
0x1d4: {  	v40 =	vsel vm6, v17, v37;
	[tilespmem:v1+s26+$0x0] =	vst.idx.msk $0xffff, v36  }
0x1d5: {  	[tilespmem:v1+s28+$0x0] =	vst.idx.msk $0xffff, v40  }
0x1d6: {  	v36 =	vld.idx.msk [tilespmem:v26+s15+$0x0], $0xffff;
	_ =	sdelay $0x4  }
0x1d7: {  	v36 =	vshll.u32 v36, $0x1  }
0x1d8: {  	v36 =	vadd.s32 $0x2000, v36  }
0x1d9: {  	v41 =	vsel vm5, v18, v37;
	[tilespmem:v4+s26+$0x0] =	vst.idx.msk $0xffff, v36  }
0x1da: {  	[tilespmem:v4+s28+$0x0] =	vst.idx.msk $0xffff, v41  }
0x1db: {  	v36 =	vld.idx.msk [tilespmem:v27+s15+$0x0], $0xffff;
	_ =	sdelay $0x4  }
0x1dc: {  	v36 =	vshll.u32 v36, $0x1  }
0x1dd: {  	v36 =	vadd.s32 $0x2000, v36  }
0x1de: {  	v42 =	vsel vm4, v19, v37;
	[tilespmem:v6+s26+$0x0] =	vst.idx.msk $0xffff, v36  }
0x1df: {  	[tilespmem:v6+s28+$0x0] =	vst.idx.msk $0xffff, v42  }
0x1e0: {  	v36 =	vld.idx.msk [tilespmem:v28+s15+$0x0], $0xffff;
	_ =	sdelay $0x4  }
0x1e1: {  	v36 =	vshll.u32 v36, $0x1  }
0x1e2: {  	v36 =	vadd.s32 $0x2000, v36  }
0x1e3: {  	v43 =	vsel vm3, v20, v37;
	[tilespmem:v7+s26+$0x0] =	vst.idx.msk $0xffff, v36  }
0x1e4: {  	[tilespmem:v7+s28+$0x0] =	vst.idx.msk $0xffff, v43  }
0x1e5: {  	v36 =	vld.idx.msk [tilespmem:v29+s15+$0x0], $0xffff;
	_ =	sdelay $0x4  }
0x1e6: {  	v36 =	vshll.u32 v36, $0x1  }
0x1e7: {  	v36 =	vadd.s32 $0x2000, v36  }
0x1e8: {  	v44 =	vsel vm2, v21, v37;
	[tilespmem:v10+s26+$0x0] =	vst.idx.msk $0xffff, v36  }
0x1e9: {  	[tilespmem:v10+s28+$0x0] =	vst.idx.msk $0xffff, v44  }
0x1ea: {  	v36 =	vld.idx.msk [tilespmem:v30+s15+$0x0], $0xffff;
	_ =	sdelay $0x4  }
0x1eb: {  	v36 =	vshll.u32 v36, $0x1  }
0x1ec: {  	v36 =	vadd.s32 $0x2000, v36  }
0x1ed: {  	v45 =	vsel vm1, v22, v37;
	[tilespmem:v12+s26+$0x0] =	vst.idx.msk $0xffff, v36  }
0x1ee: {  	[tilespmem:v12+s28+$0x0] =	vst.idx.msk $0xffff, v45  }
0x1ef: {  	v36 =	vld.idx.msk [tilespmem:v31+s15+$0x0], $0xffff;
	_ =	sdelay $0x4  }
0x1f0: {  	v36 =	vshll.u32 v36, $0x1  }
0x1f1: {  	v36 =	vadd.s32 $0x2000, v36  }
0x1f2: {  	v46 =	vsel vm0, v23, v37;
	[tilespmem:v13+s26+$0x0] =	vst.idx.msk $0xffff, v36  }
0x1f3: {  	[tilespmem:v13+s28+$0x0] =	vst.idx.msk $0xffff, v46  }
0x1f4: {  	v36 =	vld [tilespmem:$0x2200];
	_ =	sdelay $0x4  }
0x1f5: {  	v47 =	vshrl.u32 v36, $0x3  }
0x1f6: {  	v37 =	vmul.u32 $0x30, v47  }
0x1f7: {  	v36 =	vand.u32 $0x7, v36  }
0x1f8: {  	v36 =	vor.u32 v36, v37  }
0x1f9: {  	v37 =	vperm.xlane v36, v33;
	_ =	sdelay $0x1  }
0x1fa: {  	v37 =	vadd.s32 v34, v37;
	_ =	sdelay $0x3  }
0x1fb: {  	s1 =	simm.s32 $0x2300;
	v36 =	vperm.xlane v36, v35  }
0x1fc: {  	[tilespmem:s1], [sflag:$0x1] =	stream.indirect_vreg.gather [hbm4b:s11+s3], $0x80, v37, vm8, $0xb8;
	[tilespmem:$0x1A300] =	vst v63  }
0x1fd: {  	s30 =	simm.s32 $0x2B00;
	v36 =	vadd.s32 v34, v36  }
0x1fe: {  	[tilespmem:s30], [sflag:$0x1] =	stream.indirect_vreg.gather [hbm4b:s7+s3], $0x80, v37, vm8, $0xb8;
	[tilespmem:$0x1A300] =	vst v63  }
0x1ff: {  	s31 =	simm.s32 $0x3300  }
0x200: {  	[tilespmem:s31], [sflag:$0x1] =	stream.indirect_vreg.gather [hbm4b:s8+s3], $0x80, v37, vm8, $0xb8;
	[tilespmem:$0x1A300] =	vst v63  }
0x201: {  	s2 =	simm.s32 $0x3B00  }
0x202: {  	[tilespmem:s2], [sflag:$0x1] =	stream.indirect_vreg.gather [hbm4b:s11+s3], $0x80, v36, vm8, $0xb8;
	[tilespmem:$0x1A300] =	vst v63  }
0x203: {  	s4 =	simm.s32 $0x4300  }
0x204: {  	[tilespmem:s4], [sflag:$0x1] =	stream.indirect_vreg.gather [hbm4b:s7+s3], $0x80, v36, vm8, $0xb8;
	[tilespmem:$0x1A300] =	vst v63  }
0x205: {  	s5 =	simm.s32 $0x4B00  }
0x206: {  	[tilespmem:s5], [sflag:$0x1] =	stream.indirect_vreg.gather [hbm4b:s8+s3], $0x80, v36, vm8, $0xb8;
	[tilespmem:$0x1A300] =	vst v63  }
0x207: {  	v36 =	vld [tilespmem:$0x2210];
	_ =	sdelay $0x4  }
0x208: {  	v48 =	vshrl.u32 v36, $0x3  }
0x209: {  	v37 =	vmul.u32 $0x30, v48  }
0x20a: {  	v36 =	vand.u32 $0x7, v36  }
0x20b: {  	v36 =	vor.u32 v36, v37  }
0x20c: {  	v37 =	vperm.xlane v36, v33;
	_ =	sdelay $0x1  }
0x20d: {  	v37 =	vadd.s32 v34, v37;
	_ =	sdelay $0x3  }
0x20e: {  	s29 =	simm.s32 $0x5300;
	v36 =	vperm.xlane v36, v35  }
0x20f: {  	[tilespmem:s29], [sflag:$0x1] =	stream.indirect_vreg.gather [hbm4b:s11+s3], $0x80, v37, vm8, $0xb8;
	[tilespmem:$0x1A300] =	vst v63  }
0x210: {  	s12 =	simm.s32 $0x5B00;
	v36 =	vadd.s32 v34, v36  }
0x211: {  	[tilespmem:s12], [sflag:$0x1] =	stream.indirect_vreg.gather [hbm4b:s7+s3], $0x80, v37, vm8, $0xb8;
	[tilespmem:$0x1A300] =	vst v63  }
0x212: {  	s13 =	simm.s32 $0x6300  }
0x213: {  	[tilespmem:s13], [sflag:$0x1] =	stream.indirect_vreg.gather [hbm4b:s8+s3], $0x80, v37, vm8, $0xb8;
	[tilespmem:$0x1A300] =	vst v63  }
0x214: {  	s16 =	simm.s32 $0x6B00  }
0x215: {  	[tilespmem:s16], [sflag:$0x1] =	stream.indirect_vreg.gather [hbm4b:s11+s3], $0x80, v36, vm8, $0xb8;
	[tilespmem:$0x1A300] =	vst v63  }
0x216: {  	s19 =	simm.s32 $0x7300  }
0x217: {  	[tilespmem:s19], [sflag:$0x1] =	stream.indirect_vreg.gather [hbm4b:s7+s3], $0x80, v36, vm8, $0xb8;
	[tilespmem:$0x1A300] =	vst v63  }
0x218: {  	s20 =	simm.s32 $0x7B00  }
0x219: {  	[tilespmem:s20], [sflag:$0x1] =	stream.indirect_vreg.gather [hbm4b:s8+s3], $0x80, v36, vm8, $0xb8;
	[tilespmem:$0x1A300] =	vst v63  }
0x21a: {  	v36 =	vld [tilespmem:$0x2220];
	_ =	sdelay $0x4  }
0x21b: {  	v49 =	vshrl.u32 v36, $0x3  }
0x21c: {  	v37 =	vmul.u32 $0x30, v49  }
0x21d: {  	v36 =	vand.u32 $0x7, v36  }
0x21e: {  	v36 =	vor.u32 v36, v37  }
0x21f: {  	v37 =	vperm.xlane v36, v33;
	_ =	sdelay $0x1  }
0x220: {  	v37 =	vadd.s32 v34, v37;
	_ =	sdelay $0x3  }
0x221: {  	s21 =	simm.s32 $0x8300;
	v36 =	vperm.xlane v36, v35  }
0x222: {  	[tilespmem:s21], [sflag:$0x1] =	stream.indirect_vreg.gather [hbm4b:s11+s3], $0x80, v37, vm8, $0xb8;
	[tilespmem:$0x1A300] =	vst v63  }
0x223: {  	s22 =	simm.s32 $0x8B00;
	v36 =	vadd.s32 v34, v36  }
0x224: {  	[tilespmem:s22], [sflag:$0x1] =	stream.indirect_vreg.gather [hbm4b:s7+s3], $0x80, v37, vm8, $0xb8;
	[tilespmem:$0x1A300] =	vst v63  }
0x225: {  	s23 =	simm.s32 $0x9300  }
0x226: {  	[tilespmem:s23], [sflag:$0x1] =	stream.indirect_vreg.gather [hbm4b:s8+s3], $0x80, v37, vm8, $0xb8;
	[tilespmem:$0x1A300] =	vst v63  }
0x227: {  	s24 =	simm.s32 $0x9B00  }
0x228: {  	[tilespmem:s24], [sflag:$0x1] =	stream.indirect_vreg.gather [hbm4b:s11+s3], $0x80, v36, vm8, $0xb8;
	[tilespmem:$0x1A300] =	vst v63  }
0x229: {  	s25 =	simm.s32 $0xA300  }
0x22a: {  	[tilespmem:s25], [sflag:$0x1] =	stream.indirect_vreg.gather [hbm4b:s7+s3], $0x80, v36, vm8, $0xb8;
	[tilespmem:$0x1A300] =	vst v63  }
0x22b: {  	s26 =	simm.s32 $0xAB00  }
0x22c: {  	[tilespmem:s26], [sflag:$0x1] =	stream.indirect_vreg.gather [hbm4b:s8+s3], $0x80, v36, vm8, $0xb8;
	[tilespmem:$0x1A300] =	vst v63  }
0x22d: {  	v36 =	vld [tilespmem:$0x2230];
	_ =	sdelay $0x4  }
0x22e: {  	v50 =	vshrl.u32 v36, $0x3  }
0x22f: {  	v37 =	vmul.u32 $0x30, v50  }
0x230: {  	v36 =	vand.u32 $0x7, v36  }
0x231: {  	v36 =	vor.u32 v36, v37  }
0x232: {  	v37 =	vperm.xlane v36, v33;
	_ =	sdelay $0x1  }
0x233: {  	v37 =	vadd.s32 v34, v37;
	_ =	sdelay $0x3  }
0x234: {  	s14 =	simm.s32 $0xB300;
	v36 =	vperm.xlane v36, v35  }
0x235: {  	[tilespmem:s14], [sflag:$0x1] =	stream.indirect_vreg.gather [hbm4b:s11+s3], $0x80, v37, vm8, $0xb8;
	[tilespmem:$0x1A300] =	vst v63  }
0x236: {  	s28 =	simm.s32 $0xBB00;
	v36 =	vadd.s32 v34, v36  }
0x237: {  	[tilespmem:s28], [sflag:$0x1] =	stream.indirect_vreg.gather [hbm4b:s7+s3], $0x80, v37, vm8, $0xb8;
	[tilespmem:$0x1A300] =	vst v63  }
0x238: {  	s17 =	simm.s32 $0xC300  }
0x239: {  	[tilespmem:s17], [sflag:$0x1] =	stream.indirect_vreg.gather [hbm4b:s8+s3], $0x80, v37, vm8, $0xb8;
	[tilespmem:$0x1A300] =	vst v63  }
0x23a: {  	s29 =	simm.s32 $0xCB00  }
0x23b: {  	[tilespmem:s29], [sflag:$0x1] =	stream.indirect_vreg.gather [hbm4b:s11+s3], $0x80, v36, vm8, $0xb8;
	[tilespmem:$0x1A300] =	vst v63  }
0x23c: {  	s18 =	simm.s32 $0xD300  }
0x23d: {  	[tilespmem:s18], [sflag:$0x1] =	stream.indirect_vreg.gather [hbm4b:s7+s3], $0x80, v36, vm8, $0xb8;
	[tilespmem:$0x1A300] =	vst v63  }
0x23e: {  	s0 =	simm.s32 $0xDB00  }
0x23f: {  	[tilespmem:s0], [sflag:$0x1] =	stream.indirect_vreg.gather [hbm4b:s8+s3], $0x80, v36, vm8, $0xb8;
	[tilespmem:$0x1A300] =	vst v63  }
0x240: {  	v36 =	vld [tilespmem:$0x2240];
	_ =	sdelay $0x4  }
0x241: {  	v51 =	vshrl.u32 v36, $0x3  }
0x242: {  	v37 =	vmul.u32 $0x30, v51  }
0x243: {  	v36 =	vand.u32 $0x7, v36  }
0x244: {  	v36 =	vor.u32 v36, v37  }
0x245: {  	v37 =	vperm.xlane v36, v33;
	_ =	sdelay $0x1  }
0x246: {  	v37 =	vadd.s32 v34, v37;
	_ =	sdelay $0x3  }
0x247: {  	s0 =	simm.s32 $0xE300;
	v36 =	vperm.xlane v36, v35  }
0x248: {  	[tilespmem:s0], [sflag:$0x1] =	stream.indirect_vreg.gather [hbm4b:s11+s3], $0x80, v37, vm8, $0xb8;
	[tilespmem:$0x1A300] =	vst v63  }
0x249: {  	v36 =	vadd.s32 v34, v36;
	s0 =	simm.s32 $0xEB00  }
0x24a: {  	[tilespmem:s0], [sflag:$0x1] =	stream.indirect_vreg.gather [hbm4b:s7+s3], $0x80, v37, vm8, $0xb8;
	[tilespmem:$0x1A300] =	vst v63  }
0x24b: {  	s0 =	simm.s32 $0xF300  }
0x24c: {  	[tilespmem:s0], [sflag:$0x1] =	stream.indirect_vreg.gather [hbm4b:s8+s3], $0x80, v37, vm8, $0xb8;
	[tilespmem:$0x1A300] =	vst v63  }
0x24d: {  	s0 =	simm.s32 $0xFB00  }
0x24e: {  	[tilespmem:s0], [sflag:$0x1] =	stream.indirect_vreg.gather [hbm4b:s11+s3], $0x80, v36, vm8, $0xb8;
	[tilespmem:$0x1A300] =	vst v63  }
0x24f: {  	s0 =	simm.s32 $0x10300  }
0x250: {  	[tilespmem:s0], [sflag:$0x1] =	stream.indirect_vreg.gather [hbm4b:s7+s3], $0x80, v36, vm8, $0xb8;
	[tilespmem:$0x1A300] =	vst v63  }
0x251: {  	s0 =	simm.s32 $0x10B00  }
0x252: {  	[tilespmem:s0], [sflag:$0x1] =	stream.indirect_vreg.gather [hbm4b:s8+s3], $0x80, v36, vm8, $0xb8;
	[tilespmem:$0x1A300] =	vst v63  }
0x253: {  	v36 =	vld [tilespmem:$0x2250];
	_ =	sdelay $0x4  }
0x254: {  	v52 =	vshrl.u32 v36, $0x3  }
0x255: {  	v37 =	vmul.u32 $0x30, v52  }
0x256: {  	v36 =	vand.u32 $0x7, v36  }
0x257: {  	v36 =	vor.u32 v36, v37  }
0x258: {  	v37 =	vperm.xlane v36, v33;
	_ =	sdelay $0x1  }
0x259: {  	v37 =	vadd.s32 v34, v37;
	_ =	sdelay $0x3  }
0x25a: {  	s0 =	simm.s32 $0x11300;
	v36 =	vperm.xlane v36, v35  }
0x25b: {  	[tilespmem:s0], [sflag:$0x1] =	stream.indirect_vreg.gather [hbm4b:s11+s3], $0x80, v37, vm8, $0xb8;
	[tilespmem:$0x1A300] =	vst v63  }
0x25c: {  	v36 =	vadd.s32 v34, v36;
	s0 =	simm.s32 $0x11B00  }
0x25d: {  	[tilespmem:s0], [sflag:$0x1] =	stream.indirect_vreg.gather [hbm4b:s7+s3], $0x80, v37, vm8, $0xb8;
	[tilespmem:$0x1A300] =	vst v63  }
0x25e: {  	s0 =	simm.s32 $0x12300  }
0x25f: {  	[tilespmem:s0], [sflag:$0x1] =	stream.indirect_vreg.gather [hbm4b:s8+s3], $0x80, v37, vm8, $0xb8;
	[tilespmem:$0x1A300] =	vst v63  }
0x260: {  	s0 =	simm.s32 $0x12B00  }
0x261: {  	[tilespmem:s0], [sflag:$0x1] =	stream.indirect_vreg.gather [hbm4b:s11+s3], $0x80, v36, vm8, $0xb8;
	[tilespmem:$0x1A300] =	vst v63  }
0x262: {  	s0 =	simm.s32 $0x13300  }
0x263: {  	[tilespmem:s0], [sflag:$0x1] =	stream.indirect_vreg.gather [hbm4b:s7+s3], $0x80, v36, vm8, $0xb8;
	[tilespmem:$0x1A300] =	vst v63  }
0x264: {  	s0 =	simm.s32 $0x13B00  }
0x265: {  	[tilespmem:s0], [sflag:$0x1] =	stream.indirect_vreg.gather [hbm4b:s8+s3], $0x80, v36, vm8, $0xb8;
	[tilespmem:$0x1A300] =	vst v63  }
0x266: {  	v36 =	vld [tilespmem:$0x2260];
	_ =	sdelay $0x4  }
0x267: {  	v53 =	vshrl.u32 v36, $0x3  }
0x268: {  	v37 =	vmul.u32 $0x30, v53  }
0x269: {  	v36 =	vand.u32 $0x7, v36  }
0x26a: {  	v36 =	vor.u32 v36, v37  }
0x26b: {  	v37 =	vperm.xlane v36, v33;
	_ =	sdelay $0x1  }
0x26c: {  	v37 =	vadd.s32 v34, v37;
	_ =	sdelay $0x3  }
0x26d: {  	s0 =	simm.s32 $0x14300;
	v36 =	vperm.xlane v36, v35  }
0x26e: {  	[tilespmem:s0], [sflag:$0x1] =	stream.indirect_vreg.gather [hbm4b:s11+s3], $0x80, v37, vm8, $0xb8;
	[tilespmem:$0x1A300] =	vst v63  }
0x26f: {  	v36 =	vadd.s32 v34, v36;
	s0 =	simm.s32 $0x14B00  }
0x270: {  	[tilespmem:s0], [sflag:$0x1] =	stream.indirect_vreg.gather [hbm4b:s7+s3], $0x80, v37, vm8, $0xb8;
	[tilespmem:$0x1A300] =	vst v63  }
0x271: {  	s0 =	simm.s32 $0x15300  }
0x272: {  	[tilespmem:s0], [sflag:$0x1] =	stream.indirect_vreg.gather [hbm4b:s8+s3], $0x80, v37, vm8, $0xb8;
	[tilespmem:$0x1A300] =	vst v63  }
0x273: {  	s0 =	simm.s32 $0x15B00  }
0x274: {  	[tilespmem:s0], [sflag:$0x1] =	stream.indirect_vreg.gather [hbm4b:s11+s3], $0x80, v36, vm8, $0xb8;
	[tilespmem:$0x1A300] =	vst v63  }
0x275: {  	s0 =	simm.s32 $0x16300  }
0x276: {  	[tilespmem:s0], [sflag:$0x1] =	stream.indirect_vreg.gather [hbm4b:s7+s3], $0x80, v36, vm8, $0xb8;
	[tilespmem:$0x1A300] =	vst v63  }
0x277: {  	s0 =	simm.s32 $0x16B00  }
0x278: {  	[tilespmem:s0], [sflag:$0x1] =	stream.indirect_vreg.gather [hbm4b:s8+s3], $0x80, v36, vm8, $0xb8;
	[tilespmem:$0x1A300] =	vst v63  }
0x279: {  	v36 =	vld [tilespmem:$0x2270];
	_ =	sdelay $0x4  }
0x27a: {  	v54 =	vshrl.u32 v36, $0x3  }
0x27b: {  	v37 =	vmul.u32 $0x30, v54  }
0x27c: {  	v36 =	vand.u32 $0x7, v36  }
0x27d: {  	v36 =	vor.u32 v36, v37  }
0x27e: {  	v37 =	vperm.xlane v36, v33;
	_ =	sdelay $0x1  }
0x27f: {  	v37 =	vadd.s32 v34, v37;
	_ =	sdelay $0x3  }
0x280: {  	s0 =	simm.s32 $0x17300;
	v36 =	vperm.xlane v36, v35  }
0x281: {  	[tilespmem:s0], [sflag:$0x1] =	stream.indirect_vreg.gather [hbm4b:s11+s3], $0x80, v37, vm8, $0xb8;
	[tilespmem:$0x1A300] =	vst v63  }
0x282: {  	v36 =	vadd.s32 v34, v36;
	s0 =	simm.s32 $0x17B00  }
0x283: {  	[tilespmem:s0], [sflag:$0x1] =	stream.indirect_vreg.gather [hbm4b:s7+s3], $0x80, v37, vm8, $0xb8;
	[tilespmem:$0x1A300] =	vst v63  }
0x284: {  	s0 =	simm.s32 $0x18300  }
0x285: {  	[tilespmem:s0], [sflag:$0x1] =	stream.indirect_vreg.gather [hbm4b:s8+s3], $0x80, v37, vm8, $0xb8;
	[tilespmem:$0x1A300] =	vst v63  }
0x286: {  	s0 =	simm.s32 $0x18B00  }
0x287: {  	[tilespmem:s0], [sflag:$0x1] =	stream.indirect_vreg.gather [hbm4b:s11+s3], $0x80, v36, vm8, $0xb8;
	[tilespmem:$0x1A300] =	vst v63  }
0x288: {  	s0 =	simm.s32 $0x19300  }
0x289: {  	[tilespmem:s0], [sflag:$0x1] =	stream.indirect_vreg.gather [hbm4b:s7+s3], $0x80, v36, vm8, $0xb8;
	[tilespmem:$0x1A300] =	vst v63  }
0x28a: {  	s0 =	simm.s32 $0x19B00  }
0x28b: {  	[tilespmem:s0], [sflag:$0x1] =	stream.indirect_vreg.gather [hbm4b:s8+s3], $0x80, v36, vm8, $0xb8;
	[tilespmem:$0x1A300] =	vst v63  }
0x28c: {  	s0 =	simm.s32 $0x1  }
0x28d: {  	_ =	swait.ge [sflag:s0], $0x18000  }
0x28e: {  	[sflag:s0] =	ssyncset.done $0x0  }
0x28f: {  	[sflag:s0] =	ssyncadd.s32 $0xFFFE8000  }
0x290: {  	v55 =	vld [tilespmem:$0x2280];
	_ =	sdelay $0x4  }
0x291: {  	v56 =	vshrl.u32 v55, $0x3  }
0x292: {  	v37 =	vmul.u32 $0x30, v56  }
0x293: {  	v36 =	vand.u32 $0x7, v55  }
0x294: {  	v36 =	vor.u32 v36, v37  }
0x295: {  	v37 =	vperm.xlane v36, v33;
	_ =	sdelay $0x1  }
0x296: {  	v37 =	vadd.s32 v34, v37;
	_ =	sdelay $0x3  }
0x297: {  	v36 =	vperm.xlane v36, v35  }
0x298: {  	[hbm4b:s6+s3] =	stream.indirect_vreg.scatter [tilespmem:s1], [sflag:$0x1], $0x80, v37, vm8, $0xb8;
	[tilespmem:$0x1A300] =	vst v63  }
0x299: {  	v36 =	vadd.s32 v34, v36  }
0x29a: {  	[hbm4b:s9+s3] =	stream.indirect_vreg.scatter [tilespmem:s30], [sflag:$0x1], $0x80, v37, vm8, $0xb8;
	[tilespmem:$0x1A300] =	vst v63  }
0x29b: {  	_ = 	snop  }
0x29c: {  	[hbm4b:s10+s3] =	stream.indirect_vreg.scatter [tilespmem:s31], [sflag:$0x1], $0x80, v37, vm8, $0xb8;
	[tilespmem:$0x1A300] =	vst v63  }
0x29d: {  	_ = 	snop  }
0x29e: {  	[hbm4b:s6+s3] =	stream.indirect_vreg.scatter [tilespmem:s2], [sflag:$0x1], $0x80, v36, vm8, $0xb8;
	[tilespmem:$0x1A300] =	vst v63  }
0x29f: {  	_ = 	snop  }
0x2a0: {  	[hbm4b:s9+s3] =	stream.indirect_vreg.scatter [tilespmem:s4], [sflag:$0x1], $0x80, v36, vm8, $0xb8;
	[tilespmem:$0x1A300] =	vst v63  }
0x2a1: {  	_ = 	snop  }
0x2a2: {  	[hbm4b:s10+s3] =	stream.indirect_vreg.scatter [tilespmem:s5], [sflag:$0x1], $0x80, v36, vm8, $0xb8;
	[tilespmem:$0x1A300] =	vst v63  }
0x2a3: {  	v36 =	vld [tilespmem:$0x2290];
	_ =	sdelay $0x4  }
0x2a4: {  	v57 =	vshrl.u32 v36, $0x3  }
0x2a5: {  	v37 =	vmul.u32 $0x30, v57  }
0x2a6: {  	v36 =	vand.u32 $0x7, v36  }
0x2a7: {  	v36 =	vor.u32 v36, v37  }
0x2a8: {  	v37 =	vperm.xlane v36, v33;
	_ =	sdelay $0x1  }
0x2a9: {  	v37 =	vadd.s32 v34, v37;
	_ =	sdelay $0x3  }
0x2aa: {  	s5 =	simm.s32 $0x5300;
	v36 =	vperm.xlane v36, v35  }
0x2ab: {  	[hbm4b:s6+s3] =	stream.indirect_vreg.scatter [tilespmem:s5], [sflag:$0x1], $0x80, v37, vm8, $0xb8;
	[tilespmem:$0x1A300] =	vst v63  }
0x2ac: {  	v36 =	vadd.s32 v34, v36  }
0x2ad: {  	[hbm4b:s9+s3] =	stream.indirect_vreg.scatter [tilespmem:s12], [sflag:$0x1], $0x80, v37, vm8, $0xb8;
	[tilespmem:$0x1A300] =	vst v63  }
0x2ae: {  	_ = 	snop  }
0x2af: {  	[hbm4b:s10+s3] =	stream.indirect_vreg.scatter [tilespmem:s13], [sflag:$0x1], $0x80, v37, vm8, $0xb8;
	[tilespmem:$0x1A300] =	vst v63  }
0x2b0: {  	_ = 	snop  }
0x2b1: {  	[hbm4b:s6+s3] =	stream.indirect_vreg.scatter [tilespmem:s16], [sflag:$0x1], $0x80, v36, vm8, $0xb8;
	[tilespmem:$0x1A300] =	vst v63  }
0x2b2: {  	_ = 	snop  }
0x2b3: {  	[hbm4b:s9+s3] =	stream.indirect_vreg.scatter [tilespmem:s19], [sflag:$0x1], $0x80, v36, vm8, $0xb8;
	[tilespmem:$0x1A300] =	vst v63  }
0x2b4: {  	_ = 	snop  }
0x2b5: {  	[hbm4b:s10+s3] =	stream.indirect_vreg.scatter [tilespmem:s20], [sflag:$0x1], $0x80, v36, vm8, $0xb8;
	[tilespmem:$0x1A300] =	vst v63  }
0x2b6: {  	v36 =	vld [tilespmem:$0x22A0];
	_ =	sdelay $0x4  }
0x2b7: {  	v58 =	vshrl.u32 v36, $0x3  }
0x2b8: {  	v37 =	vmul.u32 $0x30, v58  }
0x2b9: {  	v36 =	vand.u32 $0x7, v36  }
0x2ba: {  	v36 =	vor.u32 v36, v37  }
0x2bb: {  	v37 =	vperm.xlane v36, v33;
	_ =	sdelay $0x1  }
0x2bc: {  	v37 =	vadd.s32 v34, v37;
	_ =	sdelay $0x3  }
0x2bd: {  	v36 =	vperm.xlane v36, v35  }
0x2be: {  	[hbm4b:s6+s3] =	stream.indirect_vreg.scatter [tilespmem:s21], [sflag:$0x1], $0x80, v37, vm8, $0xb8;
	[tilespmem:$0x1A300] =	vst v63  }
0x2bf: {  	v36 =	vadd.s32 v34, v36  }
0x2c0: {  	[hbm4b:s9+s3] =	stream.indirect_vreg.scatter [tilespmem:s22], [sflag:$0x1], $0x80, v37, vm8, $0xb8;
	[tilespmem:$0x1A300] =	vst v63  }
0x2c1: {  	_ = 	snop  }
0x2c2: {  	[hbm4b:s10+s3] =	stream.indirect_vreg.scatter [tilespmem:s23], [sflag:$0x1], $0x80, v37, vm8, $0xb8;
	[tilespmem:$0x1A300] =	vst v63  }
0x2c3: {  	_ = 	snop  }
0x2c4: {  	[hbm4b:s6+s3] =	stream.indirect_vreg.scatter [tilespmem:s24], [sflag:$0x1], $0x80, v36, vm8, $0xb8;
	[tilespmem:$0x1A300] =	vst v63  }
0x2c5: {  	_ = 	snop  }
0x2c6: {  	[hbm4b:s9+s3] =	stream.indirect_vreg.scatter [tilespmem:s25], [sflag:$0x1], $0x80, v36, vm8, $0xb8;
	[tilespmem:$0x1A300] =	vst v63  }
0x2c7: {  	_ = 	snop  }
0x2c8: {  	[hbm4b:s10+s3] =	stream.indirect_vreg.scatter [tilespmem:s26], [sflag:$0x1], $0x80, v36, vm8, $0xb8;
	[tilespmem:$0x1A300] =	vst v63  }
0x2c9: {  	v36 =	vld [tilespmem:$0x22B0];
	_ =	sdelay $0x4  }
0x2ca: {  	v59 =	vshrl.u32 v36, $0x3  }
0x2cb: {  	v37 =	vmul.u32 $0x30, v59  }
0x2cc: {  	v36 =	vand.u32 $0x7, v36  }
0x2cd: {  	v36 =	vor.u32 v36, v37  }
0x2ce: {  	v37 =	vperm.xlane v36, v33;
	_ =	sdelay $0x1  }
0x2cf: {  	v37 =	vadd.s32 v34, v37;
	_ =	sdelay $0x3  }
0x2d0: {  	v36 =	vperm.xlane v36, v35  }
0x2d1: {  	[hbm4b:s6+s3] =	stream.indirect_vreg.scatter [tilespmem:s14], [sflag:$0x1], $0x80, v37, vm8, $0xb8;
	[tilespmem:$0x1A300] =	vst v63  }
0x2d2: {  	v36 =	vadd.s32 v34, v36  }
0x2d3: {  	[hbm4b:s9+s3] =	stream.indirect_vreg.scatter [tilespmem:s28], [sflag:$0x1], $0x80, v37, vm8, $0xb8;
	[tilespmem:$0x1A300] =	vst v63  }
0x2d4: {  	_ = 	snop  }
0x2d5: {  	[hbm4b:s10+s3] =	stream.indirect_vreg.scatter [tilespmem:s17], [sflag:$0x1], $0x80, v37, vm8, $0xb8;
	[tilespmem:$0x1A300] =	vst v63  }
0x2d6: {  	_ = 	snop  }
0x2d7: {  	[hbm4b:s6+s3] =	stream.indirect_vreg.scatter [tilespmem:s29], [sflag:$0x1], $0x80, v36, vm8, $0xb8;
	[tilespmem:$0x1A300] =	vst v63  }
0x2d8: {  	_ = 	snop  }
0x2d9: {  	[hbm4b:s9+s3] =	stream.indirect_vreg.scatter [tilespmem:s18], [sflag:$0x1], $0x80, v36, vm8, $0xb8;
	[tilespmem:$0x1A300] =	vst v63  }
0x2da: {  	s24 =	simm.s32 $0xDB00  }
0x2db: {  	[hbm4b:s10+s3] =	stream.indirect_vreg.scatter [tilespmem:s24], [sflag:$0x1], $0x80, v36, vm8, $0xb8;
	[tilespmem:$0x1A300] =	vst v63  }
0x2dc: {  	v36 =	vld [tilespmem:$0x22C0];
	_ =	sdelay $0x4  }
0x2dd: {  	v60 =	vshrl.u32 v36, $0x3  }
0x2de: {  	v37 =	vmul.u32 $0x30, v60  }
0x2df: {  	v36 =	vand.u32 $0x7, v36  }
0x2e0: {  	v36 =	vor.u32 v36, v37  }
0x2e1: {  	v37 =	vperm.xlane v36, v33;
	_ =	sdelay $0x1  }
0x2e2: {  	v37 =	vadd.s32 v34, v37;
	_ =	sdelay $0x3  }
0x2e3: {  	s25 =	simm.s32 $0xE300;
	v36 =	vperm.xlane v36, v35  }
0x2e4: {  	[hbm4b:s6+s3] =	stream.indirect_vreg.scatter [tilespmem:s25], [sflag:$0x1], $0x80, v37, vm8, $0xb8;
	[tilespmem:$0x1A300] =	vst v63  }
0x2e5: {  	s26 =	simm.s32 $0xEB00;
	v36 =	vadd.s32 v34, v36  }
0x2e6: {  	[hbm4b:s9+s3] =	stream.indirect_vreg.scatter [tilespmem:s26], [sflag:$0x1], $0x80, v37, vm8, $0xb8;
	[tilespmem:$0x1A300] =	vst v63  }
0x2e7: {  	s28 =	simm.s32 $0xF300  }
0x2e8: {  	[hbm4b:s10+s3] =	stream.indirect_vreg.scatter [tilespmem:s28], [sflag:$0x1], $0x80, v37, vm8, $0xb8;
	[tilespmem:$0x1A300] =	vst v63  }
0x2e9: {  	s29 =	simm.s32 $0xFB00  }
0x2ea: {  	[hbm4b:s6+s3] =	stream.indirect_vreg.scatter [tilespmem:s29], [sflag:$0x1], $0x80, v36, vm8, $0xb8;
	[tilespmem:$0x1A300] =	vst v63  }
0x2eb: {  	s30 =	simm.s32 $0x10300  }
0x2ec: {  	[hbm4b:s9+s3] =	stream.indirect_vreg.scatter [tilespmem:s30], [sflag:$0x1], $0x80, v36, vm8, $0xb8;
	[tilespmem:$0x1A300] =	vst v63  }
0x2ed: {  	s31 =	simm.s32 $0x10B00  }
0x2ee: {  	[hbm4b:s10+s3] =	stream.indirect_vreg.scatter [tilespmem:s31], [sflag:$0x1], $0x80, v36, vm8, $0xb8;
	[tilespmem:$0x1A300] =	vst v63  }
0x2ef: {  	v36 =	vld [tilespmem:$0x22D0];
	_ =	sdelay $0x4  }
0x2f0: {  	v61 =	vshrl.u32 v36, $0x3  }
0x2f1: {  	v37 =	vmul.u32 $0x30, v61  }
0x2f2: {  	v36 =	vand.u32 $0x7, v36  }
0x2f3: {  	v36 =	vor.u32 v36, v37  }
0x2f4: {  	v37 =	vperm.xlane v36, v33;
	_ =	sdelay $0x1  }
0x2f5: {  	v37 =	vadd.s32 v34, v37;
	_ =	sdelay $0x3  }
0x2f6: {  	s2 =	simm.s32 $0x11300;
	v36 =	vperm.xlane v36, v35  }
0x2f7: {  	[hbm4b:s6+s3] =	stream.indirect_vreg.scatter [tilespmem:s2], [sflag:$0x1], $0x80, v37, vm8, $0xb8;
	[tilespmem:$0x1A300] =	vst v63  }
0x2f8: {  	s5 =	simm.s32 $0x11B00;
	v36 =	vadd.s32 v34, v36  }
0x2f9: {  	[hbm4b:s9+s3] =	stream.indirect_vreg.scatter [tilespmem:s5], [sflag:$0x1], $0x80, v37, vm8, $0xb8;
	[tilespmem:$0x1A300] =	vst v63  }
0x2fa: {  	s12 =	simm.s32 $0x12300  }
0x2fb: {  	[hbm4b:s10+s3] =	stream.indirect_vreg.scatter [tilespmem:s12], [sflag:$0x1], $0x80, v37, vm8, $0xb8;
	[tilespmem:$0x1A300] =	vst v63  }
0x2fc: {  	s13 =	simm.s32 $0x12B00  }
0x2fd: {  	[hbm4b:s6+s3] =	stream.indirect_vreg.scatter [tilespmem:s13], [sflag:$0x1], $0x80, v36, vm8, $0xb8;
	[tilespmem:$0x1A300] =	vst v63  }
0x2fe: {  	s14 =	simm.s32 $0x13300  }
0x2ff: {  	[hbm4b:s9+s3] =	stream.indirect_vreg.scatter [tilespmem:s14], [sflag:$0x1], $0x80, v36, vm8, $0xb8;
	[tilespmem:$0x1A300] =	vst v63  }
0x300: {  	s16 =	simm.s32 $0x13B00  }
0x301: {  	[hbm4b:s10+s3] =	stream.indirect_vreg.scatter [tilespmem:s16], [sflag:$0x1], $0x80, v36, vm8, $0xb8;
	[tilespmem:$0x1A300] =	vst v63  }
0x302: {  	v36 =	vld [tilespmem:$0x22E0];
	_ =	sdelay $0x4  }
0x303: {  	v62 =	vshrl.u32 v36, $0x3  }
0x304: {  	v37 =	vmul.u32 $0x30, v62  }
0x305: {  	v36 =	vand.u32 $0x7, v36  }
0x306: {  	v36 =	vor.u32 v36, v37  }
0x307: {  	v37 =	vperm.xlane v36, v33;
	_ =	sdelay $0x1  }
0x308: {  	v37 =	vadd.s32 v34, v37;
	_ =	sdelay $0x3  }
0x309: {  	s17 =	simm.s32 $0x14300;
	v36 =	vperm.xlane v36, v35  }
0x30a: {  	[hbm4b:s6+s3] =	stream.indirect_vreg.scatter [tilespmem:s17], [sflag:$0x1], $0x80, v37, vm8, $0xb8;
	[tilespmem:$0x1A300] =	vst v63  }
0x30b: {  	s18 =	simm.s32 $0x14B00;
	v36 =	vadd.s32 v34, v36  }
0x30c: {  	[hbm4b:s9+s3] =	stream.indirect_vreg.scatter [tilespmem:s18], [sflag:$0x1], $0x80, v37, vm8, $0xb8;
	[tilespmem:$0x1A300] =	vst v63  }
0x30d: {  	s19 =	simm.s32 $0x15300  }
0x30e: {  	[hbm4b:s10+s3] =	stream.indirect_vreg.scatter [tilespmem:s19], [sflag:$0x1], $0x80, v37, vm8, $0xb8;
	[tilespmem:$0x1A300] =	vst v63  }
0x30f: {  	s20 =	simm.s32 $0x15B00  }
0x310: {  	[hbm4b:s6+s3] =	stream.indirect_vreg.scatter [tilespmem:s20], [sflag:$0x1], $0x80, v36, vm8, $0xb8;
	[tilespmem:$0x1A300] =	vst v63  }
0x311: {  	s21 =	simm.s32 $0x16300  }
0x312: {  	[hbm4b:s9+s3] =	stream.indirect_vreg.scatter [tilespmem:s21], [sflag:$0x1], $0x80, v36, vm8, $0xb8;
	[tilespmem:$0x1A300] =	vst v63  }
0x313: {  	s22 =	simm.s32 $0x16B00  }
0x314: {  	[hbm4b:s10+s3] =	stream.indirect_vreg.scatter [tilespmem:s22], [sflag:$0x1], $0x80, v36, vm8, $0xb8;
	[tilespmem:$0x1A300] =	vst v63  }
0x315: {  	v36 =	vld [tilespmem:$0x22F0];
	_ =	sdelay $0x4  }
0x316: {  	v63 =	vshrl.u32 v36, $0x3  }
0x317: {  	v37 =	vmul.u32 $0x30, v63  }
0x318: {  	v36 =	vand.u32 $0x7, v36  }
0x319: {  	v36 =	vor.u32 v36, v37  }
0x31a: {  	v37 =	vperm.xlane v36, v33;
	_ =	sdelay $0x1  }
0x31b: {  	v37 =	vadd.s32 v34, v37;
	_ =	sdelay $0x3  }
0x31c: {  	s23 =	simm.s32 $0x17300;
	v36 =	vperm.xlane v36, v35  }
0x31d: {  	[hbm4b:s6+s3] =	stream.indirect_vreg.scatter [tilespmem:s23], [sflag:$0x1], $0x80, v37, vm8, $0xb8;
	[tilespmem:$0x1A300] =	vst v63  }
0x31e: {  	s24 =	simm.s32 $0x17B00;
	v36 =	vadd.s32 v34, v36  }
0x31f: {  	[hbm4b:s9+s3] =	stream.indirect_vreg.scatter [tilespmem:s24], [sflag:$0x1], $0x80, v37, vm8, $0xb8;
	[tilespmem:$0x1A300] =	vst v63  }
0x320: {  	s25 =	simm.s32 $0x18300  }
0x321: {  	[hbm4b:s10+s3] =	stream.indirect_vreg.scatter [tilespmem:s25], [sflag:$0x1], $0x80, v37, vm8, $0xb8;
	[tilespmem:$0x1A300] =	vst v63  }
0x322: {  	s26 =	simm.s32 $0x18B00  }
0x323: {  	[hbm4b:s6+s3] =	stream.indirect_vreg.scatter [tilespmem:s26], [sflag:$0x1], $0x80, v36, vm8, $0xb8;
	[tilespmem:$0x1A300] =	vst v63  }
0x324: {  	s28 =	simm.s32 $0x19300  }
0x325: {  	[hbm4b:s9+s3] =	stream.indirect_vreg.scatter [tilespmem:s28], [sflag:$0x1], $0x80, v36, vm8, $0xb8;
	[tilespmem:$0x1A300] =	vst v63  }
0x326: {  	s29 =	simm.s32 $0x19B00  }
0x327: {  	[hbm4b:s10+s3] =	stream.indirect_vreg.scatter [tilespmem:s29], [sflag:$0x1], $0x80, v36, vm8, $0xb8;
	[tilespmem:$0x1A300] =	vst v63  }
0x328: {  	_ =	swait.ge [sflag:s0], $0x18000  }
0x329: {  	s30 =	rddreg [dreg:$0x8]  }
0x32a: {  	s31 =	rddreg [dreg:$0x7];
	s2 =	sadd.s32 $0x1, s30  }
0x32b: {  	p0 =	sne.s32 s2, s31  }
.Ltmp2:
0x32c: {  	_ = 	snop;
	(pc) =	sbr.rel @p0 .LBB2_1-.Ltmp2, $3  }
0x32d: {  	_ =	sdelay $0x1  }
0x32e: {  	[sflag:s0] =	ssyncset.done $0x0  }
0x32f: {  	s4 =	simm.s32 $0x2;
	[sflag:s0] =	ssyncadd.s32 $0xFFFE8000  }
0x330: {  	_ =	sfence.sel $0x180000  }
0x331: {  	[bflag:$0x0] =	sbarrier.arrive $0xFFFF  }
0x332: {  	_ =	strace $0x9000004D  }
0x333: {  	s0 =	stileid.u32;
	[bflag:$0x2] =	sbarrier.arrive $0xFFFF  }
0x334: {  	p0 =	sne.s32 s0, $0x0;
	s0 =	rddreg [dreg:$0x2]  }
0x335: {  	s0 =	sadd.s32 @!p0 $0x100000, s0  }
0x336: {  	[sflag:s0] =	ssyncadd.tile.s32 @!p0 $0x1;
	_ =	shalt  }
.Lfunc_end2:
_tile_overlayer_lowered:
.L_overlay_start_2:
0x337: {  	(tag) =	ssettag $0x2  }
0x338: {  	s0 =	rddreg [dreg:$0x0];
	s2 =	stileid.u32  }
0x339: {  	s1 =	rddreg [dreg:$0x1];
	p0 =	sne.s32 s2, $0x0  }
0x33a: {  	s3 =	rddreg [dreg:$0x2];
	[bflag:$0x3] =	sbarrier.arrive $0xFFFF;
	s2 =	simm.s32 @!p0 $0x1C02  }
0x33b: {  	[timem:s3], [sflag:s2] =	dma.local @!p0 [hbm:s0], s1  }
0x33c: {  	s0 =	simm.s32 @!p0 $0x2  }
0x33d: {  	_ =	swait.ge @!p0 [sflag:s0], s1  }
0x33e: {  	s1 =	ssub.s32 @!p0 $0x0, s1;
	[sflag:s0] =	ssyncset.done @!p0 $0x0  }
0x33f: {  	[sflag:s0] =	ssyncadd.s32 @!p0 s1  }
0x340: {  	[bflag:$0x3] =	sbarrier.arrive $0xFFFF  }
0x341: {  	_ =	shalt  }

// kernel: kernel.19.cloned.1.call-start
scs
__scs_entry_jumppad:
0x0: {  	(pc) =	sbr.rel $0x88, $3  }
0x1: {  	(tag) =	ssettag $0x0;
	lr =	simm.s32 $0x1  }
0x2: {  	[smem:$0x3FA0] =	sst lr;
	_ =	strace $0xD0000000  }
0x3: {  	_ = 	snop  }
0x4: {  	_ = 	snop  }
0x5: {  	_ = 	snop  }
0x6: {  	_ = 	snop  }
0x7: {  	_ = 	snop  }
__scs_overlays_trampoline_lowered:
0x8: {  	[smem:$0x3FAF] =	sst s0  }
0x9: {  	[smem:$0x3FB0] =	sst s1  }
0xa: {  	[smem:$0x3FB1] =	sst s2  }
0xb: {  	[smem:$0x3FB2] =	sst s3  }
0xc: {  	[smem:$0x3FB3] =	sst s4  }
0xd: {  	[smem:$0x3FB4] =	sst s5  }
0xe: {  	[smem:$0x3FB5] =	sst s6  }
0xf: {  	[smem:$0x3FB6] =	sst s7  }
0x10: {  	[smem:$0x3FB7] =	sst s8  }
0x11: {  	[smem:$0x3FB8] =	sst s9;
	s0 =	simm.s32 @!p0 $0x0  }
0x12: {  	s1 =	sld [smem:$0x3F9E];
	s0 =	simm.s32 @p0 $0x1  }
0x13: {  	[smem:$0x3FB9] =	sst s0;
	s0 =	simm.s32 @!p1 $0x0  }
0x14: {  	s2 =	sld [smem:$0x3F9D];
	s0 =	simm.s32 @p1 $0x1  }
0x15: {  	[smem:$0x3FBA] =	sst s0;
	s0 =	simm.s32 @!p2 $0x0  }
0x16: {  	s3 =	sld [smem:$0x3FDB];
	s0 =	simm.s32 @p2 $0x1  }
0x17: {  	s4 =	simm.s32 $0x1BF5;
	[smem:$0x3FBC] =	sst s0  }
0x18: {  	s0 =	sld [smem:$0x3F9F];
	_ =	swait.ge [sflag:s4], $0x0  }
0x19: {  	s7 =	sld [smem:$0x3FA0]  }
0x1a: {  	s8 =	sadd.s32 $0xFFFFE003, lr  }
0x1b: {  	s9 =	sadd.s32 $0xFFFFFEF7, lr;
	s5 =	simm.s32 $0xFFFFFFFF;
	p2 =	slt.u32 s8, $0xFFFFF086  }
0x1c: {  	p1 =	slt.u32 s9, $0xF7A;
	s5 =	simm.s32 @!p2 $0x0  }
0x1d: {  	s5 =	simm.s32 @p1 $0x1;
	p0 =	seq.s32 s7, s2  }
0x1e: {  	s7 =	smul.u32 @!p0 $0xF7A, s2;
	p2 =	seq.s32 @!p0 s5, $0x0  }
0x1f: {  	s9 =	smul.u32 $0xF7A, s1;
	s8 =	simm.s32 @!p0 $0x1BF5;
	p2 =	por !p2, p0  }
0x20: {  	[sflag:s8] =	ssyncset.s32 @!p0 $0xFFFFF086;
	s6 =	sadd.s32 @!p0 s3, s7;
	s7 =	simm.s32 @!p0 $0x108  }
0x21: {  	s3 =	sadd.s32 s3, s9;
	s6 =	sadd.s32 @!p0 $0x88, s6;
	s7 =	simm.s32 @p2 $0x1082  }
0x22: {  	[simem:s7], [sflag:s8] =	dma.local @!p0 [hbm:s6], $0xF7A  }
0x23: {  	s9 =	sor.u32 $0xD0000000, s2;
	s6 =	simm.s32 $0x108;
	_ =	swait.ge @!p0 [sflag:s8], $0x0  }
0x24: {  	s3 =	sadd.s32 $0x88, s3;
	s6 =	simm.s32 @!p1 $0x1082;
	[sflag:s4] =	ssyncset.s32 $0xFFFFF086  }
0x25: {  	[simem:s6], [sflag:s4] =	dma.local [hbm:s3], $0xF7A  }
0x26: {  	[smem:$0x3FA0] =	sst s1;
	(tag) =	ssettag s2;
	_ =	strace s9  }
0x27: {  	s1 =	sld [smem:$0x3FB0]  }
0x28: {  	s2 =	sld [smem:$0x3FB1]  }
0x29: {  	s4 =	sld [smem:$0x3FB3]  }
0x2a: {  	p0 =	seq.s32 s5, $0x0;
	s5 =	sld [smem:$0x3FB4]  }
0x2b: {  	s6 =	sld [smem:$0x3FB5]  }
0x2c: {  	s7 =	sld [smem:$0x3FB6]  }
0x2d: {  	s3 =	simm.s32 $0x108;
	s8 =	sld [smem:$0x3FB7]  }
0x2e: {  	s3 =	simm.s32 @!p0 $0x1082;
	s9 =	sld [smem:$0x3FB8]  }
0x2f: {  	lr =	sadd.s32 s0, s3;
	s0 =	sld [smem:$0x3FAF]  }
0x30: {  	s3 =	sld [smem:$0x3FB2]  }
0x31: {  	[smem:$0x3FBB] =	sst s10  }
0x32: {  	s10 =	sld [smem:$0x3FB9];
	_ =	sdelay $0x3  }
0x33: {  	p0 =	seq.s32 s10, $0x1;
	s10 =	sld [smem:$0x3FBB];
	_ =	sdelay $0x3  }
0x34: {  	[smem:$0x3FBB] =	sst s10  }
0x35: {  	s10 =	sld [smem:$0x3FBA];
	_ =	sdelay $0x3  }
0x36: {  	p1 =	seq.s32 s10, $0x1;
	s10 =	sld [smem:$0x3FBB];
	_ =	sdelay $0x3  }
0x37: {  	[smem:$0x3FBB] =	sst s10  }
0x38: {  	s10 =	sld [smem:$0x3FBC]  }
0x39: {  	_ = 	snop;
	(pc) =	sbr.ind lr, $3  }
0x3a: {  	_ = 	snop  }
0x3b: {  	_ = 	snop  }
0x3c: {  	p2 =	seq.s32 s10, $0x1;
	s10 =	sld [smem:$0x3FBB]  }
0x3d: {  	_ =	shalt  }
0x3e: {  	_ =	shalt  }
0x3f: {  	_ =	shalt  }
0x40: {  	_ =	shalt  }
0x41: {  	_ =	shalt  }
0x42: {  	_ =	shalt  }
0x43: {  	_ =	shalt  }
0x44: {  	_ =	shalt  }
0x45: {  	_ =	shalt  }
0x46: {  	_ =	shalt  }
0x47: {  	_ =	shalt  }
0x48: {  	_ =	shalt  }
0x49: {  	_ =	shalt  }
0x4a: {  	_ =	shalt  }
0x4b: {  	_ =	shalt  }
0x4c: {  	_ =	shalt  }
0x4d: {  	_ =	shalt  }
0x4e: {  	_ =	shalt  }
0x4f: {  	_ =	shalt  }
0x50: {  	_ =	shalt  }
0x51: {  	_ =	shalt  }
0x52: {  	_ =	shalt  }
0x53: {  	_ =	shalt  }
0x54: {  	_ =	shalt  }
0x55: {  	_ =	shalt  }
0x56: {  	_ =	shalt  }
0x57: {  	_ =	shalt  }
0x58: {  	_ =	shalt  }
0x59: {  	_ =	shalt  }
0x5a: {  	_ =	shalt  }
0x5b: {  	_ =	shalt  }
0x5c: {  	_ =	shalt  }
0x5d: {  	_ =	shalt  }
0x5e: {  	_ =	shalt  }
0x5f: {  	_ =	shalt  }
0x60: {  	_ =	shalt  }
0x61: {  	_ =	shalt  }
0x62: {  	_ =	shalt  }
0x63: {  	_ =	shalt  }
0x64: {  	_ =	shalt  }
0x65: {  	_ =	shalt  }
0x66: {  	_ =	shalt  }
0x67: {  	_ =	shalt  }
0x68: {  	_ =	shalt  }
0x69: {  	_ =	shalt  }
0x6a: {  	_ =	shalt  }
0x6b: {  	_ =	shalt  }
0x6c: {  	_ =	shalt  }
0x6d: {  	_ =	shalt  }
0x6e: {  	_ =	shalt  }
0x6f: {  	_ =	shalt  }
0x70: {  	_ =	shalt  }
0x71: {  	_ =	shalt  }
0x72: {  	_ =	shalt  }
0x73: {  	_ =	shalt  }
0x74: {  	_ =	shalt  }
0x75: {  	_ =	shalt  }
0x76: {  	_ =	shalt  }
0x77: {  	_ =	shalt  }
0x78: {  	_ =	shalt  }
0x79: {  	_ =	shalt  }
0x7a: {  	_ =	shalt  }
0x7b: {  	_ =	shalt  }
0x7c: {  	_ =	shalt  }
0x7d: {  	_ =	shalt  }
0x7e: {  	_ =	shalt  }
0x7f: {  	_ =	shalt  }
0x80: {  	_ =	shalt  }
0x81: {  	_ =	shalt  }
0x82: {  	_ =	shalt  }
0x83: {  	_ =	shalt  }
0x84: {  	_ =	shalt  }
0x85: {  	_ =	shalt  }
0x86: {  	_ =	shalt  }
0x87: {  	_ =	shalt  }
.Lfunc_end0:
.L_simem_size_0:
called_computation.4_lowered:
.L_overlay_start_0:
0x88: {  	s2 =	sld [smem:$0x3FD9]  }
0x89: {  	s3 =	sld [smem:$0x3FFE];
	_ =	sdelay $0x1  }
0x8a: {  	s1 =	srdreg.scid  }
0x8b: {  	s0 =	sand.u32 $0x1, s1  }
0x8c: {  	s17 =	sshll.u32 s0, $0xA;
	s2 =	sadd.s32 s3, s2  }
0x8d: {  	s2 =	sadd.s32 s2, s17  }
0x8e: {  	[smem:$0x3FC7] =	sst s2  }
0x8f: {  	_ = 	snop  }
0x90: {  	s2 =	sld [smem:$0x3FD0];
	(tm) =	ssettm $0x1  }
0x91: {  	s18 =	sld [smem:$0x3FFB];
	_ =	sdelay $0x3  }
0x92: {  	_ =	strace s18  }
0x93: {  	s3 =	sld [smem:$0x3FFC];
	_ =	sdelay $0x3  }
0x94: {  	_ =	strace s3  }
0x95: {  	s3 =	sld [smem:$0x3FFD];
	_ =	sdelay $0x3  }
0x96: {  	_ =	strace s3  }
0x97: {  	_ =	strace $0x8FFFFFFF  }
0x98: {  	s19 =	sld [smem:$0x3FDB];
	_ =	sdelay $0x1  }
0x99: {  	s4 =	simm.s32 $_scs_section_size  }
0x9a: {  	s5 =	simm.s32 $_size__tile_overlayer_lowered;
	s6 =	simm.s32 $_tile_overlayer_lowered  }
0x9b: {  	s22 =	simm.s32 $0x1BFF;
	s21 =	sshll.u32 s6, $0x1;
	s3 =	sadd.s32 s4, s19  }
0x9c: {  	s7 =	simm.s32 $0x0;
	s20 =	sshll.u32 s5, $0x1;
	s5 =	sadd.s32 s21, s3  }
0x9d: {  	[timem:s7], [sflag:s22] =	dma.local [hbm:s5], s20  }
0x9e: {  	_ =	swait.ge [sflag:s22], s20  }
0x9f: {  	s4 =	ssub.s32 $0x0, s20;
	[sflag:s22] =	ssyncset.done $0x0  }
0xa0: {  	[sflag:s22] =	ssyncadd.s32 s4;
	_ =	sdelay $0x1  }
0xa1: {  	s23 =	simm.s32 $0x1B8B  }
0xa2: {  	_ =	swait.ge [sflag:s23], $0x1  }
0xa3: {  	[sflag:s23] =	ssyncset.done $0x0  }
0xa4: {  	s25 =	simm.s32 $0x1B8E;
	s24 =	sld [smem:$0x3FFE];
	[sflag:s23] =	ssyncadd.s32 $0xFFFFFFFF  }
0xa5: {  	s26 =	simm.s32 $execute0_lowered;
	[smem:$0x3FD2] =	sst s25  }
0xa6: {  	s5 =	sshll.u32 s26, $0x1;
	_ =	strace $0x8000004F;
	[dreg:$0x1] =	wrdreg $0xFFFFFFFF  }
0xa7: {  	s28 =	simm.s32 $_size_execute0_lowered;
	s3 =	sadd.s32 s3, s5;
	[dreg:$0x0] =	wrdreg $0x0  }
0xa8: {  	s5 =	sshll.u32 s28, $0x1;
	[dreg:$0x2] =	wrdreg s3  }
0xa9: {  	[dreg:$0x3] =	wrdreg s5  }
0xaa: {  	[dreg:$0x4] =	wrdreg $0xC0  }
0xab: {  	_ =	task [dreg:s7], $0x5FFFF  }
0xac: {  	[dreg:$0x1] =	wrdreg $0xFFFFFFFF  }
0xad: {  	[dreg:$0x0] =	wrdreg $0x60  }
0xae: {  	[dreg:$0x2] =	wrdreg s24  }
0xaf: {  	[dreg:$0x3] =	wrdreg s2  }
0xb0: {  	[dreg:$0x4] =	wrdreg $0x9  }
0xb1: {  	_ =	task.clear_ibuf [dreg:s7], $0x5FFFF;
	_ =	strace $0x9000004F  }
0xb2: {  	s29 =	simm.s32 $0x9;
	_ =	strace $0x80000051  }
0xb3: {  	_ =	swait.ge [sflag:s29], $0x1  }
0xb4: {  	[sflag:s29] =	ssyncadd.s32 $0xFFFFFFFF  }
0xb5: {  	_ =	strace $0x90000051  }
0xb6: {  	_ =	sfence  }
0xb7: {  	s30 =	sld [smem:$0x0];
	_ =	sdelay $0x2  }
0xb8: {  	s31 =	sshll.u32 s1, $0xD;
	s1 =	sshrl.u32 s1, $0x2  }
0xb9: {  	s3 =	sand.u32 $0x4000, s31;
	s1 =	sadd.s32 s1, s30  }
0xba: {  	s0 =	sor.u32 s3, s0;
	s1 =	sshll.u32 s1, $0x11  }
0xbb: {  	s0 =	sor.u32 s1, s0  }
0xbc: {  	s0 =	sadd.s32 $0x8F2B, s0  }
0xbd: {  	[sflag:s0] =	ssyncadd.remote.s32 $0x1  }
0xbe: {  	_ =	sfence.sel $0xFFFF  }
0xbf: {  	[dreg:$0x0] =	wrdreg $0xFFFFFFFF;
	(pc) =	sbr.abs _section_cstart, $3  }
0xc0: {  	[dreg:$0x1] =	wrdreg $0xFFFFFFFF  }
0xc1: {  	_ =	task.clear_ibuf [dreg:s7], $0x2FFFF;
	_ =	strace $0x9FFFFFFF  }
0xc2: {  	(tm) =	ssettm $0x7FFFFFFF  }
0xc3: {  	_ =	shalt  }
tec
execute0_lowered:
.L_overlay_start_1:
0x0: {  	(tag) =	ssettag $0x1  }
0x1: {  	s7 =	rddreg [dreg:$0x0]  }
0x2: {  	s5 =	rddreg [dreg:$0x1]  }
0x3: {  	s0 =	rddreg [dreg:$0x2];
	s3 =	srdreg.scid  }
0x4: {  	s1 =	stileid.u32;
	s2 =	simm.s32 $0x0;
	s11 =	simm.s32 $0x2  }
0x5: {  	s12 =	simm.s32 $0x100;
	s13 =	simm.s32 $0x900;
	s14 =	simm.s32 $0x1100  }
0x6: {  	s15 =	simm.s32 $0x1900;
	s16 =	simm.s32 $0x2100;
	s17 =	simm.s32 $0x2900  }
0x7: {  	s18 =	simm.s32 $0x1;
	s3 =	sand.u32 $0x1, s3;
	s4 =	sshll.u32 s1, $0x1  }
0x8: {  	[smem:$0x7FF] =	sst s2;
	s4 =	sor.u32 s3, s4;
	s8 =	ssub.s32 $0x2, s3  }
0x9: {  	_ =	strace $0x80000050;
	s6 =	sshll.u32 s4, $0x4;
	s4 =	smul.u32 $0x3000, s4  }
0xa: {  	s3 =	sadd.s32 $0x1B000, s7;
	s30 =	sshrl.u32 s8, $0x1;
	s9 =	sadd.s32 s6, s7  }
0xb: {  	v2 =	vlaneseq.u32;
	s10 =	ssub.s32 s8, s30;
	s6 =	sadd.s32 $0x1B100, s7;
	s31 =	sshrl.u32 s4, $0x3  }
0xc: {  	vm0 =	vmmov $0xffff;
	v1 =	vshrl.u32 v2, $0x3;
	s7 =	sadd.s32 $0x1B200, s7;
	s4 =	sadd.s32 $0x1AC00, s9;
	s5 =	sadd.s32 s5, s31  }
0xd: {  	v0 =	vand.u32 $0x7, v2;
	v2 =	vor.u32 $0x8, v2;
	v1 =	vmul.u32 $0x8, v1;
	s8 =	sadd.s32 $0x1AE00, s9;
	s10 =	smax.u32 s10, $0x1;
	s9 =	sadd.s32 $0xC000, s5  }
.LBB2_1:
0xe: {  	[tilespmem:s2], [sflag:$0x2] =	stream.linear.gather [hbm4b:s4+s2], $0x80, $0x38;
	[tilespmem:$0x3100] =	vst v63  }
0xf: {  	_ =	swait.ge [sflag:s11], $0x80  }
0x10: {  	[sflag:s11] =	ssyncset.done $0x0  }
0x11: {  	[sflag:s11] =	ssyncadd.s32 $0xFFFFFF80  }
0x12: {  	v3 =	vld [tilespmem:$0x0];
	_ =	sdelay $0x4  }
0x13: {  	v3 =	vadd.s32 $0xE67, v3  }
0x14: {  	[tilespmem:$0x80] =	vst v3  }
0x15: {  	[tilespmem:s12], [sflag:$0x2] =	stream.linear.gather [hbm4b:s5+s2], $0x3000, $0x38;
	[tilespmem:$0x3100] =	vst v63  }
0x16: {  	_ =	swait.ge [sflag:s11], $0x3000  }
0x17: {  	[sflag:s11] =	ssyncset.done $0x0  }
0x18: {  	[sflag:s11] =	ssyncadd.s32 $0xFFFFD000  }
0x19: {  	v3 =	vld [tilespmem:$0x80];
	_ =	sdelay $0x4  }
0x1a: {  	v4 =	vshrl.u32 v3, $0x3  }
0x1b: {  	v4 =	vmul.u32 $0x30, v4  }
0x1c: {  	v3 =	vand.u32 $0x7, v3  }
0x1d: {  	v3 =	vor.u32 v3, v4  }
0x1e: {  	v4 =	vperm.xlane v3, v0;
	_ =	sdelay $0x1  }
0x1f: {  	v4 =	vadd.s32 v1, v4;
	_ =	sdelay $0x3  }
0x20: {  	v3 =	vperm.xlane v3, v2  }
0x21: {  	[hbm4b:s3+s2] =	stream.indirect_vreg.scatter [tilespmem:s12], [sflag:$0x1], $0x80, v4, vm0, $0xb8;
	[tilespmem:$0x3100] =	vst v63  }
0x22: {  	v3 =	vadd.s32 v1, v3  }
0x23: {  	[hbm4b:s6+s2] =	stream.indirect_vreg.scatter [tilespmem:s13], [sflag:$0x1], $0x80, v4, vm0, $0xb8;
	[tilespmem:$0x3100] =	vst v63  }
0x24: {  	_ = 	snop  }
0x25: {  	[hbm4b:s7+s2] =	stream.indirect_vreg.scatter [tilespmem:s14], [sflag:$0x1], $0x80, v4, vm0, $0xb8;
	[tilespmem:$0x3100] =	vst v63  }
0x26: {  	_ = 	snop  }
0x27: {  	[hbm4b:s3+s2] =	stream.indirect_vreg.scatter [tilespmem:s15], [sflag:$0x1], $0x80, v3, vm0, $0xb8;
	[tilespmem:$0x3100] =	vst v63  }
0x28: {  	_ = 	snop  }
0x29: {  	[hbm4b:s6+s2] =	stream.indirect_vreg.scatter [tilespmem:s16], [sflag:$0x1], $0x80, v3, vm0, $0xb8;
	[tilespmem:$0x3100] =	vst v63  }
0x2a: {  	_ = 	snop  }
0x2b: {  	[hbm4b:s7+s2] =	stream.indirect_vreg.scatter [tilespmem:s17], [sflag:$0x1], $0x80, v3, vm0, $0xb8;
	[tilespmem:$0x3100] =	vst v63  }
0x2c: {  	_ =	swait.ge [sflag:s18], $0x3000  }
0x2d: {  	[sflag:s18] =	ssyncset.done $0x0  }
0x2e: {  	[sflag:s18] =	ssyncadd.s32 $0xFFFFD000  }
0x2f: {  	[tilespmem:s2], [sflag:$0x2] =	stream.linear.gather [hbm4b:s8+s2], $0x80, $0x38;
	[tilespmem:$0x3100] =	vst v63  }
0x30: {  	_ =	swait.ge [sflag:s11], $0x80  }
0x31: {  	[sflag:s11] =	ssyncset.done $0x0  }
0x32: {  	[sflag:s11] =	ssyncadd.s32 $0xFFFFFF80  }
0x33: {  	v3 =	vld [tilespmem:$0x0];
	_ =	sdelay $0x4  }
0x34: {  	v3 =	vadd.s32 $0x2CCE, v3  }
0x35: {  	[tilespmem:$0x80] =	vst v3  }
0x36: {  	[tilespmem:s12], [sflag:$0x2] =	stream.linear.gather [hbm4b:s9+s2], $0x3000, $0x38;
	[tilespmem:$0x3100] =	vst v63  }
0x37: {  	_ =	swait.ge [sflag:s11], $0x3000  }
0x38: {  	[sflag:s11] =	ssyncset.done $0x0  }
0x39: {  	[sflag:s11] =	ssyncadd.s32 $0xFFFFD000  }
0x3a: {  	v3 =	vld [tilespmem:$0x80];
	_ =	sdelay $0x4  }
0x3b: {  	v63 =	vshrl.u32 v3, $0x3  }
0x3c: {  	v4 =	vmul.u32 $0x30, v63  }
0x3d: {  	v3 =	vand.u32 $0x7, v3  }
0x3e: {  	v3 =	vor.u32 v3, v4  }
0x3f: {  	v4 =	vperm.xlane v3, v0;
	_ =	sdelay $0x1  }
0x40: {  	v4 =	vadd.s32 v1, v4;
	_ =	sdelay $0x3  }
0x41: {  	v3 =	vperm.xlane v3, v2  }
0x42: {  	[hbm4b:s3+s2] =	stream.indirect_vreg.scatter [tilespmem:s12], [sflag:$0x1], $0x80, v4, vm0, $0xb8;
	[tilespmem:$0x3100] =	vst v63  }
0x43: {  	v3 =	vadd.s32 v1, v3  }
0x44: {  	[hbm4b:s6+s2] =	stream.indirect_vreg.scatter [tilespmem:s13], [sflag:$0x1], $0x80, v4, vm0, $0xb8;
	[tilespmem:$0x3100] =	vst v63  }
0x45: {  	_ = 	snop  }
0x46: {  	[hbm4b:s7+s2] =	stream.indirect_vreg.scatter [tilespmem:s14], [sflag:$0x1], $0x80, v4, vm0, $0xb8;
	[tilespmem:$0x3100] =	vst v63  }
0x47: {  	_ = 	snop  }
0x48: {  	[hbm4b:s3+s2] =	stream.indirect_vreg.scatter [tilespmem:s15], [sflag:$0x1], $0x80, v3, vm0, $0xb8;
	[tilespmem:$0x3100] =	vst v63  }
0x49: {  	p0 =	sne.s32 s10, $0x1  }
0x4a: {  	[hbm4b:s6+s2] =	stream.indirect_vreg.scatter [tilespmem:s16], [sflag:$0x1], $0x80, v3, vm0, $0xb8;
	[tilespmem:$0x3100] =	vst v63  }
.Ltmp0:
0x4b: {  	_ = 	snop;
	(pc) =	sbr.rel @p0 .LBB2_1-.Ltmp0, $4  }
0x4c: {  	[hbm4b:s7+s2] =	stream.indirect_vreg.scatter [tilespmem:s17], [sflag:$0x1], $0x80, v3, vm0, $0xb8;
	[tilespmem:$0x3100] =	vst v63  }
0x4d: {  	_ =	swait.ge [sflag:s18], $0x3000  }
0x4e: {  	[sflag:s18] =	ssyncset.done $0x0  }
0x4f: {  	s10 =	sadd.s32 $0xFFFFFFFF, s10;
	[sflag:s18] =	ssyncadd.s32 $0xFFFFD000  }
0x50: {  	_ =	sfence.sel $0x180000  }
0x51: {  	[bflag:$0x0] =	sbarrier.arrive $0xFFFF  }
0x52: {  	p0 =	sne.s32 s1, $0x0;
	_ =	strace $0x90000050  }
0x53: {  	s0 =	sadd.s32 @!p0 $0x100000, s0;
	[bflag:$0x2] =	sbarrier.arrive $0xFFFF  }
0x54: {  	[sflag:s0] =	ssyncadd.tile.s32 @!p0 $0x1;
	_ =	shalt  }
.Lfunc_end2:
_tile_overlayer_lowered:
.L_overlay_start_2:
0x55: {  	(tag) =	ssettag $0x2  }
0x56: {  	s0 =	rddreg [dreg:$0x0];
	s2 =	stileid.u32  }
0x57: {  	s1 =	rddreg [dreg:$0x1];
	p0 =	sne.s32 s2, $0x0  }
0x58: {  	s3 =	rddreg [dreg:$0x2];
	[bflag:$0x3] =	sbarrier.arrive $0xFFFF;
	s2 =	simm.s32 @!p0 $0x1C02  }
0x59: {  	[timem:s3], [sflag:s2] =	dma.local @!p0 [hbm:s0], s1  }
0x5a: {  	s0 =	simm.s32 @!p0 $0x2  }
0x5b: {  	_ =	swait.ge @!p0 [sflag:s0], s1  }
0x5c: {  	s1 =	ssub.s32 @!p0 $0x0, s1;
	[sflag:s0] =	ssyncset.done @!p0 $0x0  }
0x5d: {  	[sflag:s0] =	ssyncadd.s32 @!p0 s1  }
0x5e: {  	[bflag:$0x3] =	sbarrier.arrive $0xFFFF  }
0x5f: {  	_ =	shalt  }

// kernel: sparse-core-data-format-call.cloned.1.call-start
scs
called_computation_lowered:
.L_overlay_start_0:
0x0: {  	s2 =	sld [smem:$0x3FD9]  }
0x1: {  	s3 =	sld [smem:$0x3FFE];
	_ =	sdelay $0x1  }
0x2: {  	s1 =	srdreg.scid  }
0x3: {  	s0 =	sand.u32 $0x1, s1  }
0x4: {  	s18 =	sshll.u32 s0, $0xA;
	s2 =	sadd.s32 s3, s2  }
0x5: {  	s2 =	sadd.s32 s2, s18  }
0x6: {  	[smem:$0x3FC7] =	sst s2  }
0x7: {  	_ = 	snop  }
0x8: {  	s2 =	sld [smem:$0x3FD0];
	(tm) =	ssettm $0x1  }
0x9: {  	s19 =	sld [smem:$0x3FFB];
	_ =	sdelay $0x3  }
0xa: {  	_ =	strace s19  }
0xb: {  	s3 =	sld [smem:$0x3FFC];
	_ =	sdelay $0x3  }
0xc: {  	_ =	strace s3  }
0xd: {  	s3 =	sld [smem:$0x3FFD];
	_ =	sdelay $0x3  }
0xe: {  	_ =	strace s3  }
0xf: {  	_ =	strace $0x8FFFFFFF  }
0x10: {  	s20 =	sld [smem:$0x3FDB];
	_ =	sdelay $0x1  }
0x11: {  	s4 =	simm.s32 $_scs_section_size  }
0x12: {  	s5 =	simm.s32 $_size__tile_overlayer_lowered;
	s6 =	simm.s32 $_tile_overlayer_lowered  }
0x13: {  	s23 =	simm.s32 $0x1BFF;
	s22 =	sshll.u32 s6, $0x1;
	s3 =	sadd.s32 s4, s20  }
0x14: {  	s7 =	simm.s32 $0x0;
	s21 =	sshll.u32 s5, $0x1;
	s5 =	sadd.s32 s22, s3  }
0x15: {  	[timem:s7], [sflag:s23] =	dma.local [hbm:s5], s21  }
0x16: {  	_ =	swait.ge [sflag:s23], s21  }
0x17: {  	s4 =	ssub.s32 $0x0, s21;
	[sflag:s23] =	ssyncset.done $0x0  }
0x18: {  	[sflag:s23] =	ssyncadd.s32 s4;
	_ =	sdelay $0x1  }
0x19: {  	s24 =	simm.s32 $0x1B8B  }
0x1a: {  	_ =	swait.ge [sflag:s24], $0x1  }
0x1b: {  	[sflag:s24] =	ssyncset.done $0x0  }
0x1c: {  	s26 =	simm.s32 $0x1B8E;
	s25 =	sld [smem:$0x3FFE];
	[sflag:s24] =	ssyncadd.s32 $0xFFFFFFFF  }
0x1d: {  	s27 =	simm.s32 $execute0_lowered;
	[smem:$0x3FD2] =	sst s26  }
0x1e: {  	s5 =	sshll.u32 s27, $0x1;
	_ =	strace $0x80000052;
	[dreg:$0x1] =	wrdreg $0xFFFFFFFF  }
0x1f: {  	s28 =	simm.s32 $_size_execute0_lowered;
	s3 =	sadd.s32 s3, s5;
	[dreg:$0x0] =	wrdreg $0x0  }
0x20: {  	s5 =	sshll.u32 s28, $0x1;
	[dreg:$0x2] =	wrdreg s3  }
0x21: {  	[dreg:$0x3] =	wrdreg s5  }
0x22: {  	[dreg:$0x4] =	wrdreg $0xC0  }
0x23: {  	_ =	task [dreg:s7], $0x5FFFF  }
0x24: {  	[dreg:$0x1] =	wrdreg $0xFFFFFFFF  }
0x25: {  	[dreg:$0x0] =	wrdreg $0x60  }
0x26: {  	[dreg:$0x2] =	wrdreg s25  }
0x27: {  	[dreg:$0x3] =	wrdreg s2  }
0x28: {  	[dreg:$0x4] =	wrdreg $0x9  }
0x29: {  	_ =	task.clear_ibuf [dreg:s7], $0x5FFFF;
	_ =	strace $0x90000052  }
0x2a: {  	s29 =	simm.s32 $0x9;
	_ =	strace $0x80000054  }
0x2b: {  	_ =	swait.ge [sflag:s29], $0x1  }
0x2c: {  	[sflag:s29] =	ssyncadd.s32 $0xFFFFFFFF  }
0x2d: {  	_ =	strace $0x90000054  }
0x2e: {  	_ =	sfence  }
0x2f: {  	s30 =	sld [smem:$0x0];
	_ =	sdelay $0x2  }
0x30: {  	s31 =	sshll.u32 s1, $0xD;
	s1 =	sshrl.u32 s1, $0x2  }
0x31: {  	s3 =	sand.u32 $0x4000, s31;
	s1 =	sadd.s32 s1, s30  }
0x32: {  	s0 =	sor.u32 s3, s0;
	s1 =	sshll.u32 s1, $0x11  }
0x33: {  	s0 =	sor.u32 s1, s0  }
0x34: {  	s0 =	sadd.s32 $0x8F2B, s0  }
0x35: {  	[sflag:s0] =	ssyncadd.remote.s32 $0x1  }
0x36: {  	_ =	sfence.sel $0xFFFF  }
0x37: {  	[dreg:$0x0] =	wrdreg $0xFFFFFFFF;
	(pc) =	sbr.abs _section_cstart, $3  }
0x38: {  	[dreg:$0x1] =	wrdreg $0xFFFFFFFF  }
0x39: {  	_ =	task.clear_ibuf [dreg:s7], $0x2FFFF;
	_ =	strace $0x9FFFFFFF  }
0x3a: {  	(tm) =	ssettm $0x7FFFFFFF  }
0x3b: {  	_ =	shalt  }
tec
execute0_lowered:
.L_overlay_start_1:
0x0: {  	(tag) =	ssettag $0x1  }
0x1: {  	s2 =	stileid.u32  }
0x2: {  	s0 =	srdreg.scid;
	s3 =	rddreg [dreg:$0x0];
	_ =	strace $0x80000053  }
0x3: {  	s30 =	simm.s32 $0x1;
	s1 =	sshll.u32 s2, $0x6;
	s0 =	sshll.u32 s0, $0xA  }
0x4: {  	s31 =	simm.s32 $0x2;
	s17 =	simm.s32 $0x0;
	s0 =	sor.u32 s1, s0  }
0x5: {  	s19 =	simm.s32 $0x0;
	s6 =	sand.u32 $0x1, s2;
	s8 =	sand.u32 $0x780, s0  }
0x6: {  	s18 =	simm.s32 $0x0;
	s27 =	ssub.s32 $0x2, s6;
	s28 =	ssub.s32 $0x1E00, s8  }
0x7: {  	s29 =	sshrl.u32 s27, $0x1;
	s0 =	sand.u32 $0x1, s27;
	s1 =	sshrl.u32 s28, $0xB  }
0x8: {  	s10 =	simm.s32 $0x0;
	s0 =	sadd.s32 s0, s29;
	s1 =	sadd.s32 $0x1, s1  }
0x9: {  	s11 =	simm.s32 $0x0;
	s13 =	simm.s32 $0x0;
	s0 =	smul.u32 s1, s0  }
.Ltmp0:
0xa: {  	s20 =	sadd.s32 $0x187E00, s3;
	[dreg:$0x3] =	wrdreg s6;
	(pc) =	sbr.rel .LBB1_1-.Ltmp0, $4  }
0xb: {  	s12 =	simm.s32 $0x0;
	[dreg:$0x6] =	wrdreg s20;
	s9 =	smul.u32 $0x6, s0  }
0xc: {  	s16 =	simm.s32 $0x0;
	[sflag:s30] =	ssyncpa.u1 $0x0;
	[dreg:$0x4] =	wrdreg s8  }
0xd: {  	[sflag:s31] =	ssyncpa.u1 $0x0;
	s21 =	sor.u32 $0x1, s9;
	[dreg:$0x5] =	wrdreg s9  }
0xe: {  	s15 =	smov.u32 s6;
	s14 =	smov.u32 s8;
	[dreg:$0x7] =	wrdreg s21  }
.LBB1_14:
0xf: {  	s0 =	sshrl.u32 s13, $0x1;
	s1 =	sand.u32 $0x7F, s10  }
0x10: {  	s2 =	sshll.u32 s10, $0x1;
	s3 =	sshll.u32 s13, $0x7;
	p0 =	sgt.s32 s11, $0x1DE7  }
0x11: {  	s4 =	smov.u32 s11;
	s25 =	smul.u32 $0xC0, s11;
	s26 =	rddreg [dreg:$0x1]  }
0x12: {  	s29 =	sor.u32 $0x8000, s23;
	s6 =	rddreg [dreg:$0x3];
	s0 =	smul.u32 $0x600, s0  }
0x13: {  	s2 =	sand.u32 $0xFFFFFF00, s2;
	s3 =	sand.u32 $0x80, s3;
	s4 =	simm.s32 @!p0 $0x1DE7  }
0x14: {  	s1 =	sor.u32 s3, s1;
	s9 =	sadd.s32 s22, s4;
	s0 =	sadd.s32 s0, s2  }
0x15: {  	s22 =	sadd.s32 $0xFFFFE219, s9;
	s1 =	sor.u32 s0, s1;
	s0 =	smulhi.u32 $0xAAAAAAAB, s0  }
0x16: {  	s2 =	ssub.s32 $0x1E67, s9;
	p0 =	sgt.s32 s22, $0x7F;
	s24 =	smulhi.u32 $0xAAAAAAAB, s1  }
0x17: {  	s31 =	simm.s32 $0x600;
	s8 =	rddreg [dreg:$0x4];
	s2 =	simm.s32 @p0 $0x0  }
0x18: {  	s2 =	smul.u32 s20, s2;
	s0 =	sshrl.u32 s0, $0x9;
	s3 =	sshrl.u32 s24, $0x9  }
0x19: {  	s9 =	rddreg [dreg:$0x5];
	s0 =	sand.u32 $0x1, s0;
	s3 =	smul.u32 $0x300, s3  }
0x1a: {  	s20 =	rddreg [dreg:$0x6];
	s2 =	smul.u32 s21, s2;
	p0 =	seq.s32 s0, $0x1  }
0x1b: {  	s0 =	simm.s32 $0x60;
	s21 =	rddreg [dreg:$0x7];
	s1 =	ssub.s32 s1, s3  }
0x1c: {  	s0 =	simm.s32 @!p0 $0x0;
	s3 =	sadd.s32 s26, s25;
	s27 =	sand.u32 $0x7, s1  }
0x1d: {  	s1 =	sshrl.u32 s1, $0x3;
	s0 =	sadd.s32 s0, s3;
	s28 =	sshll.u32 s27, $0x12  }
0x1e: {  	s2 =	sand.u32 $0x3FFFFFFF, s2;
	s0 =	sadd.s32 s1, s0;
	s30 =	sor.u32 $0x80, s28  }
0x1f: {  	[hbm4b:s0+s30] =	stream.strided.scatter [tilespmem:s29], [sflag:$0x2], s2, s31, s30, $0x38;
	[tilespmem:$0x10000] =	vst v63  }
.LBB1_15:
0x20: {  	p0 =	slt.u32 s16, $0x2  }
0x21: {  	p1 =	sgt.s32 @!p0 s19, $0x1DE7  }
0x22: {  	s0 =	smov.u32 s19;
	s1 =	sshra.s32 @!p0 s19, $0x1F;
	p1 =	por !p1, p0  }
0x23: {  	s1 =	sand.u32 @!p0 s1, s19;
	s0 =	simm.s32 @p1 $0x1DE7  }
0x24: {  	s2 =	smov.u32 s18;
	s0 =	ssub.s32 @!p0 s0, s1  }
0x25: {  	p2 =	sgt.s32 @!p0 s18, $0x1;
	s3 =	sshra.s32 @!p0 s17, $0x1F;
	s1 =	sadd.s32 @!p0 $0xFFFFE219, s0  }
0x26: {  	p2 =	por !p2, p0;
	p1 =	sgt.s32 @!p0 s1, $0x7F;
	s1 =	sshra.s32 @!p0 s18, $0x1F  }
0x27: {  	s2 =	simm.s32 @p2 $0x1;
	p2 =	sgt.s32 @!p0 s17, $0x280;
	s1 =	sand.u32 @!p0 s1, s18  }
0x28: {  	s3 =	sand.u32 @!p0 s3, s17;
	p2 =	por !p2, p0;
	s1 =	sxor.u32 @!p0 $0xFFFFFFFF, s1  }
0x29: {  	s0 =	ssub.s32 @!p0 $0x1E67, s0;
	s1 =	sadd.s32 @!p0 s1, s2;
	s2 =	smov.u32 s17  }
0x2a: {  	p1 =	por !p1, p0;
	s2 =	simm.s32 @p2 $0x280;
	p2 =	sgt.s32 @!p0 s1, $0x0  }
0x2b: {  	s1 =	ssub.s32 @!p0 $0x1, s1;
	p2 =	por !p2, p0;
	s2 =	ssub.s32 @!p0 s2, s3  }
0x2c: {  	s0 =	simm.s32 @!p1 $0x0;
	s1 =	simm.s32 @!p2 $0x0;
	s3 =	sadd.s32 @!p0 $0xFFFFFD80, s2  }
0x2d: {  	s4 =	smov.u32 s14;
	s0 =	smul.u32 @!p0 s1, s0;
	p1 =	sgt.s32 @!p0 s3, $0x7F  }
0x2e: {  	s1 =	ssub.s32 @!p0 $0x300, s2;
	s2 =	sadd.s32 $0x80, s12;
	p1 =	por !p1, p0  }
0x2f: {  	s3 =	sadd.s32 $0x800, s14;
	s1 =	simm.s32 @!p1 $0x0;
	p1 =	sgt.s32 s2, $0x2FF  }
0x30: {  	s0 =	smul.u32 @!p0 s1, s0;
	s4 =	smov.u32 @p1 s3  }
0x31: {  	s1 =	sadd.s32 $0x2, s15;
	s3 =	smov.u32 s15;
	p2 =	sgt.s32 s4, $0x1E66  }
0x32: {  	s19 =	smov.u32 s11;
	s3 =	smov.u32 @p2 s1  }
0x33: {  	s11 =	smov.u32 s14;
	s2 =	simm.s32 @p1 $0x0;
	p1 =	sgt.s32 s3, $0x1  }
0x34: {  	s18 =	smov.u32 s13;
	s3 =	smov.u32 @p1 s6;
	p1 =	sne.s32 s16, s21  }
.Ltmp1:
0x35: {  	s13 =	smov.u32 s15;
	s17 =	smov.u32 s10;
	(pc) =	sbr.rel @!p1 .LBB1_16-.Ltmp1, $4  }
0x36: {  	s10 =	smov.u32 s12;
	s0 =	sand.u32 @!p0 $0x3FFFFFFF, s0;
	s1 =	simm.s32 @!p0 $0x2  }
0x37: {  	s12 =	smov.u32 s2;
	s4 =	smov.u32 @p2 s8;
	_ =	swait.ge @!p0 [sflag:s1], s0  }
0x38: {  	s0 =	ssub.s32 @!p0 $0x0, s0;
	s14 =	smov.u32 s4;
	[sflag:s1] =	ssyncset.done @!p0 $0x0  }
0x39: {  	s16 =	sadd.s32 $0x1, s16;
	[sflag:s1] =	ssyncadd.s32 @!p0 s0;
	s15 =	smov.u32 s3  }
.LBB1_1:
0x3a: {  	p0 =	sge.u32 s16, s9  }
0x3b: {  	s0 =	sshrl.u32 @!p0 s14, $0x3  }
0x3c: {  	s1 =	sshll.u32 @!p0 s12, $0x3;
	s0 =	smul.u32 @!p0 $0x1800, s0  }
0x3d: {  	s7 =	smov.u32 s12;
	s2 =	sand.u32 @!p0 $0x7F, s12;
	s1 =	sand.u32 @!p0 $0xFFFFFC00, s1  }
0x3e: {  	p1 =	sgt.s32 @!p0 s15, $0x1;
	s0 =	sadd.s32 @!p0 s0, s1;
	s1 =	sshll.u32 @!p0 s14, $0x7  }
0x3f: {  	s3 =	sshra.s32 @!p0 s15, $0x1F;
	p1 =	por !p1, p0;
	s1 =	sand.u32 @!p0 $0x380, s1  }
0x40: {  	s3 =	sand.u32 @!p0 s3, s15;
	s0 =	sor.u32 @!p0 s1, s0;
	s1 =	smov.u32 s15  }
0x41: {  	s3 =	sxor.u32 @!p0 $0xFFFFFFFF, s3;
	s1 =	simm.s32 @p1 $0x1;
	p1 =	sgt.s32 @!p0 s14, $0x1DE8  }
0x42: {  	s1 =	sadd.s32 @!p0 s3, s1;
	p1 =	por !p1, p0;
	s3 =	smov.u32 s14  }
0x43: {  	s5 =	sshra.s32 @!p0 s14, $0x1F;
	s3 =	simm.s32 @p1 $0x1DE8;
	p1 =	sgt.s32 @!p0 s1, $0x0  }
0x44: {  	s5 =	sand.u32 @!p0 s5, s14;
	s1 =	ssub.s32 @!p0 $0x1, s1;
	p1 =	por !p1, p0  }
0x45: {  	s3 =	ssub.s32 @!p0 s3, s5;
	s1 =	simm.s32 @!p1 $0x0;
	p1 =	sgt.s32 @!p0 s12, $0x280  }
0x46: {  	s4 =	smulhi.u32 @!p0 $0xAAAAAAAB, s0;
	s5 =	sadd.s32 @!p0 $0xFFFFE218, s3;
	p1 =	por !p1, p0  }
0x47: {  	s7 =	simm.s32 @p1 $0x280;
	p1 =	sgt.s32 @!p0 s5, $0x7F;
	s5 =	sshra.s32 @!p0 s12, $0x1F  }
0x48: {  	s0 =	sor.u32 @!p0 s2, s0;
	s4 =	sshrl.u32 @!p0 s4, $0x9;
	s5 =	sand.u32 @!p0 s5, s12  }
0x49: {  	s3 =	ssub.s32 @!p0 $0x1E68, s3;
	p1 =	por !p1, p0;
	s5 =	ssub.s32 @!p0 s7, s5  }
0x4a: {  	s7 =	smulhi.u32 @!p0 $0x86B58B, s4;
	s3 =	simm.s32 @!p1 $0x0;
	s2 =	sadd.s32 @!p0 $0xFFFFFD80, s5  }
0x4b: {  	s1 =	smul.u32 @!p0 s1, s3;
	s5 =	ssub.s32 @!p0 $0x300, s5;
	p1 =	sgt.s32 @!p0 s2, $0x7F  }
0x4c: {  	s2 =	smulhi.u32 @!p0 $0xAAAAAAAB, s0;
	s3 =	sshrl.u32 @!p0 s7, $0x4;
	p1 =	por !p1, p0  }
0x4d: {  	s3 =	smul.u32 @!p0 $0x1E68, s3;
	s5 =	simm.s32 @!p1 $0x0  }
0x4e: {  	s2 =	sshrl.u32 @!p0 s2, $0x9;
	s1 =	smul.u32 @!p0 s5, s1  }
0x4f: {  	s31 =	sadd.s32 $0xFFFFFFFF, s16;
	s5 =	sxor.u32 @!p0 $0xFFFFFFFF, s16;
	s2 =	smul.u32 @!p0 $0x300, s2  }
0x50: {  	s3 =	ssub.s32 @!p0 s4, s3;
	s4 =	smul.u32 @!p0 $0xB6700, s15;
	s5 =	sshll.u32 @!p0 s5, $0xE  }
0x51: {  	s5 =	sand.u32 @!p0 $0x4000, s5;
	s0 =	ssub.s32 @!p0 s0, s2;
	s2 =	smul.u32 @!p0 $0x60, s3  }
0x52: {  	s1 =	sand.u32 @!p0 $0x3FFFFFFF, s1;
	s3 =	sadd.s32 @!p0 s20, s4;
	s4 =	sand.u32 @!p0 $0x7, s0  }
0x53: {  	s0 =	sshrl.u32 @!p0 s0, $0x3;
	s2 =	sadd.s32 @!p0 s2, s3;
	s3 =	sshll.u32 @!p0 s4, $0x12  }
0x54: {  	s0 =	sadd.s32 @!p0 s0, s2;
	s2 =	sor.u32 @!p0 $0x400, s3;
	s3 =	simm.s32 @!p0 $0x1800  }
0x55: {  	[tilespmem:s5], [sflag:$0x1] =	stream.strided.gather @!p0 [hbm4b:s0+s2], s1, s3, s2, $0x38;
	[tilespmem:$0x10000] =	vst v63  }
0x56: {  	p0 =	sge.u32 s31, s9  }
.Ltmp2:
0x57: {  	_ = 	snop;
	(pc) =	sbr.rel @p0 .LBB1_15-.Ltmp2, $1  }
0x58: {  	_ =	sdelay $0x3  }
0x59: {  	s0 =	sshra.s32 s13, $0x1F;
	p0 =	sgt.s32 s13, $0x1  }
0x5a: {  	s1 =	smov.u32 s13;
	s23 =	ssub.s32 $0x0, s11;
	s2 =	sshra.s32 s11, $0x1F  }
0x5b: {  	p1 =	sgt.s32 s10, $0x280;
	s3 =	smov.u32 s10;
	s4 =	sshra.s32 s10, $0x1F  }
0x5c: {  	s5 =	smov.u32 s11;
	s0 =	sand.u32 s0, s13;
	s1 =	simm.s32 @!p0 $0x1  }
0x5d: {  	s3 =	simm.s32 @!p1 $0x280;
	p1 =	sgt.s32 s11, $0x1DE8;
	s4 =	sand.u32 s4, s10  }
0x5e: {  	s22 =	sand.u32 s23, s2;
	s2 =	sadd.s32 $0x1, s13;
	s0 =	sxor.u32 $0xFFFFFFFF, s0  }
0x5f: {  	s5 =	simm.s32 @!p1 $0x1DE8;
	s24 =	ssub.s32 s3, s4;
	s3 =	sadd.s32 $0x80, s11  }
0x60: {  	s0 =	sadd.s32 s0, s1;
	s25 =	sadd.s32 s22, s5;
	s26 =	sadd.s32 $0xFFFFFD80, s24  }
0x61: {  	p0 =	sgt.s32 s0, $0x0;
	s20 =	ssub.s32 $0x1, s0;
	s27 =	sadd.s32 $0xFFFFE218, s25  }
0x62: {  	s0 =	ssub.s32 $0x1E68, s25;
	s20 =	simm.s32 @p0 $0x0;
	p0 =	sgt.s32 s27, $0x7F  }
0x63: {  	s21 =	ssub.s32 $0x300, s24;
	s0 =	simm.s32 @p0 $0x0;
	p0 =	slt.s32 s2, $0x2  }
0x64: {  	p1 =	sgt.s32 s26, $0x7F;
	s2 =	simm.s32 @!p0 $0x2;
	p0 =	slt.s32 s3, $0x1E67  }
0x65: {  	s21 =	simm.s32 @p1 $0x0;
	s24 =	ssub.s32 s2, s13;
	s3 =	simm.s32 @!p0 $0x1E67  }
0x66: {  	s28 =	smul.u32 s20, s21;
	s25 =	ssub.s32 s3, s11;
	p0 =	slt.s32 s24, $0x1  }
0x67: {  	p1 =	slt.s32 @!p0 s25, $0x1  }
0x68: {  	s0 =	smul.u32 s0, s28;
	p1 =	por p0, p1  }
.Ltmp3:
0x69: {  	_ = 	snop;
	(pc) =	sbr.rel @p1 .LBB1_14-.Ltmp3, $4  }
0x6a: {  	s30 =	simm.s32 $0x1;
	s0 =	sand.u32 $0x3FFFFFFF, s0  }
0x6b: {  	_ =	swait.ge [sflag:s30], s0  }
0x6c: {  	s31 =	sshll.u32 s16, $0xE;
	s29 =	ssub.s32 $0x0, s0;
	[sflag:s30] =	ssyncset.done $0x0  }
0x6d: {  	s23 =	sand.u32 $0x4000, s31;
	[sflag:s30] =	ssyncadd.s32 s29  }
0x6e: {  	s0 =	sadd.s32 $0x80, s10  }
0x6f: {  	p1 =	slt.s32 s0, $0x300  }
.Ltmp4:
0x70: {  	s0 =	simm.s32 @!p1 $0x300;
	(pc) =	sbr.rel .LBB1_4-.Ltmp4, $4  }
0x71: {  	s0 =	ssub.s32 s0, s10  }
0x72: {  	s28 =	sor.u32 @!p0 $0x8000, s23;
	s30 =	simm.s32 $0x0;
	s0 =	sadd.s32 $0xF, s0  }
0x73: {  	s26 =	sand.u32 $0xFFFFFFF0, s0;
	s1 =	sshll.u32 s0, $0x3;
	s27 =	sand.u32 @!p0 $0xFFFFFF00, s0  }
0x74: {  	p0 =	slt.s32 s0, $0x100;
	s29 =	sand.u32 $0xFFFFF800, s1;
	p1 =	sge.s32 s27, s26  }
.LBB1_13:
0x75: {  	s30 =	sadd.s32 $0x1, s30  }
0x76: {  	p2 =	sne.s32 s30, s24  }
.Ltmp5:
0x77: {  	_ = 	snop;
	(pc) =	sbr.rel @!p2 .LBB1_14-.Ltmp5, $1  }
0x78: {  	_ =	sdelay $0x3  }
.LBB1_4:
.Ltmp6:
0x79: {  	(pc) =	sbr.rel .LBB1_5-.Ltmp6, $4  }
0x7a: {  	_ = 	snop  }
0x7b: {  	s0 =	sshll.u32 s30, $0x10;
	s1 =	sshll.u32 s30, $0x7;
	s4 =	simm.s32 $0x400  }
0x7c: {  	s9 =	simm.s32 $0x0;
	s0 =	sshra.s32 s0, $0x2;
	s1 =	sand.u32 $0x80, s1  }
0x7d: {  	s31 =	sadd.s32 s0, s23;
	s3 =	sadd.s32 s1, s28;
	s0 =	sand.u32 $0x1, s30  }
.LBB1_12:
0x7e: {  	s9 =	sadd.s32 $0x1, s9  }
0x7f: {  	p2 =	sne.s32 s9, s25  }
.Ltmp7:
0x80: {  	_ = 	snop;
	(pc) =	sbr.rel @!p2 .LBB1_13-.Ltmp7, $2  }
0x81: {  	_ =	sdelay $0x2  }
0x82: {  	s4 =	sadd.s32 $0x80, s4  }
.LBB1_5:
.Ltmp8:
0x83: {  	(pc) =	sbr.rel @p0 .LBB1_9-.Ltmp8, $2  }
0x84: {  	_ =	sdelay $0x2  }
0x85: {  	s5 =	sshll.u32 s9, $0x7  }
0x86: {  	s1 =	sand.u32 $0x380, s5  }
0x87: {  	s1 =	sadd.s32 s1, s31  }
0x88: {  	v0 =	vmov s1;
	_ =	sdelay $0x3  }
0x89: {  	s8 =	sand.u32 $0x3C00, s4  }
0x8a: {  	v7 =	vld.idx.msk [tilespmem:v0+s8+$0x70 ss:$0x1], $0xffff  }
0x8b: {  	p2 =	sgt.s32 s27, $0x100;
	v6 =	vld.idx.msk [tilespmem:v0+s8+$0x0 ss:$0x1], $0xffff  }
.Ltmp9:
0x8c: {  	v1 =	vld.idx.msk [tilespmem:v0+s8+$0x10 ss:$0x1], $0xffff;
	(pc) =	sbr.rel @!p2 .LBB1_8-.Ltmp9, $4  }
0x8d: {  	v2 =	vld.idx.msk [tilespmem:v0+s8+$0x20 ss:$0x1], $0xffff  }
0x8e: {  	v3 =	vld.idx.msk [tilespmem:v0+s8+$0x30 ss:$0x1], $0xffff  }
0x8f: {  	s7 =	sadd.s32 s5, s3;
	v4 =	vld.idx.msk [tilespmem:v0+s8+$0x40 ss:$0x1], $0xffff  }
0x90: {  	s2 =	sadd.s32 $0x800, s4;
	s1 =	simm.s32 $0x100;
	v5 =	vld.idx.msk [tilespmem:v0+s8+$0x50 ss:$0x1], $0xffff;
	[tilespmem:s7+$0x70] =	vst v7  }
.LBB1_7:
0x91: {  	s1 =	sadd.s32 $0x100, s1;
	[tilespmem:s7+$0x0] =	vst v6;
	v7 =	vld.idx.msk [tilespmem:v0+s8+$0x60 ss:$0x1], $0xffff;
	s8 =	sand.u32 $0x3C00, s2  }
0x92: {  	v8 =	vld.idx.msk [tilespmem:v0+s8+$0x70 ss:$0x1], $0xffff;
	p2 =	slt.s32 s1, s27;
	[tilespmem:s7+$0x10] =	vst v1  }
0x93: {  	v6 =	vld.idx.msk [tilespmem:v0+s8+$0x0 ss:$0x1], $0xffff;
	[tilespmem:s7+$0x20] =	vst v2  }
.Ltmp10:
0x94: {  	v1 =	vld.idx.msk [tilespmem:v0+s8+$0x10 ss:$0x1], $0xffff;
	[tilespmem:s7+$0x30] =	vst v3;
	(pc) =	sbr.rel @p2 .LBB1_7-.Ltmp10, $4  }
0x95: {  	v2 =	vld.idx.msk [tilespmem:v0+s8+$0x20 ss:$0x1], $0xffff;
	[tilespmem:s7+$0x40] =	vst v4  }
0x96: {  	v3 =	vld.idx.msk [tilespmem:v0+s8+$0x30 ss:$0x1], $0xffff;
	[tilespmem:s7+$0x50] =	vst v5  }
0x97: {  	v4 =	vld.idx.msk [tilespmem:v0+s8+$0x40 ss:$0x1], $0xffff;
	[tilespmem:s7+$0x60] =	vst v7  }
0x98: {  	s2 =	sadd.s32 $0x800, s2;
	v5 =	vld.idx.msk [tilespmem:v0+s8+$0x50 ss:$0x1], $0xffff;
	[tilespmem:s7+$0x70] =	vst v8  }
.LBB1_8:
0x99: {  	_ =	sdelay $0x2  }
0x9a: {  	[tilespmem:s7+$0x0] =	vst v6  }
0x9b: {  	v0 =	vld.idx.msk [tilespmem:v0+s8+$0x60 ss:$0x1], $0xffff;
	[tilespmem:s7+$0x10] =	vst v1  }
0x9c: {  	[tilespmem:s7+$0x20] =	vst v2  }
0x9d: {  	[tilespmem:s7+$0x30] =	vst v3  }
0x9e: {  	[tilespmem:s7+$0x40] =	vst v4  }
0x9f: {  	[tilespmem:s7+$0x50] =	vst v5  }
0xa0: {  	[tilespmem:s7+$0x60] =	vst v0  }
.LBB1_9:
.Ltmp11:
0xa1: {  	(pc) =	sbr.rel @p1 .LBB1_12-.Ltmp11, $1  }
0xa2: {  	_ =	sdelay $0x3  }
0xa3: {  	s1 =	sadd.s32 s0, s9  }
0xa4: {  	s1 =	sshll.u32 s1, $0x9  }
0xa5: {  	s1 =	sshra.s32 s1, $0x2  }
0xa6: {  	s2 =	sand.u32 $0x380, s5;
	s7 =	sadd.s32 s1, s28  }
0xa7: {  	s1 =	sadd.s32 s2, s31;
	s2 =	smov.u32 s29;
	v0 =	vmov s7;
	s7 =	smov.u32 s27  }
.LBB1_11:
0xa8: {  	s8 =	sand.u32 $0x3C00, s2  }
0xa9: {  	s8 =	sadd.s32 s5, s8  }
0xaa: {  	s8 =	sand.u32 $0x3C00, s8  }
0xab: {  	s6 =	sand.u32 $0x70, s7;
	s8 =	sadd.s32 s8, s1  }
0xac: {  	s7 =	sadd.s32 $0x10, s7;
	s8 =	sadd.s32 s6, s8  }
0xad: {  	p2 =	slt.s32 s7, s26;
	v1 =	vld [tilespmem:s8+$0x0]  }
.Ltmp12:
0xae: {  	_ = 	snop;
	(pc) =	sbr.rel @p2 .LBB1_11-.Ltmp12, $2  }
0xaf: {  	_ =	sdelay $0x2  }
0xb0: {  	s2 =	sadd.s32 $0x80, s2;
	[tilespmem:v0+s6+$0x0 ss:$0x1] =	vst.idx.msk $0xffff, v1  }
.Ltmp13:
0xb1: {  	_ = 	snop;
	(pc) =	sbr.rel .LBB1_12-.Ltmp13, $1  }
0xb2: {  	_ =	sdelay $0x3  }
.LBB1_16:
0xb3: {  	_ =	sfence.sel $0x180000  }
0xb4: {  	s0 =	simm.s32 $0x1;
	[bflag:$0x0] =	sbarrier.arrive $0xFFFF  }
0xb5: {  	s30 =	simm.s32 $0x2;
	[sflag:s0] =	ssyncpa.u1 $0x1  }
0xb6: {  	[sflag:s30] =	ssyncpa.u1 $0x1  }
0xb7: {  	_ =	strace $0x90000053  }
0xb8: {  	s31 =	stileid.u32;
	[bflag:$0x2] =	sbarrier.arrive $0xFFFF  }
0xb9: {  	p0 =	sne.s32 s31, $0x0;
	s0 =	rddreg [dreg:$0x2]  }
0xba: {  	s0 =	sadd.s32 @!p0 $0x100000, s0  }
0xbb: {  	[sflag:s0] =	ssyncadd.tile.s32 @!p0 $0x1;
	_ =	shalt  }
.Lfunc_end1:
_tile_overlayer_lowered:
.L_overlay_start_2:
0xbc: {  	(tag) =	ssettag $0x2  }
0xbd: {  	s0 =	rddreg [dreg:$0x0];
	s2 =	stileid.u32  }
0xbe: {  	s1 =	rddreg [dreg:$0x1];
	p0 =	sne.s32 s2, $0x0  }
0xbf: {  	s3 =	rddreg [dreg:$0x2];
	[bflag:$0x3] =	sbarrier.arrive $0xFFFF;
	s2 =	simm.s32 @!p0 $0x1C01  }
0xc0: {  	[timem:s3], [sflag:s2] =	dma.local @!p0 [hbm:s0], s1  }
0xc1: {  	s0 =	simm.s32 @!p0 $0x1  }
0xc2: {  	_ =	swait.ge @!p0 [sflag:s0], s1  }
0xc3: {  	s1 =	ssub.s32 @!p0 $0x0, s1;
	[sflag:s0] =	ssyncset.done @!p0 $0x0  }
0xc4: {  	[sflag:s0] =	ssyncadd.s32 @!p0 s1  }
0xc5: {  	[bflag:$0x3] =	sbarrier.arrive $0xFFFF  }
0xc6: {  	_ =	shalt  }

</sc_bundles>
